<compile_context>
chip_gen: v7x
topology: tpu7x:2x2x1
jax: 0.10.2.dev20260603
libtpu: 0.0.44.dev20260713+nightly
codegen_flags: <defaults>
</compile_context>

<pallas_src>
import functools

import jax
import jax.numpy as jnp
from jax import lax
from jax.experimental import pallas as pl
from jax.experimental.pallas import tpu as pltpu
from jax.experimental.pallas import tpu_sc as plsc

_CODES = 1024
_DIM = 64
_ROWS = 18432
_BLK = 576
_NBLK = _ROWS // _BLK
_LOSS_SCALE = 1.25 / float(_ROWS * _DIM)

_NW = 32
_BPW = _ROWS // _NW
_ICH = 72
_NCH = _BPW // _ICH


def _tc_body(zt_ref, embt_ref, x2_ref, e2_ref, codes_ref, loss_ref):
    i = pl.program_id(0)
    zt = zt_ref[0]
    embt = embt_ref[...]
    x2 = x2_ref[0]
    e2 = e2_ref[...]
    dot = lax.dot_general(embt, zt, (((0,), (0,)), ((), ())),
                          preferred_element_type=jnp.float32)
    h = _CODES // 2
    bot = (x2 + e2[0:h]) - 2.0 * dot[0:h, :]
    top = (x2 + e2[h:_CODES]) - 2.0 * dot[h:_CODES, :]
    take0 = top < bot
    v = jnp.minimum(top, bot)
    idx = lax.broadcasted_iota(jnp.int32, (h, _BLK), 0) + jnp.where(
        take0, h, 0)
    k = h // 2
    while k >= 1:
        tv, bv = v[k:2 * k, :], v[0:k, :]
        ti, bi = idx[k:2 * k, :], idx[0:k, :]
        take = (tv < bv) | ((tv == bv) & (ti < bi))
        idx = jnp.where(take, ti, bi)
        v = jnp.minimum(tv, bv)
        k //= 2
    mind = v
    codes_ref[...] = idx.reshape(1, _NCH, _ICH)

    @pl.when(i == 0)
    def _init():
        loss_ref[...] = jnp.zeros_like(loss_ref)

    part = jnp.sum(mind)
    loss_ref[...] = loss_ref[...] + jnp.broadcast_to(part, (1, 1, 128))

    @pl.when(i == pl.num_programs(0) - 1)
    def _scale():
        loss_ref[...] = loss_ref[...] * _LOSS_SCALE


def _tc_call(zt, embt, x2, e2c, nb):
    return pl.pallas_call(
        _tc_body,
        grid=(nb,),
        in_specs=[
            pl.BlockSpec((1, _DIM, _BLK), lambda i: (i, 0, 0)),
            pl.BlockSpec((_DIM, _CODES), lambda i: (0, 0)),
            pl.BlockSpec((1, 1, _BLK), lambda i: (i, 0, 0)),
            pl.BlockSpec((_CODES, 1), lambda i: (0, 0)),
        ],
        out_specs=[
            pl.BlockSpec((1, _NCH, _ICH), lambda i: (i, 0, 0)),
            pl.BlockSpec((1, 1, 128), lambda i: (0, 0, 0)),
        ],
        out_shape=[
            jax.ShapeDtypeStruct((nb, _NCH, _ICH), jnp.int32),
            jax.ShapeDtypeStruct((1, 1, 128), jnp.float32),
        ],
    )(zt, embt, x2, e2c)


def _make_sc_gather_body(bpw):
    def _sc_gather_body(embt_hbm, codes_hbm, out_hbm, emb_v, codes_v, out_v):
        wid = lax.axis_index("s") * 2 + lax.axis_index("c")
        g = lax.rem(wid, 8)
        q = lax.div(wid, 8)
        pltpu.sync_copy(embt_hbm.at[pl.ds(g * 8, 8)], emb_v)
        pltpu.sync_copy(codes_hbm.at[pl.ds(q * bpw, bpw)], codes_v)

        @pl.loop(0, bpw)
        def _bb(bb):
            for gg in range(_BLK // 16):
                cvec = codes_v[bb, pl.ds(gg * 16, 16)]
                for dd in range(8):
                    val = plsc.load_gather(
                        emb_v, [jnp.full((16,), dd, jnp.int32), cvec])
                    out_v[bb, dd, pl.ds(gg * 16, 16)] = val

        for bb in range(bpw):
            pltpu.sync_copy(out_v.at[bb],
                            out_hbm.at[q * bpw + bb].at[pl.ds(g * 8, 8)])

    return _sc_gather_body


@functools.lru_cache(maxsize=2)
def _make_sc_gather(nb):
    bpw = nb // 4
    return pl.kernel(
        _make_sc_gather_body(bpw),
        mesh=plsc.VectorSubcoreMesh(core_axis_name="c", subcore_axis_name="s"),
        out_type=jax.ShapeDtypeStruct((nb, _DIM, _BLK), jnp.float32),
        scratch_types=[
            pltpu.VMEM((8, _CODES), jnp.float32),
            pltpu.VMEM((bpw, _BLK), jnp.int32),
            pltpu.VMEM((bpw, 8, _BLK), jnp.float32),
        ],
        compiler_params=pltpu.CompilerParams(use_tc_tiling_on_sc=False,
                                             needs_layout_passes=False),
    )


def kernel(z_e, emb):
    B, L, D = z_e.shape
    zt = jnp.swapaxes(z_e, 1, 2)
    embt = emb.T
    x2 = jnp.sum(z_e * z_e, axis=2).reshape(B, 1, L)
    e2c = jnp.sum(emb * emb, axis=1).reshape(_CODES, 1)
    codes3, loss_acc = _tc_call(zt, embt, x2, e2c, B)
    codes = codes3.reshape(B, L)
    loss = loss_acc[0, 0, 0]
    zq_t = _make_sc_gather(B)(embt, codes)
    return (jnp.swapaxes(zq_t, 1, 2), loss, codes)

# --- scband reference (transcript-rebuilt; emitter-appended) ---
"""Pipeline reference for scband-vector-quantizer-39548058862063 (READ-ONLY COPY).

The authoritative reference and input builder live on the scoring server;
editing this copy changes nothing except your own understanding.
"""

import jax, jax.numpy as jnp
import numpy as np

NUM_CODES = 1024
CODE_DIM = 64
COMMITMENT_COST = 0.25


def setup_inputs(seed: int = 0) -> dict:
    key = jax.random.key(seed)
    k1, k2 = jax.random.split(key)
    z_e = jax.random.normal(k1, (32, 576, CODE_DIM), dtype=jnp.float32)
    # embedding table initialized uniform(-1/num_codes, 1/num_codes) like the torch module
    emb = jax.random.uniform(k2, (NUM_CODES, CODE_DIM), minval=-1.0 / NUM_CODES,
                             maxval=1.0 / NUM_CODES, dtype=jnp.float32)
    return {"z_e": z_e, "emb": emb}


def reference(z_e, emb):
    B, L, D = z_e.shape
    flat = z_e.reshape(-1, D)
    x2 = jnp.sum(flat ** 2, axis=1, keepdims=True)
    e2 = jnp.sum(emb ** 2, axis=1)
    dot = jnp.matmul(flat, emb.T)
    dists = x2 + e2[None, :] - 2.0 * dot
    codes = jnp.argmin(dists, axis=1)
    z_q_flat = jnp.take(emb, codes, axis=0)
    z_q = z_q_flat.reshape(B, L, D)
    codes = codes.reshape(B, L)
    embedding_loss = jnp.mean((jax.lax.stop_gradient(z_q) - z_e) ** 2)
    commitment_loss = jnp.mean((z_q - jax.lax.stop_gradient(z_e)) ** 2)
    loss_vq = embedding_loss + COMMITMENT_COST * commitment_loss
    z_q_st = z_e + jax.lax.stop_gradient(z_q - z_e)
    return (z_q_st, loss_vq, codes)

if __name__ == "__main__":
    import jax
    _d = setup_inputs()
    print(jax.jit(kernel)(*tuple(_d.values())))

</pallas_src>

<mosaic_0001>
#map = affine_map<(d0, d1) -> (0, 0)>
#map1 = affine_map<(d0, d1) -> (0, 0, 0)>
module attributes {stable_mosaic.version = 14 : i64} {
  func.func @_sc_gather_body(%arg0: i32, %arg1: i32, %arg2: memref<64x1024xf32, #tpu.memory_space<hbm>>, %arg3: memref<32x576xi32, #tpu.memory_space<hbm>>, %arg4: memref<32x64x576xf32, #tpu.memory_space<hbm>>, %arg5: memref<8x1024xf32, #tpu.memory_space<vmem>>, %arg6: memref<8x576xi32, #tpu.memory_space<vmem>>, %arg7: memref<8x8x576xf32, #tpu.memory_space<vmem>>) attributes {dimension_semantics = [#tpu.dimension_semantics<core_parallel>, #tpu.dimension_semantics<subcore_parallel>], iteration_bounds = array<i64: 2, 16>, scalar_prefetch = 0 : i64, scratch_operands = 3 : i64, tpu.core_type = #tpu.core_type<sc_vector_subcore>, window_params = [{transform_indices = #map}, {transform_indices = #map}, {transform_indices = #map1}]} {
    %mul3A = arith.constant 2 : i32
    %mul3A_0 = arith.muli %arg1, %mul3A : i32
    %add3A = arith.addi %mul3A_0, %arg0 : i32
    %rem3A = arith.constant 8 : i32
    %rem3A_1 = arith.remsi %add3A, %rem3A : i32
    %div3A = arith.constant 8 : i32
    %div3A_2 = arith.divsi %add3A, %div3A : i32
    %mul3A_3 = arith.constant 8 : i32
    %mul3A_4 = arith.muli %rem3A_1, %mul3A_3 : i32
    "tpu.region"() ({
      %run_scoped3A_66 = tpu.sem_alloc : memref<!tpu.dma_semaphore, #tpu.memory_space<semaphore_mem>>
      %dma_start3A = arith.constant 0 : i32
      %dma_start3A_67 = tpu.memref_slice %arg2[%mul3A_4, %dma_start3A] : memref<64x1024xf32, #tpu.memory_space<hbm>> -> memref<8x1024xf32, #tpu.memory_space<hbm>>
      %dma_start3A_68 = arith.constant 0 : i32
      %dma_start3A_69 = tpu.memref_slice %arg2[%mul3A_4, %dma_start3A_68] : memref<64x1024xf32, #tpu.memory_space<hbm>> -> memref<8x1024xf32, #tpu.memory_space<hbm>>
      tpu.enqueue_dma source(%dma_start3A_69 : memref<8x1024xf32, #tpu.memory_space<hbm>>) target(%arg5 : memref<8x1024xf32, #tpu.memory_space<vmem>>) target_semaphore(%run_scoped3A_66 : memref<!tpu.dma_semaphore, #tpu.memory_space<semaphore_mem>>)
      %dma_wait3A = arith.constant 0 : i32
      %dma_wait3A_70 = tpu.memref_slice %arg2[%mul3A_4, %dma_wait3A] : memref<64x1024xf32, #tpu.memory_space<hbm>> -> memref<8x1024xf32, #tpu.memory_space<hbm>>
      %dma_wait3A_71 = arith.constant 0 : i32
      %dma_wait3A_72 = tpu.memref_slice %arg2[%mul3A_4, %dma_wait3A_71] : memref<64x1024xf32, #tpu.memory_space<hbm>> -> memref<8x1024xf32, #tpu.memory_space<hbm>>
      tpu.wait_dma2 semaphore(%run_scoped3A_66 : memref<!tpu.dma_semaphore, #tpu.memory_space<semaphore_mem>>) src(%dma_wait3A_72 : memref<8x1024xf32, #tpu.memory_space<hbm>>) dst(%arg5 : memref<8x1024xf32, #tpu.memory_space<vmem>>)
      tpu.yield
    }) : () -> ()
    %mul3A_5 = arith.constant 8 : i32
    %mul3A_6 = arith.muli %div3A_2, %mul3A_5 : i32
    "tpu.region"() ({
      %run_scoped3A_66 = tpu.sem_alloc : memref<!tpu.dma_semaphore, #tpu.memory_space<semaphore_mem>>
      %dma_start3A = arith.constant 0 : i32
      %dma_start3A_67 = tpu.memref_slice %arg3[%mul3A_6, %dma_start3A] : memref<32x576xi32, #tpu.memory_space<hbm>> -> memref<8x576xi32, #tpu.memory_space<hbm>>
      %dma_start3A_68 = arith.constant 0 : i32
      %dma_start3A_69 = tpu.memref_slice %arg3[%mul3A_6, %dma_start3A_68] : memref<32x576xi32, #tpu.memory_space<hbm>> -> memref<8x576xi32, #tpu.memory_space<hbm>>
      tpu.enqueue_dma source(%dma_start3A_69 : memref<8x576xi32, #tpu.memory_space<hbm>>) target(%arg6 : memref<8x576xi32, #tpu.memory_space<vmem>>) target_semaphore(%run_scoped3A_66 : memref<!tpu.dma_semaphore, #tpu.memory_space<semaphore_mem>>)
      %dma_wait3A = arith.constant 0 : i32
      %dma_wait3A_70 = tpu.memref_slice %arg3[%mul3A_6, %dma_wait3A] : memref<32x576xi32, #tpu.memory_space<hbm>> -> memref<8x576xi32, #tpu.memory_space<hbm>>
      %dma_wait3A_71 = arith.constant 0 : i32
      %dma_wait3A_72 = tpu.memref_slice %arg3[%mul3A_6, %dma_wait3A_71] : memref<32x576xi32, #tpu.memory_space<hbm>> -> memref<8x576xi32, #tpu.memory_space<hbm>>
      tpu.wait_dma2 semaphore(%run_scoped3A_66 : memref<!tpu.dma_semaphore, #tpu.memory_space<semaphore_mem>>) src(%dma_wait3A_72 : memref<8x576xi32, #tpu.memory_space<hbm>>) dst(%arg6 : memref<8x576xi32, #tpu.memory_space<vmem>>)
      tpu.yield
    }) : () -> ()
    %scan3A = arith.constant 0 : i32
    %scan3A_7 = arith.constant 8 : i32
    %scan3A_8 = arith.addi %scan3A, %scan3A_7 : i32
    %scan3A_9 = arith.constant 1 : i32
    scf.for %scan3A_66 = %scan3A to %scan3A_8 step %scan3A_9  : i32 {
      %mul3A_67 = arith.constant 1 : i32
      %mul3A_68 = arith.muli %scan3A_66, %mul3A_67 : i32
      %add3A_69 = arith.constant 0 : i32
      %add3A_70 = arith.addi %add3A_69, %mul3A_68 : i32
      %get3A = arith.index_cast %add3A_70 : i32 to index
      %get3A_71 = arith.constant 0 : index
      %get3A_72 = tpu.vector_load %arg6[%get3A, %get3A_71] {strides = array<i32>} : memref<8x576xi32, #tpu.memory_space<vmem>>, vector<16xi32>,
      %broadcast_in_dim3A = arith.constant 0 : i32
      %broadcast_in_dim3A_73 = vector.broadcast %broadcast_in_dim3A : i32 to vector<16xi32>
      %gather3A = tpu.vector_load_idx %arg5[%broadcast_in_dim3A_73, %get3A_72] : memref<8x1024xf32, #tpu.memory_space<vmem>>[vector<16xi32>, vector<16xi32>], vector<16xf32>,
      %swap3A = arith.constant 0 : i32
      %swap3A_74 = arith.index_cast %add3A_70 : i32 to index
      %swap3A_75 = arith.index_cast %swap3A : i32 to index
      %swap3A_76 = arith.constant 0 : index
      %swap3A_77 = tpu.vector_load %arg7[%swap3A_74, %swap3A_75, %swap3A_76] {strides = array<i32>} : memref<8x8x576xf32, #tpu.memory_space<vmem>>, vector<16xf32>,
      tpu.vector_store %arg7[%swap3A_74, %swap3A_75, %swap3A_76], %gather3A {strides = array<i32>} : memref<8x8x576xf32, #tpu.memory_space<vmem>>, vector<16xf32>,
      %broadcast_in_dim3A_78 = arith.constant 1 : i32
      %broadcast_in_dim3A_79 = vector.broadcast %broadcast_in_dim3A_78 : i32 to vector<16xi32>
      %gather3A_80 = tpu.vector_load_idx %arg5[%broadcast_in_dim3A_79, %get3A_72] : memref<8x1024xf32, #tpu.memory_space<vmem>>[vector<16xi32>, vector<16xi32>], vector<16xf32>,
      %swap3A_81 = arith.constant 1 : i32
      %swap3A_82 = arith.index_cast %add3A_70 : i32 to index
      %swap3A_83 = arith.index_cast %swap3A_81 : i32 to index
      %swap3A_84 = arith.constant 0 : index
      %swap3A_85 = tpu.vector_load %arg7[%swap3A_82, %swap3A_83, %swap3A_84] {strides = array<i32>} : memref<8x8x576xf32, #tpu.memory_space<vmem>>, vector<16xf32>,
      tpu.vector_store %arg7[%swap3A_82, %swap3A_83, %swap3A_84], %gather3A_80 {strides = array<i32>} : memref<8x8x576xf32, #tpu.memory_space<vmem>>, vector<16xf32>,
      %broadcast_in_dim3A_86 = arith.constant 2 : i32
      %broadcast_in_dim3A_87 = vector.broadcast %broadcast_in_dim3A_86 : i32 to vector<16xi32>
      %gather3A_88 = tpu.vector_load_idx %arg5[%broadcast_in_dim3A_87, %get3A_72] : memref<8x1024xf32, #tpu.memory_space<vmem>>[vector<16xi32>, vector<16xi32>], vector<16xf32>,
      %swap3A_89 = arith.constant 2 : i32
      %swap3A_90 = arith.index_cast %add3A_70 : i32 to index
      %swap3A_91 = arith.index_cast %swap3A_89 : i32 to index
      %swap3A_92 = arith.constant 0 : index
      %swap3A_93 = tpu.vector_load %arg7[%swap3A_90, %swap3A_91, %swap3A_92] {strides = array<i32>} : memref<8x8x576xf32, #tpu.memory_space<vmem>>, vector<16xf32>,
      tpu.vector_store %arg7[%swap3A_90, %swap3A_91, %swap3A_92], %gather3A_88 {strides = array<i32>} : memref<8x8x576xf32, #tpu.memory_space<vmem>>, vector<16xf32>,
      %broadcast_in_dim3A_94 = arith.constant 3 : i32
      %broadcast_in_dim3A_95 = vector.broadcast %broadcast_in_dim3A_94 : i32 to vector<16xi32>
      %gather3A_96 = tpu.vector_load_idx %arg5[%broadcast_in_dim3A_95, %get3A_72] : memref<8x1024xf32, #tpu.memory_space<vmem>>[vector<16xi32>, vector<16xi32>], vector<16xf32>,
      %swap3A_97 = arith.constant 3 : i32
      %swap3A_98 = arith.index_cast %add3A_70 : i32 to index
      %swap3A_99 = arith.index_cast %swap3A_97 : i32 to index
      %swap3A_100 = arith.constant 0 : index
      %swap3A_101 = tpu.vector_load %arg7[%swap3A_98, %swap3A_99, %swap3A_100] {strides = array<i32>} : memref<8x8x576xf32, #tpu.memory_space<vmem>>, vector<16xf32>,
      tpu.vector_store %arg7[%swap3A_98, %swap3A_99, %swap3A_100], %gather3A_96 {strides = array<i32>} : memref<8x8x576xf32, #tpu.memory_space<vmem>>, vector<16xf32>,
      %broadcast_in_dim3A_102 = arith.constant 4 : i32
      %broadcast_in_dim3A_103 = vector.broadcast %broadcast_in_dim3A_102 : i32 to vector<16xi32>
      %gather3A_104 = tpu.vector_load_idx %arg5[%broadcast_in_dim3A_103, %get3A_72] : memref<8x1024xf32, #tpu.memory_space<vmem>>[vector<16xi32>, vector<16xi32>], vector<16xf32>,
      %swap3A_105 = arith.constant 4 : i32
      %swap3A_106 = arith.index_cast %add3A_70 : i32 to index
      %swap3A_107 = arith.index_cast %swap3A_105 : i32 to index
      %swap3A_108 = arith.constant 0 : index
      %swap3A_109 = tpu.vector_load %arg7[%swap3A_106, %swap3A_107, %swap3A_108] {strides = array<i32>} : memref<8x8x576xf32, #tpu.memory_space<vmem>>, vector<16xf32>,
      tpu.vector_store %arg7[%swap3A_106, %swap3A_107, %swap3A_108], %gather3A_104 {strides = array<i32>} : memref<8x8x576xf32, #tpu.memory_space<vmem>>, vector<16xf32>,
      %broadcast_in_dim3A_110 = arith.constant 5 : i32
      %broadcast_in_dim3A_111 = vector.broadcast %broadcast_in_dim3A_110 : i32 to vector<16xi32>
      %gather3A_112 = tpu.vector_load_idx %arg5[%broadcast_in_dim3A_111, %get3A_72] : memref<8x1024xf32, #tpu.memory_space<vmem>>[vector<16xi32>, vector<16xi32>], vector<16xf32>,
      %swap3A_113 = arith.constant 5 : i32
      %swap3A_114 = arith.index_cast %add3A_70 : i32 to index
      %swap3A_115 = arith.index_cast %swap3A_113 : i32 to index
      %swap3A_116 = arith.constant 0 : index
      %swap3A_117 = tpu.vector_load %arg7[%swap3A_114, %swap3A_115, %swap3A_116] {strides = array<i32>} : memref<8x8x576xf32, #tpu.memory_space<vmem>>, vector<16xf32>,
      tpu.vector_store %arg7[%swap3A_114, %swap3A_115, %swap3A_116], %gather3A_112 {strides = array<i32>} : memref<8x8x576xf32, #tpu.memory_space<vmem>>, vector<16xf32>,
      %broadcast_in_dim3A_118 = arith.constant 6 : i32
      %broadcast_in_dim3A_119 = vector.broadcast %broadcast_in_dim3A_118 : i32 to vector<16xi32>
      %gather3A_120 = tpu.vector_load_idx %arg5[%broadcast_in_dim3A_119, %get3A_72] : memref<8x1024xf32, #tpu.memory_space<vmem>>[vector<16xi32>, vector<16xi32>], vector<16xf32>,
      %swap3A_121 = arith.constant 6 : i32
      %swap3A_122 = arith.index_cast %add3A_70 : i32 to index
      %swap3A_123 = arith.index_cast %swap3A_121 : i32 to index
      %swap3A_124 = arith.constant 0 : index
      %swap3A_125 = tpu.vector_load %arg7[%swap3A_122, %swap3A_123, %swap3A_124] {strides = array<i32>} : memref<8x8x576xf32, #tpu.memory_space<vmem>>, vector<16xf32>,
      tpu.vector_store %arg7[%swap3A_122, %swap3A_123, %swap3A_124], %gather3A_120 {strides = array<i32>} : memref<8x8x576xf32, #tpu.memory_space<vmem>>, vector<16xf32>,
      %broadcast_in_dim3A_126 = arith.constant 7 : i32
      %broadcast_in_dim3A_127 = vector.broadcast %broadcast_in_dim3A_126 : i32 to vector<16xi32>
      %gather3A_128 = tpu.vector_load_idx %arg5[%broadcast_in_dim3A_127, %get3A_72] : memref<8x1024xf32, #tpu.memory_space<vmem>>[vector<16xi32>, vector<16xi32>], vector<16xf32>,
      %swap3A_129 = arith.constant 7 : i32
      %swap3A_130 = arith.index_cast %add3A_70 : i32 to index
      %swap3A_131 = arith.index_cast %swap3A_129 : i32 to index
      %swap3A_132 = arith.constant 0 : index
      %swap3A_133 = tpu.vector_load %arg7[%swap3A_130, %swap3A_131, %swap3A_132] {strides = array<i32>} : memref<8x8x576xf32, #tpu.memory_space<vmem>>, vector<16xf32>,
      tpu.vector_store %arg7[%swap3A_130, %swap3A_131, %swap3A_132], %gather3A_128 {strides = array<i32>} : memref<8x8x576xf32, #tpu.memory_space<vmem>>, vector<16xf32>,
      %get3A_134 = arith.index_cast %add3A_70 : i32 to index
      %get3A_135 = arith.constant 16 : index
      %get3A_136 = tpu.vector_load %arg6[%get3A_134, %get3A_135] {strides = array<i32>} : memref<8x576xi32, #tpu.memory_space<vmem>>, vector<16xi32>,
      %broadcast_in_dim3A_137 = arith.constant 0 : i32
      %broadcast_in_dim3A_138 = vector.broadcast %broadcast_in_dim3A_137 : i32 to vector<16xi32>
      %gather3A_139 = tpu.vector_load_idx %arg5[%broadcast_in_dim3A_138, %get3A_136] : memref<8x1024xf32, #tpu.memory_space<vmem>>[vector<16xi32>, vector<16xi32>], vector<16xf32>,
      %swap3A_140 = arith.constant 0 : i32
      %swap3A_141 = arith.index_cast %add3A_70 : i32 to index
      %swap3A_142 = arith.index_cast %swap3A_140 : i32 to index
      %swap3A_143 = arith.constant 16 : index
      %swap3A_144 = tpu.vector_load %arg7[%swap3A_141, %swap3A_142, %swap3A_143] {strides = array<i32>} : memref<8x8x576xf32, #tpu.memory_space<vmem>>, vector<16xf32>,
      tpu.vector_store %arg7[%swap3A_141, %swap3A_142, %swap3A_143], %gather3A_139 {strides = array<i32>} : memref<8x8x576xf32, #tpu.memory_space<vmem>>, vector<16xf32>,
      %broadcast_in_dim3A_145 = arith.constant 1 : i32
      %broadcast_in_dim3A_146 = vector.broadcast %broadcast_in_dim3A_145 : i32 to vector<16xi32>
      %gather3A_147 = tpu.vector_load_idx %arg5[%broadcast_in_dim3A_146, %get3A_136] : memref<8x1024xf32, #tpu.memory_space<vmem>>[vector<16xi32>, vector<16xi32>], vector<16xf32>,
      %swap3A_148 = arith.constant 1 : i32
      %swap3A_149 = arith.index_cast %add3A_70 : i32 to index
      %swap3A_150 = arith.index_cast %swap3A_148 : i32 to index
      %swap3A_151 = arith.constant 16 : index
      %swap3A_152 = tpu.vector_load %arg7[%swap3A_149, %swap3A_150, %swap3A_151] {strides = array<i32>} : memref<8x8x576xf32, #tpu.memory_space<vmem>>, vector<16xf32>,
      tpu.vector_store %arg7[%swap3A_149, %swap3A_150, %swap3A_151], %gather3A_147 {strides = array<i32>} : memref<8x8x576xf32, #tpu.memory_space<vmem>>, vector<16xf32>,
      %broadcast_in_dim3A_153 = arith.constant 2 : i32
      %broadcast_in_dim3A_154 = vector.broadcast %broadcast_in_dim3A_153 : i32 to vector<16xi32>
      %gather3A_155 = tpu.vector_load_idx %arg5[%broadcast_in_dim3A_154, %get3A_136] : memref<8x1024xf32, #tpu.memory_space<vmem>>[vector<16xi32>, vector<16xi32>], vector<16xf32>,
      %swap3A_156 = arith.constant 2 : i32
      %swap3A_157 = arith.index_cast %add3A_70 : i32 to index
      %swap3A_158 = arith.index_cast %swap3A_156 : i32 to index
      %swap3A_159 = arith.constant 16 : index
      %swap3A_160 = tpu.vector_load %arg7[%swap3A_157, %swap3A_158, %swap3A_159] {strides = array<i32>} : memref<8x8x576xf32, #tpu.memory_space<vmem>>, vector<16xf32>,
      tpu.vector_store %arg7[%swap3A_157, %swap3A_158, %swap3A_159], %gather3A_155 {strides = array<i32>} : memref<8x8x576xf32, #tpu.memory_space<vmem>>, vector<16xf32>,
      %broadcast_in_dim3A_161 = arith.constant 3 : i32
      %broadcast_in_dim3A_162 = vector.broadcast %broadcast_in_dim3A_161 : i32 to vector<16xi32>
      %gather3A_163 = tpu.vector_load_idx %arg5[%broadcast_in_dim3A_162, %get3A_136] : memref<8x1024xf32, #tpu.memory_space<vmem>>[vector<16xi32>, vector<16xi32>], vector<16xf32>,
      %swap3A_164 = arith.constant 3 : i32
      %swap3A_165 = arith.index_cast %add3A_70 : i32 to index
      %swap3A_166 = arith.index_cast %swap3A_164 : i32 to index
      %swap3A_167 = arith.constant 16 : index
      %swap3A_168 = tpu.vector_load %arg7[%swap3A_165, %swap3A_166, %swap3A_167] {strides = array<i32>} : memref<8x8x576xf32, #tpu.memory_space<vmem>>, vector<16xf32>,
      tpu.vector_store %arg7[%swap3A_165, %swap3A_166, %swap3A_167], %gather3A_163 {strides = array<i32>} : memref<8x8x576xf32, #tpu.memory_space<vmem>>, vector<16xf32>,
      %broadcast_in_dim3A_169 = arith.constant 4 : i32
      %broadcast_in_dim3A_170 = vector.broadcast %broadcast_in_dim3A_169 : i32 to vector<16xi32>
      %gather3A_171 = tpu.vector_load_idx %arg5[%broadcast_in_dim3A_170, %get3A_136] : memref<8x1024xf32, #tpu.memory_space<vmem>>[vector<16xi32>, vector<16xi32>], vector<16xf32>,
      %swap3A_172 = arith.constant 4 : i32
      %swap3A_173 = arith.index_cast %add3A_70 : i32 to index
      %swap3A_174 = arith.index_cast %swap3A_172 : i32 to index
      %swap3A_175 = arith.constant 16 : index
      %swap3A_176 = tpu.vector_load %arg7[%swap3A_173, %swap3A_174, %swap3A_175] {strides = array<i32>} : memref<8x8x576xf32, #tpu.memory_space<vmem>>, vector<16xf32>,
      tpu.vector_store %arg7[%swap3A_173, %swap3A_174, %swap3A_175], %gather3A_171 {strides = array<i32>} : memref<8x8x576xf32, #tpu.memory_space<vmem>>, vector<16xf32>,
      %broadcast_in_dim3A_177 = arith.constant 5 : i32
      %broadcast_in_dim3A_178 = vector.broadcast %broadcast_in_dim3A_177 : i32 to vector<16xi32>
      %gather3A_179 = tpu.vector_load_idx %arg5[%broadcast_in_dim3A_178, %get3A_136] : memref<8x1024xf32, #tpu.memory_space<vmem>>[vector<16xi32>, vector<16xi32>], vector<16xf32>,
      %swap3A_180 = arith.constant 5 : i32
      %swap3A_181 = arith.index_cast %add3A_70 : i32 to index
      %swap3A_182 = arith.index_cast %swap3A_180 : i32 to index
      %swap3A_183 = arith.constant 16 : index
      %swap3A_184 = tpu.vector_load %arg7[%swap3A_181, %swap3A_182, %swap3A_183] {strides = array<i32>} : memref<8x8x576xf32, #tpu.memory_space<vmem>>, vector<16xf32>,
      tpu.vector_store %arg7[%swap3A_181, %swap3A_182, %swap3A_183], %gather3A_179 {strides = array<i32>} : memref<8x8x576xf32, #tpu.memory_space<vmem>>, vector<16xf32>,
      %broadcast_in_dim3A_185 = arith.constant 6 : i32
      %broadcast_in_dim3A_186 = vector.broadcast %broadcast_in_dim3A_185 : i32 to vector<16xi32>
      %gather3A_187 = tpu.vector_load_idx %arg5[%broadcast_in_dim3A_186, %get3A_136] : memref<8x1024xf32, #tpu.memory_space<vmem>>[vector<16xi32>, vector<16xi32>], vector<16xf32>,
      %swap3A_188 = arith.constant 6 : i32
      %swap3A_189 = arith.index_cast %add3A_70 : i32 to index
      %swap3A_190 = arith.index_cast %swap3A_188 : i32 to index
      %swap3A_191 = arith.constant 16 : index
      %swap3A_192 = tpu.vector_load %arg7[%swap3A_189, %swap3A_190, %swap3A_191] {strides = array<i32>} : memref<8x8x576xf32, #tpu.memory_space<vmem>>, vector<16xf32>,
      tpu.vector_store %arg7[%swap3A_189, %swap3A_190, %swap3A_191], %gather3A_187 {strides = array<i32>} : memref<8x8x576xf32, #tpu.memory_space<vmem>>, vector<16xf32>,
      %broadcast_in_dim3A_193 = arith.constant 7 : i32
      %broadcast_in_dim3A_194 = vector.broadcast %broadcast_in_dim3A_193 : i32 to vector<16xi32>
      %gather3A_195 = tpu.vector_load_idx %arg5[%broadcast_in_dim3A_194, %get3A_136] : memref<8x1024xf32, #tpu.memory_space<vmem>>[vector<16xi32>, vector<16xi32>], vector<16xf32>,
      %swap3A_196 = arith.constant 7 : i32
      %swap3A_197 = arith.index_cast %add3A_70 : i32 to index
      %swap3A_198 = arith.index_cast %swap3A_196 : i32 to index
      %swap3A_199 = arith.constant 16 : index
      %swap3A_200 = tpu.vector_load %arg7[%swap3A_197, %swap3A_198, %swap3A_199] {strides = array<i32>} : memref<8x8x576xf32, #tpu.memory_space<vmem>>, vector<16xf32>,
      tpu.vector_store %arg7[%swap3A_197, %swap3A_198, %swap3A_199], %gather3A_195 {strides = array<i32>} : memref<8x8x576xf32, #tpu.memory_space<vmem>>, vector<16xf32>,
      %get3A_201 = arith.index_cast %add3A_70 : i32 to index
      %get3A_202 = arith.constant 32 : index
      %get3A_203 = tpu.vector_load %arg6[%get3A_201, %get3A_202] {strides = array<i32>} : memref<8x576xi32, #tpu.memory_space<vmem>>, vector<16xi32>,
      %broadcast_in_dim3A_204 = arith.constant 0 : i32
      %broadcast_in_dim3A_205 = vector.broadcast %broadcast_in_dim3A_204 : i32 to vector<16xi32>
      %gather3A_206 = tpu.vector_load_idx %arg5[%broadcast_in_dim3A_205, %get3A_203] : memref<8x1024xf32, #tpu.memory_space<vmem>>[vector<16xi32>, vector<16xi32>], vector<16xf32>,
      %swap3A_207 = arith.constant 0 : i32
      %swap3A_208 = arith.index_cast %add3A_70 : i32 to index
      %swap3A_209 = arith.index_cast %swap3A_207 : i32 to index
      %swap3A_210 = arith.constant 32 : index
      %swap3A_211 = tpu.vector_load %arg7[%swap3A_208, %swap3A_209, %swap3A_210] {strides = array<i32>} : memref<8x8x576xf32, #tpu.memory_space<vmem>>, vector<16xf32>,
      tpu.vector_store %arg7[%swap3A_208, %swap3A_209, %swap3A_210], %gather3A_206 {strides = array<i32>} : memref<8x8x576xf32, #tpu.memory_space<vmem>>, vector<16xf32>,
      %broadcast_in_dim3A_212 = arith.constant 1 : i32
      %broadcast_in_dim3A_213 = vector.broadcast %broadcast_in_dim3A_212 : i32 to vector<16xi32>
      %gather3A_214 = tpu.vector_load_idx %arg5[%broadcast_in_dim3A_213, %get3A_203] : memref<8x1024xf32, #tpu.memory_space<vmem>>[vector<16xi32>, vector<16xi32>], vector<16xf32>,
      %swap3A_215 = arith.constant 1 : i32
      %swap3A_216 = arith.index_cast %add3A_70 : i32 to index
      %swap3A_217 = arith.index_cast %swap3A_215 : i32 to index
      %swap3A_218 = arith.constant 32 : index
      %swap3A_219 = tpu.vector_load %arg7[%swap3A_216, %swap3A_217, %swap3A_218] {strides = array<i32>} : memref<8x8x576xf32, #tpu.memory_space<vmem>>, vector<16xf32>,
      tpu.vector_store %arg7[%swap3A_216, %swap3A_217, %swap3A_218], %gather3A_214 {strides = array<i32>} : memref<8x8x576xf32, #tpu.memory_space<vmem>>, vector<16xf32>,
      %broadcast_in_dim3A_220 = arith.constant 2 : i32
      %broadcast_in_dim3A_221 = vector.broadcast %broadcast_in_dim3A_220 : i32 to vector<16xi32>
      %gather3A_222 = tpu.vector_load_idx %arg5[%broadcast_in_dim3A_221, %get3A_203] : memref<8x1024xf32, #tpu.memory_space<vmem>>[vector<16xi32>, vector<16xi32>], vector<16xf32>,
      %swap3A_223 = arith.constant 2 : i32
      %swap3A_224 = arith.index_cast %add3A_70 : i32 to index
      %swap3A_225 = arith.index_cast %swap3A_223 : i32 to index
      %swap3A_226 = arith.constant 32 : index
      %swap3A_227 = tpu.vector_load %arg7[%swap3A_224, %swap3A_225, %swap3A_226] {strides = array<i32>} : memref<8x8x576xf32, #tpu.memory_space<vmem>>, vector<16xf32>,
      tpu.vector_store %arg7[%swap3A_224, %swap3A_225, %swap3A_226], %gather3A_222 {strides = array<i32>} : memref<8x8x576xf32, #tpu.memory_space<vmem>>, vector<16xf32>,
      %broadcast_in_dim3A_228 = arith.constant 3 : i32
      %broadcast_in_dim3A_229 = vector.broadcast %broadcast_in_dim3A_228 : i32 to vector<16xi32>
      %gather3A_230 = tpu.vector_load_idx %arg5[%broadcast_in_dim3A_229, %get3A_203] : memref<8x1024xf32, #tpu.memory_space<vmem>>[vector<16xi32>, vector<16xi32>], vector<16xf32>,
      %swap3A_231 = arith.constant 3 : i32
      %swap3A_232 = arith.index_cast %add3A_70 : i32 to index
      %swap3A_233 = arith.index_cast %swap3A_231 : i32 to index
      %swap3A_234 = arith.constant 32 : index
      %swap3A_235 = tpu.vector_load %arg7[%swap3A_232, %swap3A_233, %swap3A_234] {strides = array<i32>} : memref<8x8x576xf32, #tpu.memory_space<vmem>>, vector<16xf32>,
      tpu.vector_store %arg7[%swap3A_232, %swap3A_233, %swap3A_234], %gather3A_230 {strides = array<i32>} : memref<8x8x576xf32, #tpu.memory_space<vmem>>, vector<16xf32>,
      %broadcast_in_dim3A_236 = arith.constant 4 : i32
      %broadcast_in_dim3A_237 = vector.broadcast %broadcast_in_dim3A_236 : i32 to vector<16xi32>
      %gather3A_238 = tpu.vector_load_idx %arg5[%broadcast_in_dim3A_237, %get3A_203] : memref<8x1024xf32, #tpu.memory_space<vmem>>[vector<16xi32>, vector<16xi32>], vector<16xf32>,
      %swap3A_239 = arith.constant 4 : i32
      %swap3A_240 = arith.index_cast %add3A_70 : i32 to index
      %swap3A_241 = arith.index_cast %swap3A_239 : i32 to index
      %swap3A_242 = arith.constant 32 : index
      %swap3A_243 = tpu.vector_load %arg7[%swap3A_240, %swap3A_241, %swap3A_242] {strides = array<i32>} : memref<8x8x576xf32, #tpu.memory_space<vmem>>, vector<16xf32>,
      tpu.vector_store %arg7[%swap3A_240, %swap3A_241, %swap3A_242], %gather3A_238 {strides = array<i32>} : memref<8x8x576xf32, #tpu.memory_space<vmem>>, vector<16xf32>,
      %broadcast_in_dim3A_244 = arith.constant 5 : i32
      %broadcast_in_dim3A_245 = vector.broadcast %broadcast_in_dim3A_244 : i32 to vector<16xi32>
      %gather3A_246 = tpu.vector_load_idx %arg5[%broadcast_in_dim3A_245, %get3A_203] : memref<8x1024xf32, #tpu.memory_space<vmem>>[vector<16xi32>, vector<16xi32>], vector<16xf32>,
      %swap3A_247 = arith.constant 5 : i32
      %swap3A_248 = arith.index_cast %add3A_70 : i32 to index
      %swap3A_249 = arith.index_cast %swap3A_247 : i32 to index
      %swap3A_250 = arith.constant 32 : index
      %swap3A_251 = tpu.vector_load %arg7[%swap3A_248, %swap3A_249, %swap3A_250] {strides = array<i32>} : memref<8x8x576xf32, #tpu.memory_space<vmem>>, vector<16xf32>,
      tpu.vector_store %arg7[%swap3A_248, %swap3A_249, %swap3A_250], %gather3A_246 {strides = array<i32>} : memref<8x8x576xf32, #tpu.memory_space<vmem>>, vector<16xf32>,
      %broadcast_in_dim3A_252 = arith.constant 6 : i32
      %broadcast_in_dim3A_253 = vector.broadcast %broadcast_in_dim3A_252 : i32 to vector<16xi32>
      %gather3A_254 = tpu.vector_load_idx %arg5[%broadcast_in_dim3A_253, %get3A_203] : memref<8x1024xf32, #tpu.memory_space<vmem>>[vector<16xi32>, vector<16xi32>], vector<16xf32>,
      %swap3A_255 = arith.constant 6 : i32
      %swap3A_256 = arith.index_cast %add3A_70 : i32 to index
      %swap3A_257 = arith.index_cast %swap3A_255 : i32 to index
      %swap3A_258 = arith.constant 32 : index
      %swap3A_259 = tpu.vector_load %arg7[%swap3A_256, %swap3A_257, %swap3A_258] {strides = array<i32>} : memref<8x8x576xf32, #tpu.memory_space<vmem>>, vector<16xf32>,
      tpu.vector_store %arg7[%swap3A_256, %swap3A_257, %swap3A_258], %gather3A_254 {strides = array<i32>} : memref<8x8x576xf32, #tpu.memory_space<vmem>>, vector<16xf32>,
      %broadcast_in_dim3A_260 = arith.constant 7 : i32
      %broadcast_in_dim3A_261 = vector.broadcast %broadcast_in_dim3A_260 : i32 to vector<16xi32>
      %gather3A_262 = tpu.vector_load_idx %arg5[%broadcast_in_dim3A_261, %get3A_203] : memref<8x1024xf32, #tpu.memory_space<vmem>>[vector<16xi32>, vector<16xi32>], vector<16xf32>,
      %swap3A_263 = arith.constant 7 : i32
      %swap3A_264 = arith.index_cast %add3A_70 : i32 to index
      %swap3A_265 = arith.index_cast %swap3A_263 : i32 to index
      %swap3A_266 = arith.constant 32 : index
      %swap3A_267 = tpu.vector_load %arg7[%swap3A_264, %swap3A_265, %swap3A_266] {strides = array<i32>} : memref<8x8x576xf32, #tpu.memory_space<vmem>>, vector<16xf32>,
      tpu.vector_store %arg7[%swap3A_264, %swap3A_265, %swap3A_266], %gather3A_262 {strides = array<i32>} : memref<8x8x576xf32, #tpu.memory_space<vmem>>, vector<16xf32>,
      %get3A_268 = arith.index_cast %add3A_70 : i32 to index
      %get3A_269 = arith.constant 48 : index
      %get3A_270 = tpu.vector_load %arg6[%get3A_268, %get3A_269] {strides = array<i32>} : memref<8x576xi32, #tpu.memory_space<vmem>>, vector<16xi32>,
      %broadcast_in_dim3A_271 = arith.constant 0 : i32
      %broadcast_in_dim3A_272 = vector.broadcast %broadcast_in_dim3A_271 : i32 to vector<16xi32>
      %gather3A_273 = tpu.vector_load_idx %arg5[%broadcast_in_dim3A_272, %get3A_270] : memref<8x1024xf32, #tpu.memory_space<vmem>>[vector<16xi32>, vector<16xi32>], vector<16xf32>,
      %swap3A_274 = arith.constant 0 : i32
      %swap3A_275 = arith.index_cast %add3A_70 : i32 to index
      %swap3A_276 = arith.index_cast %swap3A_274 : i32 to index
      %swap3A_277 = arith.constant 48 : index
      %swap3A_278 = tpu.vector_load %arg7[%swap3A_275, %swap3A_276, %swap3A_277] {strides = array<i32>} : memref<8x8x576xf32, #tpu.memory_space<vmem>>, vector<16xf32>,
      tpu.vector_store %arg7[%swap3A_275, %swap3A_276, %swap3A_277], %gather3A_273 {strides = array<i32>} : memref<8x8x576xf32, #tpu.memory_space<vmem>>, vector<16xf32>,
      %broadcast_in_dim3A_279 = arith.constant 1 : i32
      %broadcast_in_dim3A_280 = vector.broadcast %broadcast_in_dim3A_279 : i32 to vector<16xi32>
      %gather3A_281 = tpu.vector_load_idx %arg5[%broadcast_in_dim3A_280, %get3A_270] : memref<8x1024xf32, #tpu.memory_space<vmem>>[vector<16xi32>, vector<16xi32>], vector<16xf32>,
      %swap3A_282 = arith.constant 1 : i32
      %swap3A_283 = arith.index_cast %add3A_70 : i32 to index
      %swap3A_284 = arith.index_cast %swap3A_282 : i32 to index
      %swap3A_285 = arith.constant 48 : index
      %swap3A_286 = tpu.vector_load %arg7[%swap3A_283, %swap3A_284, %swap3A_285] {strides = array<i32>} : memref<8x8x576xf32, #tpu.memory_space<vmem>>, vector<16xf32>,
      tpu.vector_store %arg7[%swap3A_283, %swap3A_284, %swap3A_285], %gather3A_281 {strides = array<i32>} : memref<8x8x576xf32, #tpu.memory_space<vmem>>, vector<16xf32>,
      %broadcast_in_dim3A_287 = arith.constant 2 : i32
      %broadcast_in_dim3A_288 = vector.broadcast %broadcast_in_dim3A_287 : i32 to vector<16xi32>
      %gather3A_289 = tpu.vector_load_idx %arg5[%broadcast_in_dim3A_288, %get3A_270] : memref<8x1024xf32, #tpu.memory_space<vmem>>[vector<16xi32>, vector<16xi32>], vector<16xf32>,
      %swap3A_290 = arith.constant 2 : i32
      %swap3A_291 = arith.index_cast %add3A_70 : i32 to index
      %swap3A_292 = arith.index_cast %swap3A_290 : i32 to index
      %swap3A_293 = arith.constant 48 : index
      %swap3A_294 = tpu.vector_load %arg7[%swap3A_291, %swap3A_292, %swap3A_293] {strides = array<i32>} : memref<8x8x576xf32, #tpu.memory_space<vmem>>, vector<16xf32>,
      tpu.vector_store %arg7[%swap3A_291, %swap3A_292, %swap3A_293], %gather3A_289 {strides = array<i32>} : memref<8x8x576xf32, #tpu.memory_space<vmem>>, vector<16xf32>,
      %broadcast_in_dim3A_295 = arith.constant 3 : i32
      %broadcast_in_dim3A_296 = vector.broadcast %broadcast_in_dim3A_295 : i32 to vector<16xi32>
      %gather3A_297 = tpu.vector_load_idx %arg5[%broadcast_in_dim3A_296, %get3A_270] : memref<8x1024xf32, #tpu.memory_space<vmem>>[vector<16xi32>, vector<16xi32>], vector<16xf32>,
      %swap3A_298 = arith.constant 3 : i32
      %swap3A_299 = arith.index_cast %add3A_70 : i32 to index
      %swap3A_300 = arith.index_cast %swap3A_298 : i32 to index
      %swap3A_301 = arith.constant 48 : index
      %swap3A_302 = tpu.vector_load %arg7[%swap3A_299, %swap3A_300, %swap3A_301] {strides = array<i32>} : memref<8x8x576xf32, #tpu.memory_space<vmem>>, vector<16xf32>,
      tpu.vector_store %arg7[%swap3A_299, %swap3A_300, %swap3A_301], %gather3A_297 {strides = array<i32>} : memref<8x8x576xf32, #tpu.memory_space<vmem>>, vector<16xf32>,
      %broadcast_in_dim3A_303 = arith.constant 4 : i32
      %broadcast_in_dim3A_304 = vector.broadcast %broadcast_in_dim3A_303 : i32 to vector<16xi32>
      %gather3A_305 = tpu.vector_load_idx %arg5[%broadcast_in_dim3A_304, %get3A_270] : memref<8x1024xf32, #tpu.memory_space<vmem>>[vector<16xi32>, vector<16xi32>], vector<16xf32>,
      %swap3A_306 = arith.constant 4 : i32
      %swap3A_307 = arith.index_cast %add3A_70 : i32 to index
      %swap3A_308 = arith.index_cast %swap3A_306 : i32 to index
      %swap3A_309 = arith.constant 48 : index
      %swap3A_310 = tpu.vector_load %arg7[%swap3A_307, %swap3A_308, %swap3A_309] {strides = array<i32>} : memref<8x8x576xf32, #tpu.memory_space<vmem>>, vector<16xf32>,
      tpu.vector_store %arg7[%swap3A_307, %swap3A_308, %swap3A_309], %gather3A_305 {strides = array<i32>} : memref<8x8x576xf32, #tpu.memory_space<vmem>>, vector<16xf32>,
      %broadcast_in_dim3A_311 = arith.constant 5 : i32
      %broadcast_in_dim3A_312 = vector.broadcast %broadcast_in_dim3A_311 : i32 to vector<16xi32>
      %gather3A_313 = tpu.vector_load_idx %arg5[%broadcast_in_dim3A_312, %get3A_270] : memref<8x1024xf32, #tpu.memory_space<vmem>>[vector<16xi32>, vector<16xi32>], vector<16xf32>,
      %swap3A_314 = arith.constant 5 : i32
      %swap3A_315 = arith.index_cast %add3A_70 : i32 to index
      %swap3A_316 = arith.index_cast %swap3A_314 : i32 to index
      %swap3A_317 = arith.constant 48 : index
      %swap3A_318 = tpu.vector_load %arg7[%swap3A_315, %swap3A_316, %swap3A_317] {strides = array<i32>} : memref<8x8x576xf32, #tpu.memory_space<vmem>>, vector<16xf32>,
      tpu.vector_store %arg7[%swap3A_315, %swap3A_316, %swap3A_317], %gather3A_313 {strides = array<i32>} : memref<8x8x576xf32, #tpu.memory_space<vmem>>, vector<16xf32>,
      %broadcast_in_dim3A_319 = arith.constant 6 : i32
      %broadcast_in_dim3A_320 = vector.broadcast %broadcast_in_dim3A_319 : i32 to vector<16xi32>
      %gather3A_321 = tpu.vector_load_idx %arg5[%broadcast_in_dim3A_320, %get3A_270] : memref<8x1024xf32, #tpu.memory_space<vmem>>[vector<16xi32>, vector<16xi32>], vector<16xf32>,
      %swap3A_322 = arith.constant 6 : i32
      %swap3A_323 = arith.index_cast %add3A_70 : i32 to index
      %swap3A_324 = arith.index_cast %swap3A_322 : i32 to index
      %swap3A_325 = arith.constant 48 : index
      %swap3A_326 = tpu.vector_load %arg7[%swap3A_323, %swap3A_324, %swap3A_325] {strides = array<i32>} : memref<8x8x576xf32, #tpu.memory_space<vmem>>, vector<16xf32>,
      tpu.vector_store %arg7[%swap3A_323, %swap3A_324, %swap3A_325], %gather3A_321 {strides = array<i32>} : memref<8x8x576xf32, #tpu.memory_space<vmem>>, vector<16xf32>,
      %broadcast_in_dim3A_327 = arith.constant 7 : i32
      %broadcast_in_dim3A_328 = vector.broadcast %broadcast_in_dim3A_327 : i32 to vector<16xi32>
      %gather3A_329 = tpu.vector_load_idx %arg5[%broadcast_in_dim3A_328, %get3A_270] : memref<8x1024xf32, #tpu.memory_space<vmem>>[vector<16xi32>, vector<16xi32>], vector<16xf32>,
      %swap3A_330 = arith.constant 7 : i32
      %swap3A_331 = arith.index_cast %add3A_70 : i32 to index
      %swap3A_332 = arith.index_cast %swap3A_330 : i32 to index
      %swap3A_333 = arith.constant 48 : index
      %swap3A_334 = tpu.vector_load %arg7[%swap3A_331, %swap3A_332, %swap3A_333] {strides = array<i32>} : memref<8x8x576xf32, #tpu.memory_space<vmem>>, vector<16xf32>,
      tpu.vector_store %arg7[%swap3A_331, %swap3A_332, %swap3A_333], %gather3A_329 {strides = array<i32>} : memref<8x8x576xf32, #tpu.memory_space<vmem>>, vector<16xf32>,
      %get3A_335 = arith.index_cast %add3A_70 : i32 to index
      %get3A_336 = arith.constant 64 : index
      %get3A_337 = tpu.vector_load %arg6[%get3A_335, %get3A_336] {strides = array<i32>} : memref<8x576xi32, #tpu.memory_space<vmem>>, vector<16xi32>,
      %broadcast_in_dim3A_338 = arith.constant 0 : i32
      %broadcast_in_dim3A_339 = vector.broadcast %broadcast_in_dim3A_338 : i32 to vector<16xi32>
      %gather3A_340 = tpu.vector_load_idx %arg5[%broadcast_in_dim3A_339, %get3A_337] : memref<8x1024xf32, #tpu.memory_space<vmem>>[vector<16xi32>, vector<16xi32>], vector<16xf32>,
      %swap3A_341 = arith.constant 0 : i32
      %swap3A_342 = arith.index_cast %add3A_70 : i32 to index
      %swap3A_343 = arith.index_cast %swap3A_341 : i32 to index
      %swap3A_344 = arith.constant 64 : index
      %swap3A_345 = tpu.vector_load %arg7[%swap3A_342, %swap3A_343, %swap3A_344] {strides = array<i32>} : memref<8x8x576xf32, #tpu.memory_space<vmem>>, vector<16xf32>,
      tpu.vector_store %arg7[%swap3A_342, %swap3A_343, %swap3A_344], %gather3A_340 {strides = array<i32>} : memref<8x8x576xf32, #tpu.memory_space<vmem>>, vector<16xf32>,
      %broadcast_in_dim3A_346 = arith.constant 1 : i32
      %broadcast_in_dim3A_347 = vector.broadcast %broadcast_in_dim3A_346 : i32 to vector<16xi32>
      %gather3A_348 = tpu.vector_load_idx %arg5[%broadcast_in_dim3A_347, %get3A_337] : memref<8x1024xf32, #tpu.memory_space<vmem>>[vector<16xi32>, vector<16xi32>], vector<16xf32>,
      %swap3A_349 = arith.constant 1 : i32
      %swap3A_350 = arith.index_cast %add3A_70 : i32 to index
      %swap3A_351 = arith.index_cast %swap3A_349 : i32 to index
      %swap3A_352 = arith.constant 64 : index
      %swap3A_353 = tpu.vector_load %arg7[%swap3A_350, %swap3A_351, %swap3A_352] {strides = array<i32>} : memref<8x8x576xf32, #tpu.memory_space<vmem>>, vector<16xf32>,
      tpu.vector_store %arg7[%swap3A_350, %swap3A_351, %swap3A_352], %gather3A_348 {strides = array<i32>} : memref<8x8x576xf32, #tpu.memory_space<vmem>>, vector<16xf32>,
      %broadcast_in_dim3A_354 = arith.constant 2 : i32
      %broadcast_in_dim3A_355 = vector.broadcast %broadcast_in_dim3A_354 : i32 to vector<16xi32>
      %gather3A_356 = tpu.vector_load_idx %arg5[%broadcast_in_dim3A_355, %get3A_337] : memref<8x1024xf32, #tpu.memory_space<vmem>>[vector<16xi32>, vector<16xi32>], vector<16xf32>,
      %swap3A_357 = arith.constant 2 : i32
      %swap3A_358 = arith.index_cast %add3A_70 : i32 to index
      %swap3A_359 = arith.index_cast %swap3A_357 : i32 to index
      %swap3A_360 = arith.constant 64 : index
      %swap3A_361 = tpu.vector_load %arg7[%swap3A_358, %swap3A_359, %swap3A_360] {strides = array<i32>} : memref<8x8x576xf32, #tpu.memory_space<vmem>>, vector<16xf32>,
      tpu.vector_store %arg7[%swap3A_358, %swap3A_359, %swap3A_360], %gather3A_356 {strides = array<i32>} : memref<8x8x576xf32, #tpu.memory_space<vmem>>, vector<16xf32>,
      %broadcast_in_dim3A_362 = arith.constant 3 : i32
      %broadcast_in_dim3A_363 = vector.broadcast %broadcast_in_dim3A_362 : i32 to vector<16xi32>
      %gather3A_364 = tpu.vector_load_idx %arg5[%broadcast_in_dim3A_363, %get3A_337] : memref<8x1024xf32, #tpu.memory_space<vmem>>[vector<16xi32>, vector<16xi32>], vector<16xf32>,
      %swap3A_365 = arith.constant 3 : i32
      %swap3A_366 = arith.index_cast %add3A_70 : i32 to index
      %swap3A_367 = arith.index_cast %swap3A_365 : i32 to index
      %swap3A_368 = arith.constant 64 : index
      %swap3A_369 = tpu.vector_load %arg7[%swap3A_366, %swap3A_367, %swap3A_368] {strides = array<i32>} : memref<8x8x576xf32, #tpu.memory_space<vmem>>, vector<16xf32>,
      tpu.vector_store %arg7[%swap3A_366, %swap3A_367, %swap3A_368], %gather3A_364 {strides = array<i32>} : memref<8x8x576xf32, #tpu.memory_space<vmem>>, vector<16xf32>,
      %broadcast_in_dim3A_370 = arith.constant 4 : i32
      %broadcast_in_dim3A_371 = vector.broadcast %broadcast_in_dim3A_370 : i32 to vector<16xi32>
      %gather3A_372 = tpu.vector_load_idx %arg5[%broadcast_in_dim3A_371, %get3A_337] : memref<8x1024xf32, #tpu.memory_space<vmem>>[vector<16xi32>, vector<16xi32>], vector<16xf32>,
      %swap3A_373 = arith.constant 4 : i32
      %swap3A_374 = arith.index_cast %add3A_70 : i32 to index
      %swap3A_375 = arith.index_cast %swap3A_373 : i32 to index
      %swap3A_376 = arith.constant 64 : index
      %swap3A_377 = tpu.vector_load %arg7[%swap3A_374, %swap3A_375, %swap3A_376] {strides = array<i32>} : memref<8x8x576xf32, #tpu.memory_space<vmem>>, vector<16xf32>,
      tpu.vector_store %arg7[%swap3A_374, %swap3A_375, %swap3A_376], %gather3A_372 {strides = array<i32>} : memref<8x8x576xf32, #tpu.memory_space<vmem>>, vector<16xf32>,
      %broadcast_in_dim3A_378 = arith.constant 5 : i32
      %broadcast_in_dim3A_379 = vector.broadcast %broadcast_in_dim3A_378 : i32 to vector<16xi32>
      %gather3A_380 = tpu.vector_load_idx %arg5[%broadcast_in_dim3A_379, %get3A_337] : memref<8x1024xf32, #tpu.memory_space<vmem>>[vector<16xi32>, vector<16xi32>], vector<16xf32>,
      %swap3A_381 = arith.constant 5 : i32
      %swap3A_382 = arith.index_cast %add3A_70 : i32 to index
      %swap3A_383 = arith.index_cast %swap3A_381 : i32 to index
      %swap3A_384 = arith.constant 64 : index
      %swap3A_385 = tpu.vector_load %arg7[%swap3A_382, %swap3A_383, %swap3A_384] {strides = array<i32>} : memref<8x8x576xf32, #tpu.memory_space<vmem>>, vector<16xf32>,
      tpu.vector_store %arg7[%swap3A_382, %swap3A_383, %swap3A_384], %gather3A_380 {strides = array<i32>} : memref<8x8x576xf32, #tpu.memory_space<vmem>>, vector<16xf32>,
      %broadcast_in_dim3A_386 = arith.constant 6 : i32
      %broadcast_in_dim3A_387 = vector.broadcast %broadcast_in_dim3A_386 : i32 to vector<16xi32>
      %gather3A_388 = tpu.vector_load_idx %arg5[%broadcast_in_dim3A_387, %get3A_337] : memref<8x1024xf32, #tpu.memory_space<vmem>>[vector<16xi32>, vector<16xi32>], vector<16xf32>,
      %swap3A_389 = arith.constant 6 : i32
      %swap3A_390 = arith.index_cast %add3A_70 : i32 to index
      %swap3A_391 = arith.index_cast %swap3A_389 : i32 to index
      %swap3A_392 = arith.constant 64 : index
      %swap3A_393 = tpu.vector_load %arg7[%swap3A_390, %swap3A_391, %swap3A_392] {strides = array<i32>} : memref<8x8x576xf32, #tpu.memory_space<vmem>>, vector<16xf32>,
      tpu.vector_store %arg7[%swap3A_390, %swap3A_391, %swap3A_392], %gather3A_388 {strides = array<i32>} : memref<8x8x576xf32, #tpu.memory_space<vmem>>, vector<16xf32>,
      %broadcast_in_dim3A_394 = arith.constant 7 : i32
      %broadcast_in_dim3A_395 = vector.broadcast %broadcast_in_dim3A_394 : i32 to vector<16xi32>
      %gather3A_396 = tpu.vector_load_idx %arg5[%broadcast_in_dim3A_395, %get3A_337] : memref<8x1024xf32, #tpu.memory_space<vmem>>[vector<16xi32>, vector<16xi32>], vector<16xf32>,
      %swap3A_397 = arith.constant 7 : i32
      %swap3A_398 = arith.index_cast %add3A_70 : i32 to index
      %swap3A_399 = arith.index_cast %swap3A_397 : i32 to index
      %swap3A_400 = arith.constant 64 : index
      %swap3A_401 = tpu.vector_load %arg7[%swap3A_398, %swap3A_399, %swap3A_400] {strides = array<i32>} : memref<8x8x576xf32, #tpu.memory_space<vmem>>, vector<16xf32>,
      tpu.vector_store %arg7[%swap3A_398, %swap3A_399, %swap3A_400], %gather3A_396 {strides = array<i32>} : memref<8x8x576xf32, #tpu.memory_space<vmem>>, vector<16xf32>,
      %get3A_402 = arith.index_cast %add3A_70 : i32 to index
      %get3A_403 = arith.constant 80 : index
      %get3A_404 = tpu.vector_load %arg6[%get3A_402, %get3A_403] {strides = array<i32>} : memref<8x576xi32, #tpu.memory_space<vmem>>, vector<16xi32>,
      %broadcast_in_dim3A_405 = arith.constant 0 : i32
      %broadcast_in_dim3A_406 = vector.broadcast %broadcast_in_dim3A_405 : i32 to vector<16xi32>
      %gather3A_407 = tpu.vector_load_idx %arg5[%broadcast_in_dim3A_406, %get3A_404] : memref<8x1024xf32, #tpu.memory_space<vmem>>[vector<16xi32>, vector<16xi32>], vector<16xf32>,
      %swap3A_408 = arith.constant 0 : i32
      %swap3A_409 = arith.index_cast %add3A_70 : i32 to index
      %swap3A_410 = arith.index_cast %swap3A_408 : i32 to index
      %swap3A_411 = arith.constant 80 : index
      %swap3A_412 = tpu.vector_load %arg7[%swap3A_409, %swap3A_410, %swap3A_411] {strides = array<i32>} : memref<8x8x576xf32, #tpu.memory_space<vmem>>, vector<16xf32>,
      tpu.vector_store %arg7[%swap3A_409, %swap3A_410, %swap3A_411], %gather3A_407 {strides = array<i32>} : memref<8x8x576xf32, #tpu.memory_space<vmem>>, vector<16xf32>,
      %broadcast_in_dim3A_413 = arith.constant 1 : i32
      %broadcast_in_dim3A_414 = vector.broadcast %broadcast_in_dim3A_413 : i32 to vector<16xi32>
      %gather3A_415 = tpu.vector_load_idx %arg5[%broadcast_in_dim3A_414, %get3A_404] : memref<8x1024xf32, #tpu.memory_space<vmem>>[vector<16xi32>, vector<16xi32>], vector<16xf32>,
      %swap3A_416 = arith.constant 1 : i32
      %swap3A_417 = arith.index_cast %add3A_70 : i32 to index
      %swap3A_418 = arith.index_cast %swap3A_416 : i32 to index
      %swap3A_419 = arith.constant 80 : index
      %swap3A_420 = tpu.vector_load %arg7[%swap3A_417, %swap3A_418, %swap3A_419] {strides = array<i32>} : memref<8x8x576xf32, #tpu.memory_space<vmem>>, vector<16xf32>,
      tpu.vector_store %arg7[%swap3A_417, %swap3A_418, %swap3A_419], %gather3A_415 {strides = array<i32>} : memref<8x8x576xf32, #tpu.memory_space<vmem>>, vector<16xf32>,
      %broadcast_in_dim3A_421 = arith.constant 2 : i32
      %broadcast_in_dim3A_422 = vector.broadcast %broadcast_in_dim3A_421 : i32 to vector<16xi32>
      %gather3A_423 = tpu.vector_load_idx %arg5[%broadcast_in_dim3A_422, %get3A_404] : memref<8x1024xf32, #tpu.memory_space<vmem>>[vector<16xi32>, vector<16xi32>], vector<16xf32>,
      %swap3A_424 = arith.constant 2 : i32
      %swap3A_425 = arith.index_cast %add3A_70 : i32 to index
      %swap3A_426 = arith.index_cast %swap3A_424 : i32 to index
      %swap3A_427 = arith.constant 80 : index
      %swap3A_428 = tpu.vector_load %arg7[%swap3A_425, %swap3A_426, %swap3A_427] {strides = array<i32>} : memref<8x8x576xf32, #tpu.memory_space<vmem>>, vector<16xf32>,
      tpu.vector_store %arg7[%swap3A_425, %swap3A_426, %swap3A_427], %gather3A_423 {strides = array<i32>} : memref<8x8x576xf32, #tpu.memory_space<vmem>>, vector<16xf32>,
      %broadcast_in_dim3A_429 = arith.constant 3 : i32
      %broadcast_in_dim3A_430 = vector.broadcast %broadcast_in_dim3A_429 : i32 to vector<16xi32>
      %gather3A_431 = tpu.vector_load_idx %arg5[%broadcast_in_dim3A_430, %get3A_404] : memref<8x1024xf32, #tpu.memory_space<vmem>>[vector<16xi32>, vector<16xi32>], vector<16xf32>,
      %swap3A_432 = arith.constant 3 : i32
      %swap3A_433 = arith.index_cast %add3A_70 : i32 to index
      %swap3A_434 = arith.index_cast %swap3A_432 : i32 to index
      %swap3A_435 = arith.constant 80 : index
      %swap3A_436 = tpu.vector_load %arg7[%swap3A_433, %swap3A_434, %swap3A_435] {strides = array<i32>} : memref<8x8x576xf32, #tpu.memory_space<vmem>>, vector<16xf32>,
      tpu.vector_store %arg7[%swap3A_433, %swap3A_434, %swap3A_435], %gather3A_431 {strides = array<i32>} : memref<8x8x576xf32, #tpu.memory_space<vmem>>, vector<16xf32>,
      %broadcast_in_dim3A_437 = arith.constant 4 : i32
      %broadcast_in_dim3A_438 = vector.broadcast %broadcast_in_dim3A_437 : i32 to vector<16xi32>
      %gather3A_439 = tpu.vector_load_idx %arg5[%broadcast_in_dim3A_438, %get3A_404] : memref<8x1024xf32, #tpu.memory_space<vmem>>[vector<16xi32>, vector<16xi32>], vector<16xf32>,
      %swap3A_440 = arith.constant 4 : i32
      %swap3A_441 = arith.index_cast %add3A_70 : i32 to index
      %swap3A_442 = arith.index_cast %swap3A_440 : i32 to index
      %swap3A_443 = arith.constant 80 : index
      %swap3A_444 = tpu.vector_load %arg7[%swap3A_441, %swap3A_442, %swap3A_443] {strides = array<i32>} : memref<8x8x576xf32, #tpu.memory_space<vmem>>, vector<16xf32>,
      tpu.vector_store %arg7[%swap3A_441, %swap3A_442, %swap3A_443], %gather3A_439 {strides = array<i32>} : memref<8x8x576xf32, #tpu.memory_space<vmem>>, vector<16xf32>,
      %broadcast_in_dim3A_445 = arith.constant 5 : i32
      %broadcast_in_dim3A_446 = vector.broadcast %broadcast_in_dim3A_445 : i32 to vector<16xi32>
      %gather3A_447 = tpu.vector_load_idx %arg5[%broadcast_in_dim3A_446, %get3A_404] : memref<8x1024xf32, #tpu.memory_space<vmem>>[vector<16xi32>, vector<16xi32>], vector<16xf32>,
      %swap3A_448 = arith.constant 5 : i32
      %swap3A_449 = arith.index_cast %add3A_70 : i32 to index
      %swap3A_450 = arith.index_cast %swap3A_448 : i32 to index
      %swap3A_451 = arith.constant 80 : index
      %swap3A_452 = tpu.vector_load %arg7[%swap3A_449, %swap3A_450, %swap3A_451] {strides = array<i32>} : memref<8x8x576xf32, #tpu.memory_space<vmem>>, vector<16xf32>,
      tpu.vector_store %arg7[%swap3A_449, %swap3A_450, %swap3A_451], %gather3A_447 {strides = array<i32>} : memref<8x8x576xf32, #tpu.memory_space<vmem>>, vector<16xf32>,
      %broadcast_in_dim3A_453 = arith.constant 6 : i32
      %broadcast_in_dim3A_454 = vector.broadcast %broadcast_in_dim3A_453 : i32 to vector<16xi32>
      %gather3A_455 = tpu.vector_load_idx %arg5[%broadcast_in_dim3A_454, %get3A_404] : memref<8x1024xf32, #tpu.memory_space<vmem>>[vector<16xi32>, vector<16xi32>], vector<16xf32>,
      %swap3A_456 = arith.constant 6 : i32
      %swap3A_457 = arith.index_cast %add3A_70 : i32 to index
      %swap3A_458 = arith.index_cast %swap3A_456 : i32 to index
      %swap3A_459 = arith.constant 80 : index
      %swap3A_460 = tpu.vector_load %arg7[%swap3A_457, %swap3A_458, %swap3A_459] {strides = array<i32>} : memref<8x8x576xf32, #tpu.memory_space<vmem>>, vector<16xf32>,
      tpu.vector_store %arg7[%swap3A_457, %swap3A_458, %swap3A_459], %gather3A_455 {strides = array<i32>} : memref<8x8x576xf32, #tpu.memory_space<vmem>>, vector<16xf32>,
      %broadcast_in_dim3A_461 = arith.constant 7 : i32
      %broadcast_in_dim3A_462 = vector.broadcast %broadcast_in_dim3A_461 : i32 to vector<16xi32>
      %gather3A_463 = tpu.vector_load_idx %arg5[%broadcast_in_dim3A_462, %get3A_404] : memref<8x1024xf32, #tpu.memory_space<vmem>>[vector<16xi32>, vector<16xi32>], vector<16xf32>,
      %swap3A_464 = arith.constant 7 : i32
      %swap3A_465 = arith.index_cast %add3A_70 : i32 to index
      %swap3A_466 = arith.index_cast %swap3A_464 : i32 to index
      %swap3A_467 = arith.constant 80 : index
      %swap3A_468 = tpu.vector_load %arg7[%swap3A_465, %swap3A_466, %swap3A_467] {strides = array<i32>} : memref<8x8x576xf32, #tpu.memory_space<vmem>>, vector<16xf32>,
      tpu.vector_store %arg7[%swap3A_465, %swap3A_466, %swap3A_467], %gather3A_463 {strides = array<i32>} : memref<8x8x576xf32, #tpu.memory_space<vmem>>, vector<16xf32>,
      %get3A_469 = arith.index_cast %add3A_70 : i32 to index
      %get3A_470 = arith.constant 96 : index
      %get3A_471 = tpu.vector_load %arg6[%get3A_469, %get3A_470] {strides = array<i32>} : memref<8x576xi32, #tpu.memory_space<vmem>>, vector<16xi32>,
      %broadcast_in_dim3A_472 = arith.constant 0 : i32
      %broadcast_in_dim3A_473 = vector.broadcast %broadcast_in_dim3A_472 : i32 to vector<16xi32>
      %gather3A_474 = tpu.vector_load_idx %arg5[%broadcast_in_dim3A_473, %get3A_471] : memref<8x1024xf32, #tpu.memory_space<vmem>>[vector<16xi32>, vector<16xi32>], vector<16xf32>,
      %swap3A_475 = arith.constant 0 : i32
      %swap3A_476 = arith.index_cast %add3A_70 : i32 to index
      %swap3A_477 = arith.index_cast %swap3A_475 : i32 to index
      %swap3A_478 = arith.constant 96 : index
      %swap3A_479 = tpu.vector_load %arg7[%swap3A_476, %swap3A_477, %swap3A_478] {strides = array<i32>} : memref<8x8x576xf32, #tpu.memory_space<vmem>>, vector<16xf32>,
      tpu.vector_store %arg7[%swap3A_476, %swap3A_477, %swap3A_478], %gather3A_474 {strides = array<i32>} : memref<8x8x576xf32, #tpu.memory_space<vmem>>, vector<16xf32>,
      %broadcast_in_dim3A_480 = arith.constant 1 : i32
      %broadcast_in_dim3A_481 = vector.broadcast %broadcast_in_dim3A_480 : i32 to vector<16xi32>
      %gather3A_482 = tpu.vector_load_idx %arg5[%broadcast_in_dim3A_481, %get3A_471] : memref<8x1024xf32, #tpu.memory_space<vmem>>[vector<16xi32>, vector<16xi32>], vector<16xf32>,
      %swap3A_483 = arith.constant 1 : i32
      %swap3A_484 = arith.index_cast %add3A_70 : i32 to index
      %swap3A_485 = arith.index_cast %swap3A_483 : i32 to index
      %swap3A_486 = arith.constant 96 : index
      %swap3A_487 = tpu.vector_load %arg7[%swap3A_484, %swap3A_485, %swap3A_486] {strides = array<i32>} : memref<8x8x576xf32, #tpu.memory_space<vmem>>, vector<16xf32>,
      tpu.vector_store %arg7[%swap3A_484, %swap3A_485, %swap3A_486], %gather3A_482 {strides = array<i32>} : memref<8x8x576xf32, #tpu.memory_space<vmem>>, vector<16xf32>,
      %broadcast_in_dim3A_488 = arith.constant 2 : i32
      %broadcast_in_dim3A_489 = vector.broadcast %broadcast_in_dim3A_488 : i32 to vector<16xi32>
      %gather3A_490 = tpu.vector_load_idx %arg5[%broadcast_in_dim3A_489, %get3A_471] : memref<8x1024xf32, #tpu.memory_space<vmem>>[vector<16xi32>, vector<16xi32>], vector<16xf32>,
      %swap3A_491 = arith.constant 2 : i32
      %swap3A_492 = arith.index_cast %add3A_70 : i32 to index
      %swap3A_493 = arith.index_cast %swap3A_491 : i32 to index
      %swap3A_494 = arith.constant 96 : index
      %swap3A_495 = tpu.vector_load %arg7[%swap3A_492, %swap3A_493, %swap3A_494] {strides = array<i32>} : memref<8x8x576xf32, #tpu.memory_space<vmem>>, vector<16xf32>,
      tpu.vector_store %arg7[%swap3A_492, %swap3A_493, %swap3A_494], %gather3A_490 {strides = array<i32>} : memref<8x8x576xf32, #tpu.memory_space<vmem>>, vector<16xf32>,
      %broadcast_in_dim3A_496 = arith.constant 3 : i32
      %broadcast_in_dim3A_497 = vector.broadcast %broadcast_in_dim3A_496 : i32 to vector<16xi32>
      %gather3A_498 = tpu.vector_load_idx %arg5[%broadcast_in_dim3A_497, %get3A_471] : memref<8x1024xf32, #tpu.memory_space<vmem>>[vector<16xi32>, vector<16xi32>], vector<16xf32>,
      %swap3A_499 = arith.constant 3 : i32
      %swap3A_500 = arith.index_cast %add3A_70 : i32 to index
      %swap3A_501 = arith.index_cast %swap3A_499 : i32 to index
      %swap3A_502 = arith.constant 96 : index
      %swap3A_503 = tpu.vector_load %arg7[%swap3A_500, %swap3A_501, %swap3A_502] {strides = array<i32>} : memref<8x8x576xf32, #tpu.memory_space<vmem>>, vector<16xf32>,
      tpu.vector_store %arg7[%swap3A_500, %swap3A_501, %swap3A_502], %gather3A_498 {strides = array<i32>} : memref<8x8x576xf32, #tpu.memory_space<vmem>>, vector<16xf32>,
      %broadcast_in_dim3A_504 = arith.constant 4 : i32
      %broadcast_in_dim3A_505 = vector.broadcast %broadcast_in_dim3A_504 : i32 to vector<16xi32>
      %gather3A_506 = tpu.vector_load_idx %arg5[%broadcast_in_dim3A_505, %get3A_471] : memref<8x1024xf32, #tpu.memory_space<vmem>>[vector<16xi32>, vector<16xi32>], vector<16xf32>,
      %swap3A_507 = arith.constant 4 : i32
      %swap3A_508 = arith.index_cast %add3A_70 : i32 to index
      %swap3A_509 = arith.index_cast %swap3A_507 : i32 to index
      %swap3A_510 = arith.constant 96 : index
      %swap3A_511 = tpu.vector_load %arg7[%swap3A_508, %swap3A_509, %swap3A_510] {strides = array<i32>} : memref<8x8x576xf32, #tpu.memory_space<vmem>>, vector<16xf32>,
      tpu.vector_store %arg7[%swap3A_508, %swap3A_509, %swap3A_510], %gather3A_506 {strides = array<i32>} : memref<8x8x576xf32, #tpu.memory_space<vmem>>, vector<16xf32>,
      %broadcast_in_dim3A_512 = arith.constant 5 : i32
      %broadcast_in_dim3A_513 = vector.broadcast %broadcast_in_dim3A_512 : i32 to vector<16xi32>
      %gather3A_514 = tpu.vector_load_idx %arg5[%broadcast_in_dim3A_513, %get3A_471] : memref<8x1024xf32, #tpu.memory_space<vmem>>[vector<16xi32>, vector<16xi32>], vector<16xf32>,
      %swap3A_515 = arith.constant 5 : i32
      %swap3A_516 = arith.index_cast %add3A_70 : i32 to index
      %swap3A_517 = arith.index_cast %swap3A_515 : i32 to index
      %swap3A_518 = arith.constant 96 : index
      %swap3A_519 = tpu.vector_load %arg7[%swap3A_516, %swap3A_517, %swap3A_518] {strides = array<i32>} : memref<8x8x576xf32, #tpu.memory_space<vmem>>, vector<16xf32>,
      tpu.vector_store %arg7[%swap3A_516, %swap3A_517, %swap3A_518], %gather3A_514 {strides = array<i32>} : memref<8x8x576xf32, #tpu.memory_space<vmem>>, vector<16xf32>,
      %broadcast_in_dim3A_520 = arith.constant 6 : i32
      %broadcast_in_dim3A_521 = vector.broadcast %broadcast_in_dim3A_520 : i32 to vector<16xi32>
      %gather3A_522 = tpu.vector_load_idx %arg5[%broadcast_in_dim3A_521, %get3A_471] : memref<8x1024xf32, #tpu.memory_space<vmem>>[vector<16xi32>, vector<16xi32>], vector<16xf32>,
      %swap3A_523 = arith.constant 6 : i32
      %swap3A_524 = arith.index_cast %add3A_70 : i32 to index
      %swap3A_525 = arith.index_cast %swap3A_523 : i32 to index
      %swap3A_526 = arith.constant 96 : index
      %swap3A_527 = tpu.vector_load %arg7[%swap3A_524, %swap3A_525, %swap3A_526] {strides = array<i32>} : memref<8x8x576xf32, #tpu.memory_space<vmem>>, vector<16xf32>,
      tpu.vector_store %arg7[%swap3A_524, %swap3A_525, %swap3A_526], %gather3A_522 {strides = array<i32>} : memref<8x8x576xf32, #tpu.memory_space<vmem>>, vector<16xf32>,
      %broadcast_in_dim3A_528 = arith.constant 7 : i32
      %broadcast_in_dim3A_529 = vector.broadcast %broadcast_in_dim3A_528 : i32 to vector<16xi32>
      %gather3A_530 = tpu.vector_load_idx %arg5[%broadcast_in_dim3A_529, %get3A_471] : memref<8x1024xf32, #tpu.memory_space<vmem>>[vector<16xi32>, vector<16xi32>], vector<16xf32>,
      %swap3A_531 = arith.constant 7 : i32
      %swap3A_532 = arith.index_cast %add3A_70 : i32 to index
      %swap3A_533 = arith.index_cast %swap3A_531 : i32 to index
      %swap3A_534 = arith.constant 96 : index
      %swap3A_535 = tpu.vector_load %arg7[%swap3A_532, %swap3A_533, %swap3A_534] {strides = array<i32>} : memref<8x8x576xf32, #tpu.memory_space<vmem>>, vector<16xf32>,
      tpu.vector_store %arg7[%swap3A_532, %swap3A_533, %swap3A_534], %gather3A_530 {strides = array<i32>} : memref<8x8x576xf32, #tpu.memory_space<vmem>>, vector<16xf32>,
      %get3A_536 = arith.index_cast %add3A_70 : i32 to index
      %get3A_537 = arith.constant 112 : index
      %get3A_538 = tpu.vector_load %arg6[%get3A_536, %get3A_537] {strides = array<i32>} : memref<8x576xi32, #tpu.memory_space<vmem>>, vector<16xi32>,
      %broadcast_in_dim3A_539 = arith.constant 0 : i32
      %broadcast_in_dim3A_540 = vector.broadcast %broadcast_in_dim3A_539 : i32 to vector<16xi32>
      %gather3A_541 = tpu.vector_load_idx %arg5[%broadcast_in_dim3A_540, %get3A_538] : memref<8x1024xf32, #tpu.memory_space<vmem>>[vector<16xi32>, vector<16xi32>], vector<16xf32>,
      %swap3A_542 = arith.constant 0 : i32
      %swap3A_543 = arith.index_cast %add3A_70 : i32 to index
      %swap3A_544 = arith.index_cast %swap3A_542 : i32 to index
      %swap3A_545 = arith.constant 112 : index
      %swap3A_546 = tpu.vector_load %arg7[%swap3A_543, %swap3A_544, %swap3A_545] {strides = array<i32>} : memref<8x8x576xf32, #tpu.memory_space<vmem>>, vector<16xf32>,
      tpu.vector_store %arg7[%swap3A_543, %swap3A_544, %swap3A_545], %gather3A_541 {strides = array<i32>} : memref<8x8x576xf32, #tpu.memory_space<vmem>>, vector<16xf32>,
      %broadcast_in_dim3A_547 = arith.constant 1 : i32
      %broadcast_in_dim3A_548 = vector.broadcast %broadcast_in_dim3A_547 : i32 to vector<16xi32>
      %gather3A_549 = tpu.vector_load_idx %arg5[%broadcast_in_dim3A_548, %get3A_538] : memref<8x1024xf32, #tpu.memory_space<vmem>>[vector<16xi32>, vector<16xi32>], vector<16xf32>,
      %swap3A_550 = arith.constant 1 : i32
      %swap3A_551 = arith.index_cast %add3A_70 : i32 to index
      %swap3A_552 = arith.index_cast %swap3A_550 : i32 to index
      %swap3A_553 = arith.constant 112 : index
      %swap3A_554 = tpu.vector_load %arg7[%swap3A_551, %swap3A_552, %swap3A_553] {strides = array<i32>} : memref<8x8x576xf32, #tpu.memory_space<vmem>>, vector<16xf32>,
      tpu.vector_store %arg7[%swap3A_551, %swap3A_552, %swap3A_553], %gather3A_549 {strides = array<i32>} : memref<8x8x576xf32, #tpu.memory_space<vmem>>, vector<16xf32>,
      %broadcast_in_dim3A_555 = arith.constant 2 : i32
      %broadcast_in_dim3A_556 = vector.broadcast %broadcast_in_dim3A_555 : i32 to vector<16xi32>
      %gather3A_557 = tpu.vector_load_idx %arg5[%broadcast_in_dim3A_556, %get3A_538] : memref<8x1024xf32, #tpu.memory_space<vmem>>[vector<16xi32>, vector<16xi32>], vector<16xf32>,
      %swap3A_558 = arith.constant 2 : i32
      %swap3A_559 = arith.index_cast %add3A_70 : i32 to index
      %swap3A_560 = arith.index_cast %swap3A_558 : i32 to index
      %swap3A_561 = arith.constant 112 : index
      %swap3A_562 = tpu.vector_load %arg7[%swap3A_559, %swap3A_560, %swap3A_561] {strides = array<i32>} : memref<8x8x576xf32, #tpu.memory_space<vmem>>, vector<16xf32>,
      tpu.vector_store %arg7[%swap3A_559, %swap3A_560, %swap3A_561], %gather3A_557 {strides = array<i32>} : memref<8x8x576xf32, #tpu.memory_space<vmem>>, vector<16xf32>,
      %broadcast_in_dim3A_563 = arith.constant 3 : i32
      %broadcast_in_dim3A_564 = vector.broadcast %broadcast_in_dim3A_563 : i32 to vector<16xi32>
      %gather3A_565 = tpu.vector_load_idx %arg5[%broadcast_in_dim3A_564, %get3A_538] : memref<8x1024xf32, #tpu.memory_space<vmem>>[vector<16xi32>, vector<16xi32>], vector<16xf32>,
      %swap3A_566 = arith.constant 3 : i32
      %swap3A_567 = arith.index_cast %add3A_70 : i32 to index
      %swap3A_568 = arith.index_cast %swap3A_566 : i32 to index
      %swap3A_569 = arith.constant 112 : index
      %swap3A_570 = tpu.vector_load %arg7[%swap3A_567, %swap3A_568, %swap3A_569] {strides = array<i32>} : memref<8x8x576xf32, #tpu.memory_space<vmem>>, vector<16xf32>,
      tpu.vector_store %arg7[%swap3A_567, %swap3A_568, %swap3A_569], %gather3A_565 {strides = array<i32>} : memref<8x8x576xf32, #tpu.memory_space<vmem>>, vector<16xf32>,
      %broadcast_in_dim3A_571 = arith.constant 4 : i32
      %broadcast_in_dim3A_572 = vector.broadcast %broadcast_in_dim3A_571 : i32 to vector<16xi32>
      %gather3A_573 = tpu.vector_load_idx %arg5[%broadcast_in_dim3A_572, %get3A_538] : memref<8x1024xf32, #tpu.memory_space<vmem>>[vector<16xi32>, vector<16xi32>], vector<16xf32>,
      %swap3A_574 = arith.constant 4 : i32
      %swap3A_575 = arith.index_cast %add3A_70 : i32 to index
      %swap3A_576 = arith.index_cast %swap3A_574 : i32 to index
      %swap3A_577 = arith.constant 112 : index
      %swap3A_578 = tpu.vector_load %arg7[%swap3A_575, %swap3A_576, %swap3A_577] {strides = array<i32>} : memref<8x8x576xf32, #tpu.memory_space<vmem>>, vector<16xf32>,
      tpu.vector_store %arg7[%swap3A_575, %swap3A_576, %swap3A_577], %gather3A_573 {strides = array<i32>} : memref<8x8x576xf32, #tpu.memory_space<vmem>>, vector<16xf32>,
      %broadcast_in_dim3A_579 = arith.constant 5 : i32
      %broadcast_in_dim3A_580 = vector.broadcast %broadcast_in_dim3A_579 : i32 to vector<16xi32>
      %gather3A_581 = tpu.vector_load_idx %arg5[%broadcast_in_dim3A_580, %get3A_538] : memref<8x1024xf32, #tpu.memory_space<vmem>>[vector<16xi32>, vector<16xi32>], vector<16xf32>,
      %swap3A_582 = arith.constant 5 : i32
      %swap3A_583 = arith.index_cast %add3A_70 : i32 to index
      %swap3A_584 = arith.index_cast %swap3A_582 : i32 to index
      %swap3A_585 = arith.constant 112 : index
      %swap3A_586 = tpu.vector_load %arg7[%swap3A_583, %swap3A_584, %swap3A_585] {strides = array<i32>} : memref<8x8x576xf32, #tpu.memory_space<vmem>>, vector<16xf32>,
      tpu.vector_store %arg7[%swap3A_583, %swap3A_584, %swap3A_585], %gather3A_581 {strides = array<i32>} : memref<8x8x576xf32, #tpu.memory_space<vmem>>, vector<16xf32>,
      %broadcast_in_dim3A_587 = arith.constant 6 : i32
      %broadcast_in_dim3A_588 = vector.broadcast %broadcast_in_dim3A_587 : i32 to vector<16xi32>
      %gather3A_589 = tpu.vector_load_idx %arg5[%broadcast_in_dim3A_588, %get3A_538] : memref<8x1024xf32, #tpu.memory_space<vmem>>[vector<16xi32>, vector<16xi32>], vector<16xf32>,
      %swap3A_590 = arith.constant 6 : i32
      %swap3A_591 = arith.index_cast %add3A_70 : i32 to index
      %swap3A_592 = arith.index_cast %swap3A_590 : i32 to index
      %swap3A_593 = arith.constant 112 : index
      %swap3A_594 = tpu.vector_load %arg7[%swap3A_591, %swap3A_592, %swap3A_593] {strides = array<i32>} : memref<8x8x576xf32, #tpu.memory_space<vmem>>, vector<16xf32>,
      tpu.vector_store %arg7[%swap3A_591, %swap3A_592, %swap3A_593], %gather3A_589 {strides = array<i32>} : memref<8x8x576xf32, #tpu.memory_space<vmem>>, vector<16xf32>,
      %broadcast_in_dim3A_595 = arith.constant 7 : i32
      %broadcast_in_dim3A_596 = vector.broadcast %broadcast_in_dim3A_595 : i32 to vector<16xi32>
      %gather3A_597 = tpu.vector_load_idx %arg5[%broadcast_in_dim3A_596, %get3A_538] : memref<8x1024xf32, #tpu.memory_space<vmem>>[vector<16xi32>, vector<16xi32>], vector<16xf32>,
      %swap3A_598 = arith.constant 7 : i32
      %swap3A_599 = arith.index_cast %add3A_70 : i32 to index
      %swap3A_600 = arith.index_cast %swap3A_598 : i32 to index
      %swap3A_601 = arith.constant 112 : index
      %swap3A_602 = tpu.vector_load %arg7[%swap3A_599, %swap3A_600, %swap3A_601] {strides = array<i32>} : memref<8x8x576xf32, #tpu.memory_space<vmem>>, vector<16xf32>,
      tpu.vector_store %arg7[%swap3A_599, %swap3A_600, %swap3A_601], %gather3A_597 {strides = array<i32>} : memref<8x8x576xf32, #tpu.memory_space<vmem>>, vector<16xf32>,
      %get3A_603 = arith.index_cast %add3A_70 : i32 to index
      %get3A_604 = arith.constant 128 : index
      %get3A_605 = tpu.vector_load %arg6[%get3A_603, %get3A_604] {strides = array<i32>} : memref<8x576xi32, #tpu.memory_space<vmem>>, vector<16xi32>,
      %broadcast_in_dim3A_606 = arith.constant 0 : i32
      %broadcast_in_dim3A_607 = vector.broadcast %broadcast_in_dim3A_606 : i32 to vector<16xi32>
      %gather3A_608 = tpu.vector_load_idx %arg5[%broadcast_in_dim3A_607, %get3A_605] : memref<8x1024xf32, #tpu.memory_space<vmem>>[vector<16xi32>, vector<16xi32>], vector<16xf32>,
      %swap3A_609 = arith.constant 0 : i32
      %swap3A_610 = arith.index_cast %add3A_70 : i32 to index
      %swap3A_611 = arith.index_cast %swap3A_609 : i32 to index
      %swap3A_612 = arith.constant 128 : index
      %swap3A_613 = tpu.vector_load %arg7[%swap3A_610, %swap3A_611, %swap3A_612] {strides = array<i32>} : memref<8x8x576xf32, #tpu.memory_space<vmem>>, vector<16xf32>,
      tpu.vector_store %arg7[%swap3A_610, %swap3A_611, %swap3A_612], %gather3A_608 {strides = array<i32>} : memref<8x8x576xf32, #tpu.memory_space<vmem>>, vector<16xf32>,
      %broadcast_in_dim3A_614 = arith.constant 1 : i32
      %broadcast_in_dim3A_615 = vector.broadcast %broadcast_in_dim3A_614 : i32 to vector<16xi32>
      %gather3A_616 = tpu.vector_load_idx %arg5[%broadcast_in_dim3A_615, %get3A_605] : memref<8x1024xf32, #tpu.memory_space<vmem>>[vector<16xi32>, vector<16xi32>], vector<16xf32>,
      %swap3A_617 = arith.constant 1 : i32
      %swap3A_618 = arith.index_cast %add3A_70 : i32 to index
      %swap3A_619 = arith.index_cast %swap3A_617 : i32 to index
      %swap3A_620 = arith.constant 128 : index
      %swap3A_621 = tpu.vector_load %arg7[%swap3A_618, %swap3A_619, %swap3A_620] {strides = array<i32>} : memref<8x8x576xf32, #tpu.memory_space<vmem>>, vector<16xf32>,
      tpu.vector_store %arg7[%swap3A_618, %swap3A_619, %swap3A_620], %gather3A_616 {strides = array<i32>} : memref<8x8x576xf32, #tpu.memory_space<vmem>>, vector<16xf32>,
      %broadcast_in_dim3A_622 = arith.constant 2 : i32
      %broadcast_in_dim3A_623 = vector.broadcast %broadcast_in_dim3A_622 : i32 to vector<16xi32>
      %gather3A_624 = tpu.vector_load_idx %arg5[%broadcast_in_dim3A_623, %get3A_605] : memref<8x1024xf32, #tpu.memory_space<vmem>>[vector<16xi32>, vector<16xi32>], vector<16xf32>,
      %swap3A_625 = arith.constant 2 : i32
      %swap3A_626 = arith.index_cast %add3A_70 : i32 to index
      %swap3A_627 = arith.index_cast %swap3A_625 : i32 to index
      %swap3A_628 = arith.constant 128 : index
      %swap3A_629 = tpu.vector_load %arg7[%swap3A_626, %swap3A_627, %swap3A_628] {strides = array<i32>} : memref<8x8x576xf32, #tpu.memory_space<vmem>>, vector<16xf32>,
      tpu.vector_store %arg7[%swap3A_626, %swap3A_627, %swap3A_628], %gather3A_624 {strides = array<i32>} : memref<8x8x576xf32, #tpu.memory_space<vmem>>, vector<16xf32>,
      %broadcast_in_dim3A_630 = arith.constant 3 : i32
      %broadcast_in_dim3A_631 = vector.broadcast %broadcast_in_dim3A_630 : i32 to vector<16xi32>
      %gather3A_632 = tpu.vector_load_idx %arg5[%broadcast_in_dim3A_631, %get3A_605] : memref<8x1024xf32, #tpu.memory_space<vmem>>[vector<16xi32>, vector<16xi32>], vector<16xf32>,
      %swap3A_633 = arith.constant 3 : i32
      %swap3A_634 = arith.index_cast %add3A_70 : i32 to index
      %swap3A_635 = arith.index_cast %swap3A_633 : i32 to index
      %swap3A_636 = arith.constant 128 : index
      %swap3A_637 = tpu.vector_load %arg7[%swap3A_634, %swap3A_635, %swap3A_636] {strides = array<i32>} : memref<8x8x576xf32, #tpu.memory_space<vmem>>, vector<16xf32>,
      tpu.vector_store %arg7[%swap3A_634, %swap3A_635, %swap3A_636], %gather3A_632 {strides = array<i32>} : memref<8x8x576xf32, #tpu.memory_space<vmem>>, vector<16xf32>,
      %broadcast_in_dim3A_638 = arith.constant 4 : i32
      %broadcast_in_dim3A_639 = vector.broadcast %broadcast_in_dim3A_638 : i32 to vector<16xi32>
      %gather3A_640 = tpu.vector_load_idx %arg5[%broadcast_in_dim3A_639, %get3A_605] : memref<8x1024xf32, #tpu.memory_space<vmem>>[vector<16xi32>, vector<16xi32>], vector<16xf32>,
      %swap3A_641 = arith.constant 4 : i32
      %swap3A_642 = arith.index_cast %add3A_70 : i32 to index
      %swap3A_643 = arith.index_cast %swap3A_641 : i32 to index
      %swap3A_644 = arith.constant 128 : index
      %swap3A_645 = tpu.vector_load %arg7[%swap3A_642, %swap3A_643, %swap3A_644] {strides = array<i32>} : memref<8x8x576xf32, #tpu.memory_space<vmem>>, vector<16xf32>,
      tpu.vector_store %arg7[%swap3A_642, %swap3A_643, %swap3A_644], %gather3A_640 {strides = array<i32>} : memref<8x8x576xf32, #tpu.memory_space<vmem>>, vector<16xf32>,
      %broadcast_in_dim3A_646 = arith.constant 5 : i32
      %broadcast_in_dim3A_647 = vector.broadcast %broadcast_in_dim3A_646 : i32 to vector<16xi32>
      %gather3A_648 = tpu.vector_load_idx %arg5[%broadcast_in_dim3A_647, %get3A_605] : memref<8x1024xf32, #tpu.memory_space<vmem>>[vector<16xi32>, vector<16xi32>], vector<16xf32>,
      %swap3A_649 = arith.constant 5 : i32
      %swap3A_650 = arith.index_cast %add3A_70 : i32 to index
      %swap3A_651 = arith.index_cast %swap3A_649 : i32 to index
      %swap3A_652 = arith.constant 128 : index
      %swap3A_653 = tpu.vector_load %arg7[%swap3A_650, %swap3A_651, %swap3A_652] {strides = array<i32>} : memref<8x8x576xf32, #tpu.memory_space<vmem>>, vector<16xf32>,
      tpu.vector_store %arg7[%swap3A_650, %swap3A_651, %swap3A_652], %gather3A_648 {strides = array<i32>} : memref<8x8x576xf32, #tpu.memory_space<vmem>>, vector<16xf32>,
      %broadcast_in_dim3A_654 = arith.constant 6 : i32
      %broadcast_in_dim3A_655 = vector.broadcast %broadcast_in_dim3A_654 : i32 to vector<16xi32>
      %gather3A_656 = tpu.vector_load_idx %arg5[%broadcast_in_dim3A_655, %get3A_605] : memref<8x1024xf32, #tpu.memory_space<vmem>>[vector<16xi32>, vector<16xi32>], vector<16xf32>,
      %swap3A_657 = arith.constant 6 : i32
      %swap3A_658 = arith.index_cast %add3A_70 : i32 to index
      %swap3A_659 = arith.index_cast %swap3A_657 : i32 to index
      %swap3A_660 = arith.constant 128 : index
      %swap3A_661 = tpu.vector_load %arg7[%swap3A_658, %swap3A_659, %swap3A_660] {strides = array<i32>} : memref<8x8x576xf32, #tpu.memory_space<vmem>>, vector<16xf32>,
      tpu.vector_store %arg7[%swap3A_658, %swap3A_659, %swap3A_660], %gather3A_656 {strides = array<i32>} : memref<8x8x576xf32, #tpu.memory_space<vmem>>, vector<16xf32>,
      %broadcast_in_dim3A_662 = arith.constant 7 : i32
      %broadcast_in_dim3A_663 = vector.broadcast %broadcast_in_dim3A_662 : i32 to vector<16xi32>
      %gather3A_664 = tpu.vector_load_idx %arg5[%broadcast_in_dim3A_663, %get3A_605] : memref<8x1024xf32, #tpu.memory_space<vmem>>[vector<16xi32>, vector<16xi32>], vector<16xf32>,
      %swap3A_665 = arith.constant 7 : i32
      %swap3A_666 = arith.index_cast %add3A_70 : i32 to index
      %swap3A_667 = arith.index_cast %swap3A_665 : i32 to index
      %swap3A_668 = arith.constant 128 : index
      %swap3A_669 = tpu.vector_load %arg7[%swap3A_666, %swap3A_667, %swap3A_668] {strides = array<i32>} : memref<8x8x576xf32, #tpu.memory_space<vmem>>, vector<16xf32>,
      tpu.vector_store %arg7[%swap3A_666, %swap3A_667, %swap3A_668], %gather3A_664 {strides = array<i32>} : memref<8x8x576xf32, #tpu.memory_space<vmem>>, vector<16xf32>,
      %get3A_670 = arith.index_cast %add3A_70 : i32 to index
      %get3A_671 = arith.constant 144 : index
      %get3A_672 = tpu.vector_load %arg6[%get3A_670, %get3A_671] {strides = array<i32>} : memref<8x576xi32, #tpu.memory_space<vmem>>, vector<16xi32>,
      %broadcast_in_dim3A_673 = arith.constant 0 : i32
      %broadcast_in_dim3A_674 = vector.broadcast %broadcast_in_dim3A_673 : i32 to vector<16xi32>
      %gather3A_675 = tpu.vector_load_idx %arg5[%broadcast_in_dim3A_674, %get3A_672] : memref<8x1024xf32, #tpu.memory_space<vmem>>[vector<16xi32>, vector<16xi32>], vector<16xf32>,
      %swap3A_676 = arith.constant 0 : i32
      %swap3A_677 = arith.index_cast %add3A_70 : i32 to index
      %swap3A_678 = arith.index_cast %swap3A_676 : i32 to index
      %swap3A_679 = arith.constant 144 : index
      %swap3A_680 = tpu.vector_load %arg7[%swap3A_677, %swap3A_678, %swap3A_679] {strides = array<i32>} : memref<8x8x576xf32, #tpu.memory_space<vmem>>, vector<16xf32>,
      tpu.vector_store %arg7[%swap3A_677, %swap3A_678, %swap3A_679], %gather3A_675 {strides = array<i32>} : memref<8x8x576xf32, #tpu.memory_space<vmem>>, vector<16xf32>,
      %broadcast_in_dim3A_681 = arith.constant 1 : i32
      %broadcast_in_dim3A_682 = vector.broadcast %broadcast_in_dim3A_681 : i32 to vector<16xi32>
      %gather3A_683 = tpu.vector_load_idx %arg5[%broadcast_in_dim3A_682, %get3A_672] : memref<8x1024xf32, #tpu.memory_space<vmem>>[vector<16xi32>, vector<16xi32>], vector<16xf32>,
      %swap3A_684 = arith.constant 1 : i32
      %swap3A_685 = arith.index_cast %add3A_70 : i32 to index
      %swap3A_686 = arith.index_cast %swap3A_684 : i32 to index
      %swap3A_687 = arith.constant 144 : index
      %swap3A_688 = tpu.vector_load %arg7[%swap3A_685, %swap3A_686, %swap3A_687] {strides = array<i32>} : memref<8x8x576xf32, #tpu.memory_space<vmem>>, vector<16xf32>,
      tpu.vector_store %arg7[%swap3A_685, %swap3A_686, %swap3A_687], %gather3A_683 {strides = array<i32>} : memref<8x8x576xf32, #tpu.memory_space<vmem>>, vector<16xf32>,
      %broadcast_in_dim3A_689 = arith.constant 2 : i32
      %broadcast_in_dim3A_690 = vector.broadcast %broadcast_in_dim3A_689 : i32 to vector<16xi32>
      %gather3A_691 = tpu.vector_load_idx %arg5[%broadcast_in_dim3A_690, %get3A_672] : memref<8x1024xf32, #tpu.memory_space<vmem>>[vector<16xi32>, vector<16xi32>], vector<16xf32>,
      %swap3A_692 = arith.constant 2 : i32
      %swap3A_693 = arith.index_cast %add3A_70 : i32 to index
      %swap3A_694 = arith.index_cast %swap3A_692 : i32 to index
      %swap3A_695 = arith.constant 144 : index
      %swap3A_696 = tpu.vector_load %arg7[%swap3A_693, %swap3A_694, %swap3A_695] {strides = array<i32>} : memref<8x8x576xf32, #tpu.memory_space<vmem>>, vector<16xf32>,
      tpu.vector_store %arg7[%swap3A_693, %swap3A_694, %swap3A_695], %gather3A_691 {strides = array<i32>} : memref<8x8x576xf32, #tpu.memory_space<vmem>>, vector<16xf32>,
      %broadcast_in_dim3A_697 = arith.constant 3 : i32
      %broadcast_in_dim3A_698 = vector.broadcast %broadcast_in_dim3A_697 : i32 to vector<16xi32>
      %gather3A_699 = tpu.vector_load_idx %arg5[%broadcast_in_dim3A_698, %get3A_672] : memref<8x1024xf32, #tpu.memory_space<vmem>>[vector<16xi32>, vector<16xi32>], vector<16xf32>,
      %swap3A_700 = arith.constant 3 : i32
      %swap3A_701 = arith.index_cast %add3A_70 : i32 to index
      %swap3A_702 = arith.index_cast %swap3A_700 : i32 to index
      %swap3A_703 = arith.constant 144 : index
      %swap3A_704 = tpu.vector_load %arg7[%swap3A_701, %swap3A_702, %swap3A_703] {strides = array<i32>} : memref<8x8x576xf32, #tpu.memory_space<vmem>>, vector<16xf32>,
      tpu.vector_store %arg7[%swap3A_701, %swap3A_702, %swap3A_703], %gather3A_699 {strides = array<i32>} : memref<8x8x576xf32, #tpu.memory_space<vmem>>, vector<16xf32>,
      %broadcast_in_dim3A_705 = arith.constant 4 : i32
      %broadcast_in_dim3A_706 = vector.broadcast %broadcast_in_dim3A_705 : i32 to vector<16xi32>
      %gather3A_707 = tpu.vector_load_idx %arg5[%broadcast_in_dim3A_706, %get3A_672] : memref<8x1024xf32, #tpu.memory_space<vmem>>[vector<16xi32>, vector<16xi32>], vector<16xf32>,
      %swap3A_708 = arith.constant 4 : i32
      %swap3A_709 = arith.index_cast %add3A_70 : i32 to index
      %swap3A_710 = arith.index_cast %swap3A_708 : i32 to index
      %swap3A_711 = arith.constant 144 : index
      %swap3A_712 = tpu.vector_load %arg7[%swap3A_709, %swap3A_710, %swap3A_711] {strides = array<i32>} : memref<8x8x576xf32, #tpu.memory_space<vmem>>, vector<16xf32>,
      tpu.vector_store %arg7[%swap3A_709, %swap3A_710, %swap3A_711], %gather3A_707 {strides = array<i32>} : memref<8x8x576xf32, #tpu.memory_space<vmem>>, vector<16xf32>,
      %broadcast_in_dim3A_713 = arith.constant 5 : i32
      %broadcast_in_dim3A_714 = vector.broadcast %broadcast_in_dim3A_713 : i32 to vector<16xi32>
      %gather3A_715 = tpu.vector_load_idx %arg5[%broadcast_in_dim3A_714, %get3A_672] : memref<8x1024xf32, #tpu.memory_space<vmem>>[vector<16xi32>, vector<16xi32>], vector<16xf32>,
      %swap3A_716 = arith.constant 5 : i32
      %swap3A_717 = arith.index_cast %add3A_70 : i32 to index
      %swap3A_718 = arith.index_cast %swap3A_716 : i32 to index
      %swap3A_719 = arith.constant 144 : index
      %swap3A_720 = tpu.vector_load %arg7[%swap3A_717, %swap3A_718, %swap3A_719] {strides = array<i32>} : memref<8x8x576xf32, #tpu.memory_space<vmem>>, vector<16xf32>,
      tpu.vector_store %arg7[%swap3A_717, %swap3A_718, %swap3A_719], %gather3A_715 {strides = array<i32>} : memref<8x8x576xf32, #tpu.memory_space<vmem>>, vector<16xf32>,
      %broadcast_in_dim3A_721 = arith.constant 6 : i32
      %broadcast_in_dim3A_722 = vector.broadcast %broadcast_in_dim3A_721 : i32 to vector<16xi32>
      %gather3A_723 = tpu.vector_load_idx %arg5[%broadcast_in_dim3A_722, %get3A_672] : memref<8x1024xf32, #tpu.memory_space<vmem>>[vector<16xi32>, vector<16xi32>], vector<16xf32>,
      %swap3A_724 = arith.constant 6 : i32
      %swap3A_725 = arith.index_cast %add3A_70 : i32 to index
      %swap3A_726 = arith.index_cast %swap3A_724 : i32 to index
      %swap3A_727 = arith.constant 144 : index
      %swap3A_728 = tpu.vector_load %arg7[%swap3A_725, %swap3A_726, %swap3A_727] {strides = array<i32>} : memref<8x8x576xf32, #tpu.memory_space<vmem>>, vector<16xf32>,
      tpu.vector_store %arg7[%swap3A_725, %swap3A_726, %swap3A_727], %gather3A_723 {strides = array<i32>} : memref<8x8x576xf32, #tpu.memory_space<vmem>>, vector<16xf32>,
      %broadcast_in_dim3A_729 = arith.constant 7 : i32
      %broadcast_in_dim3A_730 = vector.broadcast %broadcast_in_dim3A_729 : i32 to vector<16xi32>
      %gather3A_731 = tpu.vector_load_idx %arg5[%broadcast_in_dim3A_730, %get3A_672] : memref<8x1024xf32, #tpu.memory_space<vmem>>[vector<16xi32>, vector<16xi32>], vector<16xf32>,
      %swap3A_732 = arith.constant 7 : i32
      %swap3A_733 = arith.index_cast %add3A_70 : i32 to index
      %swap3A_734 = arith.index_cast %swap3A_732 : i32 to index
      %swap3A_735 = arith.constant 144 : index
      %swap3A_736 = tpu.vector_load %arg7[%swap3A_733, %swap3A_734, %swap3A_735] {strides = array<i32>} : memref<8x8x576xf32, #tpu.memory_space<vmem>>, vector<16xf32>,
      tpu.vector_store %arg7[%swap3A_733, %swap3A_734, %swap3A_735], %gather3A_731 {strides = array<i32>} : memref<8x8x576xf32, #tpu.memory_space<vmem>>, vector<16xf32>,
      %get3A_737 = arith.index_cast %add3A_70 : i32 to index
      %get3A_738 = arith.constant 160 : index
      %get3A_739 = tpu.vector_load %arg6[%get3A_737, %get3A_738] {strides = array<i32>} : memref<8x576xi32, #tpu.memory_space<vmem>>, vector<16xi32>,
      %broadcast_in_dim3A_740 = arith.constant 0 : i32
      %broadcast_in_dim3A_741 = vector.broadcast %broadcast_in_dim3A_740 : i32 to vector<16xi32>
      %gather3A_742 = tpu.vector_load_idx %arg5[%broadcast_in_dim3A_741, %get3A_739] : memref<8x1024xf32, #tpu.memory_space<vmem>>[vector<16xi32>, vector<16xi32>], vector<16xf32>,
      %swap3A_743 = arith.constant 0 : i32
      %swap3A_744 = arith.index_cast %add3A_70 : i32 to index
      %swap3A_745 = arith.index_cast %swap3A_743 : i32 to index
      %swap3A_746 = arith.constant 160 : index
      %swap3A_747 = tpu.vector_load %arg7[%swap3A_744, %swap3A_745, %swap3A_746] {strides = array<i32>} : memref<8x8x576xf32, #tpu.memory_space<vmem>>, vector<16xf32>,
      tpu.vector_store %arg7[%swap3A_744, %swap3A_745, %swap3A_746], %gather3A_742 {strides = array<i32>} : memref<8x8x576xf32, #tpu.memory_space<vmem>>, vector<16xf32>,
      %broadcast_in_dim3A_748 = arith.constant 1 : i32
      %broadcast_in_dim3A_749 = vector.broadcast %broadcast_in_dim3A_748 : i32 to vector<16xi32>
      %gather3A_750 = tpu.vector_load_idx %arg5[%broadcast_in_dim3A_749, %get3A_739] : memref<8x1024xf32, #tpu.memory_space<vmem>>[vector<16xi32>, vector<16xi32>], vector<16xf32>,
      %swap3A_751 = arith.constant 1 : i32
      %swap3A_752 = arith.index_cast %add3A_70 : i32 to index
      %swap3A_753 = arith.index_cast %swap3A_751 : i32 to index
      %swap3A_754 = arith.constant 160 : index
      %swap3A_755 = tpu.vector_load %arg7[%swap3A_752, %swap3A_753, %swap3A_754] {strides = array<i32>} : memref<8x8x576xf32, #tpu.memory_space<vmem>>, vector<16xf32>,
      tpu.vector_store %arg7[%swap3A_752, %swap3A_753, %swap3A_754], %gather3A_750 {strides = array<i32>} : memref<8x8x576xf32, #tpu.memory_space<vmem>>, vector<16xf32>,
      %broadcast_in_dim3A_756 = arith.constant 2 : i32
      %broadcast_in_dim3A_757 = vector.broadcast %broadcast_in_dim3A_756 : i32 to vector<16xi32>
      %gather3A_758 = tpu.vector_load_idx %arg5[%broadcast_in_dim3A_757, %get3A_739] : memref<8x1024xf32, #tpu.memory_space<vmem>>[vector<16xi32>, vector<16xi32>], vector<16xf32>,
      %swap3A_759 = arith.constant 2 : i32
      %swap3A_760 = arith.index_cast %add3A_70 : i32 to index
      %swap3A_761 = arith.index_cast %swap3A_759 : i32 to index
      %swap3A_762 = arith.constant 160 : index
      %swap3A_763 = tpu.vector_load %arg7[%swap3A_760, %swap3A_761, %swap3A_762] {strides = array<i32>} : memref<8x8x576xf32, #tpu.memory_space<vmem>>, vector<16xf32>,
      tpu.vector_store %arg7[%swap3A_760, %swap3A_761, %swap3A_762], %gather3A_758 {strides = array<i32>} : memref<8x8x576xf32, #tpu.memory_space<vmem>>, vector<16xf32>,
      %broadcast_in_dim3A_764 = arith.constant 3 : i32
      %broadcast_in_dim3A_765 = vector.broadcast %broadcast_in_dim3A_764 : i32 to vector<16xi32>
      %gather3A_766 = tpu.vector_load_idx %arg5[%broadcast_in_dim3A_765, %get3A_739] : memref<8x1024xf32, #tpu.memory_space<vmem>>[vector<16xi32>, vector<16xi32>], vector<16xf32>,
      %swap3A_767 = arith.constant 3 : i32
      %swap3A_768 = arith.index_cast %add3A_70 : i32 to index
      %swap3A_769 = arith.index_cast %swap3A_767 : i32 to index
      %swap3A_770 = arith.constant 160 : index
      %swap3A_771 = tpu.vector_load %arg7[%swap3A_768, %swap3A_769, %swap3A_770] {strides = array<i32>} : memref<8x8x576xf32, #tpu.memory_space<vmem>>, vector<16xf32>,
      tpu.vector_store %arg7[%swap3A_768, %swap3A_769, %swap3A_770], %gather3A_766 {strides = array<i32>} : memref<8x8x576xf32, #tpu.memory_space<vmem>>, vector<16xf32>,
      %broadcast_in_dim3A_772 = arith.constant 4 : i32
      %broadcast_in_dim3A_773 = vector.broadcast %broadcast_in_dim3A_772 : i32 to vector<16xi32>
      %gather3A_774 = tpu.vector_load_idx %arg5[%broadcast_in_dim3A_773, %get3A_739] : memref<8x1024xf32, #tpu.memory_space<vmem>>[vector<16xi32>, vector<16xi32>], vector<16xf32>,
      %swap3A_775 = arith.constant 4 : i32
      %swap3A_776 = arith.index_cast %add3A_70 : i32 to index
      %swap3A_777 = arith.index_cast %swap3A_775 : i32 to index
      %swap3A_778 = arith.constant 160 : index
      %swap3A_779 = tpu.vector_load %arg7[%swap3A_776, %swap3A_777, %swap3A_778] {strides = array<i32>} : memref<8x8x576xf32, #tpu.memory_space<vmem>>, vector<16xf32>,
      tpu.vector_store %arg7[%swap3A_776, %swap3A_777, %swap3A_778], %gather3A_774 {strides = array<i32>} : memref<8x8x576xf32, #tpu.memory_space<vmem>>, vector<16xf32>,
      %broadcast_in_dim3A_780 = arith.constant 5 : i32
      %broadcast_in_dim3A_781 = vector.broadcast %broadcast_in_dim3A_780 : i32 to vector<16xi32>
      %gather3A_782 = tpu.vector_load_idx %arg5[%broadcast_in_dim3A_781, %get3A_739] : memref<8x1024xf32, #tpu.memory_space<vmem>>[vector<16xi32>, vector<16xi32>], vector<16xf32>,
      %swap3A_783 = arith.constant 5 : i32
      %swap3A_784 = arith.index_cast %add3A_70 : i32 to index
      %swap3A_785 = arith.index_cast %swap3A_783 : i32 to index
      %swap3A_786 = arith.constant 160 : index
      %swap3A_787 = tpu.vector_load %arg7[%swap3A_784, %swap3A_785, %swap3A_786] {strides = array<i32>} : memref<8x8x576xf32, #tpu.memory_space<vmem>>, vector<16xf32>,
      tpu.vector_store %arg7[%swap3A_784, %swap3A_785, %swap3A_786], %gather3A_782 {strides = array<i32>} : memref<8x8x576xf32, #tpu.memory_space<vmem>>, vector<16xf32>,
      %broadcast_in_dim3A_788 = arith.constant 6 : i32
      %broadcast_in_dim3A_789 = vector.broadcast %broadcast_in_dim3A_788 : i32 to vector<16xi32>
      %gather3A_790 = tpu.vector_load_idx %arg5[%broadcast_in_dim3A_789, %get3A_739] : memref<8x1024xf32, #tpu.memory_space<vmem>>[vector<16xi32>, vector<16xi32>], vector<16xf32>,
      %swap3A_791 = arith.constant 6 : i32
      %swap3A_792 = arith.index_cast %add3A_70 : i32 to index
      %swap3A_793 = arith.index_cast %swap3A_791 : i32 to index
      %swap3A_794 = arith.constant 160 : index
      %swap3A_795 = tpu.vector_load %arg7[%swap3A_792, %swap3A_793, %swap3A_794] {strides = array<i32>} : memref<8x8x576xf32, #tpu.memory_space<vmem>>, vector<16xf32>,
      tpu.vector_store %arg7[%swap3A_792, %swap3A_793, %swap3A_794], %gather3A_790 {strides = array<i32>} : memref<8x8x576xf32, #tpu.memory_space<vmem>>, vector<16xf32>,
      %broadcast_in_dim3A_796 = arith.constant 7 : i32
      %broadcast_in_dim3A_797 = vector.broadcast %broadcast_in_dim3A_796 : i32 to vector<16xi32>
      %gather3A_798 = tpu.vector_load_idx %arg5[%broadcast_in_dim3A_797, %get3A_739] : memref<8x1024xf32, #tpu.memory_space<vmem>>[vector<16xi32>, vector<16xi32>], vector<16xf32>,
      %swap3A_799 = arith.constant 7 : i32
      %swap3A_800 = arith.index_cast %add3A_70 : i32 to index
      %swap3A_801 = arith.index_cast %swap3A_799 : i32 to index
      %swap3A_802 = arith.constant 160 : index
      %swap3A_803 = tpu.vector_load %arg7[%swap3A_800, %swap3A_801, %swap3A_802] {strides = array<i32>} : memref<8x8x576xf32, #tpu.memory_space<vmem>>, vector<16xf32>,
      tpu.vector_store %arg7[%swap3A_800, %swap3A_801, %swap3A_802], %gather3A_798 {strides = array<i32>} : memref<8x8x576xf32, #tpu.memory_space<vmem>>, vector<16xf32>,
      %get3A_804 = arith.index_cast %add3A_70 : i32 to index
      %get3A_805 = arith.constant 176 : index
      %get3A_806 = tpu.vector_load %arg6[%get3A_804, %get3A_805] {strides = array<i32>} : memref<8x576xi32, #tpu.memory_space<vmem>>, vector<16xi32>,
      %broadcast_in_dim3A_807 = arith.constant 0 : i32
      %broadcast_in_dim3A_808 = vector.broadcast %broadcast_in_dim3A_807 : i32 to vector<16xi32>
      %gather3A_809 = tpu.vector_load_idx %arg5[%broadcast_in_dim3A_808, %get3A_806] : memref<8x1024xf32, #tpu.memory_space<vmem>>[vector<16xi32>, vector<16xi32>], vector<16xf32>,
      %swap3A_810 = arith.constant 0 : i32
      %swap3A_811 = arith.index_cast %add3A_70 : i32 to index
      %swap3A_812 = arith.index_cast %swap3A_810 : i32 to index
      %swap3A_813 = arith.constant 176 : index
      %swap3A_814 = tpu.vector_load %arg7[%swap3A_811, %swap3A_812, %swap3A_813] {strides = array<i32>} : memref<8x8x576xf32, #tpu.memory_space<vmem>>, vector<16xf32>,
      tpu.vector_store %arg7[%swap3A_811, %swap3A_812, %swap3A_813], %gather3A_809 {strides = array<i32>} : memref<8x8x576xf32, #tpu.memory_space<vmem>>, vector<16xf32>,
      %broadcast_in_dim3A_815 = arith.constant 1 : i32
      %broadcast_in_dim3A_816 = vector.broadcast %broadcast_in_dim3A_815 : i32 to vector<16xi32>
      %gather3A_817 = tpu.vector_load_idx %arg5[%broadcast_in_dim3A_816, %get3A_806] : memref<8x1024xf32, #tpu.memory_space<vmem>>[vector<16xi32>, vector<16xi32>], vector<16xf32>,
      %swap3A_818 = arith.constant 1 : i32
      %swap3A_819 = arith.index_cast %add3A_70 : i32 to index
      %swap3A_820 = arith.index_cast %swap3A_818 : i32 to index
      %swap3A_821 = arith.constant 176 : index
      %swap3A_822 = tpu.vector_load %arg7[%swap3A_819, %swap3A_820, %swap3A_821] {strides = array<i32>} : memref<8x8x576xf32, #tpu.memory_space<vmem>>, vector<16xf32>,
      tpu.vector_store %arg7[%swap3A_819, %swap3A_820, %swap3A_821], %gather3A_817 {strides = array<i32>} : memref<8x8x576xf32, #tpu.memory_space<vmem>>, vector<16xf32>,
      %broadcast_in_dim3A_823 = arith.constant 2 : i32
      %broadcast_in_dim3A_824 = vector.broadcast %broadcast_in_dim3A_823 : i32 to vector<16xi32>
      %gather3A_825 = tpu.vector_load_idx %arg5[%broadcast_in_dim3A_824, %get3A_806] : memref<8x1024xf32, #tpu.memory_space<vmem>>[vector<16xi32>, vector<16xi32>], vector<16xf32>,
      %swap3A_826 = arith.constant 2 : i32
      %swap3A_827 = arith.index_cast %add3A_70 : i32 to index
      %swap3A_828 = arith.index_cast %swap3A_826 : i32 to index
      %swap3A_829 = arith.constant 176 : index
      %swap3A_830 = tpu.vector_load %arg7[%swap3A_827, %swap3A_828, %swap3A_829] {strides = array<i32>} : memref<8x8x576xf32, #tpu.memory_space<vmem>>, vector<16xf32>,
      tpu.vector_store %arg7[%swap3A_827, %swap3A_828, %swap3A_829], %gather3A_825 {strides = array<i32>} : memref<8x8x576xf32, #tpu.memory_space<vmem>>, vector<16xf32>,
      %broadcast_in_dim3A_831 = arith.constant 3 : i32
      %broadcast_in_dim3A_832 = vector.broadcast %broadcast_in_dim3A_831 : i32 to vector<16xi32>
      %gather3A_833 = tpu.vector_load_idx %arg5[%broadcast_in_dim3A_832, %get3A_806] : memref<8x1024xf32, #tpu.memory_space<vmem>>[vector<16xi32>, vector<16xi32>], vector<16xf32>,
      %swap3A_834 = arith.constant 3 : i32
      %swap3A_835 = arith.index_cast %add3A_70 : i32 to index
      %swap3A_836 = arith.index_cast %swap3A_834 : i32 to index
      %swap3A_837 = arith.constant 176 : index
      %swap3A_838 = tpu.vector_load %arg7[%swap3A_835, %swap3A_836, %swap3A_837] {strides = array<i32>} : memref<8x8x576xf32, #tpu.memory_space<vmem>>, vector<16xf32>,
      tpu.vector_store %arg7[%swap3A_835, %swap3A_836, %swap3A_837], %gather3A_833 {strides = array<i32>} : memref<8x8x576xf32, #tpu.memory_space<vmem>>, vector<16xf32>,
      %broadcast_in_dim3A_839 = arith.constant 4 : i32
      %broadcast_in_dim3A_840 = vector.broadcast %broadcast_in_dim3A_839 : i32 to vector<16xi32>
      %gather3A_841 = tpu.vector_load_idx %arg5[%broadcast_in_dim3A_840, %get3A_806] : memref<8x1024xf32, #tpu.memory_space<vmem>>[vector<16xi32>, vector<16xi32>], vector<16xf32>,
      %swap3A_842 = arith.constant 4 : i32
      %swap3A_843 = arith.index_cast %add3A_70 : i32 to index
      %swap3A_844 = arith.index_cast %swap3A_842 : i32 to index
      %swap3A_845 = arith.constant 176 : index
      %swap3A_846 = tpu.vector_load %arg7[%swap3A_843, %swap3A_844, %swap3A_845] {strides = array<i32>} : memref<8x8x576xf32, #tpu.memory_space<vmem>>, vector<16xf32>,
      tpu.vector_store %arg7[%swap3A_843, %swap3A_844, %swap3A_845], %gather3A_841 {strides = array<i32>} : memref<8x8x576xf32, #tpu.memory_space<vmem>>, vector<16xf32>,
      %broadcast_in_dim3A_847 = arith.constant 5 : i32
      %broadcast_in_dim3A_848 = vector.broadcast %broadcast_in_dim3A_847 : i32 to vector<16xi32>
      %gather3A_849 = tpu.vector_load_idx %arg5[%broadcast_in_dim3A_848, %get3A_806] : memref<8x1024xf32, #tpu.memory_space<vmem>>[vector<16xi32>, vector<16xi32>], vector<16xf32>,
      %swap3A_850 = arith.constant 5 : i32
      %swap3A_851 = arith.index_cast %add3A_70 : i32 to index
      %swap3A_852 = arith.index_cast %swap3A_850 : i32 to index
      %swap3A_853 = arith.constant 176 : index
      %swap3A_854 = tpu.vector_load %arg7[%swap3A_851, %swap3A_852, %swap3A_853] {strides = array<i32>} : memref<8x8x576xf32, #tpu.memory_space<vmem>>, vector<16xf32>,
      tpu.vector_store %arg7[%swap3A_851, %swap3A_852, %swap3A_853], %gather3A_849 {strides = array<i32>} : memref<8x8x576xf32, #tpu.memory_space<vmem>>, vector<16xf32>,
      %broadcast_in_dim3A_855 = arith.constant 6 : i32
      %broadcast_in_dim3A_856 = vector.broadcast %broadcast_in_dim3A_855 : i32 to vector<16xi32>
      %gather3A_857 = tpu.vector_load_idx %arg5[%broadcast_in_dim3A_856, %get3A_806] : memref<8x1024xf32, #tpu.memory_space<vmem>>[vector<16xi32>, vector<16xi32>], vector<16xf32>,
      %swap3A_858 = arith.constant 6 : i32
      %swap3A_859 = arith.index_cast %add3A_70 : i32 to index
      %swap3A_860 = arith.index_cast %swap3A_858 : i32 to index
      %swap3A_861 = arith.constant 176 : index
      %swap3A_862 = tpu.vector_load %arg7[%swap3A_859, %swap3A_860, %swap3A_861] {strides = array<i32>} : memref<8x8x576xf32, #tpu.memory_space<vmem>>, vector<16xf32>,
      tpu.vector_store %arg7[%swap3A_859, %swap3A_860, %swap3A_861], %gather3A_857 {strides = array<i32>} : memref<8x8x576xf32, #tpu.memory_space<vmem>>, vector<16xf32>,
      %broadcast_in_dim3A_863 = arith.constant 7 : i32
      %broadcast_in_dim3A_864 = vector.broadcast %broadcast_in_dim3A_863 : i32 to vector<16xi32>
      %gather3A_865 = tpu.vector_load_idx %arg5[%broadcast_in_dim3A_864, %get3A_806] : memref<8x1024xf32, #tpu.memory_space<vmem>>[vector<16xi32>, vector<16xi32>], vector<16xf32>,
      %swap3A_866 = arith.constant 7 : i32
      %swap3A_867 = arith.index_cast %add3A_70 : i32 to index
      %swap3A_868 = arith.index_cast %swap3A_866 : i32 to index
      %swap3A_869 = arith.constant 176 : index
      %swap3A_870 = tpu.vector_load %arg7[%swap3A_867, %swap3A_868, %swap3A_869] {strides = array<i32>} : memref<8x8x576xf32, #tpu.memory_space<vmem>>, vector<16xf32>,
      tpu.vector_store %arg7[%swap3A_867, %swap3A_868, %swap3A_869], %gather3A_865 {strides = array<i32>} : memref<8x8x576xf32, #tpu.memory_space<vmem>>, vector<16xf32>,
      %get3A_871 = arith.index_cast %add3A_70 : i32 to index
      %get3A_872 = arith.constant 192 : index
      %get3A_873 = tpu.vector_load %arg6[%get3A_871, %get3A_872] {strides = array<i32>} : memref<8x576xi32, #tpu.memory_space<vmem>>, vector<16xi32>,
      %broadcast_in_dim3A_874 = arith.constant 0 : i32
      %broadcast_in_dim3A_875 = vector.broadcast %broadcast_in_dim3A_874 : i32 to vector<16xi32>
      %gather3A_876 = tpu.vector_load_idx %arg5[%broadcast_in_dim3A_875, %get3A_873] : memref<8x1024xf32, #tpu.memory_space<vmem>>[vector<16xi32>, vector<16xi32>], vector<16xf32>,
      %swap3A_877 = arith.constant 0 : i32
      %swap3A_878 = arith.index_cast %add3A_70 : i32 to index
      %swap3A_879 = arith.index_cast %swap3A_877 : i32 to index
      %swap3A_880 = arith.constant 192 : index
      %swap3A_881 = tpu.vector_load %arg7[%swap3A_878, %swap3A_879, %swap3A_880] {strides = array<i32>} : memref<8x8x576xf32, #tpu.memory_space<vmem>>, vector<16xf32>,
      tpu.vector_store %arg7[%swap3A_878, %swap3A_879, %swap3A_880], %gather3A_876 {strides = array<i32>} : memref<8x8x576xf32, #tpu.memory_space<vmem>>, vector<16xf32>,
      %broadcast_in_dim3A_882 = arith.constant 1 : i32
      %broadcast_in_dim3A_883 = vector.broadcast %broadcast_in_dim3A_882 : i32 to vector<16xi32>
      %gather3A_884 = tpu.vector_load_idx %arg5[%broadcast_in_dim3A_883, %get3A_873] : memref<8x1024xf32, #tpu.memory_space<vmem>>[vector<16xi32>, vector<16xi32>], vector<16xf32>,
      %swap3A_885 = arith.constant 1 : i32
      %swap3A_886 = arith.index_cast %add3A_70 : i32 to index
      %swap3A_887 = arith.index_cast %swap3A_885 : i32 to index
      %swap3A_888 = arith.constant 192 : index
      %swap3A_889 = tpu.vector_load %arg7[%swap3A_886, %swap3A_887, %swap3A_888] {strides = array<i32>} : memref<8x8x576xf32, #tpu.memory_space<vmem>>, vector<16xf32>,
      tpu.vector_store %arg7[%swap3A_886, %swap3A_887, %swap3A_888], %gather3A_884 {strides = array<i32>} : memref<8x8x576xf32, #tpu.memory_space<vmem>>, vector<16xf32>,
      %broadcast_in_dim3A_890 = arith.constant 2 : i32
      %broadcast_in_dim3A_891 = vector.broadcast %broadcast_in_dim3A_890 : i32 to vector<16xi32>
      %gather3A_892 = tpu.vector_load_idx %arg5[%broadcast_in_dim3A_891, %get3A_873] : memref<8x1024xf32, #tpu.memory_space<vmem>>[vector<16xi32>, vector<16xi32>], vector<16xf32>,
      %swap3A_893 = arith.constant 2 : i32
      %swap3A_894 = arith.index_cast %add3A_70 : i32 to index
      %swap3A_895 = arith.index_cast %swap3A_893 : i32 to index
      %swap3A_896 = arith.constant 192 : index
      %swap3A_897 = tpu.vector_load %arg7[%swap3A_894, %swap3A_895, %swap3A_896] {strides = array<i32>} : memref<8x8x576xf32, #tpu.memory_space<vmem>>, vector<16xf32>,
      tpu.vector_store %arg7[%swap3A_894, %swap3A_895, %swap3A_896], %gather3A_892 {strides = array<i32>} : memref<8x8x576xf32, #tpu.memory_space<vmem>>, vector<16xf32>,
      %broadcast_in_dim3A_898 = arith.constant 3 : i32
      %broadcast_in_dim3A_899 = vector.broadcast %broadcast_in_dim3A_898 : i32 to vector<16xi32>
      %gather3A_900 = tpu.vector_load_idx %arg5[%broadcast_in_dim3A_899, %get3A_873] : memref<8x1024xf32, #tpu.memory_space<vmem>>[vector<16xi32>, vector<16xi32>], vector<16xf32>,
      %swap3A_901 = arith.constant 3 : i32
      %swap3A_902 = arith.index_cast %add3A_70 : i32 to index
      %swap3A_903 = arith.index_cast %swap3A_901 : i32 to index
      %swap3A_904 = arith.constant 192 : index
      %swap3A_905 = tpu.vector_load %arg7[%swap3A_902, %swap3A_903, %swap3A_904] {strides = array<i32>} : memref<8x8x576xf32, #tpu.memory_space<vmem>>, vector<16xf32>,
      tpu.vector_store %arg7[%swap3A_902, %swap3A_903, %swap3A_904], %gather3A_900 {strides = array<i32>} : memref<8x8x576xf32, #tpu.memory_space<vmem>>, vector<16xf32>,
      %broadcast_in_dim3A_906 = arith.constant 4 : i32
      %broadcast_in_dim3A_907 = vector.broadcast %broadcast_in_dim3A_906 : i32 to vector<16xi32>
      %gather3A_908 = tpu.vector_load_idx %arg5[%broadcast_in_dim3A_907, %get3A_873] : memref<8x1024xf32, #tpu.memory_space<vmem>>[vector<16xi32>, vector<16xi32>], vector<16xf32>,
      %swap3A_909 = arith.constant 4 : i32
      %swap3A_910 = arith.index_cast %add3A_70 : i32 to index
      %swap3A_911 = arith.index_cast %swap3A_909 : i32 to index
      %swap3A_912 = arith.constant 192 : index
      %swap3A_913 = tpu.vector_load %arg7[%swap3A_910, %swap3A_911, %swap3A_912] {strides = array<i32>} : memref<8x8x576xf32, #tpu.memory_space<vmem>>, vector<16xf32>,
      tpu.vector_store %arg7[%swap3A_910, %swap3A_911, %swap3A_912], %gather3A_908 {strides = array<i32>} : memref<8x8x576xf32, #tpu.memory_space<vmem>>, vector<16xf32>,
      %broadcast_in_dim3A_914 = arith.constant 5 : i32
      %broadcast_in_dim3A_915 = vector.broadcast %broadcast_in_dim3A_914 : i32 to vector<16xi32>
      %gather3A_916 = tpu.vector_load_idx %arg5[%broadcast_in_dim3A_915, %get3A_873] : memref<8x1024xf32, #tpu.memory_space<vmem>>[vector<16xi32>, vector<16xi32>], vector<16xf32>,
      %swap3A_917 = arith.constant 5 : i32
      %swap3A_918 = arith.index_cast %add3A_70 : i32 to index
      %swap3A_919 = arith.index_cast %swap3A_917 : i32 to index
      %swap3A_920 = arith.constant 192 : index
      %swap3A_921 = tpu.vector_load %arg7[%swap3A_918, %swap3A_919, %swap3A_920] {strides = array<i32>} : memref<8x8x576xf32, #tpu.memory_space<vmem>>, vector<16xf32>,
      tpu.vector_store %arg7[%swap3A_918, %swap3A_919, %swap3A_920], %gather3A_916 {strides = array<i32>} : memref<8x8x576xf32, #tpu.memory_space<vmem>>, vector<16xf32>,
      %broadcast_in_dim3A_922 = arith.constant 6 : i32
      %broadcast_in_dim3A_923 = vector.broadcast %broadcast_in_dim3A_922 : i32 to vector<16xi32>
      %gather3A_924 = tpu.vector_load_idx %arg5[%broadcast_in_dim3A_923, %get3A_873] : memref<8x1024xf32, #tpu.memory_space<vmem>>[vector<16xi32>, vector<16xi32>], vector<16xf32>,
      %swap3A_925 = arith.constant 6 : i32
      %swap3A_926 = arith.index_cast %add3A_70 : i32 to index
      %swap3A_927 = arith.index_cast %swap3A_925 : i32 to index
      %swap3A_928 = arith.constant 192 : index
      %swap3A_929 = tpu.vector_load %arg7[%swap3A_926, %swap3A_927, %swap3A_928] {strides = array<i32>} : memref<8x8x576xf32, #tpu.memory_space<vmem>>, vector<16xf32>,
      tpu.vector_store %arg7[%swap3A_926, %swap3A_927, %swap3A_928], %gather3A_924 {strides = array<i32>} : memref<8x8x576xf32, #tpu.memory_space<vmem>>, vector<16xf32>,
      %broadcast_in_dim3A_930 = arith.constant 7 : i32
      %broadcast_in_dim3A_931 = vector.broadcast %broadcast_in_dim3A_930 : i32 to vector<16xi32>
      %gather3A_932 = tpu.vector_load_idx %arg5[%broadcast_in_dim3A_931, %get3A_873] : memref<8x1024xf32, #tpu.memory_space<vmem>>[vector<16xi32>, vector<16xi32>], vector<16xf32>,
      %swap3A_933 = arith.constant 7 : i32
      %swap3A_934 = arith.index_cast %add3A_70 : i32 to index
      %swap3A_935 = arith.index_cast %swap3A_933 : i32 to index
      %swap3A_936 = arith.constant 192 : index
      %swap3A_937 = tpu.vector_load %arg7[%swap3A_934, %swap3A_935, %swap3A_936] {strides = array<i32>} : memref<8x8x576xf32, #tpu.memory_space<vmem>>, vector<16xf32>,
      tpu.vector_store %arg7[%swap3A_934, %swap3A_935, %swap3A_936], %gather3A_932 {strides = array<i32>} : memref<8x8x576xf32, #tpu.memory_space<vmem>>, vector<16xf32>,
      %get3A_938 = arith.index_cast %add3A_70 : i32 to index
      %get3A_939 = arith.constant 208 : index
      %get3A_940 = tpu.vector_load %arg6[%get3A_938, %get3A_939] {strides = array<i32>} : memref<8x576xi32, #tpu.memory_space<vmem>>, vector<16xi32>,
      %broadcast_in_dim3A_941 = arith.constant 0 : i32
      %broadcast_in_dim3A_942 = vector.broadcast %broadcast_in_dim3A_941 : i32 to vector<16xi32>
      %gather3A_943 = tpu.vector_load_idx %arg5[%broadcast_in_dim3A_942, %get3A_940] : memref<8x1024xf32, #tpu.memory_space<vmem>>[vector<16xi32>, vector<16xi32>], vector<16xf32>,
      %swap3A_944 = arith.constant 0 : i32
      %swap3A_945 = arith.index_cast %add3A_70 : i32 to index
      %swap3A_946 = arith.index_cast %swap3A_944 : i32 to index
      %swap3A_947 = arith.constant 208 : index
      %swap3A_948 = tpu.vector_load %arg7[%swap3A_945, %swap3A_946, %swap3A_947] {strides = array<i32>} : memref<8x8x576xf32, #tpu.memory_space<vmem>>, vector<16xf32>,
      tpu.vector_store %arg7[%swap3A_945, %swap3A_946, %swap3A_947], %gather3A_943 {strides = array<i32>} : memref<8x8x576xf32, #tpu.memory_space<vmem>>, vector<16xf32>,
      %broadcast_in_dim3A_949 = arith.constant 1 : i32
      %broadcast_in_dim3A_950 = vector.broadcast %broadcast_in_dim3A_949 : i32 to vector<16xi32>
      %gather3A_951 = tpu.vector_load_idx %arg5[%broadcast_in_dim3A_950, %get3A_940] : memref<8x1024xf32, #tpu.memory_space<vmem>>[vector<16xi32>, vector<16xi32>], vector<16xf32>,
      %swap3A_952 = arith.constant 1 : i32
      %swap3A_953 = arith.index_cast %add3A_70 : i32 to index
      %swap3A_954 = arith.index_cast %swap3A_952 : i32 to index
      %swap3A_955 = arith.constant 208 : index
      %swap3A_956 = tpu.vector_load %arg7[%swap3A_953, %swap3A_954, %swap3A_955] {strides = array<i32>} : memref<8x8x576xf32, #tpu.memory_space<vmem>>, vector<16xf32>,
      tpu.vector_store %arg7[%swap3A_953, %swap3A_954, %swap3A_955], %gather3A_951 {strides = array<i32>} : memref<8x8x576xf32, #tpu.memory_space<vmem>>, vector<16xf32>,
      %broadcast_in_dim3A_957 = arith.constant 2 : i32
      %broadcast_in_dim3A_958 = vector.broadcast %broadcast_in_dim3A_957 : i32 to vector<16xi32>
      %gather3A_959 = tpu.vector_load_idx %arg5[%broadcast_in_dim3A_958, %get3A_940] : memref<8x1024xf32, #tpu.memory_space<vmem>>[vector<16xi32>, vector<16xi32>], vector<16xf32>,
      %swap3A_960 = arith.constant 2 : i32
      %swap3A_961 = arith.index_cast %add3A_70 : i32 to index
      %swap3A_962 = arith.index_cast %swap3A_960 : i32 to index
      %swap3A_963 = arith.constant 208 : index
      %swap3A_964 = tpu.vector_load %arg7[%swap3A_961, %swap3A_962, %swap3A_963] {strides = array<i32>} : memref<8x8x576xf32, #tpu.memory_space<vmem>>, vector<16xf32>,
      tpu.vector_store %arg7[%swap3A_961, %swap3A_962, %swap3A_963], %gather3A_959 {strides = array<i32>} : memref<8x8x576xf32, #tpu.memory_space<vmem>>, vector<16xf32>,
      %broadcast_in_dim3A_965 = arith.constant 3 : i32
      %broadcast_in_dim3A_966 = vector.broadcast %broadcast_in_dim3A_965 : i32 to vector<16xi32>
      %gather3A_967 = tpu.vector_load_idx %arg5[%broadcast_in_dim3A_966, %get3A_940] : memref<8x1024xf32, #tpu.memory_space<vmem>>[vector<16xi32>, vector<16xi32>], vector<16xf32>,
      %swap3A_968 = arith.constant 3 : i32
      %swap3A_969 = arith.index_cast %add3A_70 : i32 to index
      %swap3A_970 = arith.index_cast %swap3A_968 : i32 to index
      %swap3A_971 = arith.constant 208 : index
      %swap3A_972 = tpu.vector_load %arg7[%swap3A_969, %swap3A_970, %swap3A_971] {strides = array<i32>} : memref<8x8x576xf32, #tpu.memory_space<vmem>>, vector<16xf32>,
      tpu.vector_store %arg7[%swap3A_969, %swap3A_970, %swap3A_971], %gather3A_967 {strides = array<i32>} : memref<8x8x576xf32, #tpu.memory_space<vmem>>, vector<16xf32>,
      %broadcast_in_dim3A_973 = arith.constant 4 : i32
      %broadcast_in_dim3A_974 = vector.broadcast %broadcast_in_dim3A_973 : i32 to vector<16xi32>
      %gather3A_975 = tpu.vector_load_idx %arg5[%broadcast_in_dim3A_974, %get3A_940] : memref<8x1024xf32, #tpu.memory_space<vmem>>[vector<16xi32>, vector<16xi32>], vector<16xf32>,
      %swap3A_976 = arith.constant 4 : i32
      %swap3A_977 = arith.index_cast %add3A_70 : i32 to index
      %swap3A_978 = arith.index_cast %swap3A_976 : i32 to index
      %swap3A_979 = arith.constant 208 : index
      %swap3A_980 = tpu.vector_load %arg7[%swap3A_977, %swap3A_978, %swap3A_979] {strides = array<i32>} : memref<8x8x576xf32, #tpu.memory_space<vmem>>, vector<16xf32>,
      tpu.vector_store %arg7[%swap3A_977, %swap3A_978, %swap3A_979], %gather3A_975 {strides = array<i32>} : memref<8x8x576xf32, #tpu.memory_space<vmem>>, vector<16xf32>,
      %broadcast_in_dim3A_981 = arith.constant 5 : i32
      %broadcast_in_dim3A_982 = vector.broadcast %broadcast_in_dim3A_981 : i32 to vector<16xi32>
      %gather3A_983 = tpu.vector_load_idx %arg5[%broadcast_in_dim3A_982, %get3A_940] : memref<8x1024xf32, #tpu.memory_space<vmem>>[vector<16xi32>, vector<16xi32>], vector<16xf32>,
      %swap3A_984 = arith.constant 5 : i32
      %swap3A_985 = arith.index_cast %add3A_70 : i32 to index
      %swap3A_986 = arith.index_cast %swap3A_984 : i32 to index
      %swap3A_987 = arith.constant 208 : index
      %swap3A_988 = tpu.vector_load %arg7[%swap3A_985, %swap3A_986, %swap3A_987] {strides = array<i32>} : memref<8x8x576xf32, #tpu.memory_space<vmem>>, vector<16xf32>,
      tpu.vector_store %arg7[%swap3A_985, %swap3A_986, %swap3A_987], %gather3A_983 {strides = array<i32>} : memref<8x8x576xf32, #tpu.memory_space<vmem>>, vector<16xf32>,
      %broadcast_in_dim3A_989 = arith.constant 6 : i32
      %broadcast_in_dim3A_990 = vector.broadcast %broadcast_in_dim3A_989 : i32 to vector<16xi32>
      %gather3A_991 = tpu.vector_load_idx %arg5[%broadcast_in_dim3A_990, %get3A_940] : memref<8x1024xf32, #tpu.memory_space<vmem>>[vector<16xi32>, vector<16xi32>], vector<16xf32>,
      %swap3A_992 = arith.constant 6 : i32
      %swap3A_993 = arith.index_cast %add3A_70 : i32 to index
      %swap3A_994 = arith.index_cast %swap3A_992 : i32 to index
      %swap3A_995 = arith.constant 208 : index
      %swap3A_996 = tpu.vector_load %arg7[%swap3A_993, %swap3A_994, %swap3A_995] {strides = array<i32>} : memref<8x8x576xf32, #tpu.memory_space<vmem>>, vector<16xf32>,
      tpu.vector_store %arg7[%swap3A_993, %swap3A_994, %swap3A_995], %gather3A_991 {strides = array<i32>} : memref<8x8x576xf32, #tpu.memory_space<vmem>>, vector<16xf32>,
      %broadcast_in_dim3A_997 = arith.constant 7 : i32
      %broadcast_in_dim3A_998 = vector.broadcast %broadcast_in_dim3A_997 : i32 to vector<16xi32>
      %gather3A_999 = tpu.vector_load_idx %arg5[%broadcast_in_dim3A_998, %get3A_940] : memref<8x1024xf32, #tpu.memory_space<vmem>>[vector<16xi32>, vector<16xi32>], vector<16xf32>,
      %swap3A_1000 = arith.constant 7 : i32
      %swap3A_1001 = arith.index_cast %add3A_70 : i32 to index
      %swap3A_1002 = arith.index_cast %swap3A_1000 : i32 to index
      %swap3A_1003 = arith.constant 208 : index
      %swap3A_1004 = tpu.vector_load %arg7[%swap3A_1001, %swap3A_1002, %swap3A_1003] {strides = array<i32>} : memref<8x8x576xf32, #tpu.memory_space<vmem>>, vector<16xf32>,
      tpu.vector_store %arg7[%swap3A_1001, %swap3A_1002, %swap3A_1003], %gather3A_999 {strides = array<i32>} : memref<8x8x576xf32, #tpu.memory_space<vmem>>, vector<16xf32>,
      %get3A_1005 = arith.index_cast %add3A_70 : i32 to index
      %get3A_1006 = arith.constant 224 : index
      %get3A_1007 = tpu.vector_load %arg6[%get3A_1005, %get3A_1006] {strides = array<i32>} : memref<8x576xi32, #tpu.memory_space<vmem>>, vector<16xi32>,
      %broadcast_in_dim3A_1008 = arith.constant 0 : i32
      %broadcast_in_dim3A_1009 = vector.broadcast %broadcast_in_dim3A_1008 : i32 to vector<16xi32>
      %gather3A_1010 = tpu.vector_load_idx %arg5[%broadcast_in_dim3A_1009, %get3A_1007] : memref<8x1024xf32, #tpu.memory_space<vmem>>[vector<16xi32>, vector<16xi32>], vector<16xf32>,
      %swap3A_1011 = arith.constant 0 : i32
      %swap3A_1012 = arith.index_cast %add3A_70 : i32 to index
      %swap3A_1013 = arith.index_cast %swap3A_1011 : i32 to index
      %swap3A_1014 = arith.constant 224 : index
      %swap3A_1015 = tpu.vector_load %arg7[%swap3A_1012, %swap3A_1013, %swap3A_1014] {strides = array<i32>} : memref<8x8x576xf32, #tpu.memory_space<vmem>>, vector<16xf32>,
      tpu.vector_store %arg7[%swap3A_1012, %swap3A_1013, %swap3A_1014], %gather3A_1010 {strides = array<i32>} : memref<8x8x576xf32, #tpu.memory_space<vmem>>, vector<16xf32>,
      %broadcast_in_dim3A_1016 = arith.constant 1 : i32
      %broadcast_in_dim3A_1017 = vector.broadcast %broadcast_in_dim3A_1016 : i32 to vector<16xi32>
      %gather3A_1018 = tpu.vector_load_idx %arg5[%broadcast_in_dim3A_1017, %get3A_1007] : memref<8x1024xf32, #tpu.memory_space<vmem>>[vector<16xi32>, vector<16xi32>], vector<16xf32>,
      %swap3A_1019 = arith.constant 1 : i32
      %swap3A_1020 = arith.index_cast %add3A_70 : i32 to index
      %swap3A_1021 = arith.index_cast %swap3A_1019 : i32 to index
      %swap3A_1022 = arith.constant 224 : index
      %swap3A_1023 = tpu.vector_load %arg7[%swap3A_1020, %swap3A_1021, %swap3A_1022] {strides = array<i32>} : memref<8x8x576xf32, #tpu.memory_space<vmem>>, vector<16xf32>,
      tpu.vector_store %arg7[%swap3A_1020, %swap3A_1021, %swap3A_1022], %gather3A_1018 {strides = array<i32>} : memref<8x8x576xf32, #tpu.memory_space<vmem>>, vector<16xf32>,
      %broadcast_in_dim3A_1024 = arith.constant 2 : i32
      %broadcast_in_dim3A_1025 = vector.broadcast %broadcast_in_dim3A_1024 : i32 to vector<16xi32>
      %gather3A_1026 = tpu.vector_load_idx %arg5[%broadcast_in_dim3A_1025, %get3A_1007] : memref<8x1024xf32, #tpu.memory_space<vmem>>[vector<16xi32>, vector<16xi32>], vector<16xf32>,
      %swap3A_1027 = arith.constant 2 : i32
      %swap3A_1028 = arith.index_cast %add3A_70 : i32 to index
      %swap3A_1029 = arith.index_cast %swap3A_1027 : i32 to index
      %swap3A_1030 = arith.constant 224 : index
      %swap3A_1031 = tpu.vector_load %arg7[%swap3A_1028, %swap3A_1029, %swap3A_1030] {strides = array<i32>} : memref<8x8x576xf32, #tpu.memory_space<vmem>>, vector<16xf32>,
      tpu.vector_store %arg7[%swap3A_1028, %swap3A_1029, %swap3A_1030], %gather3A_1026 {strides = array<i32>} : memref<8x8x576xf32, #tpu.memory_space<vmem>>, vector<16xf32>,
      %broadcast_in_dim3A_1032 = arith.constant 3 : i32
      %broadcast_in_dim3A_1033 = vector.broadcast %broadcast_in_dim3A_1032 : i32 to vector<16xi32>
      %gather3A_1034 = tpu.vector_load_idx %arg5[%broadcast_in_dim3A_1033, %get3A_1007] : memref<8x1024xf32, #tpu.memory_space<vmem>>[vector<16xi32>, vector<16xi32>], vector<16xf32>,
      %swap3A_1035 = arith.constant 3 : i32
      %swap3A_1036 = arith.index_cast %add3A_70 : i32 to index
      %swap3A_1037 = arith.index_cast %swap3A_1035 : i32 to index
      %swap3A_1038 = arith.constant 224 : index
      %swap3A_1039 = tpu.vector_load %arg7[%swap3A_1036, %swap3A_1037, %swap3A_1038] {strides = array<i32>} : memref<8x8x576xf32, #tpu.memory_space<vmem>>, vector<16xf32>,
      tpu.vector_store %arg7[%swap3A_1036, %swap3A_1037, %swap3A_1038], %gather3A_1034 {strides = array<i32>} : memref<8x8x576xf32, #tpu.memory_space<vmem>>, vector<16xf32>,
      %broadcast_in_dim3A_1040 = arith.constant 4 : i32
      %broadcast_in_dim3A_1041 = vector.broadcast %broadcast_in_dim3A_1040 : i32 to vector<16xi32>
      %gather3A_1042 = tpu.vector_load_idx %arg5[%broadcast_in_dim3A_1041, %get3A_1007] : memref<8x1024xf32, #tpu.memory_space<vmem>>[vector<16xi32>, vector<16xi32>], vector<16xf32>,
      %swap3A_1043 = arith.constant 4 : i32
      %swap3A_1044 = arith.index_cast %add3A_70 : i32 to index
      %swap3A_1045 = arith.index_cast %swap3A_1043 : i32 to index
      %swap3A_1046 = arith.constant 224 : index
      %swap3A_1047 = tpu.vector_load %arg7[%swap3A_1044, %swap3A_1045, %swap3A_1046] {strides = array<i32>} : memref<8x8x576xf32, #tpu.memory_space<vmem>>, vector<16xf32>,
      tpu.vector_store %arg7[%swap3A_1044, %swap3A_1045, %swap3A_1046], %gather3A_1042 {strides = array<i32>} : memref<8x8x576xf32, #tpu.memory_space<vmem>>, vector<16xf32>,
      %broadcast_in_dim3A_1048 = arith.constant 5 : i32
      %broadcast_in_dim3A_1049 = vector.broadcast %broadcast_in_dim3A_1048 : i32 to vector<16xi32>
      %gather3A_1050 = tpu.vector_load_idx %arg5[%broadcast_in_dim3A_1049, %get3A_1007] : memref<8x1024xf32, #tpu.memory_space<vmem>>[vector<16xi32>, vector<16xi32>], vector<16xf32>,
      %swap3A_1051 = arith.constant 5 : i32
      %swap3A_1052 = arith.index_cast %add3A_70 : i32 to index
      %swap3A_1053 = arith.index_cast %swap3A_1051 : i32 to index
      %swap3A_1054 = arith.constant 224 : index
      %swap3A_1055 = tpu.vector_load %arg7[%swap3A_1052, %swap3A_1053, %swap3A_1054] {strides = array<i32>} : memref<8x8x576xf32, #tpu.memory_space<vmem>>, vector<16xf32>,
      tpu.vector_store %arg7[%swap3A_1052, %swap3A_1053, %swap3A_1054], %gather3A_1050 {strides = array<i32>} : memref<8x8x576xf32, #tpu.memory_space<vmem>>, vector<16xf32>,
      %broadcast_in_dim3A_1056 = arith.constant 6 : i32
      %broadcast_in_dim3A_1057 = vector.broadcast %broadcast_in_dim3A_1056 : i32 to vector<16xi32>
      %gather3A_1058 = tpu.vector_load_idx %arg5[%broadcast_in_dim3A_1057, %get3A_1007] : memref<8x1024xf32, #tpu.memory_space<vmem>>[vector<16xi32>, vector<16xi32>], vector<16xf32>,
      %swap3A_1059 = arith.constant 6 : i32
      %swap3A_1060 = arith.index_cast %add3A_70 : i32 to index
      %swap3A_1061 = arith.index_cast %swap3A_1059 : i32 to index
      %swap3A_1062 = arith.constant 224 : index
      %swap3A_1063 = tpu.vector_load %arg7[%swap3A_1060, %swap3A_1061, %swap3A_1062] {strides = array<i32>} : memref<8x8x576xf32, #tpu.memory_space<vmem>>, vector<16xf32>,
      tpu.vector_store %arg7[%swap3A_1060, %swap3A_1061, %swap3A_1062], %gather3A_1058 {strides = array<i32>} : memref<8x8x576xf32, #tpu.memory_space<vmem>>, vector<16xf32>,
      %broadcast_in_dim3A_1064 = arith.constant 7 : i32
      %broadcast_in_dim3A_1065 = vector.broadcast %broadcast_in_dim3A_1064 : i32 to vector<16xi32>
      %gather3A_1066 = tpu.vector_load_idx %arg5[%broadcast_in_dim3A_1065, %get3A_1007] : memref<8x1024xf32, #tpu.memory_space<vmem>>[vector<16xi32>, vector<16xi32>], vector<16xf32>,
      %swap3A_1067 = arith.constant 7 : i32
      %swap3A_1068 = arith.index_cast %add3A_70 : i32 to index
      %swap3A_1069 = arith.index_cast %swap3A_1067 : i32 to index
      %swap3A_1070 = arith.constant 224 : index
      %swap3A_1071 = tpu.vector_load %arg7[%swap3A_1068, %swap3A_1069, %swap3A_1070] {strides = array<i32>} : memref<8x8x576xf32, #tpu.memory_space<vmem>>, vector<16xf32>,
      tpu.vector_store %arg7[%swap3A_1068, %swap3A_1069, %swap3A_1070], %gather3A_1066 {strides = array<i32>} : memref<8x8x576xf32, #tpu.memory_space<vmem>>, vector<16xf32>,
      %get3A_1072 = arith.index_cast %add3A_70 : i32 to index
      %get3A_1073 = arith.constant 240 : index
      %get3A_1074 = tpu.vector_load %arg6[%get3A_1072, %get3A_1073] {strides = array<i32>} : memref<8x576xi32, #tpu.memory_space<vmem>>, vector<16xi32>,
      %broadcast_in_dim3A_1075 = arith.constant 0 : i32
      %broadcast_in_dim3A_1076 = vector.broadcast %broadcast_in_dim3A_1075 : i32 to vector<16xi32>
      %gather3A_1077 = tpu.vector_load_idx %arg5[%broadcast_in_dim3A_1076, %get3A_1074] : memref<8x1024xf32, #tpu.memory_space<vmem>>[vector<16xi32>, vector<16xi32>], vector<16xf32>,
      %swap3A_1078 = arith.constant 0 : i32
      %swap3A_1079 = arith.index_cast %add3A_70 : i32 to index
      %swap3A_1080 = arith.index_cast %swap3A_1078 : i32 to index
      %swap3A_1081 = arith.constant 240 : index
      %swap3A_1082 = tpu.vector_load %arg7[%swap3A_1079, %swap3A_1080, %swap3A_1081] {strides = array<i32>} : memref<8x8x576xf32, #tpu.memory_space<vmem>>, vector<16xf32>,
      tpu.vector_store %arg7[%swap3A_1079, %swap3A_1080, %swap3A_1081], %gather3A_1077 {strides = array<i32>} : memref<8x8x576xf32, #tpu.memory_space<vmem>>, vector<16xf32>,
      %broadcast_in_dim3A_1083 = arith.constant 1 : i32
      %broadcast_in_dim3A_1084 = vector.broadcast %broadcast_in_dim3A_1083 : i32 to vector<16xi32>
      %gather3A_1085 = tpu.vector_load_idx %arg5[%broadcast_in_dim3A_1084, %get3A_1074] : memref<8x1024xf32, #tpu.memory_space<vmem>>[vector<16xi32>, vector<16xi32>], vector<16xf32>,
      %swap3A_1086 = arith.constant 1 : i32
      %swap3A_1087 = arith.index_cast %add3A_70 : i32 to index
      %swap3A_1088 = arith.index_cast %swap3A_1086 : i32 to index
      %swap3A_1089 = arith.constant 240 : index
      %swap3A_1090 = tpu.vector_load %arg7[%swap3A_1087, %swap3A_1088, %swap3A_1089] {strides = array<i32>} : memref<8x8x576xf32, #tpu.memory_space<vmem>>, vector<16xf32>,
      tpu.vector_store %arg7[%swap3A_1087, %swap3A_1088, %swap3A_1089], %gather3A_1085 {strides = array<i32>} : memref<8x8x576xf32, #tpu.memory_space<vmem>>, vector<16xf32>,
      %broadcast_in_dim3A_1091 = arith.constant 2 : i32
      %broadcast_in_dim3A_1092 = vector.broadcast %broadcast_in_dim3A_1091 : i32 to vector<16xi32>
      %gather3A_1093 = tpu.vector_load_idx %arg5[%broadcast_in_dim3A_1092, %get3A_1074] : memref<8x1024xf32, #tpu.memory_space<vmem>>[vector<16xi32>, vector<16xi32>], vector<16xf32>,
      %swap3A_1094 = arith.constant 2 : i32
      %swap3A_1095 = arith.index_cast %add3A_70 : i32 to index
      %swap3A_1096 = arith.index_cast %swap3A_1094 : i32 to index
      %swap3A_1097 = arith.constant 240 : index
      %swap3A_1098 = tpu.vector_load %arg7[%swap3A_1095, %swap3A_1096, %swap3A_1097] {strides = array<i32>} : memref<8x8x576xf32, #tpu.memory_space<vmem>>, vector<16xf32>,
      tpu.vector_store %arg7[%swap3A_1095, %swap3A_1096, %swap3A_1097], %gather3A_1093 {strides = array<i32>} : memref<8x8x576xf32, #tpu.memory_space<vmem>>, vector<16xf32>,
      %broadcast_in_dim3A_1099 = arith.constant 3 : i32
      %broadcast_in_dim3A_1100 = vector.broadcast %broadcast_in_dim3A_1099 : i32 to vector<16xi32>
      %gather3A_1101 = tpu.vector_load_idx %arg5[%broadcast_in_dim3A_1100, %get3A_1074] : memref<8x1024xf32, #tpu.memory_space<vmem>>[vector<16xi32>, vector<16xi32>], vector<16xf32>,
      %swap3A_1102 = arith.constant 3 : i32
      %swap3A_1103 = arith.index_cast %add3A_70 : i32 to index
      %swap3A_1104 = arith.index_cast %swap3A_1102 : i32 to index
      %swap3A_1105 = arith.constant 240 : index
      %swap3A_1106 = tpu.vector_load %arg7[%swap3A_1103, %swap3A_1104, %swap3A_1105] {strides = array<i32>} : memref<8x8x576xf32, #tpu.memory_space<vmem>>, vector<16xf32>,
      tpu.vector_store %arg7[%swap3A_1103, %swap3A_1104, %swap3A_1105], %gather3A_1101 {strides = array<i32>} : memref<8x8x576xf32, #tpu.memory_space<vmem>>, vector<16xf32>,
      %broadcast_in_dim3A_1107 = arith.constant 4 : i32
      %broadcast_in_dim3A_1108 = vector.broadcast %broadcast_in_dim3A_1107 : i32 to vector<16xi32>
      %gather3A_1109 = tpu.vector_load_idx %arg5[%broadcast_in_dim3A_1108, %get3A_1074] : memref<8x1024xf32, #tpu.memory_space<vmem>>[vector<16xi32>, vector<16xi32>], vector<16xf32>,
      %swap3A_1110 = arith.constant 4 : i32
      %swap3A_1111 = arith.index_cast %add3A_70 : i32 to index
      %swap3A_1112 = arith.index_cast %swap3A_1110 : i32 to index
      %swap3A_1113 = arith.constant 240 : index
      %swap3A_1114 = tpu.vector_load %arg7[%swap3A_1111, %swap3A_1112, %swap3A_1113] {strides = array<i32>} : memref<8x8x576xf32, #tpu.memory_space<vmem>>, vector<16xf32>,
      tpu.vector_store %arg7[%swap3A_1111, %swap3A_1112, %swap3A_1113], %gather3A_1109 {strides = array<i32>} : memref<8x8x576xf32, #tpu.memory_space<vmem>>, vector<16xf32>,
      %broadcast_in_dim3A_1115 = arith.constant 5 : i32
      %broadcast_in_dim3A_1116 = vector.broadcast %broadcast_in_dim3A_1115 : i32 to vector<16xi32>
      %gather3A_1117 = tpu.vector_load_idx %arg5[%broadcast_in_dim3A_1116, %get3A_1074] : memref<8x1024xf32, #tpu.memory_space<vmem>>[vector<16xi32>, vector<16xi32>], vector<16xf32>,
      %swap3A_1118 = arith.constant 5 : i32
      %swap3A_1119 = arith.index_cast %add3A_70 : i32 to index
      %swap3A_1120 = arith.index_cast %swap3A_1118 : i32 to index
      %swap3A_1121 = arith.constant 240 : index
      %swap3A_1122 = tpu.vector_load %arg7[%swap3A_1119, %swap3A_1120, %swap3A_1121] {strides = array<i32>} : memref<8x8x576xf32, #tpu.memory_space<vmem>>, vector<16xf32>,
      tpu.vector_store %arg7[%swap3A_1119, %swap3A_1120, %swap3A_1121], %gather3A_1117 {strides = array<i32>} : memref<8x8x576xf32, #tpu.memory_space<vmem>>, vector<16xf32>,
      %broadcast_in_dim3A_1123 = arith.constant 6 : i32
      %broadcast_in_dim3A_1124 = vector.broadcast %broadcast_in_dim3A_1123 : i32 to vector<16xi32>
      %gather3A_1125 = tpu.vector_load_idx %arg5[%broadcast_in_dim3A_1124, %get3A_1074] : memref<8x1024xf32, #tpu.memory_space<vmem>>[vector<16xi32>, vector<16xi32>], vector<16xf32>,
      %swap3A_1126 = arith.constant 6 : i32
      %swap3A_1127 = arith.index_cast %add3A_70 : i32 to index
      %swap3A_1128 = arith.index_cast %swap3A_1126 : i32 to index
      %swap3A_1129 = arith.constant 240 : index
      %swap3A_1130 = tpu.vector_load %arg7[%swap3A_1127, %swap3A_1128, %swap3A_1129] {strides = array<i32>} : memref<8x8x576xf32, #tpu.memory_space<vmem>>, vector<16xf32>,
      tpu.vector_store %arg7[%swap3A_1127, %swap3A_1128, %swap3A_1129], %gather3A_1125 {strides = array<i32>} : memref<8x8x576xf32, #tpu.memory_space<vmem>>, vector<16xf32>,
      %broadcast_in_dim3A_1131 = arith.constant 7 : i32
      %broadcast_in_dim3A_1132 = vector.broadcast %broadcast_in_dim3A_1131 : i32 to vector<16xi32>
      %gather3A_1133 = tpu.vector_load_idx %arg5[%broadcast_in_dim3A_1132, %get3A_1074] : memref<8x1024xf32, #tpu.memory_space<vmem>>[vector<16xi32>, vector<16xi32>], vector<16xf32>,
      %swap3A_1134 = arith.constant 7 : i32
      %swap3A_1135 = arith.index_cast %add3A_70 : i32 to index
      %swap3A_1136 = arith.index_cast %swap3A_1134 : i32 to index
      %swap3A_1137 = arith.constant 240 : index
      %swap3A_1138 = tpu.vector_load %arg7[%swap3A_1135, %swap3A_1136, %swap3A_1137] {strides = array<i32>} : memref<8x8x576xf32, #tpu.memory_space<vmem>>, vector<16xf32>,
      tpu.vector_store %arg7[%swap3A_1135, %swap3A_1136, %swap3A_1137], %gather3A_1133 {strides = array<i32>} : memref<8x8x576xf32, #tpu.memory_space<vmem>>, vector<16xf32>,
      %get3A_1139 = arith.index_cast %add3A_70 : i32 to index
      %get3A_1140 = arith.constant 256 : index
      %get3A_1141 = tpu.vector_load %arg6[%get3A_1139, %get3A_1140] {strides = array<i32>} : memref<8x576xi32, #tpu.memory_space<vmem>>, vector<16xi32>,
      %broadcast_in_dim3A_1142 = arith.constant 0 : i32
      %broadcast_in_dim3A_1143 = vector.broadcast %broadcast_in_dim3A_1142 : i32 to vector<16xi32>
      %gather3A_1144 = tpu.vector_load_idx %arg5[%broadcast_in_dim3A_1143, %get3A_1141] : memref<8x1024xf32, #tpu.memory_space<vmem>>[vector<16xi32>, vector<16xi32>], vector<16xf32>,
      %swap3A_1145 = arith.constant 0 : i32
      %swap3A_1146 = arith.index_cast %add3A_70 : i32 to index
      %swap3A_1147 = arith.index_cast %swap3A_1145 : i32 to index
      %swap3A_1148 = arith.constant 256 : index
      %swap3A_1149 = tpu.vector_load %arg7[%swap3A_1146, %swap3A_1147, %swap3A_1148] {strides = array<i32>} : memref<8x8x576xf32, #tpu.memory_space<vmem>>, vector<16xf32>,
      tpu.vector_store %arg7[%swap3A_1146, %swap3A_1147, %swap3A_1148], %gather3A_1144 {strides = array<i32>} : memref<8x8x576xf32, #tpu.memory_space<vmem>>, vector<16xf32>,
      %broadcast_in_dim3A_1150 = arith.constant 1 : i32
      %broadcast_in_dim3A_1151 = vector.broadcast %broadcast_in_dim3A_1150 : i32 to vector<16xi32>
      %gather3A_1152 = tpu.vector_load_idx %arg5[%broadcast_in_dim3A_1151, %get3A_1141] : memref<8x1024xf32, #tpu.memory_space<vmem>>[vector<16xi32>, vector<16xi32>], vector<16xf32>,
      %swap3A_1153 = arith.constant 1 : i32
      %swap3A_1154 = arith.index_cast %add3A_70 : i32 to index
      %swap3A_1155 = arith.index_cast %swap3A_1153 : i32 to index
      %swap3A_1156 = arith.constant 256 : index
      %swap3A_1157 = tpu.vector_load %arg7[%swap3A_1154, %swap3A_1155, %swap3A_1156] {strides = array<i32>} : memref<8x8x576xf32, #tpu.memory_space<vmem>>, vector<16xf32>,
      tpu.vector_store %arg7[%swap3A_1154, %swap3A_1155, %swap3A_1156], %gather3A_1152 {strides = array<i32>} : memref<8x8x576xf32, #tpu.memory_space<vmem>>, vector<16xf32>,
      %broadcast_in_dim3A_1158 = arith.constant 2 : i32
      %broadcast_in_dim3A_1159 = vector.broadcast %broadcast_in_dim3A_1158 : i32 to vector<16xi32>
      %gather3A_1160 = tpu.vector_load_idx %arg5[%broadcast_in_dim3A_1159, %get3A_1141] : memref<8x1024xf32, #tpu.memory_space<vmem>>[vector<16xi32>, vector<16xi32>], vector<16xf32>,
      %swap3A_1161 = arith.constant 2 : i32
      %swap3A_1162 = arith.index_cast %add3A_70 : i32 to index
      %swap3A_1163 = arith.index_cast %swap3A_1161 : i32 to index
      %swap3A_1164 = arith.constant 256 : index
      %swap3A_1165 = tpu.vector_load %arg7[%swap3A_1162, %swap3A_1163, %swap3A_1164] {strides = array<i32>} : memref<8x8x576xf32, #tpu.memory_space<vmem>>, vector<16xf32>,
      tpu.vector_store %arg7[%swap3A_1162, %swap3A_1163, %swap3A_1164], %gather3A_1160 {strides = array<i32>} : memref<8x8x576xf32, #tpu.memory_space<vmem>>, vector<16xf32>,
      %broadcast_in_dim3A_1166 = arith.constant 3 : i32
      %broadcast_in_dim3A_1167 = vector.broadcast %broadcast_in_dim3A_1166 : i32 to vector<16xi32>
      %gather3A_1168 = tpu.vector_load_idx %arg5[%broadcast_in_dim3A_1167, %get3A_1141] : memref<8x1024xf32, #tpu.memory_space<vmem>>[vector<16xi32>, vector<16xi32>], vector<16xf32>,
      %swap3A_1169 = arith.constant 3 : i32
      %swap3A_1170 = arith.index_cast %add3A_70 : i32 to index
      %swap3A_1171 = arith.index_cast %swap3A_1169 : i32 to index
      %swap3A_1172 = arith.constant 256 : index
      %swap3A_1173 = tpu.vector_load %arg7[%swap3A_1170, %swap3A_1171, %swap3A_1172] {strides = array<i32>} : memref<8x8x576xf32, #tpu.memory_space<vmem>>, vector<16xf32>,
      tpu.vector_store %arg7[%swap3A_1170, %swap3A_1171, %swap3A_1172], %gather3A_1168 {strides = array<i32>} : memref<8x8x576xf32, #tpu.memory_space<vmem>>, vector<16xf32>,
      %broadcast_in_dim3A_1174 = arith.constant 4 : i32
      %broadcast_in_dim3A_1175 = vector.broadcast %broadcast_in_dim3A_1174 : i32 to vector<16xi32>
      %gather3A_1176 = tpu.vector_load_idx %arg5[%broadcast_in_dim3A_1175, %get3A_1141] : memref<8x1024xf32, #tpu.memory_space<vmem>>[vector<16xi32>, vector<16xi32>], vector<16xf32>,
      %swap3A_1177 = arith.constant 4 : i32
      %swap3A_1178 = arith.index_cast %add3A_70 : i32 to index
      %swap3A_1179 = arith.index_cast %swap3A_1177 : i32 to index
      %swap3A_1180 = arith.constant 256 : index
      %swap3A_1181 = tpu.vector_load %arg7[%swap3A_1178, %swap3A_1179, %swap3A_1180] {strides = array<i32>} : memref<8x8x576xf32, #tpu.memory_space<vmem>>, vector<16xf32>,
      tpu.vector_store %arg7[%swap3A_1178, %swap3A_1179, %swap3A_1180], %gather3A_1176 {strides = array<i32>} : memref<8x8x576xf32, #tpu.memory_space<vmem>>, vector<16xf32>,
      %broadcast_in_dim3A_1182 = arith.constant 5 : i32
      %broadcast_in_dim3A_1183 = vector.broadcast %broadcast_in_dim3A_1182 : i32 to vector<16xi32>
      %gather3A_1184 = tpu.vector_load_idx %arg5[%broadcast_in_dim3A_1183, %get3A_1141] : memref<8x1024xf32, #tpu.memory_space<vmem>>[vector<16xi32>, vector<16xi32>], vector<16xf32>,
      %swap3A_1185 = arith.constant 5 : i32
      %swap3A_1186 = arith.index_cast %add3A_70 : i32 to index
      %swap3A_1187 = arith.index_cast %swap3A_1185 : i32 to index
      %swap3A_1188 = arith.constant 256 : index
      %swap3A_1189 = tpu.vector_load %arg7[%swap3A_1186, %swap3A_1187, %swap3A_1188] {strides = array<i32>} : memref<8x8x576xf32, #tpu.memory_space<vmem>>, vector<16xf32>,
      tpu.vector_store %arg7[%swap3A_1186, %swap3A_1187, %swap3A_1188], %gather3A_1184 {strides = array<i32>} : memref<8x8x576xf32, #tpu.memory_space<vmem>>, vector<16xf32>,
      %broadcast_in_dim3A_1190 = arith.constant 6 : i32
      %broadcast_in_dim3A_1191 = vector.broadcast %broadcast_in_dim3A_1190 : i32 to vector<16xi32>
      %gather3A_1192 = tpu.vector_load_idx %arg5[%broadcast_in_dim3A_1191, %get3A_1141] : memref<8x1024xf32, #tpu.memory_space<vmem>>[vector<16xi32>, vector<16xi32>], vector<16xf32>,
      %swap3A_1193 = arith.constant 6 : i32
      %swap3A_1194 = arith.index_cast %add3A_70 : i32 to index
      %swap3A_1195 = arith.index_cast %swap3A_1193 : i32 to index
      %swap3A_1196 = arith.constant 256 : index
      %swap3A_1197 = tpu.vector_load %arg7[%swap3A_1194, %swap3A_1195, %swap3A_1196] {strides = array<i32>} : memref<8x8x576xf32, #tpu.memory_space<vmem>>, vector<16xf32>,
      tpu.vector_store %arg7[%swap3A_1194, %swap3A_1195, %swap3A_1196], %gather3A_1192 {strides = array<i32>} : memref<8x8x576xf32, #tpu.memory_space<vmem>>, vector<16xf32>,
      %broadcast_in_dim3A_1198 = arith.constant 7 : i32
      %broadcast_in_dim3A_1199 = vector.broadcast %broadcast_in_dim3A_1198 : i32 to vector<16xi32>
      %gather3A_1200 = tpu.vector_load_idx %arg5[%broadcast_in_dim3A_1199, %get3A_1141] : memref<8x1024xf32, #tpu.memory_space<vmem>>[vector<16xi32>, vector<16xi32>], vector<16xf32>,
      %swap3A_1201 = arith.constant 7 : i32
      %swap3A_1202 = arith.index_cast %add3A_70 : i32 to index
      %swap3A_1203 = arith.index_cast %swap3A_1201 : i32 to index
      %swap3A_1204 = arith.constant 256 : index
      %swap3A_1205 = tpu.vector_load %arg7[%swap3A_1202, %swap3A_1203, %swap3A_1204] {strides = array<i32>} : memref<8x8x576xf32, #tpu.memory_space<vmem>>, vector<16xf32>,
      tpu.vector_store %arg7[%swap3A_1202, %swap3A_1203, %swap3A_1204], %gather3A_1200 {strides = array<i32>} : memref<8x8x576xf32, #tpu.memory_space<vmem>>, vector<16xf32>,
      %get3A_1206 = arith.index_cast %add3A_70 : i32 to index
      %get3A_1207 = arith.constant 272 : index
      %get3A_1208 = tpu.vector_load %arg6[%get3A_1206, %get3A_1207] {strides = array<i32>} : memref<8x576xi32, #tpu.memory_space<vmem>>, vector<16xi32>,
      %broadcast_in_dim3A_1209 = arith.constant 0 : i32
      %broadcast_in_dim3A_1210 = vector.broadcast %broadcast_in_dim3A_1209 : i32 to vector<16xi32>
      %gather3A_1211 = tpu.vector_load_idx %arg5[%broadcast_in_dim3A_1210, %get3A_1208] : memref<8x1024xf32, #tpu.memory_space<vmem>>[vector<16xi32>, vector<16xi32>], vector<16xf32>,
      %swap3A_1212 = arith.constant 0 : i32
      %swap3A_1213 = arith.index_cast %add3A_70 : i32 to index
      %swap3A_1214 = arith.index_cast %swap3A_1212 : i32 to index
      %swap3A_1215 = arith.constant 272 : index
      %swap3A_1216 = tpu.vector_load %arg7[%swap3A_1213, %swap3A_1214, %swap3A_1215] {strides = array<i32>} : memref<8x8x576xf32, #tpu.memory_space<vmem>>, vector<16xf32>,
      tpu.vector_store %arg7[%swap3A_1213, %swap3A_1214, %swap3A_1215], %gather3A_1211 {strides = array<i32>} : memref<8x8x576xf32, #tpu.memory_space<vmem>>, vector<16xf32>,
      %broadcast_in_dim3A_1217 = arith.constant 1 : i32
      %broadcast_in_dim3A_1218 = vector.broadcast %broadcast_in_dim3A_1217 : i32 to vector<16xi32>
      %gather3A_1219 = tpu.vector_load_idx %arg5[%broadcast_in_dim3A_1218, %get3A_1208] : memref<8x1024xf32, #tpu.memory_space<vmem>>[vector<16xi32>, vector<16xi32>], vector<16xf32>,
      %swap3A_1220 = arith.constant 1 : i32
      %swap3A_1221 = arith.index_cast %add3A_70 : i32 to index
      %swap3A_1222 = arith.index_cast %swap3A_1220 : i32 to index
      %swap3A_1223 = arith.constant 272 : index
      %swap3A_1224 = tpu.vector_load %arg7[%swap3A_1221, %swap3A_1222, %swap3A_1223] {strides = array<i32>} : memref<8x8x576xf32, #tpu.memory_space<vmem>>, vector<16xf32>,
      tpu.vector_store %arg7[%swap3A_1221, %swap3A_1222, %swap3A_1223], %gather3A_1219 {strides = array<i32>} : memref<8x8x576xf32, #tpu.memory_space<vmem>>, vector<16xf32>,
      %broadcast_in_dim3A_1225 = arith.constant 2 : i32
      %broadcast_in_dim3A_1226 = vector.broadcast %broadcast_in_dim3A_1225 : i32 to vector<16xi32>
      %gather3A_1227 = tpu.vector_load_idx %arg5[%broadcast_in_dim3A_1226, %get3A_1208] : memref<8x1024xf32, #tpu.memory_space<vmem>>[vector<16xi32>, vector<16xi32>], vector<16xf32>,
      %swap3A_1228 = arith.constant 2 : i32
      %swap3A_1229 = arith.index_cast %add3A_70 : i32 to index
      %swap3A_1230 = arith.index_cast %swap3A_1228 : i32 to index
      %swap3A_1231 = arith.constant 272 : index
      %swap3A_1232 = tpu.vector_load %arg7[%swap3A_1229, %swap3A_1230, %swap3A_1231] {strides = array<i32>} : memref<8x8x576xf32, #tpu.memory_space<vmem>>, vector<16xf32>,
      tpu.vector_store %arg7[%swap3A_1229, %swap3A_1230, %swap3A_1231], %gather3A_1227 {strides = array<i32>} : memref<8x8x576xf32, #tpu.memory_space<vmem>>, vector<16xf32>,
      %broadcast_in_dim3A_1233 = arith.constant 3 : i32
      %broadcast_in_dim3A_1234 = vector.broadcast %broadcast_in_dim3A_1233 : i32 to vector<16xi32>
      %gather3A_1235 = tpu.vector_load_idx %arg5[%broadcast_in_dim3A_1234, %get3A_1208] : memref<8x1024xf32, #tpu.memory_space<vmem>>[vector<16xi32>, vector<16xi32>], vector<16xf32>,
      %swap3A_1236 = arith.constant 3 : i32
      %swap3A_1237 = arith.index_cast %add3A_70 : i32 to index
      %swap3A_1238 = arith.index_cast %swap3A_1236 : i32 to index
      %swap3A_1239 = arith.constant 272 : index
      %swap3A_1240 = tpu.vector_load %arg7[%swap3A_1237, %swap3A_1238, %swap3A_1239] {strides = array<i32>} : memref<8x8x576xf32, #tpu.memory_space<vmem>>, vector<16xf32>,
      tpu.vector_store %arg7[%swap3A_1237, %swap3A_1238, %swap3A_1239], %gather3A_1235 {strides = array<i32>} : memref<8x8x576xf32, #tpu.memory_space<vmem>>, vector<16xf32>,
      %broadcast_in_dim3A_1241 = arith.constant 4 : i32
      %broadcast_in_dim3A_1242 = vector.broadcast %broadcast_in_dim3A_1241 : i32 to vector<16xi32>
      %gather3A_1243 = tpu.vector_load_idx %arg5[%broadcast_in_dim3A_1242, %get3A_1208] : memref<8x1024xf32, #tpu.memory_space<vmem>>[vector<16xi32>, vector<16xi32>], vector<16xf32>,
      %swap3A_1244 = arith.constant 4 : i32
      %swap3A_1245 = arith.index_cast %add3A_70 : i32 to index
      %swap3A_1246 = arith.index_cast %swap3A_1244 : i32 to index
      %swap3A_1247 = arith.constant 272 : index
      %swap3A_1248 = tpu.vector_load %arg7[%swap3A_1245, %swap3A_1246, %swap3A_1247] {strides = array<i32>} : memref<8x8x576xf32, #tpu.memory_space<vmem>>, vector<16xf32>,
      tpu.vector_store %arg7[%swap3A_1245, %swap3A_1246, %swap3A_1247], %gather3A_1243 {strides = array<i32>} : memref<8x8x576xf32, #tpu.memory_space<vmem>>, vector<16xf32>,
      %broadcast_in_dim3A_1249 = arith.constant 5 : i32
      %broadcast_in_dim3A_1250 = vector.broadcast %broadcast_in_dim3A_1249 : i32 to vector<16xi32>
      %gather3A_1251 = tpu.vector_load_idx %arg5[%broadcast_in_dim3A_1250, %get3A_1208] : memref<8x1024xf32, #tpu.memory_space<vmem>>[vector<16xi32>, vector<16xi32>], vector<16xf32>,
      %swap3A_1252 = arith.constant 5 : i32
      %swap3A_1253 = arith.index_cast %add3A_70 : i32 to index
      %swap3A_1254 = arith.index_cast %swap3A_1252 : i32 to index
      %swap3A_1255 = arith.constant 272 : index
      %swap3A_1256 = tpu.vector_load %arg7[%swap3A_1253, %swap3A_1254, %swap3A_1255] {strides = array<i32>} : memref<8x8x576xf32, #tpu.memory_space<vmem>>, vector<16xf32>,
      tpu.vector_store %arg7[%swap3A_1253, %swap3A_1254, %swap3A_1255], %gather3A_1251 {strides = array<i32>} : memref<8x8x576xf32, #tpu.memory_space<vmem>>, vector<16xf32>,
      %broadcast_in_dim3A_1257 = arith.constant 6 : i32
      %broadcast_in_dim3A_1258 = vector.broadcast %broadcast_in_dim3A_1257 : i32 to vector<16xi32>
      %gather3A_1259 = tpu.vector_load_idx %arg5[%broadcast_in_dim3A_1258, %get3A_1208] : memref<8x1024xf32, #tpu.memory_space<vmem>>[vector<16xi32>, vector<16xi32>], vector<16xf32>,
      %swap3A_1260 = arith.constant 6 : i32
      %swap3A_1261 = arith.index_cast %add3A_70 : i32 to index
      %swap3A_1262 = arith.index_cast %swap3A_1260 : i32 to index
      %swap3A_1263 = arith.constant 272 : index
      %swap3A_1264 = tpu.vector_load %arg7[%swap3A_1261, %swap3A_1262, %swap3A_1263] {strides = array<i32>} : memref<8x8x576xf32, #tpu.memory_space<vmem>>, vector<16xf32>,
      tpu.vector_store %arg7[%swap3A_1261, %swap3A_1262, %swap3A_1263], %gather3A_1259 {strides = array<i32>} : memref<8x8x576xf32, #tpu.memory_space<vmem>>, vector<16xf32>,
      %broadcast_in_dim3A_1265 = arith.constant 7 : i32
      %broadcast_in_dim3A_1266 = vector.broadcast %broadcast_in_dim3A_1265 : i32 to vector<16xi32>
      %gather3A_1267 = tpu.vector_load_idx %arg5[%broadcast_in_dim3A_1266, %get3A_1208] : memref<8x1024xf32, #tpu.memory_space<vmem>>[vector<16xi32>, vector<16xi32>], vector<16xf32>,
      %swap3A_1268 = arith.constant 7 : i32
      %swap3A_1269 = arith.index_cast %add3A_70 : i32 to index
      %swap3A_1270 = arith.index_cast %swap3A_1268 : i32 to index
      %swap3A_1271 = arith.constant 272 : index
      %swap3A_1272 = tpu.vector_load %arg7[%swap3A_1269, %swap3A_1270, %swap3A_1271] {strides = array<i32>} : memref<8x8x576xf32, #tpu.memory_space<vmem>>, vector<16xf32>,
      tpu.vector_store %arg7[%swap3A_1269, %swap3A_1270, %swap3A_1271], %gather3A_1267 {strides = array<i32>} : memref<8x8x576xf32, #tpu.memory_space<vmem>>, vector<16xf32>,
      %get3A_1273 = arith.index_cast %add3A_70 : i32 to index
      %get3A_1274 = arith.constant 288 : index
      %get3A_1275 = tpu.vector_load %arg6[%get3A_1273, %get3A_1274] {strides = array<i32>} : memref<8x576xi32, #tpu.memory_space<vmem>>, vector<16xi32>,
      %broadcast_in_dim3A_1276 = arith.constant 0 : i32
      %broadcast_in_dim3A_1277 = vector.broadcast %broadcast_in_dim3A_1276 : i32 to vector<16xi32>
      %gather3A_1278 = tpu.vector_load_idx %arg5[%broadcast_in_dim3A_1277, %get3A_1275] : memref<8x1024xf32, #tpu.memory_space<vmem>>[vector<16xi32>, vector<16xi32>], vector<16xf32>,
      %swap3A_1279 = arith.constant 0 : i32
      %swap3A_1280 = arith.index_cast %add3A_70 : i32 to index
      %swap3A_1281 = arith.index_cast %swap3A_1279 : i32 to index
      %swap3A_1282 = arith.constant 288 : index
      %swap3A_1283 = tpu.vector_load %arg7[%swap3A_1280, %swap3A_1281, %swap3A_1282] {strides = array<i32>} : memref<8x8x576xf32, #tpu.memory_space<vmem>>, vector<16xf32>,
      tpu.vector_store %arg7[%swap3A_1280, %swap3A_1281, %swap3A_1282], %gather3A_1278 {strides = array<i32>} : memref<8x8x576xf32, #tpu.memory_space<vmem>>, vector<16xf32>,
      %broadcast_in_dim3A_1284 = arith.constant 1 : i32
      %broadcast_in_dim3A_1285 = vector.broadcast %broadcast_in_dim3A_1284 : i32 to vector<16xi32>
      %gather3A_1286 = tpu.vector_load_idx %arg5[%broadcast_in_dim3A_1285, %get3A_1275] : memref<8x1024xf32, #tpu.memory_space<vmem>>[vector<16xi32>, vector<16xi32>], vector<16xf32>,
      %swap3A_1287 = arith.constant 1 : i32
      %swap3A_1288 = arith.index_cast %add3A_70 : i32 to index
      %swap3A_1289 = arith.index_cast %swap3A_1287 : i32 to index
      %swap3A_1290 = arith.constant 288 : index
      %swap3A_1291 = tpu.vector_load %arg7[%swap3A_1288, %swap3A_1289, %swap3A_1290] {strides = array<i32>} : memref<8x8x576xf32, #tpu.memory_space<vmem>>, vector<16xf32>,
      tpu.vector_store %arg7[%swap3A_1288, %swap3A_1289, %swap3A_1290], %gather3A_1286 {strides = array<i32>} : memref<8x8x576xf32, #tpu.memory_space<vmem>>, vector<16xf32>,
      %broadcast_in_dim3A_1292 = arith.constant 2 : i32
      %broadcast_in_dim3A_1293 = vector.broadcast %broadcast_in_dim3A_1292 : i32 to vector<16xi32>
      %gather3A_1294 = tpu.vector_load_idx %arg5[%broadcast_in_dim3A_1293, %get3A_1275] : memref<8x1024xf32, #tpu.memory_space<vmem>>[vector<16xi32>, vector<16xi32>], vector<16xf32>,
      %swap3A_1295 = arith.constant 2 : i32
      %swap3A_1296 = arith.index_cast %add3A_70 : i32 to index
      %swap3A_1297 = arith.index_cast %swap3A_1295 : i32 to index
      %swap3A_1298 = arith.constant 288 : index
      %swap3A_1299 = tpu.vector_load %arg7[%swap3A_1296, %swap3A_1297, %swap3A_1298] {strides = array<i32>} : memref<8x8x576xf32, #tpu.memory_space<vmem>>, vector<16xf32>,
      tpu.vector_store %arg7[%swap3A_1296, %swap3A_1297, %swap3A_1298], %gather3A_1294 {strides = array<i32>} : memref<8x8x576xf32, #tpu.memory_space<vmem>>, vector<16xf32>,
      %broadcast_in_dim3A_1300 = arith.constant 3 : i32
      %broadcast_in_dim3A_1301 = vector.broadcast %broadcast_in_dim3A_1300 : i32 to vector<16xi32>
      %gather3A_1302 = tpu.vector_load_idx %arg5[%broadcast_in_dim3A_1301, %get3A_1275] : memref<8x1024xf32, #tpu.memory_space<vmem>>[vector<16xi32>, vector<16xi32>], vector<16xf32>,
      %swap3A_1303 = arith.constant 3 : i32
      %swap3A_1304 = arith.index_cast %add3A_70 : i32 to index
      %swap3A_1305 = arith.index_cast %swap3A_1303 : i32 to index
      %swap3A_1306 = arith.constant 288 : index
      %swap3A_1307 = tpu.vector_load %arg7[%swap3A_1304, %swap3A_1305, %swap3A_1306] {strides = array<i32>} : memref<8x8x576xf32, #tpu.memory_space<vmem>>, vector<16xf32>,
      tpu.vector_store %arg7[%swap3A_1304, %swap3A_1305, %swap3A_1306], %gather3A_1302 {strides = array<i32>} : memref<8x8x576xf32, #tpu.memory_space<vmem>>, vector<16xf32>,
      %broadcast_in_dim3A_1308 = arith.constant 4 : i32
      %broadcast_in_dim3A_1309 = vector.broadcast %broadcast_in_dim3A_1308 : i32 to vector<16xi32>
      %gather3A_1310 = tpu.vector_load_idx %arg5[%broadcast_in_dim3A_1309, %get3A_1275] : memref<8x1024xf32, #tpu.memory_space<vmem>>[vector<16xi32>, vector<16xi32>], vector<16xf32>,
      %swap3A_1311 = arith.constant 4 : i32
      %swap3A_1312 = arith.index_cast %add3A_70 : i32 to index
      %swap3A_1313 = arith.index_cast %swap3A_1311 : i32 to index
      %swap3A_1314 = arith.constant 288 : index
      %swap3A_1315 = tpu.vector_load %arg7[%swap3A_1312, %swap3A_1313, %swap3A_1314] {strides = array<i32>} : memref<8x8x576xf32, #tpu.memory_space<vmem>>, vector<16xf32>,
      tpu.vector_store %arg7[%swap3A_1312, %swap3A_1313, %swap3A_1314], %gather3A_1310 {strides = array<i32>} : memref<8x8x576xf32, #tpu.memory_space<vmem>>, vector<16xf32>,
      %broadcast_in_dim3A_1316 = arith.constant 5 : i32
      %broadcast_in_dim3A_1317 = vector.broadcast %broadcast_in_dim3A_1316 : i32 to vector<16xi32>
      %gather3A_1318 = tpu.vector_load_idx %arg5[%broadcast_in_dim3A_1317, %get3A_1275] : memref<8x1024xf32, #tpu.memory_space<vmem>>[vector<16xi32>, vector<16xi32>], vector<16xf32>,
      %swap3A_1319 = arith.constant 5 : i32
      %swap3A_1320 = arith.index_cast %add3A_70 : i32 to index
      %swap3A_1321 = arith.index_cast %swap3A_1319 : i32 to index
      %swap3A_1322 = arith.constant 288 : index
      %swap3A_1323 = tpu.vector_load %arg7[%swap3A_1320, %swap3A_1321, %swap3A_1322] {strides = array<i32>} : memref<8x8x576xf32, #tpu.memory_space<vmem>>, vector<16xf32>,
      tpu.vector_store %arg7[%swap3A_1320, %swap3A_1321, %swap3A_1322], %gather3A_1318 {strides = array<i32>} : memref<8x8x576xf32, #tpu.memory_space<vmem>>, vector<16xf32>,
      %broadcast_in_dim3A_1324 = arith.constant 6 : i32
      %broadcast_in_dim3A_1325 = vector.broadcast %broadcast_in_dim3A_1324 : i32 to vector<16xi32>
      %gather3A_1326 = tpu.vector_load_idx %arg5[%broadcast_in_dim3A_1325, %get3A_1275] : memref<8x1024xf32, #tpu.memory_space<vmem>>[vector<16xi32>, vector<16xi32>], vector<16xf32>,
      %swap3A_1327 = arith.constant 6 : i32
      %swap3A_1328 = arith.index_cast %add3A_70 : i32 to index
      %swap3A_1329 = arith.index_cast %swap3A_1327 : i32 to index
      %swap3A_1330 = arith.constant 288 : index
      %swap3A_1331 = tpu.vector_load %arg7[%swap3A_1328, %swap3A_1329, %swap3A_1330] {strides = array<i32>} : memref<8x8x576xf32, #tpu.memory_space<vmem>>, vector<16xf32>,
      tpu.vector_store %arg7[%swap3A_1328, %swap3A_1329, %swap3A_1330], %gather3A_1326 {strides = array<i32>} : memref<8x8x576xf32, #tpu.memory_space<vmem>>, vector<16xf32>,
      %broadcast_in_dim3A_1332 = arith.constant 7 : i32
      %broadcast_in_dim3A_1333 = vector.broadcast %broadcast_in_dim3A_1332 : i32 to vector<16xi32>
      %gather3A_1334 = tpu.vector_load_idx %arg5[%broadcast_in_dim3A_1333, %get3A_1275] : memref<8x1024xf32, #tpu.memory_space<vmem>>[vector<16xi32>, vector<16xi32>], vector<16xf32>,
      %swap3A_1335 = arith.constant 7 : i32
      %swap3A_1336 = arith.index_cast %add3A_70 : i32 to index
      %swap3A_1337 = arith.index_cast %swap3A_1335 : i32 to index
      %swap3A_1338 = arith.constant 288 : index
      %swap3A_1339 = tpu.vector_load %arg7[%swap3A_1336, %swap3A_1337, %swap3A_1338] {strides = array<i32>} : memref<8x8x576xf32, #tpu.memory_space<vmem>>, vector<16xf32>,
      tpu.vector_store %arg7[%swap3A_1336, %swap3A_1337, %swap3A_1338], %gather3A_1334 {strides = array<i32>} : memref<8x8x576xf32, #tpu.memory_space<vmem>>, vector<16xf32>,
      %get3A_1340 = arith.index_cast %add3A_70 : i32 to index
      %get3A_1341 = arith.constant 304 : index
      %get3A_1342 = tpu.vector_load %arg6[%get3A_1340, %get3A_1341] {strides = array<i32>} : memref<8x576xi32, #tpu.memory_space<vmem>>, vector<16xi32>,
      %broadcast_in_dim3A_1343 = arith.constant 0 : i32
      %broadcast_in_dim3A_1344 = vector.broadcast %broadcast_in_dim3A_1343 : i32 to vector<16xi32>
      %gather3A_1345 = tpu.vector_load_idx %arg5[%broadcast_in_dim3A_1344, %get3A_1342] : memref<8x1024xf32, #tpu.memory_space<vmem>>[vector<16xi32>, vector<16xi32>], vector<16xf32>,
      %swap3A_1346 = arith.constant 0 : i32
      %swap3A_1347 = arith.index_cast %add3A_70 : i32 to index
      %swap3A_1348 = arith.index_cast %swap3A_1346 : i32 to index
      %swap3A_1349 = arith.constant 304 : index
      %swap3A_1350 = tpu.vector_load %arg7[%swap3A_1347, %swap3A_1348, %swap3A_1349] {strides = array<i32>} : memref<8x8x576xf32, #tpu.memory_space<vmem>>, vector<16xf32>,
      tpu.vector_store %arg7[%swap3A_1347, %swap3A_1348, %swap3A_1349], %gather3A_1345 {strides = array<i32>} : memref<8x8x576xf32, #tpu.memory_space<vmem>>, vector<16xf32>,
      %broadcast_in_dim3A_1351 = arith.constant 1 : i32
      %broadcast_in_dim3A_1352 = vector.broadcast %broadcast_in_dim3A_1351 : i32 to vector<16xi32>
      %gather3A_1353 = tpu.vector_load_idx %arg5[%broadcast_in_dim3A_1352, %get3A_1342] : memref<8x1024xf32, #tpu.memory_space<vmem>>[vector<16xi32>, vector<16xi32>], vector<16xf32>,
      %swap3A_1354 = arith.constant 1 : i32
      %swap3A_1355 = arith.index_cast %add3A_70 : i32 to index
      %swap3A_1356 = arith.index_cast %swap3A_1354 : i32 to index
      %swap3A_1357 = arith.constant 304 : index
      %swap3A_1358 = tpu.vector_load %arg7[%swap3A_1355, %swap3A_1356, %swap3A_1357] {strides = array<i32>} : memref<8x8x576xf32, #tpu.memory_space<vmem>>, vector<16xf32>,
      tpu.vector_store %arg7[%swap3A_1355, %swap3A_1356, %swap3A_1357], %gather3A_1353 {strides = array<i32>} : memref<8x8x576xf32, #tpu.memory_space<vmem>>, vector<16xf32>,
      %broadcast_in_dim3A_1359 = arith.constant 2 : i32
      %broadcast_in_dim3A_1360 = vector.broadcast %broadcast_in_dim3A_1359 : i32 to vector<16xi32>
      %gather3A_1361 = tpu.vector_load_idx %arg5[%broadcast_in_dim3A_1360, %get3A_1342] : memref<8x1024xf32, #tpu.memory_space<vmem>>[vector<16xi32>, vector<16xi32>], vector<16xf32>,
      %swap3A_1362 = arith.constant 2 : i32
      %swap3A_1363 = arith.index_cast %add3A_70 : i32 to index
      %swap3A_1364 = arith.index_cast %swap3A_1362 : i32 to index
      %swap3A_1365 = arith.constant 304 : index
      %swap3A_1366 = tpu.vector_load %arg7[%swap3A_1363, %swap3A_1364, %swap3A_1365] {strides = array<i32>} : memref<8x8x576xf32, #tpu.memory_space<vmem>>, vector<16xf32>,
      tpu.vector_store %arg7[%swap3A_1363, %swap3A_1364, %swap3A_1365], %gather3A_1361 {strides = array<i32>} : memref<8x8x576xf32, #tpu.memory_space<vmem>>, vector<16xf32>,
      %broadcast_in_dim3A_1367 = arith.constant 3 : i32
      %broadcast_in_dim3A_1368 = vector.broadcast %broadcast_in_dim3A_1367 : i32 to vector<16xi32>
      %gather3A_1369 = tpu.vector_load_idx %arg5[%broadcast_in_dim3A_1368, %get3A_1342] : memref<8x1024xf32, #tpu.memory_space<vmem>>[vector<16xi32>, vector<16xi32>], vector<16xf32>,
      %swap3A_1370 = arith.constant 3 : i32
      %swap3A_1371 = arith.index_cast %add3A_70 : i32 to index
      %swap3A_1372 = arith.index_cast %swap3A_1370 : i32 to index
      %swap3A_1373 = arith.constant 304 : index
      %swap3A_1374 = tpu.vector_load %arg7[%swap3A_1371, %swap3A_1372, %swap3A_1373] {strides = array<i32>} : memref<8x8x576xf32, #tpu.memory_space<vmem>>, vector<16xf32>,
      tpu.vector_store %arg7[%swap3A_1371, %swap3A_1372, %swap3A_1373], %gather3A_1369 {strides = array<i32>} : memref<8x8x576xf32, #tpu.memory_space<vmem>>, vector<16xf32>,
      %broadcast_in_dim3A_1375 = arith.constant 4 : i32
      %broadcast_in_dim3A_1376 = vector.broadcast %broadcast_in_dim3A_1375 : i32 to vector<16xi32>
      %gather3A_1377 = tpu.vector_load_idx %arg5[%broadcast_in_dim3A_1376, %get3A_1342] : memref<8x1024xf32, #tpu.memory_space<vmem>>[vector<16xi32>, vector<16xi32>], vector<16xf32>,
      %swap3A_1378 = arith.constant 4 : i32
      %swap3A_1379 = arith.index_cast %add3A_70 : i32 to index
      %swap3A_1380 = arith.index_cast %swap3A_1378 : i32 to index
      %swap3A_1381 = arith.constant 304 : index
      %swap3A_1382 = tpu.vector_load %arg7[%swap3A_1379, %swap3A_1380, %swap3A_1381] {strides = array<i32>} : memref<8x8x576xf32, #tpu.memory_space<vmem>>, vector<16xf32>,
      tpu.vector_store %arg7[%swap3A_1379, %swap3A_1380, %swap3A_1381], %gather3A_1377 {strides = array<i32>} : memref<8x8x576xf32, #tpu.memory_space<vmem>>, vector<16xf32>,
      %broadcast_in_dim3A_1383 = arith.constant 5 : i32
      %broadcast_in_dim3A_1384 = vector.broadcast %broadcast_in_dim3A_1383 : i32 to vector<16xi32>
      %gather3A_1385 = tpu.vector_load_idx %arg5[%broadcast_in_dim3A_1384, %get3A_1342] : memref<8x1024xf32, #tpu.memory_space<vmem>>[vector<16xi32>, vector<16xi32>], vector<16xf32>,
      %swap3A_1386 = arith.constant 5 : i32
      %swap3A_1387 = arith.index_cast %add3A_70 : i32 to index
      %swap3A_1388 = arith.index_cast %swap3A_1386 : i32 to index
      %swap3A_1389 = arith.constant 304 : index
      %swap3A_1390 = tpu.vector_load %arg7[%swap3A_1387, %swap3A_1388, %swap3A_1389] {strides = array<i32>} : memref<8x8x576xf32, #tpu.memory_space<vmem>>, vector<16xf32>,
      tpu.vector_store %arg7[%swap3A_1387, %swap3A_1388, %swap3A_1389], %gather3A_1385 {strides = array<i32>} : memref<8x8x576xf32, #tpu.memory_space<vmem>>, vector<16xf32>,
      %broadcast_in_dim3A_1391 = arith.constant 6 : i32
      %broadcast_in_dim3A_1392 = vector.broadcast %broadcast_in_dim3A_1391 : i32 to vector<16xi32>
      %gather3A_1393 = tpu.vector_load_idx %arg5[%broadcast_in_dim3A_1392, %get3A_1342] : memref<8x1024xf32, #tpu.memory_space<vmem>>[vector<16xi32>, vector<16xi32>], vector<16xf32>,
      %swap3A_1394 = arith.constant 6 : i32
      %swap3A_1395 = arith.index_cast %add3A_70 : i32 to index
      %swap3A_1396 = arith.index_cast %swap3A_1394 : i32 to index
      %swap3A_1397 = arith.constant 304 : index
      %swap3A_1398 = tpu.vector_load %arg7[%swap3A_1395, %swap3A_1396, %swap3A_1397] {strides = array<i32>} : memref<8x8x576xf32, #tpu.memory_space<vmem>>, vector<16xf32>,
      tpu.vector_store %arg7[%swap3A_1395, %swap3A_1396, %swap3A_1397], %gather3A_1393 {strides = array<i32>} : memref<8x8x576xf32, #tpu.memory_space<vmem>>, vector<16xf32>,
      %broadcast_in_dim3A_1399 = arith.constant 7 : i32
      %broadcast_in_dim3A_1400 = vector.broadcast %broadcast_in_dim3A_1399 : i32 to vector<16xi32>
      %gather3A_1401 = tpu.vector_load_idx %arg5[%broadcast_in_dim3A_1400, %get3A_1342] : memref<8x1024xf32, #tpu.memory_space<vmem>>[vector<16xi32>, vector<16xi32>], vector<16xf32>,
      %swap3A_1402 = arith.constant 7 : i32
      %swap3A_1403 = arith.index_cast %add3A_70 : i32 to index
      %swap3A_1404 = arith.index_cast %swap3A_1402 : i32 to index
      %swap3A_1405 = arith.constant 304 : index
      %swap3A_1406 = tpu.vector_load %arg7[%swap3A_1403, %swap3A_1404, %swap3A_1405] {strides = array<i32>} : memref<8x8x576xf32, #tpu.memory_space<vmem>>, vector<16xf32>,
      tpu.vector_store %arg7[%swap3A_1403, %swap3A_1404, %swap3A_1405], %gather3A_1401 {strides = array<i32>} : memref<8x8x576xf32, #tpu.memory_space<vmem>>, vector<16xf32>,
      %get3A_1407 = arith.index_cast %add3A_70 : i32 to index
      %get3A_1408 = arith.constant 320 : index
      %get3A_1409 = tpu.vector_load %arg6[%get3A_1407, %get3A_1408] {strides = array<i32>} : memref<8x576xi32, #tpu.memory_space<vmem>>, vector<16xi32>,
      %broadcast_in_dim3A_1410 = arith.constant 0 : i32
      %broadcast_in_dim3A_1411 = vector.broadcast %broadcast_in_dim3A_1410 : i32 to vector<16xi32>
      %gather3A_1412 = tpu.vector_load_idx %arg5[%broadcast_in_dim3A_1411, %get3A_1409] : memref<8x1024xf32, #tpu.memory_space<vmem>>[vector<16xi32>, vector<16xi32>], vector<16xf32>,
      %swap3A_1413 = arith.constant 0 : i32
      %swap3A_1414 = arith.index_cast %add3A_70 : i32 to index
      %swap3A_1415 = arith.index_cast %swap3A_1413 : i32 to index
      %swap3A_1416 = arith.constant 320 : index
      %swap3A_1417 = tpu.vector_load %arg7[%swap3A_1414, %swap3A_1415, %swap3A_1416] {strides = array<i32>} : memref<8x8x576xf32, #tpu.memory_space<vmem>>, vector<16xf32>,
      tpu.vector_store %arg7[%swap3A_1414, %swap3A_1415, %swap3A_1416], %gather3A_1412 {strides = array<i32>} : memref<8x8x576xf32, #tpu.memory_space<vmem>>, vector<16xf32>,
      %broadcast_in_dim3A_1418 = arith.constant 1 : i32
      %broadcast_in_dim3A_1419 = vector.broadcast %broadcast_in_dim3A_1418 : i32 to vector<16xi32>
      %gather3A_1420 = tpu.vector_load_idx %arg5[%broadcast_in_dim3A_1419, %get3A_1409] : memref<8x1024xf32, #tpu.memory_space<vmem>>[vector<16xi32>, vector<16xi32>], vector<16xf32>,
      %swap3A_1421 = arith.constant 1 : i32
      %swap3A_1422 = arith.index_cast %add3A_70 : i32 to index
      %swap3A_1423 = arith.index_cast %swap3A_1421 : i32 to index
      %swap3A_1424 = arith.constant 320 : index
      %swap3A_1425 = tpu.vector_load %arg7[%swap3A_1422, %swap3A_1423, %swap3A_1424] {strides = array<i32>} : memref<8x8x576xf32, #tpu.memory_space<vmem>>, vector<16xf32>,
      tpu.vector_store %arg7[%swap3A_1422, %swap3A_1423, %swap3A_1424], %gather3A_1420 {strides = array<i32>} : memref<8x8x576xf32, #tpu.memory_space<vmem>>, vector<16xf32>,
      %broadcast_in_dim3A_1426 = arith.constant 2 : i32
      %broadcast_in_dim3A_1427 = vector.broadcast %broadcast_in_dim3A_1426 : i32 to vector<16xi32>
      %gather3A_1428 = tpu.vector_load_idx %arg5[%broadcast_in_dim3A_1427, %get3A_1409] : memref<8x1024xf32, #tpu.memory_space<vmem>>[vector<16xi32>, vector<16xi32>], vector<16xf32>,
      %swap3A_1429 = arith.constant 2 : i32
      %swap3A_1430 = arith.index_cast %add3A_70 : i32 to index
      %swap3A_1431 = arith.index_cast %swap3A_1429 : i32 to index
      %swap3A_1432 = arith.constant 320 : index
      %swap3A_1433 = tpu.vector_load %arg7[%swap3A_1430, %swap3A_1431, %swap3A_1432] {strides = array<i32>} : memref<8x8x576xf32, #tpu.memory_space<vmem>>, vector<16xf32>,
      tpu.vector_store %arg7[%swap3A_1430, %swap3A_1431, %swap3A_1432], %gather3A_1428 {strides = array<i32>} : memref<8x8x576xf32, #tpu.memory_space<vmem>>, vector<16xf32>,
      %broadcast_in_dim3A_1434 = arith.constant 3 : i32
      %broadcast_in_dim3A_1435 = vector.broadcast %broadcast_in_dim3A_1434 : i32 to vector<16xi32>
      %gather3A_1436 = tpu.vector_load_idx %arg5[%broadcast_in_dim3A_1435, %get3A_1409] : memref<8x1024xf32, #tpu.memory_space<vmem>>[vector<16xi32>, vector<16xi32>], vector<16xf32>,
      %swap3A_1437 = arith.constant 3 : i32
      %swap3A_1438 = arith.index_cast %add3A_70 : i32 to index
      %swap3A_1439 = arith.index_cast %swap3A_1437 : i32 to index
      %swap3A_1440 = arith.constant 320 : index
      %swap3A_1441 = tpu.vector_load %arg7[%swap3A_1438, %swap3A_1439, %swap3A_1440] {strides = array<i32>} : memref<8x8x576xf32, #tpu.memory_space<vmem>>, vector<16xf32>,
      tpu.vector_store %arg7[%swap3A_1438, %swap3A_1439, %swap3A_1440], %gather3A_1436 {strides = array<i32>} : memref<8x8x576xf32, #tpu.memory_space<vmem>>, vector<16xf32>,
      %broadcast_in_dim3A_1442 = arith.constant 4 : i32
      %broadcast_in_dim3A_1443 = vector.broadcast %broadcast_in_dim3A_1442 : i32 to vector<16xi32>
      %gather3A_1444 = tpu.vector_load_idx %arg5[%broadcast_in_dim3A_1443, %get3A_1409] : memref<8x1024xf32, #tpu.memory_space<vmem>>[vector<16xi32>, vector<16xi32>], vector<16xf32>,
      %swap3A_1445 = arith.constant 4 : i32
      %swap3A_1446 = arith.index_cast %add3A_70 : i32 to index
      %swap3A_1447 = arith.index_cast %swap3A_1445 : i32 to index
      %swap3A_1448 = arith.constant 320 : index
      %swap3A_1449 = tpu.vector_load %arg7[%swap3A_1446, %swap3A_1447, %swap3A_1448] {strides = array<i32>} : memref<8x8x576xf32, #tpu.memory_space<vmem>>, vector<16xf32>,
      tpu.vector_store %arg7[%swap3A_1446, %swap3A_1447, %swap3A_1448], %gather3A_1444 {strides = array<i32>} : memref<8x8x576xf32, #tpu.memory_space<vmem>>, vector<16xf32>,
      %broadcast_in_dim3A_1450 = arith.constant 5 : i32
      %broadcast_in_dim3A_1451 = vector.broadcast %broadcast_in_dim3A_1450 : i32 to vector<16xi32>
      %gather3A_1452 = tpu.vector_load_idx %arg5[%broadcast_in_dim3A_1451, %get3A_1409] : memref<8x1024xf32, #tpu.memory_space<vmem>>[vector<16xi32>, vector<16xi32>], vector<16xf32>,
      %swap3A_1453 = arith.constant 5 : i32
      %swap3A_1454 = arith.index_cast %add3A_70 : i32 to index
      %swap3A_1455 = arith.index_cast %swap3A_1453 : i32 to index
      %swap3A_1456 = arith.constant 320 : index
      %swap3A_1457 = tpu.vector_load %arg7[%swap3A_1454, %swap3A_1455, %swap3A_1456] {strides = array<i32>} : memref<8x8x576xf32, #tpu.memory_space<vmem>>, vector<16xf32>,
      tpu.vector_store %arg7[%swap3A_1454, %swap3A_1455, %swap3A_1456], %gather3A_1452 {strides = array<i32>} : memref<8x8x576xf32, #tpu.memory_space<vmem>>, vector<16xf32>,
      %broadcast_in_dim3A_1458 = arith.constant 6 : i32
      %broadcast_in_dim3A_1459 = vector.broadcast %broadcast_in_dim3A_1458 : i32 to vector<16xi32>
      %gather3A_1460 = tpu.vector_load_idx %arg5[%broadcast_in_dim3A_1459, %get3A_1409] : memref<8x1024xf32, #tpu.memory_space<vmem>>[vector<16xi32>, vector<16xi32>], vector<16xf32>,
      %swap3A_1461 = arith.constant 6 : i32
      %swap3A_1462 = arith.index_cast %add3A_70 : i32 to index
      %swap3A_1463 = arith.index_cast %swap3A_1461 : i32 to index
      %swap3A_1464 = arith.constant 320 : index
      %swap3A_1465 = tpu.vector_load %arg7[%swap3A_1462, %swap3A_1463, %swap3A_1464] {strides = array<i32>} : memref<8x8x576xf32, #tpu.memory_space<vmem>>, vector<16xf32>,
      tpu.vector_store %arg7[%swap3A_1462, %swap3A_1463, %swap3A_1464], %gather3A_1460 {strides = array<i32>} : memref<8x8x576xf32, #tpu.memory_space<vmem>>, vector<16xf32>,
      %broadcast_in_dim3A_1466 = arith.constant 7 : i32
      %broadcast_in_dim3A_1467 = vector.broadcast %broadcast_in_dim3A_1466 : i32 to vector<16xi32>
      %gather3A_1468 = tpu.vector_load_idx %arg5[%broadcast_in_dim3A_1467, %get3A_1409] : memref<8x1024xf32, #tpu.memory_space<vmem>>[vector<16xi32>, vector<16xi32>], vector<16xf32>,
      %swap3A_1469 = arith.constant 7 : i32
      %swap3A_1470 = arith.index_cast %add3A_70 : i32 to index
      %swap3A_1471 = arith.index_cast %swap3A_1469 : i32 to index
      %swap3A_1472 = arith.constant 320 : index
      %swap3A_1473 = tpu.vector_load %arg7[%swap3A_1470, %swap3A_1471, %swap3A_1472] {strides = array<i32>} : memref<8x8x576xf32, #tpu.memory_space<vmem>>, vector<16xf32>,
      tpu.vector_store %arg7[%swap3A_1470, %swap3A_1471, %swap3A_1472], %gather3A_1468 {strides = array<i32>} : memref<8x8x576xf32, #tpu.memory_space<vmem>>, vector<16xf32>,
      %get3A_1474 = arith.index_cast %add3A_70 : i32 to index
      %get3A_1475 = arith.constant 336 : index
      %get3A_1476 = tpu.vector_load %arg6[%get3A_1474, %get3A_1475] {strides = array<i32>} : memref<8x576xi32, #tpu.memory_space<vmem>>, vector<16xi32>,
      %broadcast_in_dim3A_1477 = arith.constant 0 : i32
      %broadcast_in_dim3A_1478 = vector.broadcast %broadcast_in_dim3A_1477 : i32 to vector<16xi32>
      %gather3A_1479 = tpu.vector_load_idx %arg5[%broadcast_in_dim3A_1478, %get3A_1476] : memref<8x1024xf32, #tpu.memory_space<vmem>>[vector<16xi32>, vector<16xi32>], vector<16xf32>,
      %swap3A_1480 = arith.constant 0 : i32
      %swap3A_1481 = arith.index_cast %add3A_70 : i32 to index
      %swap3A_1482 = arith.index_cast %swap3A_1480 : i32 to index
      %swap3A_1483 = arith.constant 336 : index
      %swap3A_1484 = tpu.vector_load %arg7[%swap3A_1481, %swap3A_1482, %swap3A_1483] {strides = array<i32>} : memref<8x8x576xf32, #tpu.memory_space<vmem>>, vector<16xf32>,
      tpu.vector_store %arg7[%swap3A_1481, %swap3A_1482, %swap3A_1483], %gather3A_1479 {strides = array<i32>} : memref<8x8x576xf32, #tpu.memory_space<vmem>>, vector<16xf32>,
      %broadcast_in_dim3A_1485 = arith.constant 1 : i32
      %broadcast_in_dim3A_1486 = vector.broadcast %broadcast_in_dim3A_1485 : i32 to vector<16xi32>
      %gather3A_1487 = tpu.vector_load_idx %arg5[%broadcast_in_dim3A_1486, %get3A_1476] : memref<8x1024xf32, #tpu.memory_space<vmem>>[vector<16xi32>, vector<16xi32>], vector<16xf32>,
      %swap3A_1488 = arith.constant 1 : i32
      %swap3A_1489 = arith.index_cast %add3A_70 : i32 to index
      %swap3A_1490 = arith.index_cast %swap3A_1488 : i32 to index
      %swap3A_1491 = arith.constant 336 : index
      %swap3A_1492 = tpu.vector_load %arg7[%swap3A_1489, %swap3A_1490, %swap3A_1491] {strides = array<i32>} : memref<8x8x576xf32, #tpu.memory_space<vmem>>, vector<16xf32>,
      tpu.vector_store %arg7[%swap3A_1489, %swap3A_1490, %swap3A_1491], %gather3A_1487 {strides = array<i32>} : memref<8x8x576xf32, #tpu.memory_space<vmem>>, vector<16xf32>,
      %broadcast_in_dim3A_1493 = arith.constant 2 : i32
      %broadcast_in_dim3A_1494 = vector.broadcast %broadcast_in_dim3A_1493 : i32 to vector<16xi32>
      %gather3A_1495 = tpu.vector_load_idx %arg5[%broadcast_in_dim3A_1494, %get3A_1476] : memref<8x1024xf32, #tpu.memory_space<vmem>>[vector<16xi32>, vector<16xi32>], vector<16xf32>,
      %swap3A_1496 = arith.constant 2 : i32
      %swap3A_1497 = arith.index_cast %add3A_70 : i32 to index
      %swap3A_1498 = arith.index_cast %swap3A_1496 : i32 to index
      %swap3A_1499 = arith.constant 336 : index
      %swap3A_1500 = tpu.vector_load %arg7[%swap3A_1497, %swap3A_1498, %swap3A_1499] {strides = array<i32>} : memref<8x8x576xf32, #tpu.memory_space<vmem>>, vector<16xf32>,
      tpu.vector_store %arg7[%swap3A_1497, %swap3A_1498, %swap3A_1499], %gather3A_1495 {strides = array<i32>} : memref<8x8x576xf32, #tpu.memory_space<vmem>>, vector<16xf32>,
      %broadcast_in_dim3A_1501 = arith.constant 3 : i32
      %broadcast_in_dim3A_1502 = vector.broadcast %broadcast_in_dim3A_1501 : i32 to vector<16xi32>
      %gather3A_1503 = tpu.vector_load_idx %arg5[%broadcast_in_dim3A_1502, %get3A_1476] : memref<8x1024xf32, #tpu.memory_space<vmem>>[vector<16xi32>, vector<16xi32>], vector<16xf32>,
      %swap3A_1504 = arith.constant 3 : i32
      %swap3A_1505 = arith.index_cast %add3A_70 : i32 to index
      %swap3A_1506 = arith.index_cast %swap3A_1504 : i32 to index
      %swap3A_1507 = arith.constant 336 : index
      %swap3A_1508 = tpu.vector_load %arg7[%swap3A_1505, %swap3A_1506, %swap3A_1507] {strides = array<i32>} : memref<8x8x576xf32, #tpu.memory_space<vmem>>, vector<16xf32>,
      tpu.vector_store %arg7[%swap3A_1505, %swap3A_1506, %swap3A_1507], %gather3A_1503 {strides = array<i32>} : memref<8x8x576xf32, #tpu.memory_space<vmem>>, vector<16xf32>,
      %broadcast_in_dim3A_1509 = arith.constant 4 : i32
      %broadcast_in_dim3A_1510 = vector.broadcast %broadcast_in_dim3A_1509 : i32 to vector<16xi32>
      %gather3A_1511 = tpu.vector_load_idx %arg5[%broadcast_in_dim3A_1510, %get3A_1476] : memref<8x1024xf32, #tpu.memory_space<vmem>>[vector<16xi32>, vector<16xi32>], vector<16xf32>,
      %swap3A_1512 = arith.constant 4 : i32
      %swap3A_1513 = arith.index_cast %add3A_70 : i32 to index
      %swap3A_1514 = arith.index_cast %swap3A_1512 : i32 to index
      %swap3A_1515 = arith.constant 336 : index
      %swap3A_1516 = tpu.vector_load %arg7[%swap3A_1513, %swap3A_1514, %swap3A_1515] {strides = array<i32>} : memref<8x8x576xf32, #tpu.memory_space<vmem>>, vector<16xf32>,
      tpu.vector_store %arg7[%swap3A_1513, %swap3A_1514, %swap3A_1515], %gather3A_1511 {strides = array<i32>} : memref<8x8x576xf32, #tpu.memory_space<vmem>>, vector<16xf32>,
      %broadcast_in_dim3A_1517 = arith.constant 5 : i32
      %broadcast_in_dim3A_1518 = vector.broadcast %broadcast_in_dim3A_1517 : i32 to vector<16xi32>
      %gather3A_1519 = tpu.vector_load_idx %arg5[%broadcast_in_dim3A_1518, %get3A_1476] : memref<8x1024xf32, #tpu.memory_space<vmem>>[vector<16xi32>, vector<16xi32>], vector<16xf32>,
      %swap3A_1520 = arith.constant 5 : i32
      %swap3A_1521 = arith.index_cast %add3A_70 : i32 to index
      %swap3A_1522 = arith.index_cast %swap3A_1520 : i32 to index
      %swap3A_1523 = arith.constant 336 : index
      %swap3A_1524 = tpu.vector_load %arg7[%swap3A_1521, %swap3A_1522, %swap3A_1523] {strides = array<i32>} : memref<8x8x576xf32, #tpu.memory_space<vmem>>, vector<16xf32>,
      tpu.vector_store %arg7[%swap3A_1521, %swap3A_1522, %swap3A_1523], %gather3A_1519 {strides = array<i32>} : memref<8x8x576xf32, #tpu.memory_space<vmem>>, vector<16xf32>,
      %broadcast_in_dim3A_1525 = arith.constant 6 : i32
      %broadcast_in_dim3A_1526 = vector.broadcast %broadcast_in_dim3A_1525 : i32 to vector<16xi32>
      %gather3A_1527 = tpu.vector_load_idx %arg5[%broadcast_in_dim3A_1526, %get3A_1476] : memref<8x1024xf32, #tpu.memory_space<vmem>>[vector<16xi32>, vector<16xi32>], vector<16xf32>,
      %swap3A_1528 = arith.constant 6 : i32
      %swap3A_1529 = arith.index_cast %add3A_70 : i32 to index
      %swap3A_1530 = arith.index_cast %swap3A_1528 : i32 to index
      %swap3A_1531 = arith.constant 336 : index
      %swap3A_1532 = tpu.vector_load %arg7[%swap3A_1529, %swap3A_1530, %swap3A_1531] {strides = array<i32>} : memref<8x8x576xf32, #tpu.memory_space<vmem>>, vector<16xf32>,
      tpu.vector_store %arg7[%swap3A_1529, %swap3A_1530, %swap3A_1531], %gather3A_1527 {strides = array<i32>} : memref<8x8x576xf32, #tpu.memory_space<vmem>>, vector<16xf32>,
      %broadcast_in_dim3A_1533 = arith.constant 7 : i32
      %broadcast_in_dim3A_1534 = vector.broadcast %broadcast_in_dim3A_1533 : i32 to vector<16xi32>
      %gather3A_1535 = tpu.vector_load_idx %arg5[%broadcast_in_dim3A_1534, %get3A_1476] : memref<8x1024xf32, #tpu.memory_space<vmem>>[vector<16xi32>, vector<16xi32>], vector<16xf32>,
      %swap3A_1536 = arith.constant 7 : i32
      %swap3A_1537 = arith.index_cast %add3A_70 : i32 to index
      %swap3A_1538 = arith.index_cast %swap3A_1536 : i32 to index
      %swap3A_1539 = arith.constant 336 : index
      %swap3A_1540 = tpu.vector_load %arg7[%swap3A_1537, %swap3A_1538, %swap3A_1539] {strides = array<i32>} : memref<8x8x576xf32, #tpu.memory_space<vmem>>, vector<16xf32>,
      tpu.vector_store %arg7[%swap3A_1537, %swap3A_1538, %swap3A_1539], %gather3A_1535 {strides = array<i32>} : memref<8x8x576xf32, #tpu.memory_space<vmem>>, vector<16xf32>,
      %get3A_1541 = arith.index_cast %add3A_70 : i32 to index
      %get3A_1542 = arith.constant 352 : index
      %get3A_1543 = tpu.vector_load %arg6[%get3A_1541, %get3A_1542] {strides = array<i32>} : memref<8x576xi32, #tpu.memory_space<vmem>>, vector<16xi32>,
      %broadcast_in_dim3A_1544 = arith.constant 0 : i32
      %broadcast_in_dim3A_1545 = vector.broadcast %broadcast_in_dim3A_1544 : i32 to vector<16xi32>
      %gather3A_1546 = tpu.vector_load_idx %arg5[%broadcast_in_dim3A_1545, %get3A_1543] : memref<8x1024xf32, #tpu.memory_space<vmem>>[vector<16xi32>, vector<16xi32>], vector<16xf32>,
      %swap3A_1547 = arith.constant 0 : i32
      %swap3A_1548 = arith.index_cast %add3A_70 : i32 to index
      %swap3A_1549 = arith.index_cast %swap3A_1547 : i32 to index
      %swap3A_1550 = arith.constant 352 : index
      %swap3A_1551 = tpu.vector_load %arg7[%swap3A_1548, %swap3A_1549, %swap3A_1550] {strides = array<i32>} : memref<8x8x576xf32, #tpu.memory_space<vmem>>, vector<16xf32>,
      tpu.vector_store %arg7[%swap3A_1548, %swap3A_1549, %swap3A_1550], %gather3A_1546 {strides = array<i32>} : memref<8x8x576xf32, #tpu.memory_space<vmem>>, vector<16xf32>,
      %broadcast_in_dim3A_1552 = arith.constant 1 : i32
      %broadcast_in_dim3A_1553 = vector.broadcast %broadcast_in_dim3A_1552 : i32 to vector<16xi32>
      %gather3A_1554 = tpu.vector_load_idx %arg5[%broadcast_in_dim3A_1553, %get3A_1543] : memref<8x1024xf32, #tpu.memory_space<vmem>>[vector<16xi32>, vector<16xi32>], vector<16xf32>,
      %swap3A_1555 = arith.constant 1 : i32
      %swap3A_1556 = arith.index_cast %add3A_70 : i32 to index
      %swap3A_1557 = arith.index_cast %swap3A_1555 : i32 to index
      %swap3A_1558 = arith.constant 352 : index
      %swap3A_1559 = tpu.vector_load %arg7[%swap3A_1556, %swap3A_1557, %swap3A_1558] {strides = array<i32>} : memref<8x8x576xf32, #tpu.memory_space<vmem>>, vector<16xf32>,
      tpu.vector_store %arg7[%swap3A_1556, %swap3A_1557, %swap3A_1558], %gather3A_1554 {strides = array<i32>} : memref<8x8x576xf32, #tpu.memory_space<vmem>>, vector<16xf32>,
      %broadcast_in_dim3A_1560 = arith.constant 2 : i32
      %broadcast_in_dim3A_1561 = vector.broadcast %broadcast_in_dim3A_1560 : i32 to vector<16xi32>
      %gather3A_1562 = tpu.vector_load_idx %arg5[%broadcast_in_dim3A_1561, %get3A_1543] : memref<8x1024xf32, #tpu.memory_space<vmem>>[vector<16xi32>, vector<16xi32>], vector<16xf32>,
      %swap3A_1563 = arith.constant 2 : i32
      %swap3A_1564 = arith.index_cast %add3A_70 : i32 to index
      %swap3A_1565 = arith.index_cast %swap3A_1563 : i32 to index
      %swap3A_1566 = arith.constant 352 : index
      %swap3A_1567 = tpu.vector_load %arg7[%swap3A_1564, %swap3A_1565, %swap3A_1566] {strides = array<i32>} : memref<8x8x576xf32, #tpu.memory_space<vmem>>, vector<16xf32>,
      tpu.vector_store %arg7[%swap3A_1564, %swap3A_1565, %swap3A_1566], %gather3A_1562 {strides = array<i32>} : memref<8x8x576xf32, #tpu.memory_space<vmem>>, vector<16xf32>,
      %broadcast_in_dim3A_1568 = arith.constant 3 : i32
      %broadcast_in_dim3A_1569 = vector.broadcast %broadcast_in_dim3A_1568 : i32 to vector<16xi32>
      %gather3A_1570 = tpu.vector_load_idx %arg5[%broadcast_in_dim3A_1569, %get3A_1543] : memref<8x1024xf32, #tpu.memory_space<vmem>>[vector<16xi32>, vector<16xi32>], vector<16xf32>,
      %swap3A_1571 = arith.constant 3 : i32
      %swap3A_1572 = arith.index_cast %add3A_70 : i32 to index
      %swap3A_1573 = arith.index_cast %swap3A_1571 : i32 to index
      %swap3A_1574 = arith.constant 352 : index
      %swap3A_1575 = tpu.vector_load %arg7[%swap3A_1572, %swap3A_1573, %swap3A_1574] {strides = array<i32>} : memref<8x8x576xf32, #tpu.memory_space<vmem>>, vector<16xf32>,
      tpu.vector_store %arg7[%swap3A_1572, %swap3A_1573, %swap3A_1574], %gather3A_1570 {strides = array<i32>} : memref<8x8x576xf32, #tpu.memory_space<vmem>>, vector<16xf32>,
      %broadcast_in_dim3A_1576 = arith.constant 4 : i32
      %broadcast_in_dim3A_1577 = vector.broadcast %broadcast_in_dim3A_1576 : i32 to vector<16xi32>
      %gather3A_1578 = tpu.vector_load_idx %arg5[%broadcast_in_dim3A_1577, %get3A_1543] : memref<8x1024xf32, #tpu.memory_space<vmem>>[vector<16xi32>, vector<16xi32>], vector<16xf32>,
      %swap3A_1579 = arith.constant 4 : i32
      %swap3A_1580 = arith.index_cast %add3A_70 : i32 to index
      %swap3A_1581 = arith.index_cast %swap3A_1579 : i32 to index
      %swap3A_1582 = arith.constant 352 : index
      %swap3A_1583 = tpu.vector_load %arg7[%swap3A_1580, %swap3A_1581, %swap3A_1582] {strides = array<i32>} : memref<8x8x576xf32, #tpu.memory_space<vmem>>, vector<16xf32>,
      tpu.vector_store %arg7[%swap3A_1580, %swap3A_1581, %swap3A_1582], %gather3A_1578 {strides = array<i32>} : memref<8x8x576xf32, #tpu.memory_space<vmem>>, vector<16xf32>,
      %broadcast_in_dim3A_1584 = arith.constant 5 : i32
      %broadcast_in_dim3A_1585 = vector.broadcast %broadcast_in_dim3A_1584 : i32 to vector<16xi32>
      %gather3A_1586 = tpu.vector_load_idx %arg5[%broadcast_in_dim3A_1585, %get3A_1543] : memref<8x1024xf32, #tpu.memory_space<vmem>>[vector<16xi32>, vector<16xi32>], vector<16xf32>,
      %swap3A_1587 = arith.constant 5 : i32
      %swap3A_1588 = arith.index_cast %add3A_70 : i32 to index
      %swap3A_1589 = arith.index_cast %swap3A_1587 : i32 to index
      %swap3A_1590 = arith.constant 352 : index
      %swap3A_1591 = tpu.vector_load %arg7[%swap3A_1588, %swap3A_1589, %swap3A_1590] {strides = array<i32>} : memref<8x8x576xf32, #tpu.memory_space<vmem>>, vector<16xf32>,
      tpu.vector_store %arg7[%swap3A_1588, %swap3A_1589, %swap3A_1590], %gather3A_1586 {strides = array<i32>} : memref<8x8x576xf32, #tpu.memory_space<vmem>>, vector<16xf32>,
      %broadcast_in_dim3A_1592 = arith.constant 6 : i32
      %broadcast_in_dim3A_1593 = vector.broadcast %broadcast_in_dim3A_1592 : i32 to vector<16xi32>
      %gather3A_1594 = tpu.vector_load_idx %arg5[%broadcast_in_dim3A_1593, %get3A_1543] : memref<8x1024xf32, #tpu.memory_space<vmem>>[vector<16xi32>, vector<16xi32>], vector<16xf32>,
      %swap3A_1595 = arith.constant 6 : i32
      %swap3A_1596 = arith.index_cast %add3A_70 : i32 to index
      %swap3A_1597 = arith.index_cast %swap3A_1595 : i32 to index
      %swap3A_1598 = arith.constant 352 : index
      %swap3A_1599 = tpu.vector_load %arg7[%swap3A_1596, %swap3A_1597, %swap3A_1598] {strides = array<i32>} : memref<8x8x576xf32, #tpu.memory_space<vmem>>, vector<16xf32>,
      tpu.vector_store %arg7[%swap3A_1596, %swap3A_1597, %swap3A_1598], %gather3A_1594 {strides = array<i32>} : memref<8x8x576xf32, #tpu.memory_space<vmem>>, vector<16xf32>,
      %broadcast_in_dim3A_1600 = arith.constant 7 : i32
      %broadcast_in_dim3A_1601 = vector.broadcast %broadcast_in_dim3A_1600 : i32 to vector<16xi32>
      %gather3A_1602 = tpu.vector_load_idx %arg5[%broadcast_in_dim3A_1601, %get3A_1543] : memref<8x1024xf32, #tpu.memory_space<vmem>>[vector<16xi32>, vector<16xi32>], vector<16xf32>,
      %swap3A_1603 = arith.constant 7 : i32
      %swap3A_1604 = arith.index_cast %add3A_70 : i32 to index
      %swap3A_1605 = arith.index_cast %swap3A_1603 : i32 to index
      %swap3A_1606 = arith.constant 352 : index
      %swap3A_1607 = tpu.vector_load %arg7[%swap3A_1604, %swap3A_1605, %swap3A_1606] {strides = array<i32>} : memref<8x8x576xf32, #tpu.memory_space<vmem>>, vector<16xf32>,
      tpu.vector_store %arg7[%swap3A_1604, %swap3A_1605, %swap3A_1606], %gather3A_1602 {strides = array<i32>} : memref<8x8x576xf32, #tpu.memory_space<vmem>>, vector<16xf32>,
      %get3A_1608 = arith.index_cast %add3A_70 : i32 to index
      %get3A_1609 = arith.constant 368 : index
      %get3A_1610 = tpu.vector_load %arg6[%get3A_1608, %get3A_1609] {strides = array<i32>} : memref<8x576xi32, #tpu.memory_space<vmem>>, vector<16xi32>,
      %broadcast_in_dim3A_1611 = arith.constant 0 : i32
      %broadcast_in_dim3A_1612 = vector.broadcast %broadcast_in_dim3A_1611 : i32 to vector<16xi32>
      %gather3A_1613 = tpu.vector_load_idx %arg5[%broadcast_in_dim3A_1612, %get3A_1610] : memref<8x1024xf32, #tpu.memory_space<vmem>>[vector<16xi32>, vector<16xi32>], vector<16xf32>,
      %swap3A_1614 = arith.constant 0 : i32
      %swap3A_1615 = arith.index_cast %add3A_70 : i32 to index
      %swap3A_1616 = arith.index_cast %swap3A_1614 : i32 to index
      %swap3A_1617 = arith.constant 368 : index
      %swap3A_1618 = tpu.vector_load %arg7[%swap3A_1615, %swap3A_1616, %swap3A_1617] {strides = array<i32>} : memref<8x8x576xf32, #tpu.memory_space<vmem>>, vector<16xf32>,
      tpu.vector_store %arg7[%swap3A_1615, %swap3A_1616, %swap3A_1617], %gather3A_1613 {strides = array<i32>} : memref<8x8x576xf32, #tpu.memory_space<vmem>>, vector<16xf32>,
      %broadcast_in_dim3A_1619 = arith.constant 1 : i32
      %broadcast_in_dim3A_1620 = vector.broadcast %broadcast_in_dim3A_1619 : i32 to vector<16xi32>
      %gather3A_1621 = tpu.vector_load_idx %arg5[%broadcast_in_dim3A_1620, %get3A_1610] : memref<8x1024xf32, #tpu.memory_space<vmem>>[vector<16xi32>, vector<16xi32>], vector<16xf32>,
      %swap3A_1622 = arith.constant 1 : i32
      %swap3A_1623 = arith.index_cast %add3A_70 : i32 to index
      %swap3A_1624 = arith.index_cast %swap3A_1622 : i32 to index
      %swap3A_1625 = arith.constant 368 : index
      %swap3A_1626 = tpu.vector_load %arg7[%swap3A_1623, %swap3A_1624, %swap3A_1625] {strides = array<i32>} : memref<8x8x576xf32, #tpu.memory_space<vmem>>, vector<16xf32>,
      tpu.vector_store %arg7[%swap3A_1623, %swap3A_1624, %swap3A_1625], %gather3A_1621 {strides = array<i32>} : memref<8x8x576xf32, #tpu.memory_space<vmem>>, vector<16xf32>,
      %broadcast_in_dim3A_1627 = arith.constant 2 : i32
      %broadcast_in_dim3A_1628 = vector.broadcast %broadcast_in_dim3A_1627 : i32 to vector<16xi32>
      %gather3A_1629 = tpu.vector_load_idx %arg5[%broadcast_in_dim3A_1628, %get3A_1610] : memref<8x1024xf32, #tpu.memory_space<vmem>>[vector<16xi32>, vector<16xi32>], vector<16xf32>,
      %swap3A_1630 = arith.constant 2 : i32
      %swap3A_1631 = arith.index_cast %add3A_70 : i32 to index
      %swap3A_1632 = arith.index_cast %swap3A_1630 : i32 to index
      %swap3A_1633 = arith.constant 368 : index
      %swap3A_1634 = tpu.vector_load %arg7[%swap3A_1631, %swap3A_1632, %swap3A_1633] {strides = array<i32>} : memref<8x8x576xf32, #tpu.memory_space<vmem>>, vector<16xf32>,
      tpu.vector_store %arg7[%swap3A_1631, %swap3A_1632, %swap3A_1633], %gather3A_1629 {strides = array<i32>} : memref<8x8x576xf32, #tpu.memory_space<vmem>>, vector<16xf32>,
      %broadcast_in_dim3A_1635 = arith.constant 3 : i32
      %broadcast_in_dim3A_1636 = vector.broadcast %broadcast_in_dim3A_1635 : i32 to vector<16xi32>
      %gather3A_1637 = tpu.vector_load_idx %arg5[%broadcast_in_dim3A_1636, %get3A_1610] : memref<8x1024xf32, #tpu.memory_space<vmem>>[vector<16xi32>, vector<16xi32>], vector<16xf32>,
      %swap3A_1638 = arith.constant 3 : i32
      %swap3A_1639 = arith.index_cast %add3A_70 : i32 to index
      %swap3A_1640 = arith.index_cast %swap3A_1638 : i32 to index
      %swap3A_1641 = arith.constant 368 : index
      %swap3A_1642 = tpu.vector_load %arg7[%swap3A_1639, %swap3A_1640, %swap3A_1641] {strides = array<i32>} : memref<8x8x576xf32, #tpu.memory_space<vmem>>, vector<16xf32>,
      tpu.vector_store %arg7[%swap3A_1639, %swap3A_1640, %swap3A_1641], %gather3A_1637 {strides = array<i32>} : memref<8x8x576xf32, #tpu.memory_space<vmem>>, vector<16xf32>,
      %broadcast_in_dim3A_1643 = arith.constant 4 : i32
      %broadcast_in_dim3A_1644 = vector.broadcast %broadcast_in_dim3A_1643 : i32 to vector<16xi32>
      %gather3A_1645 = tpu.vector_load_idx %arg5[%broadcast_in_dim3A_1644, %get3A_1610] : memref<8x1024xf32, #tpu.memory_space<vmem>>[vector<16xi32>, vector<16xi32>], vector<16xf32>,
      %swap3A_1646 = arith.constant 4 : i32
      %swap3A_1647 = arith.index_cast %add3A_70 : i32 to index
      %swap3A_1648 = arith.index_cast %swap3A_1646 : i32 to index
      %swap3A_1649 = arith.constant 368 : index
      %swap3A_1650 = tpu.vector_load %arg7[%swap3A_1647, %swap3A_1648, %swap3A_1649] {strides = array<i32>} : memref<8x8x576xf32, #tpu.memory_space<vmem>>, vector<16xf32>,
      tpu.vector_store %arg7[%swap3A_1647, %swap3A_1648, %swap3A_1649], %gather3A_1645 {strides = array<i32>} : memref<8x8x576xf32, #tpu.memory_space<vmem>>, vector<16xf32>,
      %broadcast_in_dim3A_1651 = arith.constant 5 : i32
      %broadcast_in_dim3A_1652 = vector.broadcast %broadcast_in_dim3A_1651 : i32 to vector<16xi32>
      %gather3A_1653 = tpu.vector_load_idx %arg5[%broadcast_in_dim3A_1652, %get3A_1610] : memref<8x1024xf32, #tpu.memory_space<vmem>>[vector<16xi32>, vector<16xi32>], vector<16xf32>,
      %swap3A_1654 = arith.constant 5 : i32
      %swap3A_1655 = arith.index_cast %add3A_70 : i32 to index
      %swap3A_1656 = arith.index_cast %swap3A_1654 : i32 to index
      %swap3A_1657 = arith.constant 368 : index
      %swap3A_1658 = tpu.vector_load %arg7[%swap3A_1655, %swap3A_1656, %swap3A_1657] {strides = array<i32>} : memref<8x8x576xf32, #tpu.memory_space<vmem>>, vector<16xf32>,
      tpu.vector_store %arg7[%swap3A_1655, %swap3A_1656, %swap3A_1657], %gather3A_1653 {strides = array<i32>} : memref<8x8x576xf32, #tpu.memory_space<vmem>>, vector<16xf32>,
      %broadcast_in_dim3A_1659 = arith.constant 6 : i32
      %broadcast_in_dim3A_1660 = vector.broadcast %broadcast_in_dim3A_1659 : i32 to vector<16xi32>
      %gather3A_1661 = tpu.vector_load_idx %arg5[%broadcast_in_dim3A_1660, %get3A_1610] : memref<8x1024xf32, #tpu.memory_space<vmem>>[vector<16xi32>, vector<16xi32>], vector<16xf32>,
      %swap3A_1662 = arith.constant 6 : i32
      %swap3A_1663 = arith.index_cast %add3A_70 : i32 to index
      %swap3A_1664 = arith.index_cast %swap3A_1662 : i32 to index
      %swap3A_1665 = arith.constant 368 : index
      %swap3A_1666 = tpu.vector_load %arg7[%swap3A_1663, %swap3A_1664, %swap3A_1665] {strides = array<i32>} : memref<8x8x576xf32, #tpu.memory_space<vmem>>, vector<16xf32>,
      tpu.vector_store %arg7[%swap3A_1663, %swap3A_1664, %swap3A_1665], %gather3A_1661 {strides = array<i32>} : memref<8x8x576xf32, #tpu.memory_space<vmem>>, vector<16xf32>,
      %broadcast_in_dim3A_1667 = arith.constant 7 : i32
      %broadcast_in_dim3A_1668 = vector.broadcast %broadcast_in_dim3A_1667 : i32 to vector<16xi32>
      %gather3A_1669 = tpu.vector_load_idx %arg5[%broadcast_in_dim3A_1668, %get3A_1610] : memref<8x1024xf32, #tpu.memory_space<vmem>>[vector<16xi32>, vector<16xi32>], vector<16xf32>,
      %swap3A_1670 = arith.constant 7 : i32
      %swap3A_1671 = arith.index_cast %add3A_70 : i32 to index
      %swap3A_1672 = arith.index_cast %swap3A_1670 : i32 to index
      %swap3A_1673 = arith.constant 368 : index
      %swap3A_1674 = tpu.vector_load %arg7[%swap3A_1671, %swap3A_1672, %swap3A_1673] {strides = array<i32>} : memref<8x8x576xf32, #tpu.memory_space<vmem>>, vector<16xf32>,
      tpu.vector_store %arg7[%swap3A_1671, %swap3A_1672, %swap3A_1673], %gather3A_1669 {strides = array<i32>} : memref<8x8x576xf32, #tpu.memory_space<vmem>>, vector<16xf32>,
      %get3A_1675 = arith.index_cast %add3A_70 : i32 to index
      %get3A_1676 = arith.constant 384 : index
      %get3A_1677 = tpu.vector_load %arg6[%get3A_1675, %get3A_1676] {strides = array<i32>} : memref<8x576xi32, #tpu.memory_space<vmem>>, vector<16xi32>,
      %broadcast_in_dim3A_1678 = arith.constant 0 : i32
      %broadcast_in_dim3A_1679 = vector.broadcast %broadcast_in_dim3A_1678 : i32 to vector<16xi32>
      %gather3A_1680 = tpu.vector_load_idx %arg5[%broadcast_in_dim3A_1679, %get3A_1677] : memref<8x1024xf32, #tpu.memory_space<vmem>>[vector<16xi32>, vector<16xi32>], vector<16xf32>,
      %swap3A_1681 = arith.constant 0 : i32
      %swap3A_1682 = arith.index_cast %add3A_70 : i32 to index
      %swap3A_1683 = arith.index_cast %swap3A_1681 : i32 to index
      %swap3A_1684 = arith.constant 384 : index
      %swap3A_1685 = tpu.vector_load %arg7[%swap3A_1682, %swap3A_1683, %swap3A_1684] {strides = array<i32>} : memref<8x8x576xf32, #tpu.memory_space<vmem>>, vector<16xf32>,
      tpu.vector_store %arg7[%swap3A_1682, %swap3A_1683, %swap3A_1684], %gather3A_1680 {strides = array<i32>} : memref<8x8x576xf32, #tpu.memory_space<vmem>>, vector<16xf32>,
      %broadcast_in_dim3A_1686 = arith.constant 1 : i32
      %broadcast_in_dim3A_1687 = vector.broadcast %broadcast_in_dim3A_1686 : i32 to vector<16xi32>
      %gather3A_1688 = tpu.vector_load_idx %arg5[%broadcast_in_dim3A_1687, %get3A_1677] : memref<8x1024xf32, #tpu.memory_space<vmem>>[vector<16xi32>, vector<16xi32>], vector<16xf32>,
      %swap3A_1689 = arith.constant 1 : i32
      %swap3A_1690 = arith.index_cast %add3A_70 : i32 to index
      %swap3A_1691 = arith.index_cast %swap3A_1689 : i32 to index
      %swap3A_1692 = arith.constant 384 : index
      %swap3A_1693 = tpu.vector_load %arg7[%swap3A_1690, %swap3A_1691, %swap3A_1692] {strides = array<i32>} : memref<8x8x576xf32, #tpu.memory_space<vmem>>, vector<16xf32>,
      tpu.vector_store %arg7[%swap3A_1690, %swap3A_1691, %swap3A_1692], %gather3A_1688 {strides = array<i32>} : memref<8x8x576xf32, #tpu.memory_space<vmem>>, vector<16xf32>,
      %broadcast_in_dim3A_1694 = arith.constant 2 : i32
      %broadcast_in_dim3A_1695 = vector.broadcast %broadcast_in_dim3A_1694 : i32 to vector<16xi32>
      %gather3A_1696 = tpu.vector_load_idx %arg5[%broadcast_in_dim3A_1695, %get3A_1677] : memref<8x1024xf32, #tpu.memory_space<vmem>>[vector<16xi32>, vector<16xi32>], vector<16xf32>,
      %swap3A_1697 = arith.constant 2 : i32
      %swap3A_1698 = arith.index_cast %add3A_70 : i32 to index
      %swap3A_1699 = arith.index_cast %swap3A_1697 : i32 to index
      %swap3A_1700 = arith.constant 384 : index
      %swap3A_1701 = tpu.vector_load %arg7[%swap3A_1698, %swap3A_1699, %swap3A_1700] {strides = array<i32>} : memref<8x8x576xf32, #tpu.memory_space<vmem>>, vector<16xf32>,
      tpu.vector_store %arg7[%swap3A_1698, %swap3A_1699, %swap3A_1700], %gather3A_1696 {strides = array<i32>} : memref<8x8x576xf32, #tpu.memory_space<vmem>>, vector<16xf32>,
      %broadcast_in_dim3A_1702 = arith.constant 3 : i32
      %broadcast_in_dim3A_1703 = vector.broadcast %broadcast_in_dim3A_1702 : i32 to vector<16xi32>
      %gather3A_1704 = tpu.vector_load_idx %arg5[%broadcast_in_dim3A_1703, %get3A_1677] : memref<8x1024xf32, #tpu.memory_space<vmem>>[vector<16xi32>, vector<16xi32>], vector<16xf32>,
      %swap3A_1705 = arith.constant 3 : i32
      %swap3A_1706 = arith.index_cast %add3A_70 : i32 to index
      %swap3A_1707 = arith.index_cast %swap3A_1705 : i32 to index
      %swap3A_1708 = arith.constant 384 : index
      %swap3A_1709 = tpu.vector_load %arg7[%swap3A_1706, %swap3A_1707, %swap3A_1708] {strides = array<i32>} : memref<8x8x576xf32, #tpu.memory_space<vmem>>, vector<16xf32>,
      tpu.vector_store %arg7[%swap3A_1706, %swap3A_1707, %swap3A_1708], %gather3A_1704 {strides = array<i32>} : memref<8x8x576xf32, #tpu.memory_space<vmem>>, vector<16xf32>,
      %broadcast_in_dim3A_1710 = arith.constant 4 : i32
      %broadcast_in_dim3A_1711 = vector.broadcast %broadcast_in_dim3A_1710 : i32 to vector<16xi32>
      %gather3A_1712 = tpu.vector_load_idx %arg5[%broadcast_in_dim3A_1711, %get3A_1677] : memref<8x1024xf32, #tpu.memory_space<vmem>>[vector<16xi32>, vector<16xi32>], vector<16xf32>,
      %swap3A_1713 = arith.constant 4 : i32
      %swap3A_1714 = arith.index_cast %add3A_70 : i32 to index
      %swap3A_1715 = arith.index_cast %swap3A_1713 : i32 to index
      %swap3A_1716 = arith.constant 384 : index
      %swap3A_1717 = tpu.vector_load %arg7[%swap3A_1714, %swap3A_1715, %swap3A_1716] {strides = array<i32>} : memref<8x8x576xf32, #tpu.memory_space<vmem>>, vector<16xf32>,
      tpu.vector_store %arg7[%swap3A_1714, %swap3A_1715, %swap3A_1716], %gather3A_1712 {strides = array<i32>} : memref<8x8x576xf32, #tpu.memory_space<vmem>>, vector<16xf32>,
      %broadcast_in_dim3A_1718 = arith.constant 5 : i32
      %broadcast_in_dim3A_1719 = vector.broadcast %broadcast_in_dim3A_1718 : i32 to vector<16xi32>
      %gather3A_1720 = tpu.vector_load_idx %arg5[%broadcast_in_dim3A_1719, %get3A_1677] : memref<8x1024xf32, #tpu.memory_space<vmem>>[vector<16xi32>, vector<16xi32>], vector<16xf32>,
      %swap3A_1721 = arith.constant 5 : i32
      %swap3A_1722 = arith.index_cast %add3A_70 : i32 to index
      %swap3A_1723 = arith.index_cast %swap3A_1721 : i32 to index
      %swap3A_1724 = arith.constant 384 : index
      %swap3A_1725 = tpu.vector_load %arg7[%swap3A_1722, %swap3A_1723, %swap3A_1724] {strides = array<i32>} : memref<8x8x576xf32, #tpu.memory_space<vmem>>, vector<16xf32>,
      tpu.vector_store %arg7[%swap3A_1722, %swap3A_1723, %swap3A_1724], %gather3A_1720 {strides = array<i32>} : memref<8x8x576xf32, #tpu.memory_space<vmem>>, vector<16xf32>,
      %broadcast_in_dim3A_1726 = arith.constant 6 : i32
      %broadcast_in_dim3A_1727 = vector.broadcast %broadcast_in_dim3A_1726 : i32 to vector<16xi32>
      %gather3A_1728 = tpu.vector_load_idx %arg5[%broadcast_in_dim3A_1727, %get3A_1677] : memref<8x1024xf32, #tpu.memory_space<vmem>>[vector<16xi32>, vector<16xi32>], vector<16xf32>,
      %swap3A_1729 = arith.constant 6 : i32
      %swap3A_1730 = arith.index_cast %add3A_70 : i32 to index
      %swap3A_1731 = arith.index_cast %swap3A_1729 : i32 to index
      %swap3A_1732 = arith.constant 384 : index
      %swap3A_1733 = tpu.vector_load %arg7[%swap3A_1730, %swap3A_1731, %swap3A_1732] {strides = array<i32>} : memref<8x8x576xf32, #tpu.memory_space<vmem>>, vector<16xf32>,
      tpu.vector_store %arg7[%swap3A_1730, %swap3A_1731, %swap3A_1732], %gather3A_1728 {strides = array<i32>} : memref<8x8x576xf32, #tpu.memory_space<vmem>>, vector<16xf32>,
      %broadcast_in_dim3A_1734 = arith.constant 7 : i32
      %broadcast_in_dim3A_1735 = vector.broadcast %broadcast_in_dim3A_1734 : i32 to vector<16xi32>
      %gather3A_1736 = tpu.vector_load_idx %arg5[%broadcast_in_dim3A_1735, %get3A_1677] : memref<8x1024xf32, #tpu.memory_space<vmem>>[vector<16xi32>, vector<16xi32>], vector<16xf32>,
      %swap3A_1737 = arith.constant 7 : i32
      %swap3A_1738 = arith.index_cast %add3A_70 : i32 to index
      %swap3A_1739 = arith.index_cast %swap3A_1737 : i32 to index
      %swap3A_1740 = arith.constant 384 : index
      %swap3A_1741 = tpu.vector_load %arg7[%swap3A_1738, %swap3A_1739, %swap3A_1740] {strides = array<i32>} : memref<8x8x576xf32, #tpu.memory_space<vmem>>, vector<16xf32>,
      tpu.vector_store %arg7[%swap3A_1738, %swap3A_1739, %swap3A_1740], %gather3A_1736 {strides = array<i32>} : memref<8x8x576xf32, #tpu.memory_space<vmem>>, vector<16xf32>,
      %get3A_1742 = arith.index_cast %add3A_70 : i32 to index
      %get3A_1743 = arith.constant 400 : index
      %get3A_1744 = tpu.vector_load %arg6[%get3A_1742, %get3A_1743] {strides = array<i32>} : memref<8x576xi32, #tpu.memory_space<vmem>>, vector<16xi32>,
      %broadcast_in_dim3A_1745 = arith.constant 0 : i32
      %broadcast_in_dim3A_1746 = vector.broadcast %broadcast_in_dim3A_1745 : i32 to vector<16xi32>
      %gather3A_1747 = tpu.vector_load_idx %arg5[%broadcast_in_dim3A_1746, %get3A_1744] : memref<8x1024xf32, #tpu.memory_space<vmem>>[vector<16xi32>, vector<16xi32>], vector<16xf32>,
      %swap3A_1748 = arith.constant 0 : i32
      %swap3A_1749 = arith.index_cast %add3A_70 : i32 to index
      %swap3A_1750 = arith.index_cast %swap3A_1748 : i32 to index
      %swap3A_1751 = arith.constant 400 : index
      %swap3A_1752 = tpu.vector_load %arg7[%swap3A_1749, %swap3A_1750, %swap3A_1751] {strides = array<i32>} : memref<8x8x576xf32, #tpu.memory_space<vmem>>, vector<16xf32>,
      tpu.vector_store %arg7[%swap3A_1749, %swap3A_1750, %swap3A_1751], %gather3A_1747 {strides = array<i32>} : memref<8x8x576xf32, #tpu.memory_space<vmem>>, vector<16xf32>,
      %broadcast_in_dim3A_1753 = arith.constant 1 : i32
      %broadcast_in_dim3A_1754 = vector.broadcast %broadcast_in_dim3A_1753 : i32 to vector<16xi32>
      %gather3A_1755 = tpu.vector_load_idx %arg5[%broadcast_in_dim3A_1754, %get3A_1744] : memref<8x1024xf32, #tpu.memory_space<vmem>>[vector<16xi32>, vector<16xi32>], vector<16xf32>,
      %swap3A_1756 = arith.constant 1 : i32
      %swap3A_1757 = arith.index_cast %add3A_70 : i32 to index
      %swap3A_1758 = arith.index_cast %swap3A_1756 : i32 to index
      %swap3A_1759 = arith.constant 400 : index
      %swap3A_1760 = tpu.vector_load %arg7[%swap3A_1757, %swap3A_1758, %swap3A_1759] {strides = array<i32>} : memref<8x8x576xf32, #tpu.memory_space<vmem>>, vector<16xf32>,
      tpu.vector_store %arg7[%swap3A_1757, %swap3A_1758, %swap3A_1759], %gather3A_1755 {strides = array<i32>} : memref<8x8x576xf32, #tpu.memory_space<vmem>>, vector<16xf32>,
      %broadcast_in_dim3A_1761 = arith.constant 2 : i32
      %broadcast_in_dim3A_1762 = vector.broadcast %broadcast_in_dim3A_1761 : i32 to vector<16xi32>
      %gather3A_1763 = tpu.vector_load_idx %arg5[%broadcast_in_dim3A_1762, %get3A_1744] : memref<8x1024xf32, #tpu.memory_space<vmem>>[vector<16xi32>, vector<16xi32>], vector<16xf32>,
      %swap3A_1764 = arith.constant 2 : i32
      %swap3A_1765 = arith.index_cast %add3A_70 : i32 to index
      %swap3A_1766 = arith.index_cast %swap3A_1764 : i32 to index
      %swap3A_1767 = arith.constant 400 : index
      %swap3A_1768 = tpu.vector_load %arg7[%swap3A_1765, %swap3A_1766, %swap3A_1767] {strides = array<i32>} : memref<8x8x576xf32, #tpu.memory_space<vmem>>, vector<16xf32>,
      tpu.vector_store %arg7[%swap3A_1765, %swap3A_1766, %swap3A_1767], %gather3A_1763 {strides = array<i32>} : memref<8x8x576xf32, #tpu.memory_space<vmem>>, vector<16xf32>,
      %broadcast_in_dim3A_1769 = arith.constant 3 : i32
      %broadcast_in_dim3A_1770 = vector.broadcast %broadcast_in_dim3A_1769 : i32 to vector<16xi32>
      %gather3A_1771 = tpu.vector_load_idx %arg5[%broadcast_in_dim3A_1770, %get3A_1744] : memref<8x1024xf32, #tpu.memory_space<vmem>>[vector<16xi32>, vector<16xi32>], vector<16xf32>,
      %swap3A_1772 = arith.constant 3 : i32
      %swap3A_1773 = arith.index_cast %add3A_70 : i32 to index
      %swap3A_1774 = arith.index_cast %swap3A_1772 : i32 to index
      %swap3A_1775 = arith.constant 400 : index
      %swap3A_1776 = tpu.vector_load %arg7[%swap3A_1773, %swap3A_1774, %swap3A_1775] {strides = array<i32>} : memref<8x8x576xf32, #tpu.memory_space<vmem>>, vector<16xf32>,
      tpu.vector_store %arg7[%swap3A_1773, %swap3A_1774, %swap3A_1775], %gather3A_1771 {strides = array<i32>} : memref<8x8x576xf32, #tpu.memory_space<vmem>>, vector<16xf32>,
      %broadcast_in_dim3A_1777 = arith.constant 4 : i32
      %broadcast_in_dim3A_1778 = vector.broadcast %broadcast_in_dim3A_1777 : i32 to vector<16xi32>
      %gather3A_1779 = tpu.vector_load_idx %arg5[%broadcast_in_dim3A_1778, %get3A_1744] : memref<8x1024xf32, #tpu.memory_space<vmem>>[vector<16xi32>, vector<16xi32>], vector<16xf32>,
      %swap3A_1780 = arith.constant 4 : i32
      %swap3A_1781 = arith.index_cast %add3A_70 : i32 to index
      %swap3A_1782 = arith.index_cast %swap3A_1780 : i32 to index
      %swap3A_1783 = arith.constant 400 : index
      %swap3A_1784 = tpu.vector_load %arg7[%swap3A_1781, %swap3A_1782, %swap3A_1783] {strides = array<i32>} : memref<8x8x576xf32, #tpu.memory_space<vmem>>, vector<16xf32>,
      tpu.vector_store %arg7[%swap3A_1781, %swap3A_1782, %swap3A_1783], %gather3A_1779 {strides = array<i32>} : memref<8x8x576xf32, #tpu.memory_space<vmem>>, vector<16xf32>,
      %broadcast_in_dim3A_1785 = arith.constant 5 : i32
      %broadcast_in_dim3A_1786 = vector.broadcast %broadcast_in_dim3A_1785 : i32 to vector<16xi32>
      %gather3A_1787 = tpu.vector_load_idx %arg5[%broadcast_in_dim3A_1786, %get3A_1744] : memref<8x1024xf32, #tpu.memory_space<vmem>>[vector<16xi32>, vector<16xi32>], vector<16xf32>,
      %swap3A_1788 = arith.constant 5 : i32
      %swap3A_1789 = arith.index_cast %add3A_70 : i32 to index
      %swap3A_1790 = arith.index_cast %swap3A_1788 : i32 to index
      %swap3A_1791 = arith.constant 400 : index
      %swap3A_1792 = tpu.vector_load %arg7[%swap3A_1789, %swap3A_1790, %swap3A_1791] {strides = array<i32>} : memref<8x8x576xf32, #tpu.memory_space<vmem>>, vector<16xf32>,
      tpu.vector_store %arg7[%swap3A_1789, %swap3A_1790, %swap3A_1791], %gather3A_1787 {strides = array<i32>} : memref<8x8x576xf32, #tpu.memory_space<vmem>>, vector<16xf32>,
      %broadcast_in_dim3A_1793 = arith.constant 6 : i32
      %broadcast_in_dim3A_1794 = vector.broadcast %broadcast_in_dim3A_1793 : i32 to vector<16xi32>
      %gather3A_1795 = tpu.vector_load_idx %arg5[%broadcast_in_dim3A_1794, %get3A_1744] : memref<8x1024xf32, #tpu.memory_space<vmem>>[vector<16xi32>, vector<16xi32>], vector<16xf32>,
      %swap3A_1796 = arith.constant 6 : i32
      %swap3A_1797 = arith.index_cast %add3A_70 : i32 to index
      %swap3A_1798 = arith.index_cast %swap3A_1796 : i32 to index
      %swap3A_1799 = arith.constant 400 : index
      %swap3A_1800 = tpu.vector_load %arg7[%swap3A_1797, %swap3A_1798, %swap3A_1799] {strides = array<i32>} : memref<8x8x576xf32, #tpu.memory_space<vmem>>, vector<16xf32>,
      tpu.vector_store %arg7[%swap3A_1797, %swap3A_1798, %swap3A_1799], %gather3A_1795 {strides = array<i32>} : memref<8x8x576xf32, #tpu.memory_space<vmem>>, vector<16xf32>,
      %broadcast_in_dim3A_1801 = arith.constant 7 : i32
      %broadcast_in_dim3A_1802 = vector.broadcast %broadcast_in_dim3A_1801 : i32 to vector<16xi32>
      %gather3A_1803 = tpu.vector_load_idx %arg5[%broadcast_in_dim3A_1802, %get3A_1744] : memref<8x1024xf32, #tpu.memory_space<vmem>>[vector<16xi32>, vector<16xi32>], vector<16xf32>,
      %swap3A_1804 = arith.constant 7 : i32
      %swap3A_1805 = arith.index_cast %add3A_70 : i32 to index
      %swap3A_1806 = arith.index_cast %swap3A_1804 : i32 to index
      %swap3A_1807 = arith.constant 400 : index
      %swap3A_1808 = tpu.vector_load %arg7[%swap3A_1805, %swap3A_1806, %swap3A_1807] {strides = array<i32>} : memref<8x8x576xf32, #tpu.memory_space<vmem>>, vector<16xf32>,
      tpu.vector_store %arg7[%swap3A_1805, %swap3A_1806, %swap3A_1807], %gather3A_1803 {strides = array<i32>} : memref<8x8x576xf32, #tpu.memory_space<vmem>>, vector<16xf32>,
      %get3A_1809 = arith.index_cast %add3A_70 : i32 to index
      %get3A_1810 = arith.constant 416 : index
      %get3A_1811 = tpu.vector_load %arg6[%get3A_1809, %get3A_1810] {strides = array<i32>} : memref<8x576xi32, #tpu.memory_space<vmem>>, vector<16xi32>,
      %broadcast_in_dim3A_1812 = arith.constant 0 : i32
      %broadcast_in_dim3A_1813 = vector.broadcast %broadcast_in_dim3A_1812 : i32 to vector<16xi32>
      %gather3A_1814 = tpu.vector_load_idx %arg5[%broadcast_in_dim3A_1813, %get3A_1811] : memref<8x1024xf32, #tpu.memory_space<vmem>>[vector<16xi32>, vector<16xi32>], vector<16xf32>,
      %swap3A_1815 = arith.constant 0 : i32
      %swap3A_1816 = arith.index_cast %add3A_70 : i32 to index
      %swap3A_1817 = arith.index_cast %swap3A_1815 : i32 to index
      %swap3A_1818 = arith.constant 416 : index
      %swap3A_1819 = tpu.vector_load %arg7[%swap3A_1816, %swap3A_1817, %swap3A_1818] {strides = array<i32>} : memref<8x8x576xf32, #tpu.memory_space<vmem>>, vector<16xf32>,
      tpu.vector_store %arg7[%swap3A_1816, %swap3A_1817, %swap3A_1818], %gather3A_1814 {strides = array<i32>} : memref<8x8x576xf32, #tpu.memory_space<vmem>>, vector<16xf32>,
      %broadcast_in_dim3A_1820 = arith.constant 1 : i32
      %broadcast_in_dim3A_1821 = vector.broadcast %broadcast_in_dim3A_1820 : i32 to vector<16xi32>
      %gather3A_1822 = tpu.vector_load_idx %arg5[%broadcast_in_dim3A_1821, %get3A_1811] : memref<8x1024xf32, #tpu.memory_space<vmem>>[vector<16xi32>, vector<16xi32>], vector<16xf32>,
      %swap3A_1823 = arith.constant 1 : i32
      %swap3A_1824 = arith.index_cast %add3A_70 : i32 to index
      %swap3A_1825 = arith.index_cast %swap3A_1823 : i32 to index
      %swap3A_1826 = arith.constant 416 : index
      %swap3A_1827 = tpu.vector_load %arg7[%swap3A_1824, %swap3A_1825, %swap3A_1826] {strides = array<i32>} : memref<8x8x576xf32, #tpu.memory_space<vmem>>, vector<16xf32>,
      tpu.vector_store %arg7[%swap3A_1824, %swap3A_1825, %swap3A_1826], %gather3A_1822 {strides = array<i32>} : memref<8x8x576xf32, #tpu.memory_space<vmem>>, vector<16xf32>,
      %broadcast_in_dim3A_1828 = arith.constant 2 : i32
      %broadcast_in_dim3A_1829 = vector.broadcast %broadcast_in_dim3A_1828 : i32 to vector<16xi32>
      %gather3A_1830 = tpu.vector_load_idx %arg5[%broadcast_in_dim3A_1829, %get3A_1811] : memref<8x1024xf32, #tpu.memory_space<vmem>>[vector<16xi32>, vector<16xi32>], vector<16xf32>,
      %swap3A_1831 = arith.constant 2 : i32
      %swap3A_1832 = arith.index_cast %add3A_70 : i32 to index
      %swap3A_1833 = arith.index_cast %swap3A_1831 : i32 to index
      %swap3A_1834 = arith.constant 416 : index
      %swap3A_1835 = tpu.vector_load %arg7[%swap3A_1832, %swap3A_1833, %swap3A_1834] {strides = array<i32>} : memref<8x8x576xf32, #tpu.memory_space<vmem>>, vector<16xf32>,
      tpu.vector_store %arg7[%swap3A_1832, %swap3A_1833, %swap3A_1834], %gather3A_1830 {strides = array<i32>} : memref<8x8x576xf32, #tpu.memory_space<vmem>>, vector<16xf32>,
      %broadcast_in_dim3A_1836 = arith.constant 3 : i32
      %broadcast_in_dim3A_1837 = vector.broadcast %broadcast_in_dim3A_1836 : i32 to vector<16xi32>
      %gather3A_1838 = tpu.vector_load_idx %arg5[%broadcast_in_dim3A_1837, %get3A_1811] : memref<8x1024xf32, #tpu.memory_space<vmem>>[vector<16xi32>, vector<16xi32>], vector<16xf32>,
      %swap3A_1839 = arith.constant 3 : i32
      %swap3A_1840 = arith.index_cast %add3A_70 : i32 to index
      %swap3A_1841 = arith.index_cast %swap3A_1839 : i32 to index
      %swap3A_1842 = arith.constant 416 : index
      %swap3A_1843 = tpu.vector_load %arg7[%swap3A_1840, %swap3A_1841, %swap3A_1842] {strides = array<i32>} : memref<8x8x576xf32, #tpu.memory_space<vmem>>, vector<16xf32>,
      tpu.vector_store %arg7[%swap3A_1840, %swap3A_1841, %swap3A_1842], %gather3A_1838 {strides = array<i32>} : memref<8x8x576xf32, #tpu.memory_space<vmem>>, vector<16xf32>,
      %broadcast_in_dim3A_1844 = arith.constant 4 : i32
      %broadcast_in_dim3A_1845 = vector.broadcast %broadcast_in_dim3A_1844 : i32 to vector<16xi32>
      %gather3A_1846 = tpu.vector_load_idx %arg5[%broadcast_in_dim3A_1845, %get3A_1811] : memref<8x1024xf32, #tpu.memory_space<vmem>>[vector<16xi32>, vector<16xi32>], vector<16xf32>,
      %swap3A_1847 = arith.constant 4 : i32
      %swap3A_1848 = arith.index_cast %add3A_70 : i32 to index
      %swap3A_1849 = arith.index_cast %swap3A_1847 : i32 to index
      %swap3A_1850 = arith.constant 416 : index
      %swap3A_1851 = tpu.vector_load %arg7[%swap3A_1848, %swap3A_1849, %swap3A_1850] {strides = array<i32>} : memref<8x8x576xf32, #tpu.memory_space<vmem>>, vector<16xf32>,
      tpu.vector_store %arg7[%swap3A_1848, %swap3A_1849, %swap3A_1850], %gather3A_1846 {strides = array<i32>} : memref<8x8x576xf32, #tpu.memory_space<vmem>>, vector<16xf32>,
      %broadcast_in_dim3A_1852 = arith.constant 5 : i32
      %broadcast_in_dim3A_1853 = vector.broadcast %broadcast_in_dim3A_1852 : i32 to vector<16xi32>
      %gather3A_1854 = tpu.vector_load_idx %arg5[%broadcast_in_dim3A_1853, %get3A_1811] : memref<8x1024xf32, #tpu.memory_space<vmem>>[vector<16xi32>, vector<16xi32>], vector<16xf32>,
      %swap3A_1855 = arith.constant 5 : i32
      %swap3A_1856 = arith.index_cast %add3A_70 : i32 to index
      %swap3A_1857 = arith.index_cast %swap3A_1855 : i32 to index
      %swap3A_1858 = arith.constant 416 : index
      %swap3A_1859 = tpu.vector_load %arg7[%swap3A_1856, %swap3A_1857, %swap3A_1858] {strides = array<i32>} : memref<8x8x576xf32, #tpu.memory_space<vmem>>, vector<16xf32>,
      tpu.vector_store %arg7[%swap3A_1856, %swap3A_1857, %swap3A_1858], %gather3A_1854 {strides = array<i32>} : memref<8x8x576xf32, #tpu.memory_space<vmem>>, vector<16xf32>,
      %broadcast_in_dim3A_1860 = arith.constant 6 : i32
      %broadcast_in_dim3A_1861 = vector.broadcast %broadcast_in_dim3A_1860 : i32 to vector<16xi32>
      %gather3A_1862 = tpu.vector_load_idx %arg5[%broadcast_in_dim3A_1861, %get3A_1811] : memref<8x1024xf32, #tpu.memory_space<vmem>>[vector<16xi32>, vector<16xi32>], vector<16xf32>,
      %swap3A_1863 = arith.constant 6 : i32
      %swap3A_1864 = arith.index_cast %add3A_70 : i32 to index
      %swap3A_1865 = arith.index_cast %swap3A_1863 : i32 to index
      %swap3A_1866 = arith.constant 416 : index
      %swap3A_1867 = tpu.vector_load %arg7[%swap3A_1864, %swap3A_1865, %swap3A_1866] {strides = array<i32>} : memref<8x8x576xf32, #tpu.memory_space<vmem>>, vector<16xf32>,
      tpu.vector_store %arg7[%swap3A_1864, %swap3A_1865, %swap3A_1866], %gather3A_1862 {strides = array<i32>} : memref<8x8x576xf32, #tpu.memory_space<vmem>>, vector<16xf32>,
      %broadcast_in_dim3A_1868 = arith.constant 7 : i32
      %broadcast_in_dim3A_1869 = vector.broadcast %broadcast_in_dim3A_1868 : i32 to vector<16xi32>
      %gather3A_1870 = tpu.vector_load_idx %arg5[%broadcast_in_dim3A_1869, %get3A_1811] : memref<8x1024xf32, #tpu.memory_space<vmem>>[vector<16xi32>, vector<16xi32>], vector<16xf32>,
      %swap3A_1871 = arith.constant 7 : i32
      %swap3A_1872 = arith.index_cast %add3A_70 : i32 to index
      %swap3A_1873 = arith.index_cast %swap3A_1871 : i32 to index
      %swap3A_1874 = arith.constant 416 : index
      %swap3A_1875 = tpu.vector_load %arg7[%swap3A_1872, %swap3A_1873, %swap3A_1874] {strides = array<i32>} : memref<8x8x576xf32, #tpu.memory_space<vmem>>, vector<16xf32>,
      tpu.vector_store %arg7[%swap3A_1872, %swap3A_1873, %swap3A_1874], %gather3A_1870 {strides = array<i32>} : memref<8x8x576xf32, #tpu.memory_space<vmem>>, vector<16xf32>,
      %get3A_1876 = arith.index_cast %add3A_70 : i32 to index
      %get3A_1877 = arith.constant 432 : index
      %get3A_1878 = tpu.vector_load %arg6[%get3A_1876, %get3A_1877] {strides = array<i32>} : memref<8x576xi32, #tpu.memory_space<vmem>>, vector<16xi32>,
      %broadcast_in_dim3A_1879 = arith.constant 0 : i32
      %broadcast_in_dim3A_1880 = vector.broadcast %broadcast_in_dim3A_1879 : i32 to vector<16xi32>
      %gather3A_1881 = tpu.vector_load_idx %arg5[%broadcast_in_dim3A_1880, %get3A_1878] : memref<8x1024xf32, #tpu.memory_space<vmem>>[vector<16xi32>, vector<16xi32>], vector<16xf32>,
      %swap3A_1882 = arith.constant 0 : i32
      %swap3A_1883 = arith.index_cast %add3A_70 : i32 to index
      %swap3A_1884 = arith.index_cast %swap3A_1882 : i32 to index
      %swap3A_1885 = arith.constant 432 : index
      %swap3A_1886 = tpu.vector_load %arg7[%swap3A_1883, %swap3A_1884, %swap3A_1885] {strides = array<i32>} : memref<8x8x576xf32, #tpu.memory_space<vmem>>, vector<16xf32>,
      tpu.vector_store %arg7[%swap3A_1883, %swap3A_1884, %swap3A_1885], %gather3A_1881 {strides = array<i32>} : memref<8x8x576xf32, #tpu.memory_space<vmem>>, vector<16xf32>,
      %broadcast_in_dim3A_1887 = arith.constant 1 : i32
      %broadcast_in_dim3A_1888 = vector.broadcast %broadcast_in_dim3A_1887 : i32 to vector<16xi32>
      %gather3A_1889 = tpu.vector_load_idx %arg5[%broadcast_in_dim3A_1888, %get3A_1878] : memref<8x1024xf32, #tpu.memory_space<vmem>>[vector<16xi32>, vector<16xi32>], vector<16xf32>,
      %swap3A_1890 = arith.constant 1 : i32
      %swap3A_1891 = arith.index_cast %add3A_70 : i32 to index
      %swap3A_1892 = arith.index_cast %swap3A_1890 : i32 to index
      %swap3A_1893 = arith.constant 432 : index
      %swap3A_1894 = tpu.vector_load %arg7[%swap3A_1891, %swap3A_1892, %swap3A_1893] {strides = array<i32>} : memref<8x8x576xf32, #tpu.memory_space<vmem>>, vector<16xf32>,
      tpu.vector_store %arg7[%swap3A_1891, %swap3A_1892, %swap3A_1893], %gather3A_1889 {strides = array<i32>} : memref<8x8x576xf32, #tpu.memory_space<vmem>>, vector<16xf32>,
      %broadcast_in_dim3A_1895 = arith.constant 2 : i32
      %broadcast_in_dim3A_1896 = vector.broadcast %broadcast_in_dim3A_1895 : i32 to vector<16xi32>
      %gather3A_1897 = tpu.vector_load_idx %arg5[%broadcast_in_dim3A_1896, %get3A_1878] : memref<8x1024xf32, #tpu.memory_space<vmem>>[vector<16xi32>, vector<16xi32>], vector<16xf32>,
      %swap3A_1898 = arith.constant 2 : i32
      %swap3A_1899 = arith.index_cast %add3A_70 : i32 to index
      %swap3A_1900 = arith.index_cast %swap3A_1898 : i32 to index
      %swap3A_1901 = arith.constant 432 : index
      %swap3A_1902 = tpu.vector_load %arg7[%swap3A_1899, %swap3A_1900, %swap3A_1901] {strides = array<i32>} : memref<8x8x576xf32, #tpu.memory_space<vmem>>, vector<16xf32>,
      tpu.vector_store %arg7[%swap3A_1899, %swap3A_1900, %swap3A_1901], %gather3A_1897 {strides = array<i32>} : memref<8x8x576xf32, #tpu.memory_space<vmem>>, vector<16xf32>,
      %broadcast_in_dim3A_1903 = arith.constant 3 : i32
      %broadcast_in_dim3A_1904 = vector.broadcast %broadcast_in_dim3A_1903 : i32 to vector<16xi32>
      %gather3A_1905 = tpu.vector_load_idx %arg5[%broadcast_in_dim3A_1904, %get3A_1878] : memref<8x1024xf32, #tpu.memory_space<vmem>>[vector<16xi32>, vector<16xi32>], vector<16xf32>,
      %swap3A_1906 = arith.constant 3 : i32
      %swap3A_1907 = arith.index_cast %add3A_70 : i32 to index
      %swap3A_1908 = arith.index_cast %swap3A_1906 : i32 to index
      %swap3A_1909 = arith.constant 432 : index
      %swap3A_1910 = tpu.vector_load %arg7[%swap3A_1907, %swap3A_1908, %swap3A_1909] {strides = array<i32>} : memref<8x8x576xf32, #tpu.memory_space<vmem>>, vector<16xf32>,
      tpu.vector_store %arg7[%swap3A_1907, %swap3A_1908, %swap3A_1909], %gather3A_1905 {strides = array<i32>} : memref<8x8x576xf32, #tpu.memory_space<vmem>>, vector<16xf32>,
      %broadcast_in_dim3A_1911 = arith.constant 4 : i32
      %broadcast_in_dim3A_1912 = vector.broadcast %broadcast_in_dim3A_1911 : i32 to vector<16xi32>
      %gather3A_1913 = tpu.vector_load_idx %arg5[%broadcast_in_dim3A_1912, %get3A_1878] : memref<8x1024xf32, #tpu.memory_space<vmem>>[vector<16xi32>, vector<16xi32>], vector<16xf32>,
      %swap3A_1914 = arith.constant 4 : i32
      %swap3A_1915 = arith.index_cast %add3A_70 : i32 to index
      %swap3A_1916 = arith.index_cast %swap3A_1914 : i32 to index
      %swap3A_1917 = arith.constant 432 : index
      %swap3A_1918 = tpu.vector_load %arg7[%swap3A_1915, %swap3A_1916, %swap3A_1917] {strides = array<i32>} : memref<8x8x576xf32, #tpu.memory_space<vmem>>, vector<16xf32>,
      tpu.vector_store %arg7[%swap3A_1915, %swap3A_1916, %swap3A_1917], %gather3A_1913 {strides = array<i32>} : memref<8x8x576xf32, #tpu.memory_space<vmem>>, vector<16xf32>,
      %broadcast_in_dim3A_1919 = arith.constant 5 : i32
      %broadcast_in_dim3A_1920 = vector.broadcast %broadcast_in_dim3A_1919 : i32 to vector<16xi32>
      %gather3A_1921 = tpu.vector_load_idx %arg5[%broadcast_in_dim3A_1920, %get3A_1878] : memref<8x1024xf32, #tpu.memory_space<vmem>>[vector<16xi32>, vector<16xi32>], vector<16xf32>,
      %swap3A_1922 = arith.constant 5 : i32
      %swap3A_1923 = arith.index_cast %add3A_70 : i32 to index
      %swap3A_1924 = arith.index_cast %swap3A_1922 : i32 to index
      %swap3A_1925 = arith.constant 432 : index
      %swap3A_1926 = tpu.vector_load %arg7[%swap3A_1923, %swap3A_1924, %swap3A_1925] {strides = array<i32>} : memref<8x8x576xf32, #tpu.memory_space<vmem>>, vector<16xf32>,
      tpu.vector_store %arg7[%swap3A_1923, %swap3A_1924, %swap3A_1925], %gather3A_1921 {strides = array<i32>} : memref<8x8x576xf32, #tpu.memory_space<vmem>>, vector<16xf32>,
      %broadcast_in_dim3A_1927 = arith.constant 6 : i32
      %broadcast_in_dim3A_1928 = vector.broadcast %broadcast_in_dim3A_1927 : i32 to vector<16xi32>
      %gather3A_1929 = tpu.vector_load_idx %arg5[%broadcast_in_dim3A_1928, %get3A_1878] : memref<8x1024xf32, #tpu.memory_space<vmem>>[vector<16xi32>, vector<16xi32>], vector<16xf32>,
      %swap3A_1930 = arith.constant 6 : i32
      %swap3A_1931 = arith.index_cast %add3A_70 : i32 to index
      %swap3A_1932 = arith.index_cast %swap3A_1930 : i32 to index
      %swap3A_1933 = arith.constant 432 : index
      %swap3A_1934 = tpu.vector_load %arg7[%swap3A_1931, %swap3A_1932, %swap3A_1933] {strides = array<i32>} : memref<8x8x576xf32, #tpu.memory_space<vmem>>, vector<16xf32>,
      tpu.vector_store %arg7[%swap3A_1931, %swap3A_1932, %swap3A_1933], %gather3A_1929 {strides = array<i32>} : memref<8x8x576xf32, #tpu.memory_space<vmem>>, vector<16xf32>,
      %broadcast_in_dim3A_1935 = arith.constant 7 : i32
      %broadcast_in_dim3A_1936 = vector.broadcast %broadcast_in_dim3A_1935 : i32 to vector<16xi32>
      %gather3A_1937 = tpu.vector_load_idx %arg5[%broadcast_in_dim3A_1936, %get3A_1878] : memref<8x1024xf32, #tpu.memory_space<vmem>>[vector<16xi32>, vector<16xi32>], vector<16xf32>,
      %swap3A_1938 = arith.constant 7 : i32
      %swap3A_1939 = arith.index_cast %add3A_70 : i32 to index
      %swap3A_1940 = arith.index_cast %swap3A_1938 : i32 to index
      %swap3A_1941 = arith.constant 432 : index
      %swap3A_1942 = tpu.vector_load %arg7[%swap3A_1939, %swap3A_1940, %swap3A_1941] {strides = array<i32>} : memref<8x8x576xf32, #tpu.memory_space<vmem>>, vector<16xf32>,
      tpu.vector_store %arg7[%swap3A_1939, %swap3A_1940, %swap3A_1941], %gather3A_1937 {strides = array<i32>} : memref<8x8x576xf32, #tpu.memory_space<vmem>>, vector<16xf32>,
      %get3A_1943 = arith.index_cast %add3A_70 : i32 to index
      %get3A_1944 = arith.constant 448 : index
      %get3A_1945 = tpu.vector_load %arg6[%get3A_1943, %get3A_1944] {strides = array<i32>} : memref<8x576xi32, #tpu.memory_space<vmem>>, vector<16xi32>,
      %broadcast_in_dim3A_1946 = arith.constant 0 : i32
      %broadcast_in_dim3A_1947 = vector.broadcast %broadcast_in_dim3A_1946 : i32 to vector<16xi32>
      %gather3A_1948 = tpu.vector_load_idx %arg5[%broadcast_in_dim3A_1947, %get3A_1945] : memref<8x1024xf32, #tpu.memory_space<vmem>>[vector<16xi32>, vector<16xi32>], vector<16xf32>,
      %swap3A_1949 = arith.constant 0 : i32
      %swap3A_1950 = arith.index_cast %add3A_70 : i32 to index
      %swap3A_1951 = arith.index_cast %swap3A_1949 : i32 to index
      %swap3A_1952 = arith.constant 448 : index
      %swap3A_1953 = tpu.vector_load %arg7[%swap3A_1950, %swap3A_1951, %swap3A_1952] {strides = array<i32>} : memref<8x8x576xf32, #tpu.memory_space<vmem>>, vector<16xf32>,
      tpu.vector_store %arg7[%swap3A_1950, %swap3A_1951, %swap3A_1952], %gather3A_1948 {strides = array<i32>} : memref<8x8x576xf32, #tpu.memory_space<vmem>>, vector<16xf32>,
      %broadcast_in_dim3A_1954 = arith.constant 1 : i32
      %broadcast_in_dim3A_1955 = vector.broadcast %broadcast_in_dim3A_1954 : i32 to vector<16xi32>
      %gather3A_1956 = tpu.vector_load_idx %arg5[%broadcast_in_dim3A_1955, %get3A_1945] : memref<8x1024xf32, #tpu.memory_space<vmem>>[vector<16xi32>, vector<16xi32>], vector<16xf32>,
      %swap3A_1957 = arith.constant 1 : i32
      %swap3A_1958 = arith.index_cast %add3A_70 : i32 to index
      %swap3A_1959 = arith.index_cast %swap3A_1957 : i32 to index
      %swap3A_1960 = arith.constant 448 : index
      %swap3A_1961 = tpu.vector_load %arg7[%swap3A_1958, %swap3A_1959, %swap3A_1960] {strides = array<i32>} : memref<8x8x576xf32, #tpu.memory_space<vmem>>, vector<16xf32>,
      tpu.vector_store %arg7[%swap3A_1958, %swap3A_1959, %swap3A_1960], %gather3A_1956 {strides = array<i32>} : memref<8x8x576xf32, #tpu.memory_space<vmem>>, vector<16xf32>,
      %broadcast_in_dim3A_1962 = arith.constant 2 : i32
      %broadcast_in_dim3A_1963 = vector.broadcast %broadcast_in_dim3A_1962 : i32 to vector<16xi32>
      %gather3A_1964 = tpu.vector_load_idx %arg5[%broadcast_in_dim3A_1963, %get3A_1945] : memref<8x1024xf32, #tpu.memory_space<vmem>>[vector<16xi32>, vector<16xi32>], vector<16xf32>,
      %swap3A_1965 = arith.constant 2 : i32
      %swap3A_1966 = arith.index_cast %add3A_70 : i32 to index
      %swap3A_1967 = arith.index_cast %swap3A_1965 : i32 to index
      %swap3A_1968 = arith.constant 448 : index
      %swap3A_1969 = tpu.vector_load %arg7[%swap3A_1966, %swap3A_1967, %swap3A_1968] {strides = array<i32>} : memref<8x8x576xf32, #tpu.memory_space<vmem>>, vector<16xf32>,
      tpu.vector_store %arg7[%swap3A_1966, %swap3A_1967, %swap3A_1968], %gather3A_1964 {strides = array<i32>} : memref<8x8x576xf32, #tpu.memory_space<vmem>>, vector<16xf32>,
      %broadcast_in_dim3A_1970 = arith.constant 3 : i32
      %broadcast_in_dim3A_1971 = vector.broadcast %broadcast_in_dim3A_1970 : i32 to vector<16xi32>
      %gather3A_1972 = tpu.vector_load_idx %arg5[%broadcast_in_dim3A_1971, %get3A_1945] : memref<8x1024xf32, #tpu.memory_space<vmem>>[vector<16xi32>, vector<16xi32>], vector<16xf32>,
      %swap3A_1973 = arith.constant 3 : i32
      %swap3A_1974 = arith.index_cast %add3A_70 : i32 to index
      %swap3A_1975 = arith.index_cast %swap3A_1973 : i32 to index
      %swap3A_1976 = arith.constant 448 : index
      %swap3A_1977 = tpu.vector_load %arg7[%swap3A_1974, %swap3A_1975, %swap3A_1976] {strides = array<i32>} : memref<8x8x576xf32, #tpu.memory_space<vmem>>, vector<16xf32>,
      tpu.vector_store %arg7[%swap3A_1974, %swap3A_1975, %swap3A_1976], %gather3A_1972 {strides = array<i32>} : memref<8x8x576xf32, #tpu.memory_space<vmem>>, vector<16xf32>,
      %broadcast_in_dim3A_1978 = arith.constant 4 : i32
      %broadcast_in_dim3A_1979 = vector.broadcast %broadcast_in_dim3A_1978 : i32 to vector<16xi32>
      %gather3A_1980 = tpu.vector_load_idx %arg5[%broadcast_in_dim3A_1979, %get3A_1945] : memref<8x1024xf32, #tpu.memory_space<vmem>>[vector<16xi32>, vector<16xi32>], vector<16xf32>,
      %swap3A_1981 = arith.constant 4 : i32
      %swap3A_1982 = arith.index_cast %add3A_70 : i32 to index
      %swap3A_1983 = arith.index_cast %swap3A_1981 : i32 to index
      %swap3A_1984 = arith.constant 448 : index
      %swap3A_1985 = tpu.vector_load %arg7[%swap3A_1982, %swap3A_1983, %swap3A_1984] {strides = array<i32>} : memref<8x8x576xf32, #tpu.memory_space<vmem>>, vector<16xf32>,
      tpu.vector_store %arg7[%swap3A_1982, %swap3A_1983, %swap3A_1984], %gather3A_1980 {strides = array<i32>} : memref<8x8x576xf32, #tpu.memory_space<vmem>>, vector<16xf32>,
      %broadcast_in_dim3A_1986 = arith.constant 5 : i32
      %broadcast_in_dim3A_1987 = vector.broadcast %broadcast_in_dim3A_1986 : i32 to vector<16xi32>
      %gather3A_1988 = tpu.vector_load_idx %arg5[%broadcast_in_dim3A_1987, %get3A_1945] : memref<8x1024xf32, #tpu.memory_space<vmem>>[vector<16xi32>, vector<16xi32>], vector<16xf32>,
      %swap3A_1989 = arith.constant 5 : i32
      %swap3A_1990 = arith.index_cast %add3A_70 : i32 to index
      %swap3A_1991 = arith.index_cast %swap3A_1989 : i32 to index
      %swap3A_1992 = arith.constant 448 : index
      %swap3A_1993 = tpu.vector_load %arg7[%swap3A_1990, %swap3A_1991, %swap3A_1992] {strides = array<i32>} : memref<8x8x576xf32, #tpu.memory_space<vmem>>, vector<16xf32>,
      tpu.vector_store %arg7[%swap3A_1990, %swap3A_1991, %swap3A_1992], %gather3A_1988 {strides = array<i32>} : memref<8x8x576xf32, #tpu.memory_space<vmem>>, vector<16xf32>,
      %broadcast_in_dim3A_1994 = arith.constant 6 : i32
      %broadcast_in_dim3A_1995 = vector.broadcast %broadcast_in_dim3A_1994 : i32 to vector<16xi32>
      %gather3A_1996 = tpu.vector_load_idx %arg5[%broadcast_in_dim3A_1995, %get3A_1945] : memref<8x1024xf32, #tpu.memory_space<vmem>>[vector<16xi32>, vector<16xi32>], vector<16xf32>,
      %swap3A_1997 = arith.constant 6 : i32
      %swap3A_1998 = arith.index_cast %add3A_70 : i32 to index
      %swap3A_1999 = arith.index_cast %swap3A_1997 : i32 to index
      %swap3A_2000 = arith.constant 448 : index
      %swap3A_2001 = tpu.vector_load %arg7[%swap3A_1998, %swap3A_1999, %swap3A_2000] {strides = array<i32>} : memref<8x8x576xf32, #tpu.memory_space<vmem>>, vector<16xf32>,
      tpu.vector_store %arg7[%swap3A_1998, %swap3A_1999, %swap3A_2000], %gather3A_1996 {strides = array<i32>} : memref<8x8x576xf32, #tpu.memory_space<vmem>>, vector<16xf32>,
      %broadcast_in_dim3A_2002 = arith.constant 7 : i32
      %broadcast_in_dim3A_2003 = vector.broadcast %broadcast_in_dim3A_2002 : i32 to vector<16xi32>
      %gather3A_2004 = tpu.vector_load_idx %arg5[%broadcast_in_dim3A_2003, %get3A_1945] : memref<8x1024xf32, #tpu.memory_space<vmem>>[vector<16xi32>, vector<16xi32>], vector<16xf32>,
      %swap3A_2005 = arith.constant 7 : i32
      %swap3A_2006 = arith.index_cast %add3A_70 : i32 to index
      %swap3A_2007 = arith.index_cast %swap3A_2005 : i32 to index
      %swap3A_2008 = arith.constant 448 : index
      %swap3A_2009 = tpu.vector_load %arg7[%swap3A_2006, %swap3A_2007, %swap3A_2008] {strides = array<i32>} : memref<8x8x576xf32, #tpu.memory_space<vmem>>, vector<16xf32>,
      tpu.vector_store %arg7[%swap3A_2006, %swap3A_2007, %swap3A_2008], %gather3A_2004 {strides = array<i32>} : memref<8x8x576xf32, #tpu.memory_space<vmem>>, vector<16xf32>,
      %get3A_2010 = arith.index_cast %add3A_70 : i32 to index
      %get3A_2011 = arith.constant 464 : index
      %get3A_2012 = tpu.vector_load %arg6[%get3A_2010, %get3A_2011] {strides = array<i32>} : memref<8x576xi32, #tpu.memory_space<vmem>>, vector<16xi32>,
      %broadcast_in_dim3A_2013 = arith.constant 0 : i32
      %broadcast_in_dim3A_2014 = vector.broadcast %broadcast_in_dim3A_2013 : i32 to vector<16xi32>
      %gather3A_2015 = tpu.vector_load_idx %arg5[%broadcast_in_dim3A_2014, %get3A_2012] : memref<8x1024xf32, #tpu.memory_space<vmem>>[vector<16xi32>, vector<16xi32>], vector<16xf32>,
      %swap3A_2016 = arith.constant 0 : i32
      %swap3A_2017 = arith.index_cast %add3A_70 : i32 to index
      %swap3A_2018 = arith.index_cast %swap3A_2016 : i32 to index
      %swap3A_2019 = arith.constant 464 : index
      %swap3A_2020 = tpu.vector_load %arg7[%swap3A_2017, %swap3A_2018, %swap3A_2019] {strides = array<i32>} : memref<8x8x576xf32, #tpu.memory_space<vmem>>, vector<16xf32>,
      tpu.vector_store %arg7[%swap3A_2017, %swap3A_2018, %swap3A_2019], %gather3A_2015 {strides = array<i32>} : memref<8x8x576xf32, #tpu.memory_space<vmem>>, vector<16xf32>,
      %broadcast_in_dim3A_2021 = arith.constant 1 : i32
      %broadcast_in_dim3A_2022 = vector.broadcast %broadcast_in_dim3A_2021 : i32 to vector<16xi32>
      %gather3A_2023 = tpu.vector_load_idx %arg5[%broadcast_in_dim3A_2022, %get3A_2012] : memref<8x1024xf32, #tpu.memory_space<vmem>>[vector<16xi32>, vector<16xi32>], vector<16xf32>,
      %swap3A_2024 = arith.constant 1 : i32
      %swap3A_2025 = arith.index_cast %add3A_70 : i32 to index
      %swap3A_2026 = arith.index_cast %swap3A_2024 : i32 to index
      %swap3A_2027 = arith.constant 464 : index
      %swap3A_2028 = tpu.vector_load %arg7[%swap3A_2025, %swap3A_2026, %swap3A_2027] {strides = array<i32>} : memref<8x8x576xf32, #tpu.memory_space<vmem>>, vector<16xf32>,
      tpu.vector_store %arg7[%swap3A_2025, %swap3A_2026, %swap3A_2027], %gather3A_2023 {strides = array<i32>} : memref<8x8x576xf32, #tpu.memory_space<vmem>>, vector<16xf32>,
      %broadcast_in_dim3A_2029 = arith.constant 2 : i32
      %broadcast_in_dim3A_2030 = vector.broadcast %broadcast_in_dim3A_2029 : i32 to vector<16xi32>
      %gather3A_2031 = tpu.vector_load_idx %arg5[%broadcast_in_dim3A_2030, %get3A_2012] : memref<8x1024xf32, #tpu.memory_space<vmem>>[vector<16xi32>, vector<16xi32>], vector<16xf32>,
      %swap3A_2032 = arith.constant 2 : i32
      %swap3A_2033 = arith.index_cast %add3A_70 : i32 to index
      %swap3A_2034 = arith.index_cast %swap3A_2032 : i32 to index
      %swap3A_2035 = arith.constant 464 : index
      %swap3A_2036 = tpu.vector_load %arg7[%swap3A_2033, %swap3A_2034, %swap3A_2035] {strides = array<i32>} : memref<8x8x576xf32, #tpu.memory_space<vmem>>, vector<16xf32>,
      tpu.vector_store %arg7[%swap3A_2033, %swap3A_2034, %swap3A_2035], %gather3A_2031 {strides = array<i32>} : memref<8x8x576xf32, #tpu.memory_space<vmem>>, vector<16xf32>,
      %broadcast_in_dim3A_2037 = arith.constant 3 : i32
      %broadcast_in_dim3A_2038 = vector.broadcast %broadcast_in_dim3A_2037 : i32 to vector<16xi32>
      %gather3A_2039 = tpu.vector_load_idx %arg5[%broadcast_in_dim3A_2038, %get3A_2012] : memref<8x1024xf32, #tpu.memory_space<vmem>>[vector<16xi32>, vector<16xi32>], vector<16xf32>,
      %swap3A_2040 = arith.constant 3 : i32
      %swap3A_2041 = arith.index_cast %add3A_70 : i32 to index
      %swap3A_2042 = arith.index_cast %swap3A_2040 : i32 to index
      %swap3A_2043 = arith.constant 464 : index
      %swap3A_2044 = tpu.vector_load %arg7[%swap3A_2041, %swap3A_2042, %swap3A_2043] {strides = array<i32>} : memref<8x8x576xf32, #tpu.memory_space<vmem>>, vector<16xf32>,
      tpu.vector_store %arg7[%swap3A_2041, %swap3A_2042, %swap3A_2043], %gather3A_2039 {strides = array<i32>} : memref<8x8x576xf32, #tpu.memory_space<vmem>>, vector<16xf32>,
      %broadcast_in_dim3A_2045 = arith.constant 4 : i32
      %broadcast_in_dim3A_2046 = vector.broadcast %broadcast_in_dim3A_2045 : i32 to vector<16xi32>
      %gather3A_2047 = tpu.vector_load_idx %arg5[%broadcast_in_dim3A_2046, %get3A_2012] : memref<8x1024xf32, #tpu.memory_space<vmem>>[vector<16xi32>, vector<16xi32>], vector<16xf32>,
      %swap3A_2048 = arith.constant 4 : i32
      %swap3A_2049 = arith.index_cast %add3A_70 : i32 to index
      %swap3A_2050 = arith.index_cast %swap3A_2048 : i32 to index
      %swap3A_2051 = arith.constant 464 : index
      %swap3A_2052 = tpu.vector_load %arg7[%swap3A_2049, %swap3A_2050, %swap3A_2051] {strides = array<i32>} : memref<8x8x576xf32, #tpu.memory_space<vmem>>, vector<16xf32>,
      tpu.vector_store %arg7[%swap3A_2049, %swap3A_2050, %swap3A_2051], %gather3A_2047 {strides = array<i32>} : memref<8x8x576xf32, #tpu.memory_space<vmem>>, vector<16xf32>,
      %broadcast_in_dim3A_2053 = arith.constant 5 : i32
      %broadcast_in_dim3A_2054 = vector.broadcast %broadcast_in_dim3A_2053 : i32 to vector<16xi32>
      %gather3A_2055 = tpu.vector_load_idx %arg5[%broadcast_in_dim3A_2054, %get3A_2012] : memref<8x1024xf32, #tpu.memory_space<vmem>>[vector<16xi32>, vector<16xi32>], vector<16xf32>,
      %swap3A_2056 = arith.constant 5 : i32
      %swap3A_2057 = arith.index_cast %add3A_70 : i32 to index
      %swap3A_2058 = arith.index_cast %swap3A_2056 : i32 to index
      %swap3A_2059 = arith.constant 464 : index
      %swap3A_2060 = tpu.vector_load %arg7[%swap3A_2057, %swap3A_2058, %swap3A_2059] {strides = array<i32>} : memref<8x8x576xf32, #tpu.memory_space<vmem>>, vector<16xf32>,
      tpu.vector_store %arg7[%swap3A_2057, %swap3A_2058, %swap3A_2059], %gather3A_2055 {strides = array<i32>} : memref<8x8x576xf32, #tpu.memory_space<vmem>>, vector<16xf32>,
      %broadcast_in_dim3A_2061 = arith.constant 6 : i32
      %broadcast_in_dim3A_2062 = vector.broadcast %broadcast_in_dim3A_2061 : i32 to vector<16xi32>
      %gather3A_2063 = tpu.vector_load_idx %arg5[%broadcast_in_dim3A_2062, %get3A_2012] : memref<8x1024xf32, #tpu.memory_space<vmem>>[vector<16xi32>, vector<16xi32>], vector<16xf32>,
      %swap3A_2064 = arith.constant 6 : i32
      %swap3A_2065 = arith.index_cast %add3A_70 : i32 to index
      %swap3A_2066 = arith.index_cast %swap3A_2064 : i32 to index
      %swap3A_2067 = arith.constant 464 : index
      %swap3A_2068 = tpu.vector_load %arg7[%swap3A_2065, %swap3A_2066, %swap3A_2067] {strides = array<i32>} : memref<8x8x576xf32, #tpu.memory_space<vmem>>, vector<16xf32>,
      tpu.vector_store %arg7[%swap3A_2065, %swap3A_2066, %swap3A_2067], %gather3A_2063 {strides = array<i32>} : memref<8x8x576xf32, #tpu.memory_space<vmem>>, vector<16xf32>,
      %broadcast_in_dim3A_2069 = arith.constant 7 : i32
      %broadcast_in_dim3A_2070 = vector.broadcast %broadcast_in_dim3A_2069 : i32 to vector<16xi32>
      %gather3A_2071 = tpu.vector_load_idx %arg5[%broadcast_in_dim3A_2070, %get3A_2012] : memref<8x1024xf32, #tpu.memory_space<vmem>>[vector<16xi32>, vector<16xi32>], vector<16xf32>,
      %swap3A_2072 = arith.constant 7 : i32
      %swap3A_2073 = arith.index_cast %add3A_70 : i32 to index
      %swap3A_2074 = arith.index_cast %swap3A_2072 : i32 to index
      %swap3A_2075 = arith.constant 464 : index
      %swap3A_2076 = tpu.vector_load %arg7[%swap3A_2073, %swap3A_2074, %swap3A_2075] {strides = array<i32>} : memref<8x8x576xf32, #tpu.memory_space<vmem>>, vector<16xf32>,
      tpu.vector_store %arg7[%swap3A_2073, %swap3A_2074, %swap3A_2075], %gather3A_2071 {strides = array<i32>} : memref<8x8x576xf32, #tpu.memory_space<vmem>>, vector<16xf32>,
      %get3A_2077 = arith.index_cast %add3A_70 : i32 to index
      %get3A_2078 = arith.constant 480 : index
      %get3A_2079 = tpu.vector_load %arg6[%get3A_2077, %get3A_2078] {strides = array<i32>} : memref<8x576xi32, #tpu.memory_space<vmem>>, vector<16xi32>,
      %broadcast_in_dim3A_2080 = arith.constant 0 : i32
      %broadcast_in_dim3A_2081 = vector.broadcast %broadcast_in_dim3A_2080 : i32 to vector<16xi32>
      %gather3A_2082 = tpu.vector_load_idx %arg5[%broadcast_in_dim3A_2081, %get3A_2079] : memref<8x1024xf32, #tpu.memory_space<vmem>>[vector<16xi32>, vector<16xi32>], vector<16xf32>,
      %swap3A_2083 = arith.constant 0 : i32
      %swap3A_2084 = arith.index_cast %add3A_70 : i32 to index
      %swap3A_2085 = arith.index_cast %swap3A_2083 : i32 to index
      %swap3A_2086 = arith.constant 480 : index
      %swap3A_2087 = tpu.vector_load %arg7[%swap3A_2084, %swap3A_2085, %swap3A_2086] {strides = array<i32>} : memref<8x8x576xf32, #tpu.memory_space<vmem>>, vector<16xf32>,
      tpu.vector_store %arg7[%swap3A_2084, %swap3A_2085, %swap3A_2086], %gather3A_2082 {strides = array<i32>} : memref<8x8x576xf32, #tpu.memory_space<vmem>>, vector<16xf32>,
      %broadcast_in_dim3A_2088 = arith.constant 1 : i32
      %broadcast_in_dim3A_2089 = vector.broadcast %broadcast_in_dim3A_2088 : i32 to vector<16xi32>
      %gather3A_2090 = tpu.vector_load_idx %arg5[%broadcast_in_dim3A_2089, %get3A_2079] : memref<8x1024xf32, #tpu.memory_space<vmem>>[vector<16xi32>, vector<16xi32>], vector<16xf32>,
      %swap3A_2091 = arith.constant 1 : i32
      %swap3A_2092 = arith.index_cast %add3A_70 : i32 to index
      %swap3A_2093 = arith.index_cast %swap3A_2091 : i32 to index
      %swap3A_2094 = arith.constant 480 : index
      %swap3A_2095 = tpu.vector_load %arg7[%swap3A_2092, %swap3A_2093, %swap3A_2094] {strides = array<i32>} : memref<8x8x576xf32, #tpu.memory_space<vmem>>, vector<16xf32>,
      tpu.vector_store %arg7[%swap3A_2092, %swap3A_2093, %swap3A_2094], %gather3A_2090 {strides = array<i32>} : memref<8x8x576xf32, #tpu.memory_space<vmem>>, vector<16xf32>,
      %broadcast_in_dim3A_2096 = arith.constant 2 : i32
      %broadcast_in_dim3A_2097 = vector.broadcast %broadcast_in_dim3A_2096 : i32 to vector<16xi32>
      %gather3A_2098 = tpu.vector_load_idx %arg5[%broadcast_in_dim3A_2097, %get3A_2079] : memref<8x1024xf32, #tpu.memory_space<vmem>>[vector<16xi32>, vector<16xi32>], vector<16xf32>,
      %swap3A_2099 = arith.constant 2 : i32
      %swap3A_2100 = arith.index_cast %add3A_70 : i32 to index
      %swap3A_2101 = arith.index_cast %swap3A_2099 : i32 to index
      %swap3A_2102 = arith.constant 480 : index
      %swap3A_2103 = tpu.vector_load %arg7[%swap3A_2100, %swap3A_2101, %swap3A_2102] {strides = array<i32>} : memref<8x8x576xf32, #tpu.memory_space<vmem>>, vector<16xf32>,
      tpu.vector_store %arg7[%swap3A_2100, %swap3A_2101, %swap3A_2102], %gather3A_2098 {strides = array<i32>} : memref<8x8x576xf32, #tpu.memory_space<vmem>>, vector<16xf32>,
      %broadcast_in_dim3A_2104 = arith.constant 3 : i32
      %broadcast_in_dim3A_2105 = vector.broadcast %broadcast_in_dim3A_2104 : i32 to vector<16xi32>
      %gather3A_2106 = tpu.vector_load_idx %arg5[%broadcast_in_dim3A_2105, %get3A_2079] : memref<8x1024xf32, #tpu.memory_space<vmem>>[vector<16xi32>, vector<16xi32>], vector<16xf32>,
      %swap3A_2107 = arith.constant 3 : i32
      %swap3A_2108 = arith.index_cast %add3A_70 : i32 to index
      %swap3A_2109 = arith.index_cast %swap3A_2107 : i32 to index
      %swap3A_2110 = arith.constant 480 : index
      %swap3A_2111 = tpu.vector_load %arg7[%swap3A_2108, %swap3A_2109, %swap3A_2110] {strides = array<i32>} : memref<8x8x576xf32, #tpu.memory_space<vmem>>, vector<16xf32>,
      tpu.vector_store %arg7[%swap3A_2108, %swap3A_2109, %swap3A_2110], %gather3A_2106 {strides = array<i32>} : memref<8x8x576xf32, #tpu.memory_space<vmem>>, vector<16xf32>,
      %broadcast_in_dim3A_2112 = arith.constant 4 : i32
      %broadcast_in_dim3A_2113 = vector.broadcast %broadcast_in_dim3A_2112 : i32 to vector<16xi32>
      %gather3A_2114 = tpu.vector_load_idx %arg5[%broadcast_in_dim3A_2113, %get3A_2079] : memref<8x1024xf32, #tpu.memory_space<vmem>>[vector<16xi32>, vector<16xi32>], vector<16xf32>,
      %swap3A_2115 = arith.constant 4 : i32
      %swap3A_2116 = arith.index_cast %add3A_70 : i32 to index
      %swap3A_2117 = arith.index_cast %swap3A_2115 : i32 to index
      %swap3A_2118 = arith.constant 480 : index
      %swap3A_2119 = tpu.vector_load %arg7[%swap3A_2116, %swap3A_2117, %swap3A_2118] {strides = array<i32>} : memref<8x8x576xf32, #tpu.memory_space<vmem>>, vector<16xf32>,
      tpu.vector_store %arg7[%swap3A_2116, %swap3A_2117, %swap3A_2118], %gather3A_2114 {strides = array<i32>} : memref<8x8x576xf32, #tpu.memory_space<vmem>>, vector<16xf32>,
      %broadcast_in_dim3A_2120 = arith.constant 5 : i32
      %broadcast_in_dim3A_2121 = vector.broadcast %broadcast_in_dim3A_2120 : i32 to vector<16xi32>
      %gather3A_2122 = tpu.vector_load_idx %arg5[%broadcast_in_dim3A_2121, %get3A_2079] : memref<8x1024xf32, #tpu.memory_space<vmem>>[vector<16xi32>, vector<16xi32>], vector<16xf32>,
      %swap3A_2123 = arith.constant 5 : i32
      %swap3A_2124 = arith.index_cast %add3A_70 : i32 to index
      %swap3A_2125 = arith.index_cast %swap3A_2123 : i32 to index
      %swap3A_2126 = arith.constant 480 : index
      %swap3A_2127 = tpu.vector_load %arg7[%swap3A_2124, %swap3A_2125, %swap3A_2126] {strides = array<i32>} : memref<8x8x576xf32, #tpu.memory_space<vmem>>, vector<16xf32>,
      tpu.vector_store %arg7[%swap3A_2124, %swap3A_2125, %swap3A_2126], %gather3A_2122 {strides = array<i32>} : memref<8x8x576xf32, #tpu.memory_space<vmem>>, vector<16xf32>,
      %broadcast_in_dim3A_2128 = arith.constant 6 : i32
      %broadcast_in_dim3A_2129 = vector.broadcast %broadcast_in_dim3A_2128 : i32 to vector<16xi32>
      %gather3A_2130 = tpu.vector_load_idx %arg5[%broadcast_in_dim3A_2129, %get3A_2079] : memref<8x1024xf32, #tpu.memory_space<vmem>>[vector<16xi32>, vector<16xi32>], vector<16xf32>,
      %swap3A_2131 = arith.constant 6 : i32
      %swap3A_2132 = arith.index_cast %add3A_70 : i32 to index
      %swap3A_2133 = arith.index_cast %swap3A_2131 : i32 to index
      %swap3A_2134 = arith.constant 480 : index
      %swap3A_2135 = tpu.vector_load %arg7[%swap3A_2132, %swap3A_2133, %swap3A_2134] {strides = array<i32>} : memref<8x8x576xf32, #tpu.memory_space<vmem>>, vector<16xf32>,
      tpu.vector_store %arg7[%swap3A_2132, %swap3A_2133, %swap3A_2134], %gather3A_2130 {strides = array<i32>} : memref<8x8x576xf32, #tpu.memory_space<vmem>>, vector<16xf32>,
      %broadcast_in_dim3A_2136 = arith.constant 7 : i32
      %broadcast_in_dim3A_2137 = vector.broadcast %broadcast_in_dim3A_2136 : i32 to vector<16xi32>
      %gather3A_2138 = tpu.vector_load_idx %arg5[%broadcast_in_dim3A_2137, %get3A_2079] : memref<8x1024xf32, #tpu.memory_space<vmem>>[vector<16xi32>, vector<16xi32>], vector<16xf32>,
      %swap3A_2139 = arith.constant 7 : i32
      %swap3A_2140 = arith.index_cast %add3A_70 : i32 to index
      %swap3A_2141 = arith.index_cast %swap3A_2139 : i32 to index
      %swap3A_2142 = arith.constant 480 : index
      %swap3A_2143 = tpu.vector_load %arg7[%swap3A_2140, %swap3A_2141, %swap3A_2142] {strides = array<i32>} : memref<8x8x576xf32, #tpu.memory_space<vmem>>, vector<16xf32>,
      tpu.vector_store %arg7[%swap3A_2140, %swap3A_2141, %swap3A_2142], %gather3A_2138 {strides = array<i32>} : memref<8x8x576xf32, #tpu.memory_space<vmem>>, vector<16xf32>,
      %get3A_2144 = arith.index_cast %add3A_70 : i32 to index
      %get3A_2145 = arith.constant 496 : index
      %get3A_2146 = tpu.vector_load %arg6[%get3A_2144, %get3A_2145] {strides = array<i32>} : memref<8x576xi32, #tpu.memory_space<vmem>>, vector<16xi32>,
      %broadcast_in_dim3A_2147 = arith.constant 0 : i32
      %broadcast_in_dim3A_2148 = vector.broadcast %broadcast_in_dim3A_2147 : i32 to vector<16xi32>
      %gather3A_2149 = tpu.vector_load_idx %arg5[%broadcast_in_dim3A_2148, %get3A_2146] : memref<8x1024xf32, #tpu.memory_space<vmem>>[vector<16xi32>, vector<16xi32>], vector<16xf32>,
      %swap3A_2150 = arith.constant 0 : i32
      %swap3A_2151 = arith.index_cast %add3A_70 : i32 to index
      %swap3A_2152 = arith.index_cast %swap3A_2150 : i32 to index
      %swap3A_2153 = arith.constant 496 : index
      %swap3A_2154 = tpu.vector_load %arg7[%swap3A_2151, %swap3A_2152, %swap3A_2153] {strides = array<i32>} : memref<8x8x576xf32, #tpu.memory_space<vmem>>, vector<16xf32>,
      tpu.vector_store %arg7[%swap3A_2151, %swap3A_2152, %swap3A_2153], %gather3A_2149 {strides = array<i32>} : memref<8x8x576xf32, #tpu.memory_space<vmem>>, vector<16xf32>,
      %broadcast_in_dim3A_2155 = arith.constant 1 : i32
      %broadcast_in_dim3A_2156 = vector.broadcast %broadcast_in_dim3A_2155 : i32 to vector<16xi32>
      %gather3A_2157 = tpu.vector_load_idx %arg5[%broadcast_in_dim3A_2156, %get3A_2146] : memref<8x1024xf32, #tpu.memory_space<vmem>>[vector<16xi32>, vector<16xi32>], vector<16xf32>,
      %swap3A_2158 = arith.constant 1 : i32
      %swap3A_2159 = arith.index_cast %add3A_70 : i32 to index
      %swap3A_2160 = arith.index_cast %swap3A_2158 : i32 to index
      %swap3A_2161 = arith.constant 496 : index
      %swap3A_2162 = tpu.vector_load %arg7[%swap3A_2159, %swap3A_2160, %swap3A_2161] {strides = array<i32>} : memref<8x8x576xf32, #tpu.memory_space<vmem>>, vector<16xf32>,
      tpu.vector_store %arg7[%swap3A_2159, %swap3A_2160, %swap3A_2161], %gather3A_2157 {strides = array<i32>} : memref<8x8x576xf32, #tpu.memory_space<vmem>>, vector<16xf32>,
      %broadcast_in_dim3A_2163 = arith.constant 2 : i32
      %broadcast_in_dim3A_2164 = vector.broadcast %broadcast_in_dim3A_2163 : i32 to vector<16xi32>
      %gather3A_2165 = tpu.vector_load_idx %arg5[%broadcast_in_dim3A_2164, %get3A_2146] : memref<8x1024xf32, #tpu.memory_space<vmem>>[vector<16xi32>, vector<16xi32>], vector<16xf32>,
      %swap3A_2166 = arith.constant 2 : i32
      %swap3A_2167 = arith.index_cast %add3A_70 : i32 to index
      %swap3A_2168 = arith.index_cast %swap3A_2166 : i32 to index
      %swap3A_2169 = arith.constant 496 : index
      %swap3A_2170 = tpu.vector_load %arg7[%swap3A_2167, %swap3A_2168, %swap3A_2169] {strides = array<i32>} : memref<8x8x576xf32, #tpu.memory_space<vmem>>, vector<16xf32>,
      tpu.vector_store %arg7[%swap3A_2167, %swap3A_2168, %swap3A_2169], %gather3A_2165 {strides = array<i32>} : memref<8x8x576xf32, #tpu.memory_space<vmem>>, vector<16xf32>,
      %broadcast_in_dim3A_2171 = arith.constant 3 : i32
      %broadcast_in_dim3A_2172 = vector.broadcast %broadcast_in_dim3A_2171 : i32 to vector<16xi32>
      %gather3A_2173 = tpu.vector_load_idx %arg5[%broadcast_in_dim3A_2172, %get3A_2146] : memref<8x1024xf32, #tpu.memory_space<vmem>>[vector<16xi32>, vector<16xi32>], vector<16xf32>,
      %swap3A_2174 = arith.constant 3 : i32
      %swap3A_2175 = arith.index_cast %add3A_70 : i32 to index
      %swap3A_2176 = arith.index_cast %swap3A_2174 : i32 to index
      %swap3A_2177 = arith.constant 496 : index
      %swap3A_2178 = tpu.vector_load %arg7[%swap3A_2175, %swap3A_2176, %swap3A_2177] {strides = array<i32>} : memref<8x8x576xf32, #tpu.memory_space<vmem>>, vector<16xf32>,
      tpu.vector_store %arg7[%swap3A_2175, %swap3A_2176, %swap3A_2177], %gather3A_2173 {strides = array<i32>} : memref<8x8x576xf32, #tpu.memory_space<vmem>>, vector<16xf32>,
      %broadcast_in_dim3A_2179 = arith.constant 4 : i32
      %broadcast_in_dim3A_2180 = vector.broadcast %broadcast_in_dim3A_2179 : i32 to vector<16xi32>
      %gather3A_2181 = tpu.vector_load_idx %arg5[%broadcast_in_dim3A_2180, %get3A_2146] : memref<8x1024xf32, #tpu.memory_space<vmem>>[vector<16xi32>, vector<16xi32>], vector<16xf32>,
      %swap3A_2182 = arith.constant 4 : i32
      %swap3A_2183 = arith.index_cast %add3A_70 : i32 to index
      %swap3A_2184 = arith.index_cast %swap3A_2182 : i32 to index
      %swap3A_2185 = arith.constant 496 : index
      %swap3A_2186 = tpu.vector_load %arg7[%swap3A_2183, %swap3A_2184, %swap3A_2185] {strides = array<i32>} : memref<8x8x576xf32, #tpu.memory_space<vmem>>, vector<16xf32>,
      tpu.vector_store %arg7[%swap3A_2183, %swap3A_2184, %swap3A_2185], %gather3A_2181 {strides = array<i32>} : memref<8x8x576xf32, #tpu.memory_space<vmem>>, vector<16xf32>,
      %broadcast_in_dim3A_2187 = arith.constant 5 : i32
      %broadcast_in_dim3A_2188 = vector.broadcast %broadcast_in_dim3A_2187 : i32 to vector<16xi32>
      %gather3A_2189 = tpu.vector_load_idx %arg5[%broadcast_in_dim3A_2188, %get3A_2146] : memref<8x1024xf32, #tpu.memory_space<vmem>>[vector<16xi32>, vector<16xi32>], vector<16xf32>,
      %swap3A_2190 = arith.constant 5 : i32
      %swap3A_2191 = arith.index_cast %add3A_70 : i32 to index
      %swap3A_2192 = arith.index_cast %swap3A_2190 : i32 to index
      %swap3A_2193 = arith.constant 496 : index
      %swap3A_2194 = tpu.vector_load %arg7[%swap3A_2191, %swap3A_2192, %swap3A_2193] {strides = array<i32>} : memref<8x8x576xf32, #tpu.memory_space<vmem>>, vector<16xf32>,
      tpu.vector_store %arg7[%swap3A_2191, %swap3A_2192, %swap3A_2193], %gather3A_2189 {strides = array<i32>} : memref<8x8x576xf32, #tpu.memory_space<vmem>>, vector<16xf32>,
      %broadcast_in_dim3A_2195 = arith.constant 6 : i32
      %broadcast_in_dim3A_2196 = vector.broadcast %broadcast_in_dim3A_2195 : i32 to vector<16xi32>
      %gather3A_2197 = tpu.vector_load_idx %arg5[%broadcast_in_dim3A_2196, %get3A_2146] : memref<8x1024xf32, #tpu.memory_space<vmem>>[vector<16xi32>, vector<16xi32>], vector<16xf32>,
      %swap3A_2198 = arith.constant 6 : i32
      %swap3A_2199 = arith.index_cast %add3A_70 : i32 to index
      %swap3A_2200 = arith.index_cast %swap3A_2198 : i32 to index
      %swap3A_2201 = arith.constant 496 : index
      %swap3A_2202 = tpu.vector_load %arg7[%swap3A_2199, %swap3A_2200, %swap3A_2201] {strides = array<i32>} : memref<8x8x576xf32, #tpu.memory_space<vmem>>, vector<16xf32>,
      tpu.vector_store %arg7[%swap3A_2199, %swap3A_2200, %swap3A_2201], %gather3A_2197 {strides = array<i32>} : memref<8x8x576xf32, #tpu.memory_space<vmem>>, vector<16xf32>,
      %broadcast_in_dim3A_2203 = arith.constant 7 : i32
      %broadcast_in_dim3A_2204 = vector.broadcast %broadcast_in_dim3A_2203 : i32 to vector<16xi32>
      %gather3A_2205 = tpu.vector_load_idx %arg5[%broadcast_in_dim3A_2204, %get3A_2146] : memref<8x1024xf32, #tpu.memory_space<vmem>>[vector<16xi32>, vector<16xi32>], vector<16xf32>,
      %swap3A_2206 = arith.constant 7 : i32
      %swap3A_2207 = arith.index_cast %add3A_70 : i32 to index
      %swap3A_2208 = arith.index_cast %swap3A_2206 : i32 to index
      %swap3A_2209 = arith.constant 496 : index
      %swap3A_2210 = tpu.vector_load %arg7[%swap3A_2207, %swap3A_2208, %swap3A_2209] {strides = array<i32>} : memref<8x8x576xf32, #tpu.memory_space<vmem>>, vector<16xf32>,
      tpu.vector_store %arg7[%swap3A_2207, %swap3A_2208, %swap3A_2209], %gather3A_2205 {strides = array<i32>} : memref<8x8x576xf32, #tpu.memory_space<vmem>>, vector<16xf32>,
      %get3A_2211 = arith.index_cast %add3A_70 : i32 to index
      %get3A_2212 = arith.constant 512 : index
      %get3A_2213 = tpu.vector_load %arg6[%get3A_2211, %get3A_2212] {strides = array<i32>} : memref<8x576xi32, #tpu.memory_space<vmem>>, vector<16xi32>,
      %broadcast_in_dim3A_2214 = arith.constant 0 : i32
      %broadcast_in_dim3A_2215 = vector.broadcast %broadcast_in_dim3A_2214 : i32 to vector<16xi32>
      %gather3A_2216 = tpu.vector_load_idx %arg5[%broadcast_in_dim3A_2215, %get3A_2213] : memref<8x1024xf32, #tpu.memory_space<vmem>>[vector<16xi32>, vector<16xi32>], vector<16xf32>,
      %swap3A_2217 = arith.constant 0 : i32
      %swap3A_2218 = arith.index_cast %add3A_70 : i32 to index
      %swap3A_2219 = arith.index_cast %swap3A_2217 : i32 to index
      %swap3A_2220 = arith.constant 512 : index
      %swap3A_2221 = tpu.vector_load %arg7[%swap3A_2218, %swap3A_2219, %swap3A_2220] {strides = array<i32>} : memref<8x8x576xf32, #tpu.memory_space<vmem>>, vector<16xf32>,
      tpu.vector_store %arg7[%swap3A_2218, %swap3A_2219, %swap3A_2220], %gather3A_2216 {strides = array<i32>} : memref<8x8x576xf32, #tpu.memory_space<vmem>>, vector<16xf32>,
      %broadcast_in_dim3A_2222 = arith.constant 1 : i32
      %broadcast_in_dim3A_2223 = vector.broadcast %broadcast_in_dim3A_2222 : i32 to vector<16xi32>
      %gather3A_2224 = tpu.vector_load_idx %arg5[%broadcast_in_dim3A_2223, %get3A_2213] : memref<8x1024xf32, #tpu.memory_space<vmem>>[vector<16xi32>, vector<16xi32>], vector<16xf32>,
      %swap3A_2225 = arith.constant 1 : i32
      %swap3A_2226 = arith.index_cast %add3A_70 : i32 to index
      %swap3A_2227 = arith.index_cast %swap3A_2225 : i32 to index
      %swap3A_2228 = arith.constant 512 : index
      %swap3A_2229 = tpu.vector_load %arg7[%swap3A_2226, %swap3A_2227, %swap3A_2228] {strides = array<i32>} : memref<8x8x576xf32, #tpu.memory_space<vmem>>, vector<16xf32>,
      tpu.vector_store %arg7[%swap3A_2226, %swap3A_2227, %swap3A_2228], %gather3A_2224 {strides = array<i32>} : memref<8x8x576xf32, #tpu.memory_space<vmem>>, vector<16xf32>,
      %broadcast_in_dim3A_2230 = arith.constant 2 : i32
      %broadcast_in_dim3A_2231 = vector.broadcast %broadcast_in_dim3A_2230 : i32 to vector<16xi32>
      %gather3A_2232 = tpu.vector_load_idx %arg5[%broadcast_in_dim3A_2231, %get3A_2213] : memref<8x1024xf32, #tpu.memory_space<vmem>>[vector<16xi32>, vector<16xi32>], vector<16xf32>,
      %swap3A_2233 = arith.constant 2 : i32
      %swap3A_2234 = arith.index_cast %add3A_70 : i32 to index
      %swap3A_2235 = arith.index_cast %swap3A_2233 : i32 to index
      %swap3A_2236 = arith.constant 512 : index
      %swap3A_2237 = tpu.vector_load %arg7[%swap3A_2234, %swap3A_2235, %swap3A_2236] {strides = array<i32>} : memref<8x8x576xf32, #tpu.memory_space<vmem>>, vector<16xf32>,
      tpu.vector_store %arg7[%swap3A_2234, %swap3A_2235, %swap3A_2236], %gather3A_2232 {strides = array<i32>} : memref<8x8x576xf32, #tpu.memory_space<vmem>>, vector<16xf32>,
      %broadcast_in_dim3A_2238 = arith.constant 3 : i32
      %broadcast_in_dim3A_2239 = vector.broadcast %broadcast_in_dim3A_2238 : i32 to vector<16xi32>
      %gather3A_2240 = tpu.vector_load_idx %arg5[%broadcast_in_dim3A_2239, %get3A_2213] : memref<8x1024xf32, #tpu.memory_space<vmem>>[vector<16xi32>, vector<16xi32>], vector<16xf32>,
      %swap3A_2241 = arith.constant 3 : i32
      %swap3A_2242 = arith.index_cast %add3A_70 : i32 to index
      %swap3A_2243 = arith.index_cast %swap3A_2241 : i32 to index
      %swap3A_2244 = arith.constant 512 : index
      %swap3A_2245 = tpu.vector_load %arg7[%swap3A_2242, %swap3A_2243, %swap3A_2244] {strides = array<i32>} : memref<8x8x576xf32, #tpu.memory_space<vmem>>, vector<16xf32>,
      tpu.vector_store %arg7[%swap3A_2242, %swap3A_2243, %swap3A_2244], %gather3A_2240 {strides = array<i32>} : memref<8x8x576xf32, #tpu.memory_space<vmem>>, vector<16xf32>,
      %broadcast_in_dim3A_2246 = arith.constant 4 : i32
      %broadcast_in_dim3A_2247 = vector.broadcast %broadcast_in_dim3A_2246 : i32 to vector<16xi32>
      %gather3A_2248 = tpu.vector_load_idx %arg5[%broadcast_in_dim3A_2247, %get3A_2213] : memref<8x1024xf32, #tpu.memory_space<vmem>>[vector<16xi32>, vector<16xi32>], vector<16xf32>,
      %swap3A_2249 = arith.constant 4 : i32
      %swap3A_2250 = arith.index_cast %add3A_70 : i32 to index
      %swap3A_2251 = arith.index_cast %swap3A_2249 : i32 to index
      %swap3A_2252 = arith.constant 512 : index
      %swap3A_2253 = tpu.vector_load %arg7[%swap3A_2250, %swap3A_2251, %swap3A_2252] {strides = array<i32>} : memref<8x8x576xf32, #tpu.memory_space<vmem>>, vector<16xf32>,
      tpu.vector_store %arg7[%swap3A_2250, %swap3A_2251, %swap3A_2252], %gather3A_2248 {strides = array<i32>} : memref<8x8x576xf32, #tpu.memory_space<vmem>>, vector<16xf32>,
      %broadcast_in_dim3A_2254 = arith.constant 5 : i32
      %broadcast_in_dim3A_2255 = vector.broadcast %broadcast_in_dim3A_2254 : i32 to vector<16xi32>
      %gather3A_2256 = tpu.vector_load_idx %arg5[%broadcast_in_dim3A_2255, %get3A_2213] : memref<8x1024xf32, #tpu.memory_space<vmem>>[vector<16xi32>, vector<16xi32>], vector<16xf32>,
      %swap3A_2257 = arith.constant 5 : i32
      %swap3A_2258 = arith.index_cast %add3A_70 : i32 to index
      %swap3A_2259 = arith.index_cast %swap3A_2257 : i32 to index
      %swap3A_2260 = arith.constant 512 : index
      %swap3A_2261 = tpu.vector_load %arg7[%swap3A_2258, %swap3A_2259, %swap3A_2260] {strides = array<i32>} : memref<8x8x576xf32, #tpu.memory_space<vmem>>, vector<16xf32>,
      tpu.vector_store %arg7[%swap3A_2258, %swap3A_2259, %swap3A_2260], %gather3A_2256 {strides = array<i32>} : memref<8x8x576xf32, #tpu.memory_space<vmem>>, vector<16xf32>,
      %broadcast_in_dim3A_2262 = arith.constant 6 : i32
      %broadcast_in_dim3A_2263 = vector.broadcast %broadcast_in_dim3A_2262 : i32 to vector<16xi32>
      %gather3A_2264 = tpu.vector_load_idx %arg5[%broadcast_in_dim3A_2263, %get3A_2213] : memref<8x1024xf32, #tpu.memory_space<vmem>>[vector<16xi32>, vector<16xi32>], vector<16xf32>,
      %swap3A_2265 = arith.constant 6 : i32
      %swap3A_2266 = arith.index_cast %add3A_70 : i32 to index
      %swap3A_2267 = arith.index_cast %swap3A_2265 : i32 to index
      %swap3A_2268 = arith.constant 512 : index
      %swap3A_2269 = tpu.vector_load %arg7[%swap3A_2266, %swap3A_2267, %swap3A_2268] {strides = array<i32>} : memref<8x8x576xf32, #tpu.memory_space<vmem>>, vector<16xf32>,
      tpu.vector_store %arg7[%swap3A_2266, %swap3A_2267, %swap3A_2268], %gather3A_2264 {strides = array<i32>} : memref<8x8x576xf32, #tpu.memory_space<vmem>>, vector<16xf32>,
      %broadcast_in_dim3A_2270 = arith.constant 7 : i32
      %broadcast_in_dim3A_2271 = vector.broadcast %broadcast_in_dim3A_2270 : i32 to vector<16xi32>
      %gather3A_2272 = tpu.vector_load_idx %arg5[%broadcast_in_dim3A_2271, %get3A_2213] : memref<8x1024xf32, #tpu.memory_space<vmem>>[vector<16xi32>, vector<16xi32>], vector<16xf32>,
      %swap3A_2273 = arith.constant 7 : i32
      %swap3A_2274 = arith.index_cast %add3A_70 : i32 to index
      %swap3A_2275 = arith.index_cast %swap3A_2273 : i32 to index
      %swap3A_2276 = arith.constant 512 : index
      %swap3A_2277 = tpu.vector_load %arg7[%swap3A_2274, %swap3A_2275, %swap3A_2276] {strides = array<i32>} : memref<8x8x576xf32, #tpu.memory_space<vmem>>, vector<16xf32>,
      tpu.vector_store %arg7[%swap3A_2274, %swap3A_2275, %swap3A_2276], %gather3A_2272 {strides = array<i32>} : memref<8x8x576xf32, #tpu.memory_space<vmem>>, vector<16xf32>,
      %get3A_2278 = arith.index_cast %add3A_70 : i32 to index
      %get3A_2279 = arith.constant 528 : index
      %get3A_2280 = tpu.vector_load %arg6[%get3A_2278, %get3A_2279] {strides = array<i32>} : memref<8x576xi32, #tpu.memory_space<vmem>>, vector<16xi32>,
      %broadcast_in_dim3A_2281 = arith.constant 0 : i32
      %broadcast_in_dim3A_2282 = vector.broadcast %broadcast_in_dim3A_2281 : i32 to vector<16xi32>
      %gather3A_2283 = tpu.vector_load_idx %arg5[%broadcast_in_dim3A_2282, %get3A_2280] : memref<8x1024xf32, #tpu.memory_space<vmem>>[vector<16xi32>, vector<16xi32>], vector<16xf32>,
      %swap3A_2284 = arith.constant 0 : i32
      %swap3A_2285 = arith.index_cast %add3A_70 : i32 to index
      %swap3A_2286 = arith.index_cast %swap3A_2284 : i32 to index
      %swap3A_2287 = arith.constant 528 : index
      %swap3A_2288 = tpu.vector_load %arg7[%swap3A_2285, %swap3A_2286, %swap3A_2287] {strides = array<i32>} : memref<8x8x576xf32, #tpu.memory_space<vmem>>, vector<16xf32>,
      tpu.vector_store %arg7[%swap3A_2285, %swap3A_2286, %swap3A_2287], %gather3A_2283 {strides = array<i32>} : memref<8x8x576xf32, #tpu.memory_space<vmem>>, vector<16xf32>,
      %broadcast_in_dim3A_2289 = arith.constant 1 : i32
      %broadcast_in_dim3A_2290 = vector.broadcast %broadcast_in_dim3A_2289 : i32 to vector<16xi32>
      %gather3A_2291 = tpu.vector_load_idx %arg5[%broadcast_in_dim3A_2290, %get3A_2280] : memref<8x1024xf32, #tpu.memory_space<vmem>>[vector<16xi32>, vector<16xi32>], vector<16xf32>,
      %swap3A_2292 = arith.constant 1 : i32
      %swap3A_2293 = arith.index_cast %add3A_70 : i32 to index
      %swap3A_2294 = arith.index_cast %swap3A_2292 : i32 to index
      %swap3A_2295 = arith.constant 528 : index
      %swap3A_2296 = tpu.vector_load %arg7[%swap3A_2293, %swap3A_2294, %swap3A_2295] {strides = array<i32>} : memref<8x8x576xf32, #tpu.memory_space<vmem>>, vector<16xf32>,
      tpu.vector_store %arg7[%swap3A_2293, %swap3A_2294, %swap3A_2295], %gather3A_2291 {strides = array<i32>} : memref<8x8x576xf32, #tpu.memory_space<vmem>>, vector<16xf32>,
      %broadcast_in_dim3A_2297 = arith.constant 2 : i32
      %broadcast_in_dim3A_2298 = vector.broadcast %broadcast_in_dim3A_2297 : i32 to vector<16xi32>
      %gather3A_2299 = tpu.vector_load_idx %arg5[%broadcast_in_dim3A_2298, %get3A_2280] : memref<8x1024xf32, #tpu.memory_space<vmem>>[vector<16xi32>, vector<16xi32>], vector<16xf32>,
      %swap3A_2300 = arith.constant 2 : i32
      %swap3A_2301 = arith.index_cast %add3A_70 : i32 to index
      %swap3A_2302 = arith.index_cast %swap3A_2300 : i32 to index
      %swap3A_2303 = arith.constant 528 : index
      %swap3A_2304 = tpu.vector_load %arg7[%swap3A_2301, %swap3A_2302, %swap3A_2303] {strides = array<i32>} : memref<8x8x576xf32, #tpu.memory_space<vmem>>, vector<16xf32>,
      tpu.vector_store %arg7[%swap3A_2301, %swap3A_2302, %swap3A_2303], %gather3A_2299 {strides = array<i32>} : memref<8x8x576xf32, #tpu.memory_space<vmem>>, vector<16xf32>,
      %broadcast_in_dim3A_2305 = arith.constant 3 : i32
      %broadcast_in_dim3A_2306 = vector.broadcast %broadcast_in_dim3A_2305 : i32 to vector<16xi32>
      %gather3A_2307 = tpu.vector_load_idx %arg5[%broadcast_in_dim3A_2306, %get3A_2280] : memref<8x1024xf32, #tpu.memory_space<vmem>>[vector<16xi32>, vector<16xi32>], vector<16xf32>,
      %swap3A_2308 = arith.constant 3 : i32
      %swap3A_2309 = arith.index_cast %add3A_70 : i32 to index
      %swap3A_2310 = arith.index_cast %swap3A_2308 : i32 to index
      %swap3A_2311 = arith.constant 528 : index
      %swap3A_2312 = tpu.vector_load %arg7[%swap3A_2309, %swap3A_2310, %swap3A_2311] {strides = array<i32>} : memref<8x8x576xf32, #tpu.memory_space<vmem>>, vector<16xf32>,
      tpu.vector_store %arg7[%swap3A_2309, %swap3A_2310, %swap3A_2311], %gather3A_2307 {strides = array<i32>} : memref<8x8x576xf32, #tpu.memory_space<vmem>>, vector<16xf32>,
      %broadcast_in_dim3A_2313 = arith.constant 4 : i32
      %broadcast_in_dim3A_2314 = vector.broadcast %broadcast_in_dim3A_2313 : i32 to vector<16xi32>
      %gather3A_2315 = tpu.vector_load_idx %arg5[%broadcast_in_dim3A_2314, %get3A_2280] : memref<8x1024xf32, #tpu.memory_space<vmem>>[vector<16xi32>, vector<16xi32>], vector<16xf32>,
      %swap3A_2316 = arith.constant 4 : i32
      %swap3A_2317 = arith.index_cast %add3A_70 : i32 to index
      %swap3A_2318 = arith.index_cast %swap3A_2316 : i32 to index
      %swap3A_2319 = arith.constant 528 : index
      %swap3A_2320 = tpu.vector_load %arg7[%swap3A_2317, %swap3A_2318, %swap3A_2319] {strides = array<i32>} : memref<8x8x576xf32, #tpu.memory_space<vmem>>, vector<16xf32>,
      tpu.vector_store %arg7[%swap3A_2317, %swap3A_2318, %swap3A_2319], %gather3A_2315 {strides = array<i32>} : memref<8x8x576xf32, #tpu.memory_space<vmem>>, vector<16xf32>,
      %broadcast_in_dim3A_2321 = arith.constant 5 : i32
      %broadcast_in_dim3A_2322 = vector.broadcast %broadcast_in_dim3A_2321 : i32 to vector<16xi32>
      %gather3A_2323 = tpu.vector_load_idx %arg5[%broadcast_in_dim3A_2322, %get3A_2280] : memref<8x1024xf32, #tpu.memory_space<vmem>>[vector<16xi32>, vector<16xi32>], vector<16xf32>,
      %swap3A_2324 = arith.constant 5 : i32
      %swap3A_2325 = arith.index_cast %add3A_70 : i32 to index
      %swap3A_2326 = arith.index_cast %swap3A_2324 : i32 to index
      %swap3A_2327 = arith.constant 528 : index
      %swap3A_2328 = tpu.vector_load %arg7[%swap3A_2325, %swap3A_2326, %swap3A_2327] {strides = array<i32>} : memref<8x8x576xf32, #tpu.memory_space<vmem>>, vector<16xf32>,
      tpu.vector_store %arg7[%swap3A_2325, %swap3A_2326, %swap3A_2327], %gather3A_2323 {strides = array<i32>} : memref<8x8x576xf32, #tpu.memory_space<vmem>>, vector<16xf32>,
      %broadcast_in_dim3A_2329 = arith.constant 6 : i32
      %broadcast_in_dim3A_2330 = vector.broadcast %broadcast_in_dim3A_2329 : i32 to vector<16xi32>
      %gather3A_2331 = tpu.vector_load_idx %arg5[%broadcast_in_dim3A_2330, %get3A_2280] : memref<8x1024xf32, #tpu.memory_space<vmem>>[vector<16xi32>, vector<16xi32>], vector<16xf32>,
      %swap3A_2332 = arith.constant 6 : i32
      %swap3A_2333 = arith.index_cast %add3A_70 : i32 to index
      %swap3A_2334 = arith.index_cast %swap3A_2332 : i32 to index
      %swap3A_2335 = arith.constant 528 : index
      %swap3A_2336 = tpu.vector_load %arg7[%swap3A_2333, %swap3A_2334, %swap3A_2335] {strides = array<i32>} : memref<8x8x576xf32, #tpu.memory_space<vmem>>, vector<16xf32>,
      tpu.vector_store %arg7[%swap3A_2333, %swap3A_2334, %swap3A_2335], %gather3A_2331 {strides = array<i32>} : memref<8x8x576xf32, #tpu.memory_space<vmem>>, vector<16xf32>,
      %broadcast_in_dim3A_2337 = arith.constant 7 : i32
      %broadcast_in_dim3A_2338 = vector.broadcast %broadcast_in_dim3A_2337 : i32 to vector<16xi32>
      %gather3A_2339 = tpu.vector_load_idx %arg5[%broadcast_in_dim3A_2338, %get3A_2280] : memref<8x1024xf32, #tpu.memory_space<vmem>>[vector<16xi32>, vector<16xi32>], vector<16xf32>,
      %swap3A_2340 = arith.constant 7 : i32
      %swap3A_2341 = arith.index_cast %add3A_70 : i32 to index
      %swap3A_2342 = arith.index_cast %swap3A_2340 : i32 to index
      %swap3A_2343 = arith.constant 528 : index
      %swap3A_2344 = tpu.vector_load %arg7[%swap3A_2341, %swap3A_2342, %swap3A_2343] {strides = array<i32>} : memref<8x8x576xf32, #tpu.memory_space<vmem>>, vector<16xf32>,
      tpu.vector_store %arg7[%swap3A_2341, %swap3A_2342, %swap3A_2343], %gather3A_2339 {strides = array<i32>} : memref<8x8x576xf32, #tpu.memory_space<vmem>>, vector<16xf32>,
      %get3A_2345 = arith.index_cast %add3A_70 : i32 to index
      %get3A_2346 = arith.constant 544 : index
      %get3A_2347 = tpu.vector_load %arg6[%get3A_2345, %get3A_2346] {strides = array<i32>} : memref<8x576xi32, #tpu.memory_space<vmem>>, vector<16xi32>,
      %broadcast_in_dim3A_2348 = arith.constant 0 : i32
      %broadcast_in_dim3A_2349 = vector.broadcast %broadcast_in_dim3A_2348 : i32 to vector<16xi32>
      %gather3A_2350 = tpu.vector_load_idx %arg5[%broadcast_in_dim3A_2349, %get3A_2347] : memref<8x1024xf32, #tpu.memory_space<vmem>>[vector<16xi32>, vector<16xi32>], vector<16xf32>,
      %swap3A_2351 = arith.constant 0 : i32
      %swap3A_2352 = arith.index_cast %add3A_70 : i32 to index
      %swap3A_2353 = arith.index_cast %swap3A_2351 : i32 to index
      %swap3A_2354 = arith.constant 544 : index
      %swap3A_2355 = tpu.vector_load %arg7[%swap3A_2352, %swap3A_2353, %swap3A_2354] {strides = array<i32>} : memref<8x8x576xf32, #tpu.memory_space<vmem>>, vector<16xf32>,
      tpu.vector_store %arg7[%swap3A_2352, %swap3A_2353, %swap3A_2354], %gather3A_2350 {strides = array<i32>} : memref<8x8x576xf32, #tpu.memory_space<vmem>>, vector<16xf32>,
      %broadcast_in_dim3A_2356 = arith.constant 1 : i32
      %broadcast_in_dim3A_2357 = vector.broadcast %broadcast_in_dim3A_2356 : i32 to vector<16xi32>
      %gather3A_2358 = tpu.vector_load_idx %arg5[%broadcast_in_dim3A_2357, %get3A_2347] : memref<8x1024xf32, #tpu.memory_space<vmem>>[vector<16xi32>, vector<16xi32>], vector<16xf32>,
      %swap3A_2359 = arith.constant 1 : i32
      %swap3A_2360 = arith.index_cast %add3A_70 : i32 to index
      %swap3A_2361 = arith.index_cast %swap3A_2359 : i32 to index
      %swap3A_2362 = arith.constant 544 : index
      %swap3A_2363 = tpu.vector_load %arg7[%swap3A_2360, %swap3A_2361, %swap3A_2362] {strides = array<i32>} : memref<8x8x576xf32, #tpu.memory_space<vmem>>, vector<16xf32>,
      tpu.vector_store %arg7[%swap3A_2360, %swap3A_2361, %swap3A_2362], %gather3A_2358 {strides = array<i32>} : memref<8x8x576xf32, #tpu.memory_space<vmem>>, vector<16xf32>,
      %broadcast_in_dim3A_2364 = arith.constant 2 : i32
      %broadcast_in_dim3A_2365 = vector.broadcast %broadcast_in_dim3A_2364 : i32 to vector<16xi32>
      %gather3A_2366 = tpu.vector_load_idx %arg5[%broadcast_in_dim3A_2365, %get3A_2347] : memref<8x1024xf32, #tpu.memory_space<vmem>>[vector<16xi32>, vector<16xi32>], vector<16xf32>,
      %swap3A_2367 = arith.constant 2 : i32
      %swap3A_2368 = arith.index_cast %add3A_70 : i32 to index
      %swap3A_2369 = arith.index_cast %swap3A_2367 : i32 to index
      %swap3A_2370 = arith.constant 544 : index
      %swap3A_2371 = tpu.vector_load %arg7[%swap3A_2368, %swap3A_2369, %swap3A_2370] {strides = array<i32>} : memref<8x8x576xf32, #tpu.memory_space<vmem>>, vector<16xf32>,
      tpu.vector_store %arg7[%swap3A_2368, %swap3A_2369, %swap3A_2370], %gather3A_2366 {strides = array<i32>} : memref<8x8x576xf32, #tpu.memory_space<vmem>>, vector<16xf32>,
      %broadcast_in_dim3A_2372 = arith.constant 3 : i32
      %broadcast_in_dim3A_2373 = vector.broadcast %broadcast_in_dim3A_2372 : i32 to vector<16xi32>
      %gather3A_2374 = tpu.vector_load_idx %arg5[%broadcast_in_dim3A_2373, %get3A_2347] : memref<8x1024xf32, #tpu.memory_space<vmem>>[vector<16xi32>, vector<16xi32>], vector<16xf32>,
      %swap3A_2375 = arith.constant 3 : i32
      %swap3A_2376 = arith.index_cast %add3A_70 : i32 to index
      %swap3A_2377 = arith.index_cast %swap3A_2375 : i32 to index
      %swap3A_2378 = arith.constant 544 : index
      %swap3A_2379 = tpu.vector_load %arg7[%swap3A_2376, %swap3A_2377, %swap3A_2378] {strides = array<i32>} : memref<8x8x576xf32, #tpu.memory_space<vmem>>, vector<16xf32>,
      tpu.vector_store %arg7[%swap3A_2376, %swap3A_2377, %swap3A_2378], %gather3A_2374 {strides = array<i32>} : memref<8x8x576xf32, #tpu.memory_space<vmem>>, vector<16xf32>,
      %broadcast_in_dim3A_2380 = arith.constant 4 : i32
      %broadcast_in_dim3A_2381 = vector.broadcast %broadcast_in_dim3A_2380 : i32 to vector<16xi32>
      %gather3A_2382 = tpu.vector_load_idx %arg5[%broadcast_in_dim3A_2381, %get3A_2347] : memref<8x1024xf32, #tpu.memory_space<vmem>>[vector<16xi32>, vector<16xi32>], vector<16xf32>,
      %swap3A_2383 = arith.constant 4 : i32
      %swap3A_2384 = arith.index_cast %add3A_70 : i32 to index
      %swap3A_2385 = arith.index_cast %swap3A_2383 : i32 to index
      %swap3A_2386 = arith.constant 544 : index
      %swap3A_2387 = tpu.vector_load %arg7[%swap3A_2384, %swap3A_2385, %swap3A_2386] {strides = array<i32>} : memref<8x8x576xf32, #tpu.memory_space<vmem>>, vector<16xf32>,
      tpu.vector_store %arg7[%swap3A_2384, %swap3A_2385, %swap3A_2386], %gather3A_2382 {strides = array<i32>} : memref<8x8x576xf32, #tpu.memory_space<vmem>>, vector<16xf32>,
      %broadcast_in_dim3A_2388 = arith.constant 5 : i32
      %broadcast_in_dim3A_2389 = vector.broadcast %broadcast_in_dim3A_2388 : i32 to vector<16xi32>
      %gather3A_2390 = tpu.vector_load_idx %arg5[%broadcast_in_dim3A_2389, %get3A_2347] : memref<8x1024xf32, #tpu.memory_space<vmem>>[vector<16xi32>, vector<16xi32>], vector<16xf32>,
      %swap3A_2391 = arith.constant 5 : i32
      %swap3A_2392 = arith.index_cast %add3A_70 : i32 to index
      %swap3A_2393 = arith.index_cast %swap3A_2391 : i32 to index
      %swap3A_2394 = arith.constant 544 : index
      %swap3A_2395 = tpu.vector_load %arg7[%swap3A_2392, %swap3A_2393, %swap3A_2394] {strides = array<i32>} : memref<8x8x576xf32, #tpu.memory_space<vmem>>, vector<16xf32>,
      tpu.vector_store %arg7[%swap3A_2392, %swap3A_2393, %swap3A_2394], %gather3A_2390 {strides = array<i32>} : memref<8x8x576xf32, #tpu.memory_space<vmem>>, vector<16xf32>,
      %broadcast_in_dim3A_2396 = arith.constant 6 : i32
      %broadcast_in_dim3A_2397 = vector.broadcast %broadcast_in_dim3A_2396 : i32 to vector<16xi32>
      %gather3A_2398 = tpu.vector_load_idx %arg5[%broadcast_in_dim3A_2397, %get3A_2347] : memref<8x1024xf32, #tpu.memory_space<vmem>>[vector<16xi32>, vector<16xi32>], vector<16xf32>,
      %swap3A_2399 = arith.constant 6 : i32
      %swap3A_2400 = arith.index_cast %add3A_70 : i32 to index
      %swap3A_2401 = arith.index_cast %swap3A_2399 : i32 to index
      %swap3A_2402 = arith.constant 544 : index
      %swap3A_2403 = tpu.vector_load %arg7[%swap3A_2400, %swap3A_2401, %swap3A_2402] {strides = array<i32>} : memref<8x8x576xf32, #tpu.memory_space<vmem>>, vector<16xf32>,
      tpu.vector_store %arg7[%swap3A_2400, %swap3A_2401, %swap3A_2402], %gather3A_2398 {strides = array<i32>} : memref<8x8x576xf32, #tpu.memory_space<vmem>>, vector<16xf32>,
      %broadcast_in_dim3A_2404 = arith.constant 7 : i32
      %broadcast_in_dim3A_2405 = vector.broadcast %broadcast_in_dim3A_2404 : i32 to vector<16xi32>
      %gather3A_2406 = tpu.vector_load_idx %arg5[%broadcast_in_dim3A_2405, %get3A_2347] : memref<8x1024xf32, #tpu.memory_space<vmem>>[vector<16xi32>, vector<16xi32>], vector<16xf32>,
      %swap3A_2407 = arith.constant 7 : i32
      %swap3A_2408 = arith.index_cast %add3A_70 : i32 to index
      %swap3A_2409 = arith.index_cast %swap3A_2407 : i32 to index
      %swap3A_2410 = arith.constant 544 : index
      %swap3A_2411 = tpu.vector_load %arg7[%swap3A_2408, %swap3A_2409, %swap3A_2410] {strides = array<i32>} : memref<8x8x576xf32, #tpu.memory_space<vmem>>, vector<16xf32>,
      tpu.vector_store %arg7[%swap3A_2408, %swap3A_2409, %swap3A_2410], %gather3A_2406 {strides = array<i32>} : memref<8x8x576xf32, #tpu.memory_space<vmem>>, vector<16xf32>,
      %get3A_2412 = arith.index_cast %add3A_70 : i32 to index
      %get3A_2413 = arith.constant 560 : index
      %get3A_2414 = tpu.vector_load %arg6[%get3A_2412, %get3A_2413] {strides = array<i32>} : memref<8x576xi32, #tpu.memory_space<vmem>>, vector<16xi32>,
      %broadcast_in_dim3A_2415 = arith.constant 0 : i32
      %broadcast_in_dim3A_2416 = vector.broadcast %broadcast_in_dim3A_2415 : i32 to vector<16xi32>
      %gather3A_2417 = tpu.vector_load_idx %arg5[%broadcast_in_dim3A_2416, %get3A_2414] : memref<8x1024xf32, #tpu.memory_space<vmem>>[vector<16xi32>, vector<16xi32>], vector<16xf32>,
      %swap3A_2418 = arith.constant 0 : i32
      %swap3A_2419 = arith.index_cast %add3A_70 : i32 to index
      %swap3A_2420 = arith.index_cast %swap3A_2418 : i32 to index
      %swap3A_2421 = arith.constant 560 : index
      %swap3A_2422 = tpu.vector_load %arg7[%swap3A_2419, %swap3A_2420, %swap3A_2421] {strides = array<i32>} : memref<8x8x576xf32, #tpu.memory_space<vmem>>, vector<16xf32>,
      tpu.vector_store %arg7[%swap3A_2419, %swap3A_2420, %swap3A_2421], %gather3A_2417 {strides = array<i32>} : memref<8x8x576xf32, #tpu.memory_space<vmem>>, vector<16xf32>,
      %broadcast_in_dim3A_2423 = arith.constant 1 : i32
      %broadcast_in_dim3A_2424 = vector.broadcast %broadcast_in_dim3A_2423 : i32 to vector<16xi32>
      %gather3A_2425 = tpu.vector_load_idx %arg5[%broadcast_in_dim3A_2424, %get3A_2414] : memref<8x1024xf32, #tpu.memory_space<vmem>>[vector<16xi32>, vector<16xi32>], vector<16xf32>,
      %swap3A_2426 = arith.constant 1 : i32
      %swap3A_2427 = arith.index_cast %add3A_70 : i32 to index
      %swap3A_2428 = arith.index_cast %swap3A_2426 : i32 to index
      %swap3A_2429 = arith.constant 560 : index
      %swap3A_2430 = tpu.vector_load %arg7[%swap3A_2427, %swap3A_2428, %swap3A_2429] {strides = array<i32>} : memref<8x8x576xf32, #tpu.memory_space<vmem>>, vector<16xf32>,
      tpu.vector_store %arg7[%swap3A_2427, %swap3A_2428, %swap3A_2429], %gather3A_2425 {strides = array<i32>} : memref<8x8x576xf32, #tpu.memory_space<vmem>>, vector<16xf32>,
      %broadcast_in_dim3A_2431 = arith.constant 2 : i32
      %broadcast_in_dim3A_2432 = vector.broadcast %broadcast_in_dim3A_2431 : i32 to vector<16xi32>
      %gather3A_2433 = tpu.vector_load_idx %arg5[%broadcast_in_dim3A_2432, %get3A_2414] : memref<8x1024xf32, #tpu.memory_space<vmem>>[vector<16xi32>, vector<16xi32>], vector<16xf32>,
      %swap3A_2434 = arith.constant 2 : i32
      %swap3A_2435 = arith.index_cast %add3A_70 : i32 to index
      %swap3A_2436 = arith.index_cast %swap3A_2434 : i32 to index
      %swap3A_2437 = arith.constant 560 : index
      %swap3A_2438 = tpu.vector_load %arg7[%swap3A_2435, %swap3A_2436, %swap3A_2437] {strides = array<i32>} : memref<8x8x576xf32, #tpu.memory_space<vmem>>, vector<16xf32>,
      tpu.vector_store %arg7[%swap3A_2435, %swap3A_2436, %swap3A_2437], %gather3A_2433 {strides = array<i32>} : memref<8x8x576xf32, #tpu.memory_space<vmem>>, vector<16xf32>,
      %broadcast_in_dim3A_2439 = arith.constant 3 : i32
      %broadcast_in_dim3A_2440 = vector.broadcast %broadcast_in_dim3A_2439 : i32 to vector<16xi32>
      %gather3A_2441 = tpu.vector_load_idx %arg5[%broadcast_in_dim3A_2440, %get3A_2414] : memref<8x1024xf32, #tpu.memory_space<vmem>>[vector<16xi32>, vector<16xi32>], vector<16xf32>,
      %swap3A_2442 = arith.constant 3 : i32
      %swap3A_2443 = arith.index_cast %add3A_70 : i32 to index
      %swap3A_2444 = arith.index_cast %swap3A_2442 : i32 to index
      %swap3A_2445 = arith.constant 560 : index
      %swap3A_2446 = tpu.vector_load %arg7[%swap3A_2443, %swap3A_2444, %swap3A_2445] {strides = array<i32>} : memref<8x8x576xf32, #tpu.memory_space<vmem>>, vector<16xf32>,
      tpu.vector_store %arg7[%swap3A_2443, %swap3A_2444, %swap3A_2445], %gather3A_2441 {strides = array<i32>} : memref<8x8x576xf32, #tpu.memory_space<vmem>>, vector<16xf32>,
      %broadcast_in_dim3A_2447 = arith.constant 4 : i32
      %broadcast_in_dim3A_2448 = vector.broadcast %broadcast_in_dim3A_2447 : i32 to vector<16xi32>
      %gather3A_2449 = tpu.vector_load_idx %arg5[%broadcast_in_dim3A_2448, %get3A_2414] : memref<8x1024xf32, #tpu.memory_space<vmem>>[vector<16xi32>, vector<16xi32>], vector<16xf32>,
      %swap3A_2450 = arith.constant 4 : i32
      %swap3A_2451 = arith.index_cast %add3A_70 : i32 to index
      %swap3A_2452 = arith.index_cast %swap3A_2450 : i32 to index
      %swap3A_2453 = arith.constant 560 : index
      %swap3A_2454 = tpu.vector_load %arg7[%swap3A_2451, %swap3A_2452, %swap3A_2453] {strides = array<i32>} : memref<8x8x576xf32, #tpu.memory_space<vmem>>, vector<16xf32>,
      tpu.vector_store %arg7[%swap3A_2451, %swap3A_2452, %swap3A_2453], %gather3A_2449 {strides = array<i32>} : memref<8x8x576xf32, #tpu.memory_space<vmem>>, vector<16xf32>,
      %broadcast_in_dim3A_2455 = arith.constant 5 : i32
      %broadcast_in_dim3A_2456 = vector.broadcast %broadcast_in_dim3A_2455 : i32 to vector<16xi32>
      %gather3A_2457 = tpu.vector_load_idx %arg5[%broadcast_in_dim3A_2456, %get3A_2414] : memref<8x1024xf32, #tpu.memory_space<vmem>>[vector<16xi32>, vector<16xi32>], vector<16xf32>,
      %swap3A_2458 = arith.constant 5 : i32
      %swap3A_2459 = arith.index_cast %add3A_70 : i32 to index
      %swap3A_2460 = arith.index_cast %swap3A_2458 : i32 to index
      %swap3A_2461 = arith.constant 560 : index
      %swap3A_2462 = tpu.vector_load %arg7[%swap3A_2459, %swap3A_2460, %swap3A_2461] {strides = array<i32>} : memref<8x8x576xf32, #tpu.memory_space<vmem>>, vector<16xf32>,
      tpu.vector_store %arg7[%swap3A_2459, %swap3A_2460, %swap3A_2461], %gather3A_2457 {strides = array<i32>} : memref<8x8x576xf32, #tpu.memory_space<vmem>>, vector<16xf32>,
      %broadcast_in_dim3A_2463 = arith.constant 6 : i32
      %broadcast_in_dim3A_2464 = vector.broadcast %broadcast_in_dim3A_2463 : i32 to vector<16xi32>
      %gather3A_2465 = tpu.vector_load_idx %arg5[%broadcast_in_dim3A_2464, %get3A_2414] : memref<8x1024xf32, #tpu.memory_space<vmem>>[vector<16xi32>, vector<16xi32>], vector<16xf32>,
      %swap3A_2466 = arith.constant 6 : i32
      %swap3A_2467 = arith.index_cast %add3A_70 : i32 to index
      %swap3A_2468 = arith.index_cast %swap3A_2466 : i32 to index
      %swap3A_2469 = arith.constant 560 : index
      %swap3A_2470 = tpu.vector_load %arg7[%swap3A_2467, %swap3A_2468, %swap3A_2469] {strides = array<i32>} : memref<8x8x576xf32, #tpu.memory_space<vmem>>, vector<16xf32>,
      tpu.vector_store %arg7[%swap3A_2467, %swap3A_2468, %swap3A_2469], %gather3A_2465 {strides = array<i32>} : memref<8x8x576xf32, #tpu.memory_space<vmem>>, vector<16xf32>,
      %broadcast_in_dim3A_2471 = arith.constant 7 : i32
      %broadcast_in_dim3A_2472 = vector.broadcast %broadcast_in_dim3A_2471 : i32 to vector<16xi32>
      %gather3A_2473 = tpu.vector_load_idx %arg5[%broadcast_in_dim3A_2472, %get3A_2414] : memref<8x1024xf32, #tpu.memory_space<vmem>>[vector<16xi32>, vector<16xi32>], vector<16xf32>,
      %swap3A_2474 = arith.constant 7 : i32
      %swap3A_2475 = arith.index_cast %add3A_70 : i32 to index
      %swap3A_2476 = arith.index_cast %swap3A_2474 : i32 to index
      %swap3A_2477 = arith.constant 560 : index
      %swap3A_2478 = tpu.vector_load %arg7[%swap3A_2475, %swap3A_2476, %swap3A_2477] {strides = array<i32>} : memref<8x8x576xf32, #tpu.memory_space<vmem>>, vector<16xf32>,
      tpu.vector_store %arg7[%swap3A_2475, %swap3A_2476, %swap3A_2477], %gather3A_2473 {strides = array<i32>} : memref<8x8x576xf32, #tpu.memory_space<vmem>>, vector<16xf32>,
    }
    %scan3A_10 = arith.constant 8 : i32
    %mul3A_11 = arith.constant 8 : i32
    %mul3A_12 = arith.muli %div3A_2, %mul3A_11 : i32
    %add3A_13 = arith.constant 0 : i32
    %add3A_14 = arith.addi %mul3A_12, %add3A_13 : i32
    %mul3A_15 = arith.constant 8 : i32
    %mul3A_16 = arith.muli %rem3A_1, %mul3A_15 : i32
    %run_scoped3A = arith.constant 0 : i32
    "tpu.region"() ({
      %run_scoped3A_66 = tpu.sem_alloc : memref<!tpu.dma_semaphore, #tpu.memory_space<semaphore_mem>>
      %dma_start3A = arith.constant 0 : i32
      %dma_start3A_67 = arith.constant 0 : i32
      %dma_start3A_68 = tpu.memref_slice %arg7[%run_scoped3A, %dma_start3A, %dma_start3A_67] : memref<8x8x576xf32, #tpu.memory_space<vmem>> -> memref<1x8x576xf32, #tpu.memory_space<vmem>>
      %dma_start3A_69 = tpu.memref_squeeze %dma_start3A_68 : memref<1x8x576xf32, #tpu.memory_space<vmem>> -> memref<8x576xf32, #tpu.memory_space<vmem>>
      %dma_start3A_70 = arith.constant 0 : i32
      %dma_start3A_71 = arith.constant 0 : i32
      %dma_start3A_72 = tpu.memref_slice %arg4[%add3A_14, %dma_start3A_70, %dma_start3A_71] : memref<32x64x576xf32, #tpu.memory_space<hbm>> -> memref<1x64x576xf32, #tpu.memory_space<hbm>>
      %dma_start3A_73 = tpu.memref_squeeze %dma_start3A_72 : memref<1x64x576xf32, #tpu.memory_space<hbm>> -> memref<64x576xf32, #tpu.memory_space<hbm>>
      %dma_start3A_74 = arith.constant 0 : i32
      %dma_start3A_75 = tpu.memref_slice %dma_start3A_73[%mul3A_16, %dma_start3A_74] : memref<64x576xf32, #tpu.memory_space<hbm>> -> memref<8x576xf32, #tpu.memory_space<hbm>>
      %dma_start3A_76 = arith.constant 0 : i32
      %dma_start3A_77 = arith.constant 0 : i32
      %dma_start3A_78 = tpu.memref_slice %arg4[%add3A_14, %dma_start3A_76, %dma_start3A_77] : memref<32x64x576xf32, #tpu.memory_space<hbm>> -> memref<1x64x576xf32, #tpu.memory_space<hbm>>
      %dma_start3A_79 = tpu.memref_squeeze %dma_start3A_78 : memref<1x64x576xf32, #tpu.memory_space<hbm>> -> memref<64x576xf32, #tpu.memory_space<hbm>>
      %dma_start3A_80 = arith.constant 0 : i32
      %dma_start3A_81 = tpu.memref_slice %dma_start3A_79[%mul3A_16, %dma_start3A_80] : memref<64x576xf32, #tpu.memory_space<hbm>> -> memref<8x576xf32, #tpu.memory_space<hbm>>
      %dma_start3A_82 = arith.constant 0 : i32
      %dma_start3A_83 = arith.constant 0 : i32
      %dma_start3A_84 = tpu.memref_slice %arg7[%run_scoped3A, %dma_start3A_82, %dma_start3A_83] : memref<8x8x576xf32, #tpu.memory_space<vmem>> -> memref<1x8x576xf32, #tpu.memory_space<vmem>>
      %dma_start3A_85 = tpu.memref_squeeze %dma_start3A_84 : memref<1x8x576xf32, #tpu.memory_space<vmem>> -> memref<8x576xf32, #tpu.memory_space<vmem>>
      tpu.enqueue_dma source(%dma_start3A_85 : memref<8x576xf32, #tpu.memory_space<vmem>>) target(%dma_start3A_81 : memref<8x576xf32, #tpu.memory_space<hbm>>) target_semaphore(%run_scoped3A_66 : memref<!tpu.dma_semaphore, #tpu.memory_space<semaphore_mem>>)
      %dma_wait3A = arith.constant 0 : i32
      %dma_wait3A_86 = arith.constant 0 : i32
      %dma_wait3A_87 = tpu.memref_slice %arg7[%run_scoped3A, %dma_wait3A, %dma_wait3A_86] : memref<8x8x576xf32, #tpu.memory_space<vmem>> -> memref<1x8x576xf32, #tpu.memory_space<vmem>>
      %dma_wait3A_88 = tpu.memref_squeeze %dma_wait3A_87 : memref<1x8x576xf32, #tpu.memory_space<vmem>> -> memref<8x576xf32, #tpu.memory_space<vmem>>
      %dma_wait3A_89 = arith.constant 0 : i32
      %dma_wait3A_90 = arith.constant 0 : i32
      %dma_wait3A_91 = tpu.memref_slice %arg4[%add3A_14, %dma_wait3A_89, %dma_wait3A_90] : memref<32x64x576xf32, #tpu.memory_space<hbm>> -> memref<1x64x576xf32, #tpu.memory_space<hbm>>
      %dma_wait3A_92 = tpu.memref_squeeze %dma_wait3A_91 : memref<1x64x576xf32, #tpu.memory_space<hbm>> -> memref<64x576xf32, #tpu.memory_space<hbm>>
      %dma_wait3A_93 = arith.constant 0 : i32
      %dma_wait3A_94 = tpu.memref_slice %dma_wait3A_92[%mul3A_16, %dma_wait3A_93] : memref<64x576xf32, #tpu.memory_space<hbm>> -> memref<8x576xf32, #tpu.memory_space<hbm>>
      %dma_wait3A_95 = arith.constant 0 : i32
      %dma_wait3A_96 = arith.constant 0 : i32
      %dma_wait3A_97 = tpu.memref_slice %arg4[%add3A_14, %dma_wait3A_95, %dma_wait3A_96] : memref<32x64x576xf32, #tpu.memory_space<hbm>> -> memref<1x64x576xf32, #tpu.memory_space<hbm>>
      %dma_wait3A_98 = tpu.memref_squeeze %dma_wait3A_97 : memref<1x64x576xf32, #tpu.memory_space<hbm>> -> memref<64x576xf32, #tpu.memory_space<hbm>>
      %dma_wait3A_99 = arith.constant 0 : i32
      %dma_wait3A_100 = tpu.memref_slice %dma_wait3A_98[%mul3A_16, %dma_wait3A_99] : memref<64x576xf32, #tpu.memory_space<hbm>> -> memref<8x576xf32, #tpu.memory_space<hbm>>
      %dma_wait3A_101 = arith.constant 0 : i32
      %dma_wait3A_102 = arith.constant 0 : i32
      %dma_wait3A_103 = tpu.memref_slice %arg7[%run_scoped3A, %dma_wait3A_101, %dma_wait3A_102] : memref<8x8x576xf32, #tpu.memory_space<vmem>> -> memref<1x8x576xf32, #tpu.memory_space<vmem>>
      %dma_wait3A_104 = tpu.memref_squeeze %dma_wait3A_103 : memref<1x8x576xf32, #tpu.memory_space<vmem>> -> memref<8x576xf32, #tpu.memory_space<vmem>>
      tpu.wait_dma2 semaphore(%run_scoped3A_66 : memref<!tpu.dma_semaphore, #tpu.memory_space<semaphore_mem>>) src(%dma_wait3A_104 : memref<8x576xf32, #tpu.memory_space<vmem>>) dst(%dma_wait3A_100 : memref<8x576xf32, #tpu.memory_space<hbm>>)
      tpu.yield
    }) : () -> ()
    %mul3A_17 = arith.constant 8 : i32
    %mul3A_18 = arith.muli %div3A_2, %mul3A_17 : i32
    %add3A_19 = arith.constant 1 : i32
    %add3A_20 = arith.addi %mul3A_18, %add3A_19 : i32
    %mul3A_21 = arith.constant 8 : i32
    %mul3A_22 = arith.muli %rem3A_1, %mul3A_21 : i32
    %run_scoped3A_23 = arith.constant 1 : i32
    "tpu.region"() ({
      %run_scoped3A_66 = tpu.sem_alloc : memref<!tpu.dma_semaphore, #tpu.memory_space<semaphore_mem>>
      %dma_start3A = arith.constant 0 : i32
      %dma_start3A_67 = arith.constant 0 : i32
      %dma_start3A_68 = tpu.memref_slice %arg7[%run_scoped3A_23, %dma_start3A, %dma_start3A_67] : memref<8x8x576xf32, #tpu.memory_space<vmem>> -> memref<1x8x576xf32, #tpu.memory_space<vmem>>
      %dma_start3A_69 = tpu.memref_squeeze %dma_start3A_68 : memref<1x8x576xf32, #tpu.memory_space<vmem>> -> memref<8x576xf32, #tpu.memory_space<vmem>>
      %dma_start3A_70 = arith.constant 0 : i32
      %dma_start3A_71 = arith.constant 0 : i32
      %dma_start3A_72 = tpu.memref_slice %arg4[%add3A_20, %dma_start3A_70, %dma_start3A_71] : memref<32x64x576xf32, #tpu.memory_space<hbm>> -> memref<1x64x576xf32, #tpu.memory_space<hbm>>
      %dma_start3A_73 = tpu.memref_squeeze %dma_start3A_72 : memref<1x64x576xf32, #tpu.memory_space<hbm>> -> memref<64x576xf32, #tpu.memory_space<hbm>>
      %dma_start3A_74 = arith.constant 0 : i32
      %dma_start3A_75 = tpu.memref_slice %dma_start3A_73[%mul3A_22, %dma_start3A_74] : memref<64x576xf32, #tpu.memory_space<hbm>> -> memref<8x576xf32, #tpu.memory_space<hbm>>
      %dma_start3A_76 = arith.constant 0 : i32
      %dma_start3A_77 = arith.constant 0 : i32
      %dma_start3A_78 = tpu.memref_slice %arg4[%add3A_20, %dma_start3A_76, %dma_start3A_77] : memref<32x64x576xf32, #tpu.memory_space<hbm>> -> memref<1x64x576xf32, #tpu.memory_space<hbm>>
      %dma_start3A_79 = tpu.memref_squeeze %dma_start3A_78 : memref<1x64x576xf32, #tpu.memory_space<hbm>> -> memref<64x576xf32, #tpu.memory_space<hbm>>
      %dma_start3A_80 = arith.constant 0 : i32
      %dma_start3A_81 = tpu.memref_slice %dma_start3A_79[%mul3A_22, %dma_start3A_80] : memref<64x576xf32, #tpu.memory_space<hbm>> -> memref<8x576xf32, #tpu.memory_space<hbm>>
      %dma_start3A_82 = arith.constant 0 : i32
      %dma_start3A_83 = arith.constant 0 : i32
      %dma_start3A_84 = tpu.memref_slice %arg7[%run_scoped3A_23, %dma_start3A_82, %dma_start3A_83] : memref<8x8x576xf32, #tpu.memory_space<vmem>> -> memref<1x8x576xf32, #tpu.memory_space<vmem>>
      %dma_start3A_85 = tpu.memref_squeeze %dma_start3A_84 : memref<1x8x576xf32, #tpu.memory_space<vmem>> -> memref<8x576xf32, #tpu.memory_space<vmem>>
      tpu.enqueue_dma source(%dma_start3A_85 : memref<8x576xf32, #tpu.memory_space<vmem>>) target(%dma_start3A_81 : memref<8x576xf32, #tpu.memory_space<hbm>>) target_semaphore(%run_scoped3A_66 : memref<!tpu.dma_semaphore, #tpu.memory_space<semaphore_mem>>)
      %dma_wait3A = arith.constant 0 : i32
      %dma_wait3A_86 = arith.constant 0 : i32
      %dma_wait3A_87 = tpu.memref_slice %arg7[%run_scoped3A_23, %dma_wait3A, %dma_wait3A_86] : memref<8x8x576xf32, #tpu.memory_space<vmem>> -> memref<1x8x576xf32, #tpu.memory_space<vmem>>
      %dma_wait3A_88 = tpu.memref_squeeze %dma_wait3A_87 : memref<1x8x576xf32, #tpu.memory_space<vmem>> -> memref<8x576xf32, #tpu.memory_space<vmem>>
      %dma_wait3A_89 = arith.constant 0 : i32
      %dma_wait3A_90 = arith.constant 0 : i32
      %dma_wait3A_91 = tpu.memref_slice %arg4[%add3A_20, %dma_wait3A_89, %dma_wait3A_90] : memref<32x64x576xf32, #tpu.memory_space<hbm>> -> memref<1x64x576xf32, #tpu.memory_space<hbm>>
      %dma_wait3A_92 = tpu.memref_squeeze %dma_wait3A_91 : memref<1x64x576xf32, #tpu.memory_space<hbm>> -> memref<64x576xf32, #tpu.memory_space<hbm>>
      %dma_wait3A_93 = arith.constant 0 : i32
      %dma_wait3A_94 = tpu.memref_slice %dma_wait3A_92[%mul3A_22, %dma_wait3A_93] : memref<64x576xf32, #tpu.memory_space<hbm>> -> memref<8x576xf32, #tpu.memory_space<hbm>>
      %dma_wait3A_95 = arith.constant 0 : i32
      %dma_wait3A_96 = arith.constant 0 : i32
      %dma_wait3A_97 = tpu.memref_slice %arg4[%add3A_20, %dma_wait3A_95, %dma_wait3A_96] : memref<32x64x576xf32, #tpu.memory_space<hbm>> -> memref<1x64x576xf32, #tpu.memory_space<hbm>>
      %dma_wait3A_98 = tpu.memref_squeeze %dma_wait3A_97 : memref<1x64x576xf32, #tpu.memory_space<hbm>> -> memref<64x576xf32, #tpu.memory_space<hbm>>
      %dma_wait3A_99 = arith.constant 0 : i32
      %dma_wait3A_100 = tpu.memref_slice %dma_wait3A_98[%mul3A_22, %dma_wait3A_99] : memref<64x576xf32, #tpu.memory_space<hbm>> -> memref<8x576xf32, #tpu.memory_space<hbm>>
      %dma_wait3A_101 = arith.constant 0 : i32
      %dma_wait3A_102 = arith.constant 0 : i32
      %dma_wait3A_103 = tpu.memref_slice %arg7[%run_scoped3A_23, %dma_wait3A_101, %dma_wait3A_102] : memref<8x8x576xf32, #tpu.memory_space<vmem>> -> memref<1x8x576xf32, #tpu.memory_space<vmem>>
      %dma_wait3A_104 = tpu.memref_squeeze %dma_wait3A_103 : memref<1x8x576xf32, #tpu.memory_space<vmem>> -> memref<8x576xf32, #tpu.memory_space<vmem>>
      tpu.wait_dma2 semaphore(%run_scoped3A_66 : memref<!tpu.dma_semaphore, #tpu.memory_space<semaphore_mem>>) src(%dma_wait3A_104 : memref<8x576xf32, #tpu.memory_space<vmem>>) dst(%dma_wait3A_100 : memref<8x576xf32, #tpu.memory_space<hbm>>)
      tpu.yield
    }) : () -> ()
    %mul3A_24 = arith.constant 8 : i32
    %mul3A_25 = arith.muli %div3A_2, %mul3A_24 : i32
    %add3A_26 = arith.constant 2 : i32
    %add3A_27 = arith.addi %mul3A_25, %add3A_26 : i32
    %mul3A_28 = arith.constant 8 : i32
    %mul3A_29 = arith.muli %rem3A_1, %mul3A_28 : i32
    %run_scoped3A_30 = arith.constant 2 : i32
    "tpu.region"() ({
      %run_scoped3A_66 = tpu.sem_alloc : memref<!tpu.dma_semaphore, #tpu.memory_space<semaphore_mem>>
      %dma_start3A = arith.constant 0 : i32
      %dma_start3A_67 = arith.constant 0 : i32
      %dma_start3A_68 = tpu.memref_slice %arg7[%run_scoped3A_30, %dma_start3A, %dma_start3A_67] : memref<8x8x576xf32, #tpu.memory_space<vmem>> -> memref<1x8x576xf32, #tpu.memory_space<vmem>>
      %dma_start3A_69 = tpu.memref_squeeze %dma_start3A_68 : memref<1x8x576xf32, #tpu.memory_space<vmem>> -> memref<8x576xf32, #tpu.memory_space<vmem>>
      %dma_start3A_70 = arith.constant 0 : i32
      %dma_start3A_71 = arith.constant 0 : i32
      %dma_start3A_72 = tpu.memref_slice %arg4[%add3A_27, %dma_start3A_70, %dma_start3A_71] : memref<32x64x576xf32, #tpu.memory_space<hbm>> -> memref<1x64x576xf32, #tpu.memory_space<hbm>>
      %dma_start3A_73 = tpu.memref_squeeze %dma_start3A_72 : memref<1x64x576xf32, #tpu.memory_space<hbm>> -> memref<64x576xf32, #tpu.memory_space<hbm>>
      %dma_start3A_74 = arith.constant 0 : i32
      %dma_start3A_75 = tpu.memref_slice %dma_start3A_73[%mul3A_29, %dma_start3A_74] : memref<64x576xf32, #tpu.memory_space<hbm>> -> memref<8x576xf32, #tpu.memory_space<hbm>>
      %dma_start3A_76 = arith.constant 0 : i32
      %dma_start3A_77 = arith.constant 0 : i32
      %dma_start3A_78 = tpu.memref_slice %arg4[%add3A_27, %dma_start3A_76, %dma_start3A_77] : memref<32x64x576xf32, #tpu.memory_space<hbm>> -> memref<1x64x576xf32, #tpu.memory_space<hbm>>
      %dma_start3A_79 = tpu.memref_squeeze %dma_start3A_78 : memref<1x64x576xf32, #tpu.memory_space<hbm>> -> memref<64x576xf32, #tpu.memory_space<hbm>>
      %dma_start3A_80 = arith.constant 0 : i32
      %dma_start3A_81 = tpu.memref_slice %dma_start3A_79[%mul3A_29, %dma_start3A_80] : memref<64x576xf32, #tpu.memory_space<hbm>> -> memref<8x576xf32, #tpu.memory_space<hbm>>
      %dma_start3A_82 = arith.constant 0 : i32
      %dma_start3A_83 = arith.constant 0 : i32
      %dma_start3A_84 = tpu.memref_slice %arg7[%run_scoped3A_30, %dma_start3A_82, %dma_start3A_83] : memref<8x8x576xf32, #tpu.memory_space<vmem>> -> memref<1x8x576xf32, #tpu.memory_space<vmem>>
      %dma_start3A_85 = tpu.memref_squeeze %dma_start3A_84 : memref<1x8x576xf32, #tpu.memory_space<vmem>> -> memref<8x576xf32, #tpu.memory_space<vmem>>
      tpu.enqueue_dma source(%dma_start3A_85 : memref<8x576xf32, #tpu.memory_space<vmem>>) target(%dma_start3A_81 : memref<8x576xf32, #tpu.memory_space<hbm>>) target_semaphore(%run_scoped3A_66 : memref<!tpu.dma_semaphore, #tpu.memory_space<semaphore_mem>>)
      %dma_wait3A = arith.constant 0 : i32
      %dma_wait3A_86 = arith.constant 0 : i32
      %dma_wait3A_87 = tpu.memref_slice %arg7[%run_scoped3A_30, %dma_wait3A, %dma_wait3A_86] : memref<8x8x576xf32, #tpu.memory_space<vmem>> -> memref<1x8x576xf32, #tpu.memory_space<vmem>>
      %dma_wait3A_88 = tpu.memref_squeeze %dma_wait3A_87 : memref<1x8x576xf32, #tpu.memory_space<vmem>> -> memref<8x576xf32, #tpu.memory_space<vmem>>
      %dma_wait3A_89 = arith.constant 0 : i32
      %dma_wait3A_90 = arith.constant 0 : i32
      %dma_wait3A_91 = tpu.memref_slice %arg4[%add3A_27, %dma_wait3A_89, %dma_wait3A_90] : memref<32x64x576xf32, #tpu.memory_space<hbm>> -> memref<1x64x576xf32, #tpu.memory_space<hbm>>
      %dma_wait3A_92 = tpu.memref_squeeze %dma_wait3A_91 : memref<1x64x576xf32, #tpu.memory_space<hbm>> -> memref<64x576xf32, #tpu.memory_space<hbm>>
      %dma_wait3A_93 = arith.constant 0 : i32
      %dma_wait3A_94 = tpu.memref_slice %dma_wait3A_92[%mul3A_29, %dma_wait3A_93] : memref<64x576xf32, #tpu.memory_space<hbm>> -> memref<8x576xf32, #tpu.memory_space<hbm>>
      %dma_wait3A_95 = arith.constant 0 : i32
      %dma_wait3A_96 = arith.constant 0 : i32
      %dma_wait3A_97 = tpu.memref_slice %arg4[%add3A_27, %dma_wait3A_95, %dma_wait3A_96] : memref<32x64x576xf32, #tpu.memory_space<hbm>> -> memref<1x64x576xf32, #tpu.memory_space<hbm>>
      %dma_wait3A_98 = tpu.memref_squeeze %dma_wait3A_97 : memref<1x64x576xf32, #tpu.memory_space<hbm>> -> memref<64x576xf32, #tpu.memory_space<hbm>>
      %dma_wait3A_99 = arith.constant 0 : i32
      %dma_wait3A_100 = tpu.memref_slice %dma_wait3A_98[%mul3A_29, %dma_wait3A_99] : memref<64x576xf32, #tpu.memory_space<hbm>> -> memref<8x576xf32, #tpu.memory_space<hbm>>
      %dma_wait3A_101 = arith.constant 0 : i32
      %dma_wait3A_102 = arith.constant 0 : i32
      %dma_wait3A_103 = tpu.memref_slice %arg7[%run_scoped3A_30, %dma_wait3A_101, %dma_wait3A_102] : memref<8x8x576xf32, #tpu.memory_space<vmem>> -> memref<1x8x576xf32, #tpu.memory_space<vmem>>
      %dma_wait3A_104 = tpu.memref_squeeze %dma_wait3A_103 : memref<1x8x576xf32, #tpu.memory_space<vmem>> -> memref<8x576xf32, #tpu.memory_space<vmem>>
      tpu.wait_dma2 semaphore(%run_scoped3A_66 : memref<!tpu.dma_semaphore, #tpu.memory_space<semaphore_mem>>) src(%dma_wait3A_104 : memref<8x576xf32, #tpu.memory_space<vmem>>) dst(%dma_wait3A_100 : memref<8x576xf32, #tpu.memory_space<hbm>>)
      tpu.yield
    }) : () -> ()
    %mul3A_31 = arith.constant 8 : i32
    %mul3A_32 = arith.muli %div3A_2, %mul3A_31 : i32
    %add3A_33 = arith.constant 3 : i32
    %add3A_34 = arith.addi %mul3A_32, %add3A_33 : i32
    %mul3A_35 = arith.constant 8 : i32
    %mul3A_36 = arith.muli %rem3A_1, %mul3A_35 : i32
    %run_scoped3A_37 = arith.constant 3 : i32
    "tpu.region"() ({
      %run_scoped3A_66 = tpu.sem_alloc : memref<!tpu.dma_semaphore, #tpu.memory_space<semaphore_mem>>
      %dma_start3A = arith.constant 0 : i32
      %dma_start3A_67 = arith.constant 0 : i32
      %dma_start3A_68 = tpu.memref_slice %arg7[%run_scoped3A_37, %dma_start3A, %dma_start3A_67] : memref<8x8x576xf32, #tpu.memory_space<vmem>> -> memref<1x8x576xf32, #tpu.memory_space<vmem>>
      %dma_start3A_69 = tpu.memref_squeeze %dma_start3A_68 : memref<1x8x576xf32, #tpu.memory_space<vmem>> -> memref<8x576xf32, #tpu.memory_space<vmem>>
      %dma_start3A_70 = arith.constant 0 : i32
      %dma_start3A_71 = arith.constant 0 : i32
      %dma_start3A_72 = tpu.memref_slice %arg4[%add3A_34, %dma_start3A_70, %dma_start3A_71] : memref<32x64x576xf32, #tpu.memory_space<hbm>> -> memref<1x64x576xf32, #tpu.memory_space<hbm>>
      %dma_start3A_73 = tpu.memref_squeeze %dma_start3A_72 : memref<1x64x576xf32, #tpu.memory_space<hbm>> -> memref<64x576xf32, #tpu.memory_space<hbm>>
      %dma_start3A_74 = arith.constant 0 : i32
      %dma_start3A_75 = tpu.memref_slice %dma_start3A_73[%mul3A_36, %dma_start3A_74] : memref<64x576xf32, #tpu.memory_space<hbm>> -> memref<8x576xf32, #tpu.memory_space<hbm>>
      %dma_start3A_76 = arith.constant 0 : i32
      %dma_start3A_77 = arith.constant 0 : i32
      %dma_start3A_78 = tpu.memref_slice %arg4[%add3A_34, %dma_start3A_76, %dma_start3A_77] : memref<32x64x576xf32, #tpu.memory_space<hbm>> -> memref<1x64x576xf32, #tpu.memory_space<hbm>>
      %dma_start3A_79 = tpu.memref_squeeze %dma_start3A_78 : memref<1x64x576xf32, #tpu.memory_space<hbm>> -> memref<64x576xf32, #tpu.memory_space<hbm>>
      %dma_start3A_80 = arith.constant 0 : i32
      %dma_start3A_81 = tpu.memref_slice %dma_start3A_79[%mul3A_36, %dma_start3A_80] : memref<64x576xf32, #tpu.memory_space<hbm>> -> memref<8x576xf32, #tpu.memory_space<hbm>>
      %dma_start3A_82 = arith.constant 0 : i32
      %dma_start3A_83 = arith.constant 0 : i32
      %dma_start3A_84 = tpu.memref_slice %arg7[%run_scoped3A_37, %dma_start3A_82, %dma_start3A_83] : memref<8x8x576xf32, #tpu.memory_space<vmem>> -> memref<1x8x576xf32, #tpu.memory_space<vmem>>
      %dma_start3A_85 = tpu.memref_squeeze %dma_start3A_84 : memref<1x8x576xf32, #tpu.memory_space<vmem>> -> memref<8x576xf32, #tpu.memory_space<vmem>>
      tpu.enqueue_dma source(%dma_start3A_85 : memref<8x576xf32, #tpu.memory_space<vmem>>) target(%dma_start3A_81 : memref<8x576xf32, #tpu.memory_space<hbm>>) target_semaphore(%run_scoped3A_66 : memref<!tpu.dma_semaphore, #tpu.memory_space<semaphore_mem>>)
      %dma_wait3A = arith.constant 0 : i32
      %dma_wait3A_86 = arith.constant 0 : i32
      %dma_wait3A_87 = tpu.memref_slice %arg7[%run_scoped3A_37, %dma_wait3A, %dma_wait3A_86] : memref<8x8x576xf32, #tpu.memory_space<vmem>> -> memref<1x8x576xf32, #tpu.memory_space<vmem>>
      %dma_wait3A_88 = tpu.memref_squeeze %dma_wait3A_87 : memref<1x8x576xf32, #tpu.memory_space<vmem>> -> memref<8x576xf32, #tpu.memory_space<vmem>>
      %dma_wait3A_89 = arith.constant 0 : i32
      %dma_wait3A_90 = arith.constant 0 : i32
      %dma_wait3A_91 = tpu.memref_slice %arg4[%add3A_34, %dma_wait3A_89, %dma_wait3A_90] : memref<32x64x576xf32, #tpu.memory_space<hbm>> -> memref<1x64x576xf32, #tpu.memory_space<hbm>>
      %dma_wait3A_92 = tpu.memref_squeeze %dma_wait3A_91 : memref<1x64x576xf32, #tpu.memory_space<hbm>> -> memref<64x576xf32, #tpu.memory_space<hbm>>
      %dma_wait3A_93 = arith.constant 0 : i32
      %dma_wait3A_94 = tpu.memref_slice %dma_wait3A_92[%mul3A_36, %dma_wait3A_93] : memref<64x576xf32, #tpu.memory_space<hbm>> -> memref<8x576xf32, #tpu.memory_space<hbm>>
      %dma_wait3A_95 = arith.constant 0 : i32
      %dma_wait3A_96 = arith.constant 0 : i32
      %dma_wait3A_97 = tpu.memref_slice %arg4[%add3A_34, %dma_wait3A_95, %dma_wait3A_96] : memref<32x64x576xf32, #tpu.memory_space<hbm>> -> memref<1x64x576xf32, #tpu.memory_space<hbm>>
      %dma_wait3A_98 = tpu.memref_squeeze %dma_wait3A_97 : memref<1x64x576xf32, #tpu.memory_space<hbm>> -> memref<64x576xf32, #tpu.memory_space<hbm>>
      %dma_wait3A_99 = arith.constant 0 : i32
      %dma_wait3A_100 = tpu.memref_slice %dma_wait3A_98[%mul3A_36, %dma_wait3A_99] : memref<64x576xf32, #tpu.memory_space<hbm>> -> memref<8x576xf32, #tpu.memory_space<hbm>>
      %dma_wait3A_101 = arith.constant 0 : i32
      %dma_wait3A_102 = arith.constant 0 : i32
      %dma_wait3A_103 = tpu.memref_slice %arg7[%run_scoped3A_37, %dma_wait3A_101, %dma_wait3A_102] : memref<8x8x576xf32, #tpu.memory_space<vmem>> -> memref<1x8x576xf32, #tpu.memory_space<vmem>>
      %dma_wait3A_104 = tpu.memref_squeeze %dma_wait3A_103 : memref<1x8x576xf32, #tpu.memory_space<vmem>> -> memref<8x576xf32, #tpu.memory_space<vmem>>
      tpu.wait_dma2 semaphore(%run_scoped3A_66 : memref<!tpu.dma_semaphore, #tpu.memory_space<semaphore_mem>>) src(%dma_wait3A_104 : memref<8x576xf32, #tpu.memory_space<vmem>>) dst(%dma_wait3A_100 : memref<8x576xf32, #tpu.memory_space<hbm>>)
      tpu.yield
    }) : () -> ()
    %mul3A_38 = arith.constant 8 : i32
    %mul3A_39 = arith.muli %div3A_2, %mul3A_38 : i32
    %add3A_40 = arith.constant 4 : i32
    %add3A_41 = arith.addi %mul3A_39, %add3A_40 : i32
    %mul3A_42 = arith.constant 8 : i32
    %mul3A_43 = arith.muli %rem3A_1, %mul3A_42 : i32
    %run_scoped3A_44 = arith.constant 4 : i32
    "tpu.region"() ({
      %run_scoped3A_66 = tpu.sem_alloc : memref<!tpu.dma_semaphore, #tpu.memory_space<semaphore_mem>>
      %dma_start3A = arith.constant 0 : i32
      %dma_start3A_67 = arith.constant 0 : i32
      %dma_start3A_68 = tpu.memref_slice %arg7[%run_scoped3A_44, %dma_start3A, %dma_start3A_67] : memref<8x8x576xf32, #tpu.memory_space<vmem>> -> memref<1x8x576xf32, #tpu.memory_space<vmem>>
      %dma_start3A_69 = tpu.memref_squeeze %dma_start3A_68 : memref<1x8x576xf32, #tpu.memory_space<vmem>> -> memref<8x576xf32, #tpu.memory_space<vmem>>
      %dma_start3A_70 = arith.constant 0 : i32
      %dma_start3A_71 = arith.constant 0 : i32
      %dma_start3A_72 = tpu.memref_slice %arg4[%add3A_41, %dma_start3A_70, %dma_start3A_71] : memref<32x64x576xf32, #tpu.memory_space<hbm>> -> memref<1x64x576xf32, #tpu.memory_space<hbm>>
      %dma_start3A_73 = tpu.memref_squeeze %dma_start3A_72 : memref<1x64x576xf32, #tpu.memory_space<hbm>> -> memref<64x576xf32, #tpu.memory_space<hbm>>
      %dma_start3A_74 = arith.constant 0 : i32
      %dma_start3A_75 = tpu.memref_slice %dma_start3A_73[%mul3A_43, %dma_start3A_74] : memref<64x576xf32, #tpu.memory_space<hbm>> -> memref<8x576xf32, #tpu.memory_space<hbm>>
      %dma_start3A_76 = arith.constant 0 : i32
      %dma_start3A_77 = arith.constant 0 : i32
      %dma_start3A_78 = tpu.memref_slice %arg4[%add3A_41, %dma_start3A_76, %dma_start3A_77] : memref<32x64x576xf32, #tpu.memory_space<hbm>> -> memref<1x64x576xf32, #tpu.memory_space<hbm>>
      %dma_start3A_79 = tpu.memref_squeeze %dma_start3A_78 : memref<1x64x576xf32, #tpu.memory_space<hbm>> -> memref<64x576xf32, #tpu.memory_space<hbm>>
      %dma_start3A_80 = arith.constant 0 : i32
      %dma_start3A_81 = tpu.memref_slice %dma_start3A_79[%mul3A_43, %dma_start3A_80] : memref<64x576xf32, #tpu.memory_space<hbm>> -> memref<8x576xf32, #tpu.memory_space<hbm>>
      %dma_start3A_82 = arith.constant 0 : i32
      %dma_start3A_83 = arith.constant 0 : i32
      %dma_start3A_84 = tpu.memref_slice %arg7[%run_scoped3A_44, %dma_start3A_82, %dma_start3A_83] : memref<8x8x576xf32, #tpu.memory_space<vmem>> -> memref<1x8x576xf32, #tpu.memory_space<vmem>>
      %dma_start3A_85 = tpu.memref_squeeze %dma_start3A_84 : memref<1x8x576xf32, #tpu.memory_space<vmem>> -> memref<8x576xf32, #tpu.memory_space<vmem>>
      tpu.enqueue_dma source(%dma_start3A_85 : memref<8x576xf32, #tpu.memory_space<vmem>>) target(%dma_start3A_81 : memref<8x576xf32, #tpu.memory_space<hbm>>) target_semaphore(%run_scoped3A_66 : memref<!tpu.dma_semaphore, #tpu.memory_space<semaphore_mem>>)
      %dma_wait3A = arith.constant 0 : i32
      %dma_wait3A_86 = arith.constant 0 : i32
      %dma_wait3A_87 = tpu.memref_slice %arg7[%run_scoped3A_44, %dma_wait3A, %dma_wait3A_86] : memref<8x8x576xf32, #tpu.memory_space<vmem>> -> memref<1x8x576xf32, #tpu.memory_space<vmem>>
      %dma_wait3A_88 = tpu.memref_squeeze %dma_wait3A_87 : memref<1x8x576xf32, #tpu.memory_space<vmem>> -> memref<8x576xf32, #tpu.memory_space<vmem>>
      %dma_wait3A_89 = arith.constant 0 : i32
      %dma_wait3A_90 = arith.constant 0 : i32
      %dma_wait3A_91 = tpu.memref_slice %arg4[%add3A_41, %dma_wait3A_89, %dma_wait3A_90] : memref<32x64x576xf32, #tpu.memory_space<hbm>> -> memref<1x64x576xf32, #tpu.memory_space<hbm>>
      %dma_wait3A_92 = tpu.memref_squeeze %dma_wait3A_91 : memref<1x64x576xf32, #tpu.memory_space<hbm>> -> memref<64x576xf32, #tpu.memory_space<hbm>>
      %dma_wait3A_93 = arith.constant 0 : i32
      %dma_wait3A_94 = tpu.memref_slice %dma_wait3A_92[%mul3A_43, %dma_wait3A_93] : memref<64x576xf32, #tpu.memory_space<hbm>> -> memref<8x576xf32, #tpu.memory_space<hbm>>
      %dma_wait3A_95 = arith.constant 0 : i32
      %dma_wait3A_96 = arith.constant 0 : i32
      %dma_wait3A_97 = tpu.memref_slice %arg4[%add3A_41, %dma_wait3A_95, %dma_wait3A_96] : memref<32x64x576xf32, #tpu.memory_space<hbm>> -> memref<1x64x576xf32, #tpu.memory_space<hbm>>
      %dma_wait3A_98 = tpu.memref_squeeze %dma_wait3A_97 : memref<1x64x576xf32, #tpu.memory_space<hbm>> -> memref<64x576xf32, #tpu.memory_space<hbm>>
      %dma_wait3A_99 = arith.constant 0 : i32
      %dma_wait3A_100 = tpu.memref_slice %dma_wait3A_98[%mul3A_43, %dma_wait3A_99] : memref<64x576xf32, #tpu.memory_space<hbm>> -> memref<8x576xf32, #tpu.memory_space<hbm>>
      %dma_wait3A_101 = arith.constant 0 : i32
      %dma_wait3A_102 = arith.constant 0 : i32
      %dma_wait3A_103 = tpu.memref_slice %arg7[%run_scoped3A_44, %dma_wait3A_101, %dma_wait3A_102] : memref<8x8x576xf32, #tpu.memory_space<vmem>> -> memref<1x8x576xf32, #tpu.memory_space<vmem>>
      %dma_wait3A_104 = tpu.memref_squeeze %dma_wait3A_103 : memref<1x8x576xf32, #tpu.memory_space<vmem>> -> memref<8x576xf32, #tpu.memory_space<vmem>>
      tpu.wait_dma2 semaphore(%run_scoped3A_66 : memref<!tpu.dma_semaphore, #tpu.memory_space<semaphore_mem>>) src(%dma_wait3A_104 : memref<8x576xf32, #tpu.memory_space<vmem>>) dst(%dma_wait3A_100 : memref<8x576xf32, #tpu.memory_space<hbm>>)
      tpu.yield
    }) : () -> ()
    %mul3A_45 = arith.constant 8 : i32
    %mul3A_46 = arith.muli %div3A_2, %mul3A_45 : i32
    %add3A_47 = arith.constant 5 : i32
    %add3A_48 = arith.addi %mul3A_46, %add3A_47 : i32
    %mul3A_49 = arith.constant 8 : i32
    %mul3A_50 = arith.muli %rem3A_1, %mul3A_49 : i32
    %run_scoped3A_51 = arith.constant 5 : i32
    "tpu.region"() ({
      %run_scoped3A_66 = tpu.sem_alloc : memref<!tpu.dma_semaphore, #tpu.memory_space<semaphore_mem>>
      %dma_start3A = arith.constant 0 : i32
      %dma_start3A_67 = arith.constant 0 : i32
      %dma_start3A_68 = tpu.memref_slice %arg7[%run_scoped3A_51, %dma_start3A, %dma_start3A_67] : memref<8x8x576xf32, #tpu.memory_space<vmem>> -> memref<1x8x576xf32, #tpu.memory_space<vmem>>
      %dma_start3A_69 = tpu.memref_squeeze %dma_start3A_68 : memref<1x8x576xf32, #tpu.memory_space<vmem>> -> memref<8x576xf32, #tpu.memory_space<vmem>>
      %dma_start3A_70 = arith.constant 0 : i32
      %dma_start3A_71 = arith.constant 0 : i32
      %dma_start3A_72 = tpu.memref_slice %arg4[%add3A_48, %dma_start3A_70, %dma_start3A_71] : memref<32x64x576xf32, #tpu.memory_space<hbm>> -> memref<1x64x576xf32, #tpu.memory_space<hbm>>
      %dma_start3A_73 = tpu.memref_squeeze %dma_start3A_72 : memref<1x64x576xf32, #tpu.memory_space<hbm>> -> memref<64x576xf32, #tpu.memory_space<hbm>>
      %dma_start3A_74 = arith.constant 0 : i32
      %dma_start3A_75 = tpu.memref_slice %dma_start3A_73[%mul3A_50, %dma_start3A_74] : memref<64x576xf32, #tpu.memory_space<hbm>> -> memref<8x576xf32, #tpu.memory_space<hbm>>
      %dma_start3A_76 = arith.constant 0 : i32
      %dma_start3A_77 = arith.constant 0 : i32
      %dma_start3A_78 = tpu.memref_slice %arg4[%add3A_48, %dma_start3A_76, %dma_start3A_77] : memref<32x64x576xf32, #tpu.memory_space<hbm>> -> memref<1x64x576xf32, #tpu.memory_space<hbm>>
      %dma_start3A_79 = tpu.memref_squeeze %dma_start3A_78 : memref<1x64x576xf32, #tpu.memory_space<hbm>> -> memref<64x576xf32, #tpu.memory_space<hbm>>
      %dma_start3A_80 = arith.constant 0 : i32
      %dma_start3A_81 = tpu.memref_slice %dma_start3A_79[%mul3A_50, %dma_start3A_80] : memref<64x576xf32, #tpu.memory_space<hbm>> -> memref<8x576xf32, #tpu.memory_space<hbm>>
      %dma_start3A_82 = arith.constant 0 : i32
      %dma_start3A_83 = arith.constant 0 : i32
      %dma_start3A_84 = tpu.memref_slice %arg7[%run_scoped3A_51, %dma_start3A_82, %dma_start3A_83] : memref<8x8x576xf32, #tpu.memory_space<vmem>> -> memref<1x8x576xf32, #tpu.memory_space<vmem>>
      %dma_start3A_85 = tpu.memref_squeeze %dma_start3A_84 : memref<1x8x576xf32, #tpu.memory_space<vmem>> -> memref<8x576xf32, #tpu.memory_space<vmem>>
      tpu.enqueue_dma source(%dma_start3A_85 : memref<8x576xf32, #tpu.memory_space<vmem>>) target(%dma_start3A_81 : memref<8x576xf32, #tpu.memory_space<hbm>>) target_semaphore(%run_scoped3A_66 : memref<!tpu.dma_semaphore, #tpu.memory_space<semaphore_mem>>)
      %dma_wait3A = arith.constant 0 : i32
      %dma_wait3A_86 = arith.constant 0 : i32
      %dma_wait3A_87 = tpu.memref_slice %arg7[%run_scoped3A_51, %dma_wait3A, %dma_wait3A_86] : memref<8x8x576xf32, #tpu.memory_space<vmem>> -> memref<1x8x576xf32, #tpu.memory_space<vmem>>
      %dma_wait3A_88 = tpu.memref_squeeze %dma_wait3A_87 : memref<1x8x576xf32, #tpu.memory_space<vmem>> -> memref<8x576xf32, #tpu.memory_space<vmem>>
      %dma_wait3A_89 = arith.constant 0 : i32
      %dma_wait3A_90 = arith.constant 0 : i32
      %dma_wait3A_91 = tpu.memref_slice %arg4[%add3A_48, %dma_wait3A_89, %dma_wait3A_90] : memref<32x64x576xf32, #tpu.memory_space<hbm>> -> memref<1x64x576xf32, #tpu.memory_space<hbm>>
      %dma_wait3A_92 = tpu.memref_squeeze %dma_wait3A_91 : memref<1x64x576xf32, #tpu.memory_space<hbm>> -> memref<64x576xf32, #tpu.memory_space<hbm>>
      %dma_wait3A_93 = arith.constant 0 : i32
      %dma_wait3A_94 = tpu.memref_slice %dma_wait3A_92[%mul3A_50, %dma_wait3A_93] : memref<64x576xf32, #tpu.memory_space<hbm>> -> memref<8x576xf32, #tpu.memory_space<hbm>>
      %dma_wait3A_95 = arith.constant 0 : i32
      %dma_wait3A_96 = arith.constant 0 : i32
      %dma_wait3A_97 = tpu.memref_slice %arg4[%add3A_48, %dma_wait3A_95, %dma_wait3A_96] : memref<32x64x576xf32, #tpu.memory_space<hbm>> -> memref<1x64x576xf32, #tpu.memory_space<hbm>>
      %dma_wait3A_98 = tpu.memref_squeeze %dma_wait3A_97 : memref<1x64x576xf32, #tpu.memory_space<hbm>> -> memref<64x576xf32, #tpu.memory_space<hbm>>
      %dma_wait3A_99 = arith.constant 0 : i32
      %dma_wait3A_100 = tpu.memref_slice %dma_wait3A_98[%mul3A_50, %dma_wait3A_99] : memref<64x576xf32, #tpu.memory_space<hbm>> -> memref<8x576xf32, #tpu.memory_space<hbm>>
      %dma_wait3A_101 = arith.constant 0 : i32
      %dma_wait3A_102 = arith.constant 0 : i32
      %dma_wait3A_103 = tpu.memref_slice %arg7[%run_scoped3A_51, %dma_wait3A_101, %dma_wait3A_102] : memref<8x8x576xf32, #tpu.memory_space<vmem>> -> memref<1x8x576xf32, #tpu.memory_space<vmem>>
      %dma_wait3A_104 = tpu.memref_squeeze %dma_wait3A_103 : memref<1x8x576xf32, #tpu.memory_space<vmem>> -> memref<8x576xf32, #tpu.memory_space<vmem>>
      tpu.wait_dma2 semaphore(%run_scoped3A_66 : memref<!tpu.dma_semaphore, #tpu.memory_space<semaphore_mem>>) src(%dma_wait3A_104 : memref<8x576xf32, #tpu.memory_space<vmem>>) dst(%dma_wait3A_100 : memref<8x576xf32, #tpu.memory_space<hbm>>)
      tpu.yield
    }) : () -> ()
    %mul3A_52 = arith.constant 8 : i32
    %mul3A_53 = arith.muli %div3A_2, %mul3A_52 : i32
    %add3A_54 = arith.constant 6 : i32
    %add3A_55 = arith.addi %mul3A_53, %add3A_54 : i32
    %mul3A_56 = arith.constant 8 : i32
    %mul3A_57 = arith.muli %rem3A_1, %mul3A_56 : i32
    %run_scoped3A_58 = arith.constant 6 : i32
    "tpu.region"() ({
      %run_scoped3A_66 = tpu.sem_alloc : memref<!tpu.dma_semaphore, #tpu.memory_space<semaphore_mem>>
      %dma_start3A = arith.constant 0 : i32
      %dma_start3A_67 = arith.constant 0 : i32
      %dma_start3A_68 = tpu.memref_slice %arg7[%run_scoped3A_58, %dma_start3A, %dma_start3A_67] : memref<8x8x576xf32, #tpu.memory_space<vmem>> -> memref<1x8x576xf32, #tpu.memory_space<vmem>>
      %dma_start3A_69 = tpu.memref_squeeze %dma_start3A_68 : memref<1x8x576xf32, #tpu.memory_space<vmem>> -> memref<8x576xf32, #tpu.memory_space<vmem>>
      %dma_start3A_70 = arith.constant 0 : i32
      %dma_start3A_71 = arith.constant 0 : i32
      %dma_start3A_72 = tpu.memref_slice %arg4[%add3A_55, %dma_start3A_70, %dma_start3A_71] : memref<32x64x576xf32, #tpu.memory_space<hbm>> -> memref<1x64x576xf32, #tpu.memory_space<hbm>>
      %dma_start3A_73 = tpu.memref_squeeze %dma_start3A_72 : memref<1x64x576xf32, #tpu.memory_space<hbm>> -> memref<64x576xf32, #tpu.memory_space<hbm>>
      %dma_start3A_74 = arith.constant 0 : i32
      %dma_start3A_75 = tpu.memref_slice %dma_start3A_73[%mul3A_57, %dma_start3A_74] : memref<64x576xf32, #tpu.memory_space<hbm>> -> memref<8x576xf32, #tpu.memory_space<hbm>>
      %dma_start3A_76 = arith.constant 0 : i32
      %dma_start3A_77 = arith.constant 0 : i32
      %dma_start3A_78 = tpu.memref_slice %arg4[%add3A_55, %dma_start3A_76, %dma_start3A_77] : memref<32x64x576xf32, #tpu.memory_space<hbm>> -> memref<1x64x576xf32, #tpu.memory_space<hbm>>
      %dma_start3A_79 = tpu.memref_squeeze %dma_start3A_78 : memref<1x64x576xf32, #tpu.memory_space<hbm>> -> memref<64x576xf32, #tpu.memory_space<hbm>>
      %dma_start3A_80 = arith.constant 0 : i32
      %dma_start3A_81 = tpu.memref_slice %dma_start3A_79[%mul3A_57, %dma_start3A_80] : memref<64x576xf32, #tpu.memory_space<hbm>> -> memref<8x576xf32, #tpu.memory_space<hbm>>
      %dma_start3A_82 = arith.constant 0 : i32
      %dma_start3A_83 = arith.constant 0 : i32
      %dma_start3A_84 = tpu.memref_slice %arg7[%run_scoped3A_58, %dma_start3A_82, %dma_start3A_83] : memref<8x8x576xf32, #tpu.memory_space<vmem>> -> memref<1x8x576xf32, #tpu.memory_space<vmem>>
      %dma_start3A_85 = tpu.memref_squeeze %dma_start3A_84 : memref<1x8x576xf32, #tpu.memory_space<vmem>> -> memref<8x576xf32, #tpu.memory_space<vmem>>
      tpu.enqueue_dma source(%dma_start3A_85 : memref<8x576xf32, #tpu.memory_space<vmem>>) target(%dma_start3A_81 : memref<8x576xf32, #tpu.memory_space<hbm>>) target_semaphore(%run_scoped3A_66 : memref<!tpu.dma_semaphore, #tpu.memory_space<semaphore_mem>>)
      %dma_wait3A = arith.constant 0 : i32
      %dma_wait3A_86 = arith.constant 0 : i32
      %dma_wait3A_87 = tpu.memref_slice %arg7[%run_scoped3A_58, %dma_wait3A, %dma_wait3A_86] : memref<8x8x576xf32, #tpu.memory_space<vmem>> -> memref<1x8x576xf32, #tpu.memory_space<vmem>>
      %dma_wait3A_88 = tpu.memref_squeeze %dma_wait3A_87 : memref<1x8x576xf32, #tpu.memory_space<vmem>> -> memref<8x576xf32, #tpu.memory_space<vmem>>
      %dma_wait3A_89 = arith.constant 0 : i32
      %dma_wait3A_90 = arith.constant 0 : i32
      %dma_wait3A_91 = tpu.memref_slice %arg4[%add3A_55, %dma_wait3A_89, %dma_wait3A_90] : memref<32x64x576xf32, #tpu.memory_space<hbm>> -> memref<1x64x576xf32, #tpu.memory_space<hbm>>
      %dma_wait3A_92 = tpu.memref_squeeze %dma_wait3A_91 : memref<1x64x576xf32, #tpu.memory_space<hbm>> -> memref<64x576xf32, #tpu.memory_space<hbm>>
      %dma_wait3A_93 = arith.constant 0 : i32
      %dma_wait3A_94 = tpu.memref_slice %dma_wait3A_92[%mul3A_57, %dma_wait3A_93] : memref<64x576xf32, #tpu.memory_space<hbm>> -> memref<8x576xf32, #tpu.memory_space<hbm>>
      %dma_wait3A_95 = arith.constant 0 : i32
      %dma_wait3A_96 = arith.constant 0 : i32
      %dma_wait3A_97 = tpu.memref_slice %arg4[%add3A_55, %dma_wait3A_95, %dma_wait3A_96] : memref<32x64x576xf32, #tpu.memory_space<hbm>> -> memref<1x64x576xf32, #tpu.memory_space<hbm>>
      %dma_wait3A_98 = tpu.memref_squeeze %dma_wait3A_97 : memref<1x64x576xf32, #tpu.memory_space<hbm>> -> memref<64x576xf32, #tpu.memory_space<hbm>>
      %dma_wait3A_99 = arith.constant 0 : i32
      %dma_wait3A_100 = tpu.memref_slice %dma_wait3A_98[%mul3A_57, %dma_wait3A_99] : memref<64x576xf32, #tpu.memory_space<hbm>> -> memref<8x576xf32, #tpu.memory_space<hbm>>
      %dma_wait3A_101 = arith.constant 0 : i32
      %dma_wait3A_102 = arith.constant 0 : i32
      %dma_wait3A_103 = tpu.memref_slice %arg7[%run_scoped3A_58, %dma_wait3A_101, %dma_wait3A_102] : memref<8x8x576xf32, #tpu.memory_space<vmem>> -> memref<1x8x576xf32, #tpu.memory_space<vmem>>
      %dma_wait3A_104 = tpu.memref_squeeze %dma_wait3A_103 : memref<1x8x576xf32, #tpu.memory_space<vmem>> -> memref<8x576xf32, #tpu.memory_space<vmem>>
      tpu.wait_dma2 semaphore(%run_scoped3A_66 : memref<!tpu.dma_semaphore, #tpu.memory_space<semaphore_mem>>) src(%dma_wait3A_104 : memref<8x576xf32, #tpu.memory_space<vmem>>) dst(%dma_wait3A_100 : memref<8x576xf32, #tpu.memory_space<hbm>>)
      tpu.yield
    }) : () -> ()
    %mul3A_59 = arith.constant 8 : i32
    %mul3A_60 = arith.muli %div3A_2, %mul3A_59 : i32
    %add3A_61 = arith.constant 7 : i32
    %add3A_62 = arith.addi %mul3A_60, %add3A_61 : i32
    %mul3A_63 = arith.constant 8 : i32
    %mul3A_64 = arith.muli %rem3A_1, %mul3A_63 : i32
    %run_scoped3A_65 = arith.constant 7 : i32
    "tpu.region"() ({
      %run_scoped3A_66 = tpu.sem_alloc : memref<!tpu.dma_semaphore, #tpu.memory_space<semaphore_mem>>
      %dma_start3A = arith.constant 0 : i32
      %dma_start3A_67 = arith.constant 0 : i32
      %dma_start3A_68 = tpu.memref_slice %arg7[%run_scoped3A_65, %dma_start3A, %dma_start3A_67] : memref<8x8x576xf32, #tpu.memory_space<vmem>> -> memref<1x8x576xf32, #tpu.memory_space<vmem>>
      %dma_start3A_69 = tpu.memref_squeeze %dma_start3A_68 : memref<1x8x576xf32, #tpu.memory_space<vmem>> -> memref<8x576xf32, #tpu.memory_space<vmem>>
      %dma_start3A_70 = arith.constant 0 : i32
      %dma_start3A_71 = arith.constant 0 : i32
      %dma_start3A_72 = tpu.memref_slice %arg4[%add3A_62, %dma_start3A_70, %dma_start3A_71] : memref<32x64x576xf32, #tpu.memory_space<hbm>> -> memref<1x64x576xf32, #tpu.memory_space<hbm>>
      %dma_start3A_73 = tpu.memref_squeeze %dma_start3A_72 : memref<1x64x576xf32, #tpu.memory_space<hbm>> -> memref<64x576xf32, #tpu.memory_space<hbm>>
      %dma_start3A_74 = arith.constant 0 : i32
      %dma_start3A_75 = tpu.memref_slice %dma_start3A_73[%mul3A_64, %dma_start3A_74] : memref<64x576xf32, #tpu.memory_space<hbm>> -> memref<8x576xf32, #tpu.memory_space<hbm>>
      %dma_start3A_76 = arith.constant 0 : i32
      %dma_start3A_77 = arith.constant 0 : i32
      %dma_start3A_78 = tpu.memref_slice %arg4[%add3A_62, %dma_start3A_76, %dma_start3A_77] : memref<32x64x576xf32, #tpu.memory_space<hbm>> -> memref<1x64x576xf32, #tpu.memory_space<hbm>>
      %dma_start3A_79 = tpu.memref_squeeze %dma_start3A_78 : memref<1x64x576xf32, #tpu.memory_space<hbm>> -> memref<64x576xf32, #tpu.memory_space<hbm>>
      %dma_start3A_80 = arith.constant 0 : i32
      %dma_start3A_81 = tpu.memref_slice %dma_start3A_79[%mul3A_64, %dma_start3A_80] : memref<64x576xf32, #tpu.memory_space<hbm>> -> memref<8x576xf32, #tpu.memory_space<hbm>>
      %dma_start3A_82 = arith.constant 0 : i32
      %dma_start3A_83 = arith.constant 0 : i32
      %dma_start3A_84 = tpu.memref_slice %arg7[%run_scoped3A_65, %dma_start3A_82, %dma_start3A_83] : memref<8x8x576xf32, #tpu.memory_space<vmem>> -> memref<1x8x576xf32, #tpu.memory_space<vmem>>
      %dma_start3A_85 = tpu.memref_squeeze %dma_start3A_84 : memref<1x8x576xf32, #tpu.memory_space<vmem>> -> memref<8x576xf32, #tpu.memory_space<vmem>>
      tpu.enqueue_dma source(%dma_start3A_85 : memref<8x576xf32, #tpu.memory_space<vmem>>) target(%dma_start3A_81 : memref<8x576xf32, #tpu.memory_space<hbm>>) target_semaphore(%run_scoped3A_66 : memref<!tpu.dma_semaphore, #tpu.memory_space<semaphore_mem>>)
      %dma_wait3A = arith.constant 0 : i32
      %dma_wait3A_86 = arith.constant 0 : i32
      %dma_wait3A_87 = tpu.memref_slice %arg7[%run_scoped3A_65, %dma_wait3A, %dma_wait3A_86] : memref<8x8x576xf32, #tpu.memory_space<vmem>> -> memref<1x8x576xf32, #tpu.memory_space<vmem>>
      %dma_wait3A_88 = tpu.memref_squeeze %dma_wait3A_87 : memref<1x8x576xf32, #tpu.memory_space<vmem>> -> memref<8x576xf32, #tpu.memory_space<vmem>>
      %dma_wait3A_89 = arith.constant 0 : i32
      %dma_wait3A_90 = arith.constant 0 : i32
      %dma_wait3A_91 = tpu.memref_slice %arg4[%add3A_62, %dma_wait3A_89, %dma_wait3A_90] : memref<32x64x576xf32, #tpu.memory_space<hbm>> -> memref<1x64x576xf32, #tpu.memory_space<hbm>>
      %dma_wait3A_92 = tpu.memref_squeeze %dma_wait3A_91 : memref<1x64x576xf32, #tpu.memory_space<hbm>> -> memref<64x576xf32, #tpu.memory_space<hbm>>
      %dma_wait3A_93 = arith.constant 0 : i32
      %dma_wait3A_94 = tpu.memref_slice %dma_wait3A_92[%mul3A_64, %dma_wait3A_93] : memref<64x576xf32, #tpu.memory_space<hbm>> -> memref<8x576xf32, #tpu.memory_space<hbm>>
      %dma_wait3A_95 = arith.constant 0 : i32
      %dma_wait3A_96 = arith.constant 0 : i32
      %dma_wait3A_97 = tpu.memref_slice %arg4[%add3A_62, %dma_wait3A_95, %dma_wait3A_96] : memref<32x64x576xf32, #tpu.memory_space<hbm>> -> memref<1x64x576xf32, #tpu.memory_space<hbm>>
      %dma_wait3A_98 = tpu.memref_squeeze %dma_wait3A_97 : memref<1x64x576xf32, #tpu.memory_space<hbm>> -> memref<64x576xf32, #tpu.memory_space<hbm>>
      %dma_wait3A_99 = arith.constant 0 : i32
      %dma_wait3A_100 = tpu.memref_slice %dma_wait3A_98[%mul3A_64, %dma_wait3A_99] : memref<64x576xf32, #tpu.memory_space<hbm>> -> memref<8x576xf32, #tpu.memory_space<hbm>>
      %dma_wait3A_101 = arith.constant 0 : i32
      %dma_wait3A_102 = arith.constant 0 : i32
      %dma_wait3A_103 = tpu.memref_slice %arg7[%run_scoped3A_65, %dma_wait3A_101, %dma_wait3A_102] : memref<8x8x576xf32, #tpu.memory_space<vmem>> -> memref<1x8x576xf32, #tpu.memory_space<vmem>>
      %dma_wait3A_104 = tpu.memref_squeeze %dma_wait3A_103 : memref<1x8x576xf32, #tpu.memory_space<vmem>> -> memref<8x576xf32, #tpu.memory_space<vmem>>
      tpu.wait_dma2 semaphore(%run_scoped3A_66 : memref<!tpu.dma_semaphore, #tpu.memory_space<semaphore_mem>>) src(%dma_wait3A_104 : memref<8x576xf32, #tpu.memory_space<vmem>>) dst(%dma_wait3A_100 : memref<8x576xf32, #tpu.memory_space<hbm>>)
      tpu.yield
    }) : () -> ()
    return
  }
}

module attributes {stable_mosaic.version = 14 : i64} {
  func.func @_tc_body(%arg0: i32, %arg1: memref<1x64x576xf32, #tpu.memory_space<vmem>>, %arg2: memref<64x1024xf32, #tpu.memory_space<vmem>>, %arg3: memref<1x1x576xf32, #tpu.memory_space<vmem>>, %arg4: memref<1024x1xf32, #tpu.memory_space<vmem>>, %arg5: memref<1x8x72xi32, #tpu.memory_space<vmem>>, %arg6: memref<1x1x128xf32, #tpu.memory_space<vmem>>) attributes {dimension_semantics = [#tpu.dimension_semantics<arbitrary>], iteration_bounds = array<i64: 32>, scalar_prefetch = 0 : i64, scratch_operands = 0 : i64, tpu.core_type = #tpu.core_type<tc>, window_params = [{transform_indices = @transform_0, window_bounds = array<i64: 1, 64, 576>}, {pipeline_mode = #tpu.pipeline_mode<synchronous>, transform_indices = @transform_1, window_bounds = array<i64: 64, 1024>}, {transform_indices = @transform_2, window_bounds = array<i64: 1, 1, 576>}, {pipeline_mode = #tpu.pipeline_mode<synchronous>, transform_indices = @transform_3, window_bounds = array<i64: 1024, 1>}, {transform_indices = @transform_4, window_bounds = array<i64: 1, 8, 72>}, {pipeline_mode = #tpu.pipeline_mode<synchronous>, transform_indices = @transform_5, window_bounds = array<i64: 1, 1, 128>}]} {
    %get3A = arith.constant 0 : index
    %get3A_0 = arith.constant 0 : index
    %get3A_1 = arith.constant 0 : index
    %get3A_2 = vector.load %arg1[%get3A, %get3A_0, %get3A_1] : memref<1x64x576xf32, #tpu.memory_space<vmem>>, vector<1x64x576xf32>
    %get3A_3 = vector.shape_cast %get3A_2 : vector<1x64x576xf32> to vector<64x576xf32>
    %get3A_4 = arith.constant 0 : index
    %get3A_5 = arith.constant 0 : index
    %get3A_6 = vector.load %arg2[%get3A_4, %get3A_5] : memref<64x1024xf32, #tpu.memory_space<vmem>>, vector<64x1024xf32>
    %get3A_7 = arith.constant 0 : index
    %get3A_8 = arith.constant 0 : index
    %get3A_9 = arith.constant 0 : index
    %get3A_10 = vector.load %arg3[%get3A_7, %get3A_8, %get3A_9] : memref<1x1x576xf32, #tpu.memory_space<vmem>>, vector<1x1x576xf32>
    %get3A_11 = vector.shape_cast %get3A_10 : vector<1x1x576xf32> to vector<1x576xf32>
    %get3A_12 = arith.constant 0 : index
    %get3A_13 = arith.constant 0 : index
    %get3A_14 = vector.load %arg4[%get3A_12, %get3A_13] : memref<1024x1xf32, #tpu.memory_space<vmem>>, vector<1024x1xf32>
    %dot_general3A = arith.constant dense<0.000000e+00> : vector<1024x576xf32>
    %dot_general3A_15 = tpu.matmul %get3A_6, %get3A_3, %dot_general3A {dimension_numbers = #tpu.dot_dimension_numbers<[0], [0], [1], [1], [0, 1, 1, 1], [], []>, transpose_lhs_hint = false} : vector<64x1024xf32>, vector<64x576xf32>, vector<1024x576xf32> -> vector<1024x576xf32>
    %slice3A = vector.extract_strided_slice %get3A_14 {offsets = [0, 0], sizes = [512, 1], strides = [1, 1]} : vector<1024x1xf32> to vector<512x1xf32>
    %add3A = vector.broadcast %get3A_11 : vector<1x576xf32> to vector<512x576xf32>
    %add3A_16 = vector.broadcast %slice3A : vector<512x1xf32> to vector<512x576xf32>
    %add3A_17 = arith.addf %add3A, %add3A_16 : vector<512x576xf32>
    %slice3A_18 = vector.extract_strided_slice %dot_general3A_15 {offsets = [0, 0], sizes = [512, 576], strides = [1, 1]} : vector<1024x576xf32> to vector<512x576xf32>
    %mul3A = arith.constant 2.000000e+00 : f32
    %mul3A_19 = vector.broadcast %mul3A : f32 to vector<512x576xf32>
    %mul3A_20 = arith.mulf %mul3A_19, %slice3A_18 : vector<512x576xf32>
    %sub3A = arith.subf %add3A_17, %mul3A_20 : vector<512x576xf32>
    %slice3A_21 = vector.extract_strided_slice %get3A_14 {offsets = [512, 0], sizes = [512, 1], strides = [1, 1]} : vector<1024x1xf32> to vector<512x1xf32>
    %add3A_22 = vector.broadcast %get3A_11 : vector<1x576xf32> to vector<512x576xf32>
    %add3A_23 = vector.broadcast %slice3A_21 : vector<512x1xf32> to vector<512x576xf32>
    %add3A_24 = arith.addf %add3A_22, %add3A_23 : vector<512x576xf32>
    %slice3A_25 = vector.extract_strided_slice %dot_general3A_15 {offsets = [512, 0], sizes = [512, 576], strides = [1, 1]} : vector<1024x576xf32> to vector<512x576xf32>
    %mul3A_26 = arith.constant 2.000000e+00 : f32
    %mul3A_27 = vector.broadcast %mul3A_26 : f32 to vector<512x576xf32>
    %mul3A_28 = arith.mulf %mul3A_27, %slice3A_25 : vector<512x576xf32>
    %sub3A_29 = arith.subf %add3A_24, %mul3A_28 : vector<512x576xf32>
    %lt3A = arith.cmpf olt, %sub3A_29, %sub3A : vector<512x576xf32>
    %min3A = arith.minimumf %sub3A_29, %sub3A : vector<512x576xf32>
    %iota3A = tpu.iota {dimensions = array<i32: 0>} : vector<512x576xi32>
    %jit3A = arith.constant 512 : i32
    %jit3A_30 = arith.constant 0 : i32
    %broadcast_in_dim3A = vector.broadcast %jit3A : i32 to vector<512x576xi32>
    %broadcast_in_dim3A_31 = vector.broadcast %jit3A_30 : i32 to vector<512x576xi32>
    %select_n3A = arith.select %lt3A, %broadcast_in_dim3A, %broadcast_in_dim3A_31 : vector<512x576xi1>, vector<512x576xi32>
    %add3A_32 = arith.addi %iota3A, %select_n3A : vector<512x576xi32>
    %slice3A_33 = vector.extract_strided_slice %min3A {offsets = [256, 0], sizes = [256, 576], strides = [1, 1]} : vector<512x576xf32> to vector<256x576xf32>
    %slice3A_34 = vector.extract_strided_slice %min3A {offsets = [0, 0], sizes = [256, 576], strides = [1, 1]} : vector<512x576xf32> to vector<256x576xf32>
    %slice3A_35 = vector.extract_strided_slice %add3A_32 {offsets = [256, 0], sizes = [256, 576], strides = [1, 1]} : vector<512x576xi32> to vector<256x576xi32>
    %slice3A_36 = vector.extract_strided_slice %add3A_32 {offsets = [0, 0], sizes = [256, 576], strides = [1, 1]} : vector<512x576xi32> to vector<256x576xi32>
    %lt3A_37 = arith.cmpf olt, %slice3A_33, %slice3A_34 : vector<256x576xf32>
    %eq3A = arith.cmpf oeq, %slice3A_33, %slice3A_34 : vector<256x576xf32>
    %lt3A_38 = arith.cmpi slt, %slice3A_35, %slice3A_36 : vector<256x576xi32>
    %and3A = arith.andi %eq3A, %lt3A_38 : vector<256x576xi1>
    %or3A = arith.ori %lt3A_37, %and3A : vector<256x576xi1>
    %select_n3A_39 = arith.select %or3A, %slice3A_35, %slice3A_36 : vector<256x576xi1>, vector<256x576xi32>
    %min3A_40 = arith.minimumf %slice3A_33, %slice3A_34 : vector<256x576xf32>
    %slice3A_41 = vector.extract_strided_slice %min3A_40 {offsets = [128, 0], sizes = [128, 576], strides = [1, 1]} : vector<256x576xf32> to vector<128x576xf32>
    %slice3A_42 = vector.extract_strided_slice %min3A_40 {offsets = [0, 0], sizes = [128, 576], strides = [1, 1]} : vector<256x576xf32> to vector<128x576xf32>
    %slice3A_43 = vector.extract_strided_slice %select_n3A_39 {offsets = [128, 0], sizes = [128, 576], strides = [1, 1]} : vector<256x576xi32> to vector<128x576xi32>
    %slice3A_44 = vector.extract_strided_slice %select_n3A_39 {offsets = [0, 0], sizes = [128, 576], strides = [1, 1]} : vector<256x576xi32> to vector<128x576xi32>
    %lt3A_45 = arith.cmpf olt, %slice3A_41, %slice3A_42 : vector<128x576xf32>
    %eq3A_46 = arith.cmpf oeq, %slice3A_41, %slice3A_42 : vector<128x576xf32>
    %lt3A_47 = arith.cmpi slt, %slice3A_43, %slice3A_44 : vector<128x576xi32>
    %and3A_48 = arith.andi %eq3A_46, %lt3A_47 : vector<128x576xi1>
    %or3A_49 = arith.ori %lt3A_45, %and3A_48 : vector<128x576xi1>
    %select_n3A_50 = arith.select %or3A_49, %slice3A_43, %slice3A_44 : vector<128x576xi1>, vector<128x576xi32>
    %min3A_51 = arith.minimumf %slice3A_41, %slice3A_42 : vector<128x576xf32>
    %slice3A_52 = vector.extract_strided_slice %min3A_51 {offsets = [64, 0], sizes = [64, 576], strides = [1, 1]} : vector<128x576xf32> to vector<64x576xf32>
    %slice3A_53 = vector.extract_strided_slice %min3A_51 {offsets = [0, 0], sizes = [64, 576], strides = [1, 1]} : vector<128x576xf32> to vector<64x576xf32>
    %slice3A_54 = vector.extract_strided_slice %select_n3A_50 {offsets = [64, 0], sizes = [64, 576], strides = [1, 1]} : vector<128x576xi32> to vector<64x576xi32>
    %slice3A_55 = vector.extract_strided_slice %select_n3A_50 {offsets = [0, 0], sizes = [64, 576], strides = [1, 1]} : vector<128x576xi32> to vector<64x576xi32>
    %lt3A_56 = arith.cmpf olt, %slice3A_52, %slice3A_53 : vector<64x576xf32>
    %eq3A_57 = arith.cmpf oeq, %slice3A_52, %slice3A_53 : vector<64x576xf32>
    %lt3A_58 = arith.cmpi slt, %slice3A_54, %slice3A_55 : vector<64x576xi32>
    %and3A_59 = arith.andi %eq3A_57, %lt3A_58 : vector<64x576xi1>
    %or3A_60 = arith.ori %lt3A_56, %and3A_59 : vector<64x576xi1>
    %select_n3A_61 = arith.select %or3A_60, %slice3A_54, %slice3A_55 : vector<64x576xi1>, vector<64x576xi32>
    %min3A_62 = arith.minimumf %slice3A_52, %slice3A_53 : vector<64x576xf32>
    %slice3A_63 = vector.extract_strided_slice %min3A_62 {offsets = [32, 0], sizes = [32, 576], strides = [1, 1]} : vector<64x576xf32> to vector<32x576xf32>
    %slice3A_64 = vector.extract_strided_slice %min3A_62 {offsets = [0, 0], sizes = [32, 576], strides = [1, 1]} : vector<64x576xf32> to vector<32x576xf32>
    %slice3A_65 = vector.extract_strided_slice %select_n3A_61 {offsets = [32, 0], sizes = [32, 576], strides = [1, 1]} : vector<64x576xi32> to vector<32x576xi32>
    %slice3A_66 = vector.extract_strided_slice %select_n3A_61 {offsets = [0, 0], sizes = [32, 576], strides = [1, 1]} : vector<64x576xi32> to vector<32x576xi32>
    %lt3A_67 = arith.cmpf olt, %slice3A_63, %slice3A_64 : vector<32x576xf32>
    %eq3A_68 = arith.cmpf oeq, %slice3A_63, %slice3A_64 : vector<32x576xf32>
    %lt3A_69 = arith.cmpi slt, %slice3A_65, %slice3A_66 : vector<32x576xi32>
    %and3A_70 = arith.andi %eq3A_68, %lt3A_69 : vector<32x576xi1>
    %or3A_71 = arith.ori %lt3A_67, %and3A_70 : vector<32x576xi1>
    %select_n3A_72 = arith.select %or3A_71, %slice3A_65, %slice3A_66 : vector<32x576xi1>, vector<32x576xi32>
    %min3A_73 = arith.minimumf %slice3A_63, %slice3A_64 : vector<32x576xf32>
    %slice3A_74 = vector.extract_strided_slice %min3A_73 {offsets = [16, 0], sizes = [16, 576], strides = [1, 1]} : vector<32x576xf32> to vector<16x576xf32>
    %slice3A_75 = vector.extract_strided_slice %min3A_73 {offsets = [0, 0], sizes = [16, 576], strides = [1, 1]} : vector<32x576xf32> to vector<16x576xf32>
    %slice3A_76 = vector.extract_strided_slice %select_n3A_72 {offsets = [16, 0], sizes = [16, 576], strides = [1, 1]} : vector<32x576xi32> to vector<16x576xi32>
    %slice3A_77 = vector.extract_strided_slice %select_n3A_72 {offsets = [0, 0], sizes = [16, 576], strides = [1, 1]} : vector<32x576xi32> to vector<16x576xi32>
    %lt3A_78 = arith.cmpf olt, %slice3A_74, %slice3A_75 : vector<16x576xf32>
    %eq3A_79 = arith.cmpf oeq, %slice3A_74, %slice3A_75 : vector<16x576xf32>
    %lt3A_80 = arith.cmpi slt, %slice3A_76, %slice3A_77 : vector<16x576xi32>
    %and3A_81 = arith.andi %eq3A_79, %lt3A_80 : vector<16x576xi1>
    %or3A_82 = arith.ori %lt3A_78, %and3A_81 : vector<16x576xi1>
    %select_n3A_83 = arith.select %or3A_82, %slice3A_76, %slice3A_77 : vector<16x576xi1>, vector<16x576xi32>
    %min3A_84 = arith.minimumf %slice3A_74, %slice3A_75 : vector<16x576xf32>
    %slice3A_85 = vector.extract_strided_slice %min3A_84 {offsets = [8, 0], sizes = [8, 576], strides = [1, 1]} : vector<16x576xf32> to vector<8x576xf32>
    %slice3A_86 = vector.extract_strided_slice %min3A_84 {offsets = [0, 0], sizes = [8, 576], strides = [1, 1]} : vector<16x576xf32> to vector<8x576xf32>
    %slice3A_87 = vector.extract_strided_slice %select_n3A_83 {offsets = [8, 0], sizes = [8, 576], strides = [1, 1]} : vector<16x576xi32> to vector<8x576xi32>
    %slice3A_88 = vector.extract_strided_slice %select_n3A_83 {offsets = [0, 0], sizes = [8, 576], strides = [1, 1]} : vector<16x576xi32> to vector<8x576xi32>
    %lt3A_89 = arith.cmpf olt, %slice3A_85, %slice3A_86 : vector<8x576xf32>
    %eq3A_90 = arith.cmpf oeq, %slice3A_85, %slice3A_86 : vector<8x576xf32>
    %lt3A_91 = arith.cmpi slt, %slice3A_87, %slice3A_88 : vector<8x576xi32>
    %and3A_92 = arith.andi %eq3A_90, %lt3A_91 : vector<8x576xi1>
    %or3A_93 = arith.ori %lt3A_89, %and3A_92 : vector<8x576xi1>
    %select_n3A_94 = arith.select %or3A_93, %slice3A_87, %slice3A_88 : vector<8x576xi1>, vector<8x576xi32>
    %min3A_95 = arith.minimumf %slice3A_85, %slice3A_86 : vector<8x576xf32>
    %slice3A_96 = vector.extract_strided_slice %min3A_95 {offsets = [4, 0], sizes = [4, 576], strides = [1, 1]} : vector<8x576xf32> to vector<4x576xf32>
    %slice3A_97 = vector.extract_strided_slice %min3A_95 {offsets = [0, 0], sizes = [4, 576], strides = [1, 1]} : vector<8x576xf32> to vector<4x576xf32>
    %slice3A_98 = vector.extract_strided_slice %select_n3A_94 {offsets = [4, 0], sizes = [4, 576], strides = [1, 1]} : vector<8x576xi32> to vector<4x576xi32>
    %slice3A_99 = vector.extract_strided_slice %select_n3A_94 {offsets = [0, 0], sizes = [4, 576], strides = [1, 1]} : vector<8x576xi32> to vector<4x576xi32>
    %lt3A_100 = arith.cmpf olt, %slice3A_96, %slice3A_97 : vector<4x576xf32>
    %eq3A_101 = arith.cmpf oeq, %slice3A_96, %slice3A_97 : vector<4x576xf32>
    %lt3A_102 = arith.cmpi slt, %slice3A_98, %slice3A_99 : vector<4x576xi32>
    %and3A_103 = arith.andi %eq3A_101, %lt3A_102 : vector<4x576xi1>
    %or3A_104 = arith.ori %lt3A_100, %and3A_103 : vector<4x576xi1>
    %select_n3A_105 = arith.select %or3A_104, %slice3A_98, %slice3A_99 : vector<4x576xi1>, vector<4x576xi32>
    %min3A_106 = arith.minimumf %slice3A_96, %slice3A_97 : vector<4x576xf32>
    %slice3A_107 = vector.extract_strided_slice %min3A_106 {offsets = [2, 0], sizes = [2, 576], strides = [1, 1]} : vector<4x576xf32> to vector<2x576xf32>
    %slice3A_108 = vector.extract_strided_slice %min3A_106 {offsets = [0, 0], sizes = [2, 576], strides = [1, 1]} : vector<4x576xf32> to vector<2x576xf32>
    %slice3A_109 = vector.extract_strided_slice %select_n3A_105 {offsets = [2, 0], sizes = [2, 576], strides = [1, 1]} : vector<4x576xi32> to vector<2x576xi32>
    %slice3A_110 = vector.extract_strided_slice %select_n3A_105 {offsets = [0, 0], sizes = [2, 576], strides = [1, 1]} : vector<4x576xi32> to vector<2x576xi32>
    %lt3A_111 = arith.cmpf olt, %slice3A_107, %slice3A_108 : vector<2x576xf32>
    %eq3A_112 = arith.cmpf oeq, %slice3A_107, %slice3A_108 : vector<2x576xf32>
    %lt3A_113 = arith.cmpi slt, %slice3A_109, %slice3A_110 : vector<2x576xi32>
    %and3A_114 = arith.andi %eq3A_112, %lt3A_113 : vector<2x576xi1>
    %or3A_115 = arith.ori %lt3A_111, %and3A_114 : vector<2x576xi1>
    %select_n3A_116 = arith.select %or3A_115, %slice3A_109, %slice3A_110 : vector<2x576xi1>, vector<2x576xi32>
    %min3A_117 = arith.minimumf %slice3A_107, %slice3A_108 : vector<2x576xf32>
    %slice3A_118 = vector.extract_strided_slice %min3A_117 {offsets = [1, 0], sizes = [1, 576], strides = [1, 1]} : vector<2x576xf32> to vector<1x576xf32>
    %slice3A_119 = vector.extract_strided_slice %min3A_117 {offsets = [0, 0], sizes = [1, 576], strides = [1, 1]} : vector<2x576xf32> to vector<1x576xf32>
    %slice3A_120 = vector.extract_strided_slice %select_n3A_116 {offsets = [1, 0], sizes = [1, 576], strides = [1, 1]} : vector<2x576xi32> to vector<1x576xi32>
    %slice3A_121 = vector.extract_strided_slice %select_n3A_116 {offsets = [0, 0], sizes = [1, 576], strides = [1, 1]} : vector<2x576xi32> to vector<1x576xi32>
    %lt3A_122 = arith.cmpf olt, %slice3A_118, %slice3A_119 : vector<1x576xf32>
    %eq3A_123 = arith.cmpf oeq, %slice3A_118, %slice3A_119 : vector<1x576xf32>
    %lt3A_124 = arith.cmpi slt, %slice3A_120, %slice3A_121 : vector<1x576xi32>
    %and3A_125 = arith.andi %eq3A_123, %lt3A_124 : vector<1x576xi1>
    %or3A_126 = arith.ori %lt3A_122, %and3A_125 : vector<1x576xi1>
    %select_n3A_127 = arith.select %or3A_126, %slice3A_120, %slice3A_121 : vector<1x576xi1>, vector<1x576xi32>
    %min3A_128 = arith.minimumf %slice3A_118, %slice3A_119 : vector<1x576xf32>
    %reshape3A = vector.shape_cast %select_n3A_127 : vector<1x576xi32> to vector<1x8x72xi32>
    %swap3A = arith.constant 0 : index
    %swap3A_129 = arith.constant 0 : index
    %swap3A_130 = arith.constant 0 : index
    %swap3A_131 = vector.load %arg5[%swap3A, %swap3A_129, %swap3A_130] : memref<1x8x72xi32, #tpu.memory_space<vmem>>, vector<1x8x72xi32>
    tpu.vector_store %arg5[%swap3A, %swap3A_129, %swap3A_130], %reshape3A {strides = array<i32>} : memref<1x8x72xi32, #tpu.memory_space<vmem>>, vector<1x8x72xi32>,
    %eq3A_132 = arith.constant 0 : i32
    %eq3A_133 = arith.cmpi eq, %arg0, %eq3A_132 : i32
    %convert_element_type3A = arith.extui %eq3A_133 : i1 to i32
    %cond3A = arith.constant 0 : i32
    %cond3A_134 = arith.cmpi ne, %convert_element_type3A, %cond3A : i32
    scf.if %cond3A_134 {
      %broadcast_in_dim3A_154 = arith.constant 0.000000e+00 : f32
      %broadcast_in_dim3A_155 = vector.broadcast %broadcast_in_dim3A_154 : f32 to vector<1x1x128xf32>
      %swap3A_156 = arith.constant 0 : index
      %swap3A_157 = arith.constant 0 : index
      %swap3A_158 = arith.constant 0 : index
      %swap3A_159 = vector.load %arg6[%swap3A_156, %swap3A_157, %swap3A_158] : memref<1x1x128xf32, #tpu.memory_space<vmem>>, vector<1x1x128xf32>
      tpu.vector_store %arg6[%swap3A_156, %swap3A_157, %swap3A_158], %broadcast_in_dim3A_155 {strides = array<i32>} : memref<1x1x128xf32, #tpu.memory_space<vmem>>, vector<1x1x128xf32>,
    } else {
    }
    %reduce_sum3A = vector.shape_cast %min3A_128 : vector<1x576xf32> to vector<1x1x576xf32>
    %reduce_sum3A_135 = arith.constant dense<0.000000e+00> : vector<1xf32>
    %reduce_sum3A_136 = vector.multi_reduction <add>, %reduce_sum3A, %reduce_sum3A_135 [1, 2] : vector<1x1x576xf32> to vector<1xf32>
    %reduce_sum3A_137 = vector.shape_cast %reduce_sum3A_136 : vector<1xf32> to vector<1x1x1xf32>
    %reduce_sum3A_138 = vector.extract %reduce_sum3A_137[0, 0, 0] : f32 from vector<1x1x1xf32>
    %get3A_139 = arith.constant 0 : index
    %get3A_140 = arith.constant 0 : index
    %get3A_141 = arith.constant 0 : index
    %get3A_142 = vector.load %arg6[%get3A_139, %get3A_140, %get3A_141] : memref<1x1x128xf32, #tpu.memory_space<vmem>>, vector<1x1x128xf32>
    %broadcast_in_dim3A_143 = vector.broadcast %reduce_sum3A_138 : f32 to vector<1x1x128xf32>
    %add3A_144 = arith.addf %get3A_142, %broadcast_in_dim3A_143 : vector<1x1x128xf32>
    %swap3A_145 = arith.constant 0 : index
    %swap3A_146 = arith.constant 0 : index
    %swap3A_147 = arith.constant 0 : index
    %swap3A_148 = vector.load %arg6[%swap3A_145, %swap3A_146, %swap3A_147] : memref<1x1x128xf32, #tpu.memory_space<vmem>>, vector<1x1x128xf32>
    tpu.vector_store %arg6[%swap3A_145, %swap3A_146, %swap3A_147], %add3A_144 {strides = array<i32>} : memref<1x1x128xf32, #tpu.memory_space<vmem>>, vector<1x1x128xf32>,
    %eq3A_149 = arith.constant 31 : i32
    %eq3A_150 = arith.cmpi eq, %arg0, %eq3A_149 : i32
    %convert_element_type3A_151 = arith.extui %eq3A_150 : i1 to i32
    %cond3A_152 = arith.constant 0 : i32
    %cond3A_153 = arith.cmpi ne, %convert_element_type3A_151, %cond3A_152 : i32
    scf.if %cond3A_153 {
      %get3A_154 = arith.constant 0 : index
      %get3A_155 = arith.constant 0 : index
      %get3A_156 = arith.constant 0 : index
      %get3A_157 = vector.load %arg6[%get3A_154, %get3A_155, %get3A_156] : memref<1x1x128xf32, #tpu.memory_space<vmem>>, vector<1x1x128xf32>
      %mul3A_158 = arith.constant 1.05963818E-6 : f32
      %mul3A_159 = vector.broadcast %mul3A_158 : f32 to vector<1x1x128xf32>
      %mul3A_160 = arith.mulf %get3A_157, %mul3A_159 : vector<1x1x128xf32>
      %swap3A_161 = arith.constant 0 : index
      %swap3A_162 = arith.constant 0 : index
      %swap3A_163 = arith.constant 0 : index
      %swap3A_164 = vector.load %arg6[%swap3A_161, %swap3A_162, %swap3A_163] : memref<1x1x128xf32, #tpu.memory_space<vmem>>, vector<1x1x128xf32>
      tpu.vector_store %arg6[%swap3A_161, %swap3A_162, %swap3A_163], %mul3A_160 {strides = array<i32>} : memref<1x1x128xf32, #tpu.memory_space<vmem>>, vector<1x1x128xf32>,
    } else {
    }
    return
  }
  func.func @transform_0(%arg0: i32) -> (i32, i32, i32) {
    %c0_i32 = arith.constant 0 : i32
    %c0_i32_0 = arith.constant 0 : i32
    %c0_i32_1 = arith.constant 0 : i32
    return %arg0, %c0_i32, %c0_i32_0 : i32, i32, i32
  }
  func.func @transform_1(%arg0: i32) -> (i32, i32) {
    %c0_i32 = arith.constant 0 : i32
    %c0_i32_0 = arith.constant 0 : i32
    %c0_i32_1 = arith.constant 0 : i32
    return %c0_i32, %c0_i32_0 : i32, i32
  }
  func.func @transform_2(%arg0: i32) -> (i32, i32, i32) {
    %c0_i32 = arith.constant 0 : i32
    %c0_i32_0 = arith.constant 0 : i32
    %c0_i32_1 = arith.constant 0 : i32
    return %arg0, %c0_i32, %c0_i32_0 : i32, i32, i32
  }
  func.func @transform_3(%arg0: i32) -> (i32, i32) {
    %c0_i32 = arith.constant 0 : i32
    %c0_i32_0 = arith.constant 0 : i32
    %c0_i32_1 = arith.constant 0 : i32
    return %c0_i32, %c0_i32_0 : i32, i32
  }
  func.func @transform_4(%arg0: i32) -> (i32, i32, i32) {
    %c0_i32 = arith.constant 0 : i32
    %c0_i32_0 = arith.constant 0 : i32
    %c0_i32_1 = arith.constant 0 : i32
    return %arg0, %c0_i32, %c0_i32_0 : i32, i32, i32
  }
  func.func @transform_5(%arg0: i32) -> (i32, i32, i32) {
    %c0_i32 = arith.constant 0 : i32
    %c0_i32_0 = arith.constant 0 : i32
    %c0_i32_1 = arith.constant 0 : i32
    %c0_i32_2 = arith.constant 0 : i32
    return %c0_i32, %c0_i32_0, %c0_i32_1 : i32, i32, i32
  }
}

</mosaic_0001>

<sc_bundles>
// kernel: kernel.4.cloned.1.call-start
scs
__scs_entry_jumppad:
0x0: {  	(pc) =	sbr.rel $0x88, $3  }
0x1: {  	(tag) =	ssettag $0x0;
	lr =	simm.s32 $0x1  }
0x2: {  	[smem:$0x3F9F] =	sst lr;
	_ =	strace $0xD0000000  }
0x3: {  	_ = 	snop  }
0x4: {  	_ = 	snop  }
0x5: {  	_ = 	snop  }
0x6: {  	_ = 	snop  }
0x7: {  	_ = 	snop  }
__scs_overlays_trampoline_lowered:
0x8: {  	[smem:$0x3FAE] =	sst s0  }
0x9: {  	[smem:$0x3FAF] =	sst s1  }
0xa: {  	[smem:$0x3FB0] =	sst s2  }
0xb: {  	[smem:$0x3FB1] =	sst s3  }
0xc: {  	[smem:$0x3FB2] =	sst s4  }
0xd: {  	[smem:$0x3FB3] =	sst s5  }
0xe: {  	[smem:$0x3FB4] =	sst s6  }
0xf: {  	[smem:$0x3FB5] =	sst s7  }
0x10: {  	[smem:$0x3FB6] =	sst s8  }
0x11: {  	[smem:$0x3FB7] =	sst s9;
	s0 =	simm.s32 @!p0 $0x0  }
0x12: {  	s1 =	sld [smem:$0x3F9D];
	s0 =	simm.s32 @p0 $0x1  }
0x13: {  	[smem:$0x3FB8] =	sst s0;
	s0 =	simm.s32 @!p1 $0x0  }
0x14: {  	s2 =	sld [smem:$0x3F9C];
	s0 =	simm.s32 @p1 $0x1  }
0x15: {  	[smem:$0x3FB9] =	sst s0;
	s0 =	simm.s32 @!p2 $0x0  }
0x16: {  	s3 =	sld [smem:$0x3FDB];
	s0 =	simm.s32 @p2 $0x1  }
0x17: {  	s4 =	simm.s32 $0x1BF5;
	[smem:$0x3FBB] =	sst s0  }
0x18: {  	s0 =	sld [smem:$0x3F9E];
	_ =	swait.ge [sflag:s4], $0x0  }
0x19: {  	s7 =	sld [smem:$0x3F9F]  }
0x1a: {  	s8 =	sadd.s32 $0xFFFFE003, lr  }
0x1b: {  	s9 =	sadd.s32 $0xFFFFFEF7, lr;
	s5 =	simm.s32 $0xFFFFFFFF;
	p2 =	slt.u32 s8, $0xFFFFF086  }
0x1c: {  	p1 =	slt.u32 s9, $0xF7A;
	s5 =	simm.s32 @!p2 $0x0  }
0x1d: {  	s5 =	simm.s32 @p1 $0x1;
	p0 =	seq.s32 s7, s2  }
0x1e: {  	s7 =	smul.u32 @!p0 $0xF7A, s2;
	p2 =	seq.s32 @!p0 s5, $0x0  }
0x1f: {  	s9 =	smul.u32 $0xF7A, s1;
	s8 =	simm.s32 @!p0 $0x1BF5;
	p2 =	por !p2, p0  }
0x20: {  	[sflag:s8] =	ssyncset.s32 @!p0 $0xFFFFF086;
	s6 =	sadd.s32 @!p0 s3, s7;
	s7 =	simm.s32 @!p0 $0x108  }
0x21: {  	s3 =	sadd.s32 s3, s9;
	s6 =	sadd.s32 @!p0 $0x88, s6;
	s7 =	simm.s32 @p2 $0x1082  }
0x22: {  	[simem:s7], [sflag:s8] =	dma.local @!p0 [hbm:s6], $0xF7A  }
0x23: {  	s9 =	sor.u32 $0xD0000000, s2;
	s6 =	simm.s32 $0x108;
	_ =	swait.ge @!p0 [sflag:s8], $0x0  }
0x24: {  	s3 =	sadd.s32 $0x88, s3;
	s6 =	simm.s32 @!p1 $0x1082;
	[sflag:s4] =	ssyncset.s32 $0xFFFFF086  }
0x25: {  	[simem:s6], [sflag:s4] =	dma.local [hbm:s3], $0xF7A  }
0x26: {  	[smem:$0x3F9F] =	sst s1;
	(tag) =	ssettag s2;
	_ =	strace s9  }
0x27: {  	s1 =	sld [smem:$0x3FAF]  }
0x28: {  	s2 =	sld [smem:$0x3FB0]  }
0x29: {  	s4 =	sld [smem:$0x3FB2]  }
0x2a: {  	p0 =	seq.s32 s5, $0x0;
	s5 =	sld [smem:$0x3FB3]  }
0x2b: {  	s6 =	sld [smem:$0x3FB4]  }
0x2c: {  	s7 =	sld [smem:$0x3FB5]  }
0x2d: {  	s3 =	simm.s32 $0x108;
	s8 =	sld [smem:$0x3FB6]  }
0x2e: {  	s3 =	simm.s32 @!p0 $0x1082;
	s9 =	sld [smem:$0x3FB7]  }
0x2f: {  	lr =	sadd.s32 s0, s3;
	s0 =	sld [smem:$0x3FAE]  }
0x30: {  	s3 =	sld [smem:$0x3FB1]  }
0x31: {  	[smem:$0x3FBA] =	sst s10  }
0x32: {  	s10 =	sld [smem:$0x3FB8];
	_ =	sdelay $0x3  }
0x33: {  	p0 =	seq.s32 s10, $0x1;
	s10 =	sld [smem:$0x3FBA];
	_ =	sdelay $0x3  }
0x34: {  	[smem:$0x3FBA] =	sst s10  }
0x35: {  	s10 =	sld [smem:$0x3FB9];
	_ =	sdelay $0x3  }
0x36: {  	p1 =	seq.s32 s10, $0x1;
	s10 =	sld [smem:$0x3FBA];
	_ =	sdelay $0x3  }
0x37: {  	[smem:$0x3FBA] =	sst s10  }
0x38: {  	s10 =	sld [smem:$0x3FBB]  }
0x39: {  	_ = 	snop;
	(pc) =	sbr.ind lr, $3  }
0x3a: {  	_ = 	snop  }
0x3b: {  	_ = 	snop  }
0x3c: {  	p2 =	seq.s32 s10, $0x1;
	s10 =	sld [smem:$0x3FBA]  }
0x3d: {  	_ =	shalt  }
0x3e: {  	_ =	shalt  }
0x3f: {  	_ =	shalt  }
0x40: {  	_ =	shalt  }
0x41: {  	_ =	shalt  }
0x42: {  	_ =	shalt  }
0x43: {  	_ =	shalt  }
0x44: {  	_ =	shalt  }
0x45: {  	_ =	shalt  }
0x46: {  	_ =	shalt  }
0x47: {  	_ =	shalt  }
0x48: {  	_ =	shalt  }
0x49: {  	_ =	shalt  }
0x4a: {  	_ =	shalt  }
0x4b: {  	_ =	shalt  }
0x4c: {  	_ =	shalt  }
0x4d: {  	_ =	shalt  }
0x4e: {  	_ =	shalt  }
0x4f: {  	_ =	shalt  }
0x50: {  	_ =	shalt  }
0x51: {  	_ =	shalt  }
0x52: {  	_ =	shalt  }
0x53: {  	_ =	shalt  }
0x54: {  	_ =	shalt  }
0x55: {  	_ =	shalt  }
0x56: {  	_ =	shalt  }
0x57: {  	_ =	shalt  }
0x58: {  	_ =	shalt  }
0x59: {  	_ =	shalt  }
0x5a: {  	_ =	shalt  }
0x5b: {  	_ =	shalt  }
0x5c: {  	_ =	shalt  }
0x5d: {  	_ =	shalt  }
0x5e: {  	_ =	shalt  }
0x5f: {  	_ =	shalt  }
0x60: {  	_ =	shalt  }
0x61: {  	_ =	shalt  }
0x62: {  	_ =	shalt  }
0x63: {  	_ =	shalt  }
0x64: {  	_ =	shalt  }
0x65: {  	_ =	shalt  }
0x66: {  	_ =	shalt  }
0x67: {  	_ =	shalt  }
0x68: {  	_ =	shalt  }
0x69: {  	_ =	shalt  }
0x6a: {  	_ =	shalt  }
0x6b: {  	_ =	shalt  }
0x6c: {  	_ =	shalt  }
0x6d: {  	_ =	shalt  }
0x6e: {  	_ =	shalt  }
0x6f: {  	_ =	shalt  }
0x70: {  	_ =	shalt  }
0x71: {  	_ =	shalt  }
0x72: {  	_ =	shalt  }
0x73: {  	_ =	shalt  }
0x74: {  	_ =	shalt  }
0x75: {  	_ =	shalt  }
0x76: {  	_ =	shalt  }
0x77: {  	_ =	shalt  }
0x78: {  	_ =	shalt  }
0x79: {  	_ =	shalt  }
0x7a: {  	_ =	shalt  }
0x7b: {  	_ =	shalt  }
0x7c: {  	_ =	shalt  }
0x7d: {  	_ =	shalt  }
0x7e: {  	_ =	shalt  }
0x7f: {  	_ =	shalt  }
0x80: {  	_ =	shalt  }
0x81: {  	_ =	shalt  }
0x82: {  	_ =	shalt  }
0x83: {  	_ =	shalt  }
0x84: {  	_ =	shalt  }
0x85: {  	_ =	shalt  }
0x86: {  	_ =	shalt  }
0x87: {  	_ =	shalt  }
.Lfunc_end0:
.L_simem_size_0:
called_computation_lowered:
.L_overlay_start_0:
0x88: {  	s2 =	sld [smem:$0x3FD9]  }
0x89: {  	s3 =	sld [smem:$0x3FFE];
	_ =	sdelay $0x1  }
0x8a: {  	s1 =	srdreg.scid  }
0x8b: {  	s0 =	sand.u32 $0x1, s1  }
0x8c: {  	s14 =	sshll.u32 s0, $0xA;
	s2 =	sadd.s32 s3, s2  }
0x8d: {  	s2 =	sadd.s32 s2, s14  }
0x8e: {  	[smem:$0x3FC6] =	sst s2  }
0x8f: {  	_ = 	snop  }
0x90: {  	s2 =	sld [smem:$0x3FD0];
	_ =	sdelay $0x2  }
0x91: {  	s15 =	simm.s32 $0xA;
	s4 =	simm.s32 $0x10  }
0x92: {  	[smem:s4], [sflag:s15] =	dma.local [hbm:s2], $0x1  }
0x93: {  	_ =	swait.eq [sflag:s15], $0x1  }
0x94: {  	[sflag:s15] =	ssyncset.done $0x0  }
0x95: {  	[sflag:s15] =	ssyncadd.s32 $0xFFFFFFFF  }
0x96: {  	s16 =	sld [smem:$0x10];
	(tm) =	ssettm $0x1  }
0x97: {  	s17 =	sld [smem:$0x3FFB];
	_ =	sdelay $0x3  }
0x98: {  	_ =	strace s17  }
0x99: {  	s3 =	sld [smem:$0x3FFC];
	_ =	sdelay $0x3  }
0x9a: {  	_ =	strace s3  }
0x9b: {  	s3 =	sld [smem:$0x3FFD];
	_ =	sdelay $0x3  }
0x9c: {  	_ =	strace s3  }
0x9d: {  	_ =	strace $0x8FFFFFFF  }
0x9e: {  	s18 =	sld [smem:$0x3FDB];
	_ =	sdelay $0x1  }
0x9f: {  	s19 =	simm.s32 $_scs_section_size  }
0xa0: {  	s5 =	simm.s32 $_size__tile_overlayer_lowered;
	s6 =	simm.s32 $_tile_overlayer_lowered  }
0xa1: {  	s22 =	simm.s32 $0x1BFF;
	s21 =	sshll.u32 s6, $0x1;
	s3 =	sadd.s32 s19, s18  }
0xa2: {  	s7 =	simm.s32 $0x0;
	s20 =	sshll.u32 s5, $0x1;
	s5 =	sadd.s32 s21, s3  }
0xa3: {  	[timem:s7], [sflag:s22] =	dma.local [hbm:s5], s20  }
0xa4: {  	_ =	swait.ge [sflag:s22], s20  }
0xa5: {  	s4 =	ssub.s32 $0x0, s20;
	[sflag:s22] =	ssyncset.done $0x0  }
0xa6: {  	[sflag:s22] =	ssyncadd.s32 s4;
	_ =	sdelay $0x1  }
0xa7: {  	s23 =	simm.s32 $0x1B8B  }
0xa8: {  	_ =	swait.ge [sflag:s23], $0x1  }
0xa9: {  	[sflag:s23] =	ssyncset.done $0x0  }
0xaa: {  	s25 =	simm.s32 $0x1B8E;
	s24 =	sld [smem:$0x3FFE];
	[sflag:s23] =	ssyncadd.s32 $0xFFFFFFFF  }
0xab: {  	s26 =	simm.s32 $execute0_lowered;
	[smem:$0x3FD2] =	sst s25  }
0xac: {  	s5 =	sshll.u32 s26, $0x1;
	_ =	strace $0x80000046;
	[dreg:$0x1] =	wrdreg $0xFFFFFFFF  }
0xad: {  	s28 =	simm.s32 $_size_execute0_lowered;
	s3 =	sadd.s32 s3, s5;
	[dreg:$0x0] =	wrdreg $0x0  }
0xae: {  	s5 =	sshll.u32 s28, $0x1;
	[dreg:$0x2] =	wrdreg s3  }
0xaf: {  	[dreg:$0x3] =	wrdreg s5  }
0xb0: {  	[dreg:$0x4] =	wrdreg $0xC0  }
0xb1: {  	_ =	task [dreg:s7], $0x5FFFF  }
0xb2: {  	[dreg:$0x1] =	wrdreg $0xFFFFFFFF  }
0xb3: {  	[dreg:$0x0] =	wrdreg $0x60  }
0xb4: {  	[dreg:$0x2] =	wrdreg s16  }
0xb5: {  	[dreg:$0x3] =	wrdreg s24  }
0xb6: {  	[dreg:$0x4] =	wrdreg $0x9  }
0xb7: {  	_ =	task.clear_ibuf [dreg:s7], $0x5FFFF;
	_ =	strace $0x90000046  }
0xb8: {  	s29 =	simm.s32 $0x9;
	_ =	strace $0x80000048  }
0xb9: {  	_ =	swait.ge [sflag:s29], $0x1  }
0xba: {  	[sflag:s29] =	ssyncadd.s32 $0xFFFFFFFF  }
0xbb: {  	_ =	strace $0x90000048  }
0xbc: {  	_ =	sfence  }
0xbd: {  	s30 =	sld [smem:$0x0];
	_ =	sdelay $0x2  }
0xbe: {  	s31 =	sshll.u32 s1, $0xD;
	s1 =	sshrl.u32 s1, $0x2  }
0xbf: {  	s3 =	sand.u32 $0x4000, s31;
	s1 =	sadd.s32 s1, s30  }
0xc0: {  	s0 =	sor.u32 s3, s0;
	s1 =	sshll.u32 s1, $0x11  }
0xc1: {  	s0 =	sor.u32 s1, s0  }
0xc2: {  	s0 =	sadd.s32 $0x8F2B, s0  }
0xc3: {  	[sflag:s0] =	ssyncadd.remote.s32 $0x1  }
0xc4: {  	_ =	sfence.sel $0xFFFF  }
0xc5: {  	[dreg:$0x0] =	wrdreg $0xFFFFFFFF;
	(pc) =	sbr.abs _section_cstart, $3  }
0xc6: {  	[dreg:$0x1] =	wrdreg $0xFFFFFFFF  }
0xc7: {  	_ =	task.clear_ibuf [dreg:s7], $0x2FFFF;
	_ =	strace $0x9FFFFFFF  }
0xc8: {  	(tm) =	ssettm $0x7FFFFFFF  }
0xc9: {  	_ =	shalt  }
tec
execute0_lowered:
.L_overlay_start_1:
0x0: {  	(tag) =	ssettag $0x1  }
0x1: {  	s3 =	rddreg [dreg:$0x0]  }
0x2: {  	s4 =	rddreg [dreg:$0x1]  }
0x3: {  	s0 =	rddreg [dreg:$0x2]  }
0x4: {  	s1 =	simm.s32 $0x0;
	s6 =	srdreg.scid;
	s2 =	stileid.u32  }
0x5: {  	s13 =	simm.s32 $0x5600;
	s15 =	simm.s32 $0x6800;
	s17 =	simm.s32 $0x7A00  }
0x6: {  	s19 =	simm.s32 $0x8C00;
	s21 =	simm.s32 $0x9E00;
	s24 =	simm.s32 $0x0  }
0x7: {  	[smem:$0x7FF] =	sst s1;
	s5 =	sadd.s32 $0xA00, s4;
	s8 =	sshrl.u32 s2, $0x2  }
0x8: {  	s6 =	sand.u32 $0x1, s6;
	s7 =	sshll.u32 s2, $0x1;
	s10 =	smul.u32 $0x240, s8  }
0x9: {  	s9 =	ssub.s32 $0x2, s6;
	s7 =	sand.u32 $0x6, s7;
	s29 =	smul.u32 $0x48000, s8  }
0xa: {  	s8 =	smul.u32 $0x9000, s8;
	s11 =	sshrl.u32 s9, $0x1;
	s6 =	sor.u32 s6, s7  }
0xb: {  	_ =	strace $0x80000047;
	s9 =	ssub.s32 s9, s11;
	s30 =	sshll.u32 s6, $0xA  }
0xc: {  	s4 =	sadd.s32 s4, s10;
	s7 =	sshrl.u32 s29, $0x3;
	s8 =	sadd.s32 s5, s8  }
0xd: {  	s22 =	smul.u32 $0x240, s6;
	s6 =	simm.s32 $0x1;
	s11 =	simm.s32 $0x4400  }
0xe: {  	s3 =	sadd.s32 s3, s30;
	s5 =	sadd.s32 s5, s7;
	s7 =	simm.s32 $0x2000  }
0xf: {  	s31 =	sadd.s32 $0x1200, s5;
	s12 =	sadd.s32 $0x2400, s5;
	s14 =	sadd.s32 $0x3600, s5  }
0x10: {  	s16 =	sadd.s32 $0x4800, s5;
	s18 =	sadd.s32 $0x5A00, s5;
	s20 =	sadd.s32 $0x6C00, s5  }
0x11: {  	s23 =	sadd.s32 $0x7E00, s5;
	s5 =	smax.u32 s9, $0x1;
	s8 =	sadd.s32 s22, s8  }
0x12: {  	s9 =	simm.s32 $0x3200;
	s10 =	sadd.s32 s22, s31;
	s12 =	sadd.s32 s22, s12  }
0x13: {  	s14 =	sadd.s32 s22, s14;
	s16 =	sadd.s32 s22, s16;
	s18 =	sadd.s32 s22, s18  }
0x14: {  	s20 =	sadd.s32 s22, s20;
	s22 =	sadd.s32 s22, s23;
	s23 =	simm.s32 $0xB000  }
.LBB2_1:
0x15: {  	[tilespmem:s1], [sflag:$0x1] =	stream.linear.gather [hbm4b:s3+s1], $0x2000, $0x38;
	[tilespmem:$0xC200] =	vst v63  }
0x16: {  	_ =	swait.ge [sflag:s6], $0x2000  }
0x17: {  	[sflag:s6] =	ssyncset.done $0x0  }
0x18: {  	[sflag:s6] =	ssyncadd.s32 $0xFFFFE000  }
0x19: {  	[tilespmem:s7], [sflag:$0x1] =	stream.linear.gather [hbm4b:s4+s1], $0x1200, $0x38;
	[tilespmem:$0xC200] =	vst v63  }
0x1a: {  	_ =	swait.ge [sflag:s6], $0x1200  }
0x1b: {  	[sflag:s6] =	ssyncset.done $0x0  }
0x1c: {  	s25 =	simm.s32 $0x0;
	[sflag:s6] =	ssyncadd.s32 $0xFFFFEE00  }
.LBB2_2:
0x1d: {  	s26 =	smul.u32 $0x900, s25;
	_ =	sdelay $0x1  }
0x1e: {  	s28 =	sshra.s32 s26, $0x2  }
0x1f: {  	v0 =	vld [tilespmem:s28+$0x2000];
	_ =	sdelay $0x7  }
0x20: {  	v1 =	vld.idx.msk [tilespmem:v0+s1+$0x0], $0xffff  }
0x21: {  	v2 =	vadd.s32 $0x400, v0  }
0x22: {  	s31 =	smul.u32 $0x4800, s25;
	_ =	sdelay $0x1  }
0x23: {  	s26 =	sshra.s32 s31, $0x2  }
0x24: {  	[tilespmem:s26+$0x3200] =	vst v1  }
0x25: {  	v1 =	vld.idx.msk [tilespmem:v2+s1+$0x0], $0xffff  }
0x26: {  	v29 =	vadd.s32 $0x800, v0;
	_ =	sdelay $0x3  }
0x27: {  	[tilespmem:s26+$0x3440] =	vst v1  }
0x28: {  	v1 =	vld.idx.msk [tilespmem:v29+s1+$0x0], $0xffff  }
0x29: {  	v30 =	vadd.s32 $0xC00, v0;
	_ =	sdelay $0x3  }
0x2a: {  	[tilespmem:s26+$0x3680] =	vst v1  }
0x2b: {  	v1 =	vld.idx.msk [tilespmem:v30+s1+$0x0], $0xffff  }
0x2c: {  	v31 =	vadd.s32 $0x1000, v0;
	_ =	sdelay $0x3  }
0x2d: {  	[tilespmem:s26+$0x38C0] =	vst v1  }
0x2e: {  	v1 =	vld.idx.msk [tilespmem:v31+s1+$0x0], $0xffff  }
0x2f: {  	v32 =	vadd.s32 $0x1400, v0;
	_ =	sdelay $0x3  }
0x30: {  	[tilespmem:s26+$0x3B00] =	vst v1  }
0x31: {  	v1 =	vld.idx.msk [tilespmem:v32+s1+$0x0], $0xffff  }
0x32: {  	v33 =	vadd.s32 $0x1800, v0;
	_ =	sdelay $0x3  }
0x33: {  	[tilespmem:s26+$0x3D40] =	vst v1  }
0x34: {  	v1 =	vld.idx.msk [tilespmem:v33+s1+$0x0], $0xffff  }
0x35: {  	v0 =	vadd.s32 $0x1C00, v0;
	_ =	sdelay $0x3  }
0x36: {  	[tilespmem:s26+$0x3F80] =	vst v1  }
0x37: {  	v0 =	vld.idx.msk [tilespmem:v0+s1+$0x0], $0xffff;
	_ =	sdelay $0x4  }
0x38: {  	[tilespmem:s26+$0x41C0] =	vst v0  }
0x39: {  	v0 =	vld [tilespmem:s28+$0x2010];
	_ =	sdelay $0x7  }
0x3a: {  	v1 =	vld.idx.msk [tilespmem:v0+s1+$0x0], $0xffff  }
0x3b: {  	v34 =	vadd.s32 $0x400, v0;
	_ =	sdelay $0x3  }
0x3c: {  	[tilespmem:s26+$0x3210] =	vst v1  }
0x3d: {  	v1 =	vld.idx.msk [tilespmem:v34+s1+$0x0], $0xffff  }
0x3e: {  	v35 =	vadd.s32 $0x800, v0;
	_ =	sdelay $0x3  }
0x3f: {  	[tilespmem:s26+$0x3450] =	vst v1  }
0x40: {  	v1 =	vld.idx.msk [tilespmem:v35+s1+$0x0], $0xffff  }
0x41: {  	v36 =	vadd.s32 $0xC00, v0;
	_ =	sdelay $0x3  }
0x42: {  	[tilespmem:s26+$0x3690] =	vst v1  }
0x43: {  	v1 =	vld.idx.msk [tilespmem:v36+s1+$0x0], $0xffff  }
0x44: {  	v37 =	vadd.s32 $0x1000, v0;
	_ =	sdelay $0x3  }
0x45: {  	[tilespmem:s26+$0x38D0] =	vst v1  }
0x46: {  	v1 =	vld.idx.msk [tilespmem:v37+s1+$0x0], $0xffff  }
0x47: {  	v38 =	vadd.s32 $0x1400, v0;
	_ =	sdelay $0x3  }
0x48: {  	[tilespmem:s26+$0x3B10] =	vst v1  }
0x49: {  	v1 =	vld.idx.msk [tilespmem:v38+s1+$0x0], $0xffff  }
0x4a: {  	v39 =	vadd.s32 $0x1800, v0;
	_ =	sdelay $0x3  }
0x4b: {  	[tilespmem:s26+$0x3D50] =	vst v1  }
0x4c: {  	v1 =	vld.idx.msk [tilespmem:v39+s1+$0x0], $0xffff  }
0x4d: {  	v0 =	vadd.s32 $0x1C00, v0;
	_ =	sdelay $0x3  }
0x4e: {  	[tilespmem:s26+$0x3F90] =	vst v1  }
0x4f: {  	v0 =	vld.idx.msk [tilespmem:v0+s1+$0x0], $0xffff;
	_ =	sdelay $0x4  }
0x50: {  	[tilespmem:s26+$0x41D0] =	vst v0  }
0x51: {  	v0 =	vld [tilespmem:s28+$0x2020];
	_ =	sdelay $0x7  }
0x52: {  	v1 =	vld.idx.msk [tilespmem:v0+s1+$0x0], $0xffff  }
0x53: {  	v40 =	vadd.s32 $0x400, v0;
	_ =	sdelay $0x3  }
0x54: {  	[tilespmem:s26+$0x3220] =	vst v1  }
0x55: {  	v1 =	vld.idx.msk [tilespmem:v40+s1+$0x0], $0xffff  }
0x56: {  	v41 =	vadd.s32 $0x800, v0;
	_ =	sdelay $0x3  }
0x57: {  	[tilespmem:s26+$0x3460] =	vst v1  }
0x58: {  	v1 =	vld.idx.msk [tilespmem:v41+s1+$0x0], $0xffff  }
0x59: {  	v42 =	vadd.s32 $0xC00, v0;
	_ =	sdelay $0x3  }
0x5a: {  	[tilespmem:s26+$0x36A0] =	vst v1  }
0x5b: {  	v1 =	vld.idx.msk [tilespmem:v42+s1+$0x0], $0xffff  }
0x5c: {  	v43 =	vadd.s32 $0x1000, v0;
	_ =	sdelay $0x3  }
0x5d: {  	[tilespmem:s26+$0x38E0] =	vst v1  }
0x5e: {  	v1 =	vld.idx.msk [tilespmem:v43+s1+$0x0], $0xffff  }
0x5f: {  	v44 =	vadd.s32 $0x1400, v0;
	_ =	sdelay $0x3  }
0x60: {  	[tilespmem:s26+$0x3B20] =	vst v1  }
0x61: {  	v1 =	vld.idx.msk [tilespmem:v44+s1+$0x0], $0xffff  }
0x62: {  	v45 =	vadd.s32 $0x1800, v0;
	_ =	sdelay $0x3  }
0x63: {  	[tilespmem:s26+$0x3D60] =	vst v1  }
0x64: {  	v1 =	vld.idx.msk [tilespmem:v45+s1+$0x0], $0xffff  }
0x65: {  	v0 =	vadd.s32 $0x1C00, v0;
	_ =	sdelay $0x3  }
0x66: {  	[tilespmem:s26+$0x3FA0] =	vst v1  }
0x67: {  	v0 =	vld.idx.msk [tilespmem:v0+s1+$0x0], $0xffff;
	_ =	sdelay $0x4  }
0x68: {  	[tilespmem:s26+$0x41E0] =	vst v0  }
0x69: {  	v0 =	vld [tilespmem:s28+$0x2030];
	_ =	sdelay $0x7  }
0x6a: {  	v1 =	vld.idx.msk [tilespmem:v0+s1+$0x0], $0xffff  }
0x6b: {  	v46 =	vadd.s32 $0x400, v0;
	_ =	sdelay $0x3  }
0x6c: {  	[tilespmem:s26+$0x3230] =	vst v1  }
0x6d: {  	v1 =	vld.idx.msk [tilespmem:v46+s1+$0x0], $0xffff  }
0x6e: {  	v47 =	vadd.s32 $0x800, v0;
	_ =	sdelay $0x3  }
0x6f: {  	[tilespmem:s26+$0x3470] =	vst v1  }
0x70: {  	v1 =	vld.idx.msk [tilespmem:v47+s1+$0x0], $0xffff  }
0x71: {  	v48 =	vadd.s32 $0xC00, v0;
	_ =	sdelay $0x3  }
0x72: {  	[tilespmem:s26+$0x36B0] =	vst v1  }
0x73: {  	v1 =	vld.idx.msk [tilespmem:v48+s1+$0x0], $0xffff  }
0x74: {  	v49 =	vadd.s32 $0x1000, v0;
	_ =	sdelay $0x3  }
0x75: {  	[tilespmem:s26+$0x38F0] =	vst v1  }
0x76: {  	v1 =	vld.idx.msk [tilespmem:v49+s1+$0x0], $0xffff  }
0x77: {  	v50 =	vadd.s32 $0x1400, v0;
	_ =	sdelay $0x3  }
0x78: {  	[tilespmem:s26+$0x3B30] =	vst v1  }
0x79: {  	v1 =	vld.idx.msk [tilespmem:v50+s1+$0x0], $0xffff  }
0x7a: {  	v51 =	vadd.s32 $0x1800, v0;
	_ =	sdelay $0x3  }
0x7b: {  	[tilespmem:s26+$0x3D70] =	vst v1  }
0x7c: {  	v1 =	vld.idx.msk [tilespmem:v51+s1+$0x0], $0xffff  }
0x7d: {  	v0 =	vadd.s32 $0x1C00, v0;
	_ =	sdelay $0x3  }
0x7e: {  	[tilespmem:s26+$0x3FB0] =	vst v1  }
0x7f: {  	v0 =	vld.idx.msk [tilespmem:v0+s1+$0x0], $0xffff;
	_ =	sdelay $0x4  }
0x80: {  	[tilespmem:s26+$0x41F0] =	vst v0  }
0x81: {  	v0 =	vld [tilespmem:s28+$0x2040];
	_ =	sdelay $0x7  }
0x82: {  	v1 =	vld.idx.msk [tilespmem:v0+s1+$0x0], $0xffff  }
0x83: {  	v52 =	vadd.s32 $0x400, v0;
	_ =	sdelay $0x3  }
0x84: {  	[tilespmem:s26+$0x3240] =	vst v1  }
0x85: {  	v1 =	vld.idx.msk [tilespmem:v52+s1+$0x0], $0xffff  }
0x86: {  	v53 =	vadd.s32 $0x800, v0;
	_ =	sdelay $0x3  }
0x87: {  	[tilespmem:s26+$0x3480] =	vst v1  }
0x88: {  	v1 =	vld.idx.msk [tilespmem:v53+s1+$0x0], $0xffff  }
0x89: {  	v54 =	vadd.s32 $0xC00, v0;
	_ =	sdelay $0x3  }
0x8a: {  	[tilespmem:s26+$0x36C0] =	vst v1  }
0x8b: {  	v1 =	vld.idx.msk [tilespmem:v54+s1+$0x0], $0xffff  }
0x8c: {  	v55 =	vadd.s32 $0x1000, v0;
	_ =	sdelay $0x3  }
0x8d: {  	[tilespmem:s26+$0x3900] =	vst v1  }
0x8e: {  	v1 =	vld.idx.msk [tilespmem:v55+s1+$0x0], $0xffff  }
0x8f: {  	v56 =	vadd.s32 $0x1400, v0;
	_ =	sdelay $0x3  }
0x90: {  	[tilespmem:s26+$0x3B40] =	vst v1  }
0x91: {  	v1 =	vld.idx.msk [tilespmem:v56+s1+$0x0], $0xffff  }
0x92: {  	v57 =	vadd.s32 $0x1800, v0;
	_ =	sdelay $0x3  }
0x93: {  	[tilespmem:s26+$0x3D80] =	vst v1  }
0x94: {  	v1 =	vld.idx.msk [tilespmem:v57+s1+$0x0], $0xffff  }
0x95: {  	v0 =	vadd.s32 $0x1C00, v0;
	_ =	sdelay $0x3  }
0x96: {  	[tilespmem:s26+$0x3FC0] =	vst v1  }
0x97: {  	v0 =	vld.idx.msk [tilespmem:v0+s1+$0x0], $0xffff;
	_ =	sdelay $0x4  }
0x98: {  	[tilespmem:s26+$0x4200] =	vst v0  }
0x99: {  	v0 =	vld [tilespmem:s28+$0x2050];
	_ =	sdelay $0x7  }
0x9a: {  	v1 =	vld.idx.msk [tilespmem:v0+s1+$0x0], $0xffff  }
0x9b: {  	v58 =	vadd.s32 $0x400, v0;
	_ =	sdelay $0x3  }
0x9c: {  	[tilespmem:s26+$0x3250] =	vst v1  }
0x9d: {  	v1 =	vld.idx.msk [tilespmem:v58+s1+$0x0], $0xffff  }
0x9e: {  	v59 =	vadd.s32 $0x800, v0;
	_ =	sdelay $0x3  }
0x9f: {  	[tilespmem:s26+$0x3490] =	vst v1  }
0xa0: {  	v1 =	vld.idx.msk [tilespmem:v59+s1+$0x0], $0xffff  }
0xa1: {  	v60 =	vadd.s32 $0xC00, v0;
	_ =	sdelay $0x3  }
0xa2: {  	[tilespmem:s26+$0x36D0] =	vst v1  }
0xa3: {  	v1 =	vld.idx.msk [tilespmem:v60+s1+$0x0], $0xffff  }
0xa4: {  	v61 =	vadd.s32 $0x1000, v0;
	_ =	sdelay $0x3  }
0xa5: {  	[tilespmem:s26+$0x3910] =	vst v1  }
0xa6: {  	v1 =	vld.idx.msk [tilespmem:v61+s1+$0x0], $0xffff  }
0xa7: {  	v62 =	vadd.s32 $0x1400, v0;
	_ =	sdelay $0x3  }
0xa8: {  	[tilespmem:s26+$0x3B50] =	vst v1  }
0xa9: {  	v1 =	vld.idx.msk [tilespmem:v62+s1+$0x0], $0xffff  }
0xaa: {  	v63 =	vadd.s32 $0x1800, v0;
	_ =	sdelay $0x3  }
0xab: {  	[tilespmem:s26+$0x3D90] =	vst v1  }
0xac: {  	v1 =	vld.idx.msk [tilespmem:v63+s1+$0x0], $0xffff  }
0xad: {  	v0 =	vadd.s32 $0x1C00, v0;
	_ =	sdelay $0x3  }
0xae: {  	[tilespmem:s26+$0x3FD0] =	vst v1  }
0xaf: {  	v0 =	vld.idx.msk [tilespmem:v0+s1+$0x0], $0xffff;
	_ =	sdelay $0x4  }
0xb0: {  	[tilespmem:s26+$0x4210] =	vst v0  }
0xb1: {  	v0 =	vld [tilespmem:s28+$0x2060];
	_ =	sdelay $0x7  }
0xb2: {  	v1 =	vld.idx.msk [tilespmem:v0+s1+$0x0], $0xffff  }
0xb3: {  	v4 =	vadd.s32 $0x400, v0;
	_ =	sdelay $0x3  }
0xb4: {  	[tilespmem:s26+$0x3260] =	vst v1  }
0xb5: {  	v1 =	vld.idx.msk [tilespmem:v4+s1+$0x0], $0xffff  }
0xb6: {  	v5 =	vadd.s32 $0x800, v0;
	_ =	sdelay $0x3  }
0xb7: {  	[tilespmem:s26+$0x34A0] =	vst v1  }
0xb8: {  	v1 =	vld.idx.msk [tilespmem:v5+s1+$0x0], $0xffff  }
0xb9: {  	v6 =	vadd.s32 $0xC00, v0;
	_ =	sdelay $0x3  }
0xba: {  	[tilespmem:s26+$0x36E0] =	vst v1  }
0xbb: {  	v1 =	vld.idx.msk [tilespmem:v6+s1+$0x0], $0xffff  }
0xbc: {  	v7 =	vadd.s32 $0x1000, v0;
	_ =	sdelay $0x3  }
0xbd: {  	[tilespmem:s26+$0x3920] =	vst v1  }
0xbe: {  	v1 =	vld.idx.msk [tilespmem:v7+s1+$0x0], $0xffff  }
0xbf: {  	v8 =	vadd.s32 $0x1400, v0;
	_ =	sdelay $0x3  }
0xc0: {  	[tilespmem:s26+$0x3B60] =	vst v1  }
0xc1: {  	v1 =	vld.idx.msk [tilespmem:v8+s1+$0x0], $0xffff  }
0xc2: {  	v9 =	vadd.s32 $0x1800, v0;
	_ =	sdelay $0x3  }
0xc3: {  	[tilespmem:s26+$0x3DA0] =	vst v1  }
0xc4: {  	v1 =	vld.idx.msk [tilespmem:v9+s1+$0x0], $0xffff  }
0xc5: {  	v0 =	vadd.s32 $0x1C00, v0;
	_ =	sdelay $0x3  }
0xc6: {  	[tilespmem:s26+$0x3FE0] =	vst v1  }
0xc7: {  	v0 =	vld.idx.msk [tilespmem:v0+s1+$0x0], $0xffff;
	_ =	sdelay $0x4  }
0xc8: {  	[tilespmem:s26+$0x4220] =	vst v0  }
0xc9: {  	v0 =	vld [tilespmem:s28+$0x2070];
	_ =	sdelay $0x7  }
0xca: {  	v1 =	vld.idx.msk [tilespmem:v0+s1+$0x0], $0xffff  }
0xcb: {  	v10 =	vadd.s32 $0x400, v0;
	_ =	sdelay $0x3  }
0xcc: {  	[tilespmem:s26+$0x3270] =	vst v1  }
0xcd: {  	v1 =	vld.idx.msk [tilespmem:v10+s1+$0x0], $0xffff  }
0xce: {  	v11 =	vadd.s32 $0x800, v0;
	_ =	sdelay $0x3  }
0xcf: {  	[tilespmem:s26+$0x34B0] =	vst v1  }
0xd0: {  	v1 =	vld.idx.msk [tilespmem:v11+s1+$0x0], $0xffff  }
0xd1: {  	v12 =	vadd.s32 $0xC00, v0;
	_ =	sdelay $0x3  }
0xd2: {  	[tilespmem:s26+$0x36F0] =	vst v1  }
0xd3: {  	v1 =	vld.idx.msk [tilespmem:v12+s1+$0x0], $0xffff  }
0xd4: {  	v13 =	vadd.s32 $0x1000, v0;
	_ =	sdelay $0x3  }
0xd5: {  	[tilespmem:s26+$0x3930] =	vst v1  }
0xd6: {  	v1 =	vld.idx.msk [tilespmem:v13+s1+$0x0], $0xffff  }
0xd7: {  	v14 =	vadd.s32 $0x1400, v0;
	_ =	sdelay $0x3  }
0xd8: {  	[tilespmem:s26+$0x3B70] =	vst v1  }
0xd9: {  	v1 =	vld.idx.msk [tilespmem:v14+s1+$0x0], $0xffff  }
0xda: {  	v15 =	vadd.s32 $0x1800, v0;
	_ =	sdelay $0x3  }
0xdb: {  	[tilespmem:s26+$0x3DB0] =	vst v1  }
0xdc: {  	v1 =	vld.idx.msk [tilespmem:v15+s1+$0x0], $0xffff  }
0xdd: {  	v0 =	vadd.s32 $0x1C00, v0;
	_ =	sdelay $0x3  }
0xde: {  	[tilespmem:s26+$0x3FF0] =	vst v1  }
0xdf: {  	v0 =	vld.idx.msk [tilespmem:v0+s1+$0x0], $0xffff;
	_ =	sdelay $0x4  }
0xe0: {  	[tilespmem:s26+$0x4230] =	vst v0  }
0xe1: {  	v0 =	vld [tilespmem:s28+$0x2080];
	_ =	sdelay $0x7  }
0xe2: {  	v1 =	vld.idx.msk [tilespmem:v0+s1+$0x0], $0xffff  }
0xe3: {  	v16 =	vadd.s32 $0x400, v0;
	_ =	sdelay $0x3  }
0xe4: {  	[tilespmem:s26+$0x3280] =	vst v1  }
0xe5: {  	v1 =	vld.idx.msk [tilespmem:v16+s1+$0x0], $0xffff  }
0xe6: {  	v17 =	vadd.s32 $0x800, v0;
	_ =	sdelay $0x3  }
0xe7: {  	[tilespmem:s26+$0x34C0] =	vst v1  }
0xe8: {  	v1 =	vld.idx.msk [tilespmem:v17+s1+$0x0], $0xffff  }
0xe9: {  	v18 =	vadd.s32 $0xC00, v0;
	_ =	sdelay $0x3  }
0xea: {  	[tilespmem:s26+$0x3700] =	vst v1  }
0xeb: {  	v1 =	vld.idx.msk [tilespmem:v18+s1+$0x0], $0xffff  }
0xec: {  	v19 =	vadd.s32 $0x1000, v0;
	_ =	sdelay $0x3  }
0xed: {  	[tilespmem:s26+$0x3940] =	vst v1  }
0xee: {  	v1 =	vld.idx.msk [tilespmem:v19+s1+$0x0], $0xffff  }
0xef: {  	v20 =	vadd.s32 $0x1400, v0;
	_ =	sdelay $0x3  }
0xf0: {  	[tilespmem:s26+$0x3B80] =	vst v1  }
0xf1: {  	v1 =	vld.idx.msk [tilespmem:v20+s1+$0x0], $0xffff  }
0xf2: {  	v21 =	vadd.s32 $0x1800, v0;
	_ =	sdelay $0x3  }
0xf3: {  	[tilespmem:s26+$0x3DC0] =	vst v1  }
0xf4: {  	v1 =	vld.idx.msk [tilespmem:v21+s1+$0x0], $0xffff  }
0xf5: {  	v0 =	vadd.s32 $0x1C00, v0;
	_ =	sdelay $0x3  }
0xf6: {  	[tilespmem:s26+$0x4000] =	vst v1  }
0xf7: {  	v0 =	vld.idx.msk [tilespmem:v0+s1+$0x0], $0xffff;
	_ =	sdelay $0x4  }
0xf8: {  	[tilespmem:s26+$0x4240] =	vst v0  }
0xf9: {  	v0 =	vld [tilespmem:s28+$0x2090];
	_ =	sdelay $0x7  }
0xfa: {  	v1 =	vld.idx.msk [tilespmem:v0+s1+$0x0], $0xffff  }
0xfb: {  	v22 =	vadd.s32 $0x400, v0;
	_ =	sdelay $0x3  }
0xfc: {  	[tilespmem:s26+$0x3290] =	vst v1  }
0xfd: {  	v1 =	vld.idx.msk [tilespmem:v22+s1+$0x0], $0xffff  }
0xfe: {  	v23 =	vadd.s32 $0x800, v0;
	_ =	sdelay $0x3  }
0xff: {  	[tilespmem:s26+$0x34D0] =	vst v1  }
0x100: {  	v1 =	vld.idx.msk [tilespmem:v23+s1+$0x0], $0xffff  }
0x101: {  	v24 =	vadd.s32 $0xC00, v0;
	_ =	sdelay $0x3  }
0x102: {  	[tilespmem:s26+$0x3710] =	vst v1  }
0x103: {  	v1 =	vld.idx.msk [tilespmem:v24+s1+$0x0], $0xffff  }
0x104: {  	v25 =	vadd.s32 $0x1000, v0;
	_ =	sdelay $0x3  }
0x105: {  	[tilespmem:s26+$0x3950] =	vst v1  }
0x106: {  	v1 =	vld.idx.msk [tilespmem:v25+s1+$0x0], $0xffff  }
0x107: {  	v26 =	vadd.s32 $0x1400, v0;
	_ =	sdelay $0x3  }
0x108: {  	[tilespmem:s26+$0x3B90] =	vst v1  }
0x109: {  	v1 =	vld.idx.msk [tilespmem:v26+s1+$0x0], $0xffff  }
0x10a: {  	v27 =	vadd.s32 $0x1800, v0;
	_ =	sdelay $0x3  }
0x10b: {  	[tilespmem:s26+$0x3DD0] =	vst v1  }
0x10c: {  	v1 =	vld.idx.msk [tilespmem:v27+s1+$0x0], $0xffff  }
0x10d: {  	v0 =	vadd.s32 $0x1C00, v0;
	_ =	sdelay $0x3  }
0x10e: {  	[tilespmem:s26+$0x4010] =	vst v1  }
0x10f: {  	v0 =	vld.idx.msk [tilespmem:v0+s1+$0x0], $0xffff;
	_ =	sdelay $0x4  }
0x110: {  	[tilespmem:s26+$0x4250] =	vst v0  }
0x111: {  	v0 =	vld [tilespmem:s28+$0x20A0];
	_ =	sdelay $0x7  }
0x112: {  	v1 =	vld.idx.msk [tilespmem:v0+s1+$0x0], $0xffff  }
0x113: {  	v28 =	vadd.s32 $0x400, v0;
	_ =	sdelay $0x3  }
0x114: {  	[tilespmem:s26+$0x32A0] =	vst v1  }
0x115: {  	v1 =	vld.idx.msk [tilespmem:v28+s1+$0x0], $0xffff  }
0x116: {  	v29 =	vadd.s32 $0x800, v0;
	_ =	sdelay $0x3  }
0x117: {  	[tilespmem:s26+$0x34E0] =	vst v1  }
0x118: {  	v1 =	vld.idx.msk [tilespmem:v29+s1+$0x0], $0xffff  }
0x119: {  	v30 =	vadd.s32 $0xC00, v0;
	_ =	sdelay $0x3  }
0x11a: {  	[tilespmem:s26+$0x3720] =	vst v1  }
0x11b: {  	v1 =	vld.idx.msk [tilespmem:v30+s1+$0x0], $0xffff  }
0x11c: {  	v31 =	vadd.s32 $0x1000, v0;
	_ =	sdelay $0x3  }
0x11d: {  	[tilespmem:s26+$0x3960] =	vst v1  }
0x11e: {  	v1 =	vld.idx.msk [tilespmem:v31+s1+$0x0], $0xffff  }
0x11f: {  	v32 =	vadd.s32 $0x1400, v0;
	_ =	sdelay $0x3  }
0x120: {  	[tilespmem:s26+$0x3BA0] =	vst v1  }
0x121: {  	v1 =	vld.idx.msk [tilespmem:v32+s1+$0x0], $0xffff  }
0x122: {  	v33 =	vadd.s32 $0x1800, v0;
	_ =	sdelay $0x3  }
0x123: {  	[tilespmem:s26+$0x3DE0] =	vst v1  }
0x124: {  	v1 =	vld.idx.msk [tilespmem:v33+s1+$0x0], $0xffff  }
0x125: {  	v0 =	vadd.s32 $0x1C00, v0;
	_ =	sdelay $0x3  }
0x126: {  	[tilespmem:s26+$0x4020] =	vst v1  }
0x127: {  	v0 =	vld.idx.msk [tilespmem:v0+s1+$0x0], $0xffff;
	_ =	sdelay $0x4  }
0x128: {  	[tilespmem:s26+$0x4260] =	vst v0  }
0x129: {  	v0 =	vld [tilespmem:s28+$0x20B0];
	_ =	sdelay $0x7  }
0x12a: {  	v1 =	vld.idx.msk [tilespmem:v0+s1+$0x0], $0xffff  }
0x12b: {  	v34 =	vadd.s32 $0x400, v0;
	_ =	sdelay $0x3  }
0x12c: {  	[tilespmem:s26+$0x32B0] =	vst v1  }
0x12d: {  	v1 =	vld.idx.msk [tilespmem:v34+s1+$0x0], $0xffff  }
0x12e: {  	v35 =	vadd.s32 $0x800, v0;
	_ =	sdelay $0x3  }
0x12f: {  	[tilespmem:s26+$0x34F0] =	vst v1  }
0x130: {  	v1 =	vld.idx.msk [tilespmem:v35+s1+$0x0], $0xffff  }
0x131: {  	v36 =	vadd.s32 $0xC00, v0;
	_ =	sdelay $0x3  }
0x132: {  	[tilespmem:s26+$0x3730] =	vst v1  }
0x133: {  	v1 =	vld.idx.msk [tilespmem:v36+s1+$0x0], $0xffff  }
0x134: {  	v37 =	vadd.s32 $0x1000, v0;
	_ =	sdelay $0x3  }
0x135: {  	[tilespmem:s26+$0x3970] =	vst v1  }
0x136: {  	v1 =	vld.idx.msk [tilespmem:v37+s1+$0x0], $0xffff  }
0x137: {  	v38 =	vadd.s32 $0x1400, v0;
	_ =	sdelay $0x3  }
0x138: {  	[tilespmem:s26+$0x3BB0] =	vst v1  }
0x139: {  	v1 =	vld.idx.msk [tilespmem:v38+s1+$0x0], $0xffff  }
0x13a: {  	v39 =	vadd.s32 $0x1800, v0;
	_ =	sdelay $0x3  }
0x13b: {  	[tilespmem:s26+$0x3DF0] =	vst v1  }
0x13c: {  	v1 =	vld.idx.msk [tilespmem:v39+s1+$0x0], $0xffff  }
0x13d: {  	v0 =	vadd.s32 $0x1C00, v0;
	_ =	sdelay $0x3  }
0x13e: {  	[tilespmem:s26+$0x4030] =	vst v1  }
0x13f: {  	v0 =	vld.idx.msk [tilespmem:v0+s1+$0x0], $0xffff;
	_ =	sdelay $0x4  }
0x140: {  	[tilespmem:s26+$0x4270] =	vst v0  }
0x141: {  	v0 =	vld [tilespmem:s28+$0x20C0];
	_ =	sdelay $0x7  }
0x142: {  	v1 =	vld.idx.msk [tilespmem:v0+s1+$0x0], $0xffff  }
0x143: {  	v40 =	vadd.s32 $0x400, v0;
	_ =	sdelay $0x3  }
0x144: {  	[tilespmem:s26+$0x32C0] =	vst v1  }
0x145: {  	v1 =	vld.idx.msk [tilespmem:v40+s1+$0x0], $0xffff  }
0x146: {  	v41 =	vadd.s32 $0x800, v0;
	_ =	sdelay $0x3  }
0x147: {  	[tilespmem:s26+$0x3500] =	vst v1  }
0x148: {  	v1 =	vld.idx.msk [tilespmem:v41+s1+$0x0], $0xffff  }
0x149: {  	v42 =	vadd.s32 $0xC00, v0;
	_ =	sdelay $0x3  }
0x14a: {  	[tilespmem:s26+$0x3740] =	vst v1  }
0x14b: {  	v1 =	vld.idx.msk [tilespmem:v42+s1+$0x0], $0xffff  }
0x14c: {  	v43 =	vadd.s32 $0x1000, v0;
	_ =	sdelay $0x3  }
0x14d: {  	[tilespmem:s26+$0x3980] =	vst v1  }
0x14e: {  	v1 =	vld.idx.msk [tilespmem:v43+s1+$0x0], $0xffff  }
0x14f: {  	v44 =	vadd.s32 $0x1400, v0;
	_ =	sdelay $0x3  }
0x150: {  	[tilespmem:s26+$0x3BC0] =	vst v1  }
0x151: {  	v1 =	vld.idx.msk [tilespmem:v44+s1+$0x0], $0xffff  }
0x152: {  	v45 =	vadd.s32 $0x1800, v0;
	_ =	sdelay $0x3  }
0x153: {  	[tilespmem:s26+$0x3E00] =	vst v1  }
0x154: {  	v1 =	vld.idx.msk [tilespmem:v45+s1+$0x0], $0xffff  }
0x155: {  	v0 =	vadd.s32 $0x1C00, v0;
	_ =	sdelay $0x3  }
0x156: {  	[tilespmem:s26+$0x4040] =	vst v1  }
0x157: {  	v0 =	vld.idx.msk [tilespmem:v0+s1+$0x0], $0xffff;
	_ =	sdelay $0x4  }
0x158: {  	[tilespmem:s26+$0x4280] =	vst v0  }
0x159: {  	v0 =	vld [tilespmem:s28+$0x20D0];
	_ =	sdelay $0x7  }
0x15a: {  	v1 =	vld.idx.msk [tilespmem:v0+s1+$0x0], $0xffff  }
0x15b: {  	v46 =	vadd.s32 $0x400, v0;
	_ =	sdelay $0x3  }
0x15c: {  	[tilespmem:s26+$0x32D0] =	vst v1  }
0x15d: {  	v1 =	vld.idx.msk [tilespmem:v46+s1+$0x0], $0xffff  }
0x15e: {  	v47 =	vadd.s32 $0x800, v0;
	_ =	sdelay $0x3  }
0x15f: {  	[tilespmem:s26+$0x3510] =	vst v1  }
0x160: {  	v1 =	vld.idx.msk [tilespmem:v47+s1+$0x0], $0xffff  }
0x161: {  	v48 =	vadd.s32 $0xC00, v0;
	_ =	sdelay $0x3  }
0x162: {  	[tilespmem:s26+$0x3750] =	vst v1  }
0x163: {  	v1 =	vld.idx.msk [tilespmem:v48+s1+$0x0], $0xffff  }
0x164: {  	v49 =	vadd.s32 $0x1000, v0;
	_ =	sdelay $0x3  }
0x165: {  	[tilespmem:s26+$0x3990] =	vst v1  }
0x166: {  	v1 =	vld.idx.msk [tilespmem:v49+s1+$0x0], $0xffff  }
0x167: {  	v50 =	vadd.s32 $0x1400, v0;
	_ =	sdelay $0x3  }
0x168: {  	[tilespmem:s26+$0x3BD0] =	vst v1  }
0x169: {  	v1 =	vld.idx.msk [tilespmem:v50+s1+$0x0], $0xffff  }
0x16a: {  	v51 =	vadd.s32 $0x1800, v0;
	_ =	sdelay $0x3  }
0x16b: {  	[tilespmem:s26+$0x3E10] =	vst v1  }
0x16c: {  	v1 =	vld.idx.msk [tilespmem:v51+s1+$0x0], $0xffff  }
0x16d: {  	v0 =	vadd.s32 $0x1C00, v0;
	_ =	sdelay $0x3  }
0x16e: {  	[tilespmem:s26+$0x4050] =	vst v1  }
0x16f: {  	v0 =	vld.idx.msk [tilespmem:v0+s1+$0x0], $0xffff;
	_ =	sdelay $0x4  }
0x170: {  	[tilespmem:s26+$0x4290] =	vst v0  }
0x171: {  	v0 =	vld [tilespmem:s28+$0x20E0];
	_ =	sdelay $0x7  }
0x172: {  	v1 =	vld.idx.msk [tilespmem:v0+s1+$0x0], $0xffff  }
0x173: {  	v52 =	vadd.s32 $0x400, v0;
	_ =	sdelay $0x3  }
0x174: {  	[tilespmem:s26+$0x32E0] =	vst v1  }
0x175: {  	v1 =	vld.idx.msk [tilespmem:v52+s1+$0x0], $0xffff  }
0x176: {  	v53 =	vadd.s32 $0x800, v0;
	_ =	sdelay $0x3  }
0x177: {  	[tilespmem:s26+$0x3520] =	vst v1  }
0x178: {  	v1 =	vld.idx.msk [tilespmem:v53+s1+$0x0], $0xffff  }
0x179: {  	v54 =	vadd.s32 $0xC00, v0;
	_ =	sdelay $0x3  }
0x17a: {  	[tilespmem:s26+$0x3760] =	vst v1  }
0x17b: {  	v1 =	vld.idx.msk [tilespmem:v54+s1+$0x0], $0xffff  }
0x17c: {  	v55 =	vadd.s32 $0x1000, v0;
	_ =	sdelay $0x3  }
0x17d: {  	[tilespmem:s26+$0x39A0] =	vst v1  }
0x17e: {  	v1 =	vld.idx.msk [tilespmem:v55+s1+$0x0], $0xffff  }
0x17f: {  	v56 =	vadd.s32 $0x1400, v0;
	_ =	sdelay $0x3  }
0x180: {  	[tilespmem:s26+$0x3BE0] =	vst v1  }
0x181: {  	v1 =	vld.idx.msk [tilespmem:v56+s1+$0x0], $0xffff  }
0x182: {  	v57 =	vadd.s32 $0x1800, v0;
	_ =	sdelay $0x3  }
0x183: {  	[tilespmem:s26+$0x3E20] =	vst v1  }
0x184: {  	v1 =	vld.idx.msk [tilespmem:v57+s1+$0x0], $0xffff  }
0x185: {  	v0 =	vadd.s32 $0x1C00, v0;
	_ =	sdelay $0x3  }
0x186: {  	[tilespmem:s26+$0x4060] =	vst v1  }
0x187: {  	v0 =	vld.idx.msk [tilespmem:v0+s1+$0x0], $0xffff;
	_ =	sdelay $0x4  }
0x188: {  	[tilespmem:s26+$0x42A0] =	vst v0  }
0x189: {  	v0 =	vld [tilespmem:s28+$0x20F0];
	_ =	sdelay $0x7  }
0x18a: {  	v1 =	vld.idx.msk [tilespmem:v0+s1+$0x0], $0xffff  }
0x18b: {  	v58 =	vadd.s32 $0x400, v0;
	_ =	sdelay $0x3  }
0x18c: {  	[tilespmem:s26+$0x32F0] =	vst v1  }
0x18d: {  	v1 =	vld.idx.msk [tilespmem:v58+s1+$0x0], $0xffff  }
0x18e: {  	v59 =	vadd.s32 $0x800, v0;
	_ =	sdelay $0x3  }
0x18f: {  	[tilespmem:s26+$0x3530] =	vst v1  }
0x190: {  	v1 =	vld.idx.msk [tilespmem:v59+s1+$0x0], $0xffff  }
0x191: {  	v60 =	vadd.s32 $0xC00, v0;
	_ =	sdelay $0x3  }
0x192: {  	[tilespmem:s26+$0x3770] =	vst v1  }
0x193: {  	v1 =	vld.idx.msk [tilespmem:v60+s1+$0x0], $0xffff  }
0x194: {  	v61 =	vadd.s32 $0x1000, v0;
	_ =	sdelay $0x3  }
0x195: {  	[tilespmem:s26+$0x39B0] =	vst v1  }
0x196: {  	v1 =	vld.idx.msk [tilespmem:v61+s1+$0x0], $0xffff  }
0x197: {  	v62 =	vadd.s32 $0x1400, v0;
	_ =	sdelay $0x3  }
0x198: {  	[tilespmem:s26+$0x3BF0] =	vst v1  }
0x199: {  	v1 =	vld.idx.msk [tilespmem:v62+s1+$0x0], $0xffff  }
0x19a: {  	v63 =	vadd.s32 $0x1800, v0;
	_ =	sdelay $0x3  }
0x19b: {  	[tilespmem:s26+$0x3E30] =	vst v1  }
0x19c: {  	v1 =	vld.idx.msk [tilespmem:v63+s1+$0x0], $0xffff  }
0x19d: {  	v0 =	vadd.s32 $0x1C00, v0;
	_ =	sdelay $0x3  }
0x19e: {  	[tilespmem:s26+$0x4070] =	vst v1  }
0x19f: {  	v0 =	vld.idx.msk [tilespmem:v0+s1+$0x0], $0xffff;
	_ =	sdelay $0x4  }
0x1a0: {  	[tilespmem:s26+$0x42B0] =	vst v0  }
0x1a1: {  	v0 =	vld [tilespmem:s28+$0x2100];
	_ =	sdelay $0x7  }
0x1a2: {  	v1 =	vld.idx.msk [tilespmem:v0+s1+$0x0], $0xffff  }
0x1a3: {  	v4 =	vadd.s32 $0x400, v0;
	_ =	sdelay $0x3  }
0x1a4: {  	[tilespmem:s26+$0x3300] =	vst v1  }
0x1a5: {  	v1 =	vld.idx.msk [tilespmem:v4+s1+$0x0], $0xffff  }
0x1a6: {  	v5 =	vadd.s32 $0x800, v0;
	_ =	sdelay $0x3  }
0x1a7: {  	[tilespmem:s26+$0x3540] =	vst v1  }
0x1a8: {  	v1 =	vld.idx.msk [tilespmem:v5+s1+$0x0], $0xffff  }
0x1a9: {  	v6 =	vadd.s32 $0xC00, v0;
	_ =	sdelay $0x3  }
0x1aa: {  	[tilespmem:s26+$0x3780] =	vst v1  }
0x1ab: {  	v1 =	vld.idx.msk [tilespmem:v6+s1+$0x0], $0xffff  }
0x1ac: {  	v7 =	vadd.s32 $0x1000, v0;
	_ =	sdelay $0x3  }
0x1ad: {  	[tilespmem:s26+$0x39C0] =	vst v1  }
0x1ae: {  	v1 =	vld.idx.msk [tilespmem:v7+s1+$0x0], $0xffff  }
0x1af: {  	v8 =	vadd.s32 $0x1400, v0;
	_ =	sdelay $0x3  }
0x1b0: {  	[tilespmem:s26+$0x3C00] =	vst v1  }
0x1b1: {  	v1 =	vld.idx.msk [tilespmem:v8+s1+$0x0], $0xffff  }
0x1b2: {  	v9 =	vadd.s32 $0x1800, v0;
	_ =	sdelay $0x3  }
0x1b3: {  	[tilespmem:s26+$0x3E40] =	vst v1  }
0x1b4: {  	v1 =	vld.idx.msk [tilespmem:v9+s1+$0x0], $0xffff  }
0x1b5: {  	v0 =	vadd.s32 $0x1C00, v0;
	_ =	sdelay $0x3  }
0x1b6: {  	[tilespmem:s26+$0x4080] =	vst v1  }
0x1b7: {  	v0 =	vld.idx.msk [tilespmem:v0+s1+$0x0], $0xffff;
	_ =	sdelay $0x4  }
0x1b8: {  	[tilespmem:s26+$0x42C0] =	vst v0  }
0x1b9: {  	v0 =	vld [tilespmem:s28+$0x2110];
	_ =	sdelay $0x7  }
0x1ba: {  	v1 =	vld.idx.msk [tilespmem:v0+s1+$0x0], $0xffff  }
0x1bb: {  	v10 =	vadd.s32 $0x400, v0;
	_ =	sdelay $0x3  }
0x1bc: {  	[tilespmem:s26+$0x3310] =	vst v1  }
0x1bd: {  	v1 =	vld.idx.msk [tilespmem:v10+s1+$0x0], $0xffff  }
0x1be: {  	v11 =	vadd.s32 $0x800, v0;
	_ =	sdelay $0x3  }
0x1bf: {  	[tilespmem:s26+$0x3550] =	vst v1  }
0x1c0: {  	v1 =	vld.idx.msk [tilespmem:v11+s1+$0x0], $0xffff  }
0x1c1: {  	v12 =	vadd.s32 $0xC00, v0;
	_ =	sdelay $0x3  }
0x1c2: {  	[tilespmem:s26+$0x3790] =	vst v1  }
0x1c3: {  	v1 =	vld.idx.msk [tilespmem:v12+s1+$0x0], $0xffff  }
0x1c4: {  	v13 =	vadd.s32 $0x1000, v0;
	_ =	sdelay $0x3  }
0x1c5: {  	[tilespmem:s26+$0x39D0] =	vst v1  }
0x1c6: {  	v1 =	vld.idx.msk [tilespmem:v13+s1+$0x0], $0xffff  }
0x1c7: {  	v14 =	vadd.s32 $0x1400, v0;
	_ =	sdelay $0x3  }
0x1c8: {  	[tilespmem:s26+$0x3C10] =	vst v1  }
0x1c9: {  	v1 =	vld.idx.msk [tilespmem:v14+s1+$0x0], $0xffff  }
0x1ca: {  	v15 =	vadd.s32 $0x1800, v0;
	_ =	sdelay $0x3  }
0x1cb: {  	[tilespmem:s26+$0x3E50] =	vst v1  }
0x1cc: {  	v1 =	vld.idx.msk [tilespmem:v15+s1+$0x0], $0xffff  }
0x1cd: {  	v0 =	vadd.s32 $0x1C00, v0;
	_ =	sdelay $0x3  }
0x1ce: {  	[tilespmem:s26+$0x4090] =	vst v1  }
0x1cf: {  	v0 =	vld.idx.msk [tilespmem:v0+s1+$0x0], $0xffff;
	_ =	sdelay $0x4  }
0x1d0: {  	[tilespmem:s26+$0x42D0] =	vst v0  }
0x1d1: {  	v0 =	vld [tilespmem:s28+$0x2120];
	_ =	sdelay $0x7  }
0x1d2: {  	v1 =	vld.idx.msk [tilespmem:v0+s1+$0x0], $0xffff  }
0x1d3: {  	v16 =	vadd.s32 $0x400, v0;
	_ =	sdelay $0x3  }
0x1d4: {  	[tilespmem:s26+$0x3320] =	vst v1  }
0x1d5: {  	v1 =	vld.idx.msk [tilespmem:v16+s1+$0x0], $0xffff  }
0x1d6: {  	v17 =	vadd.s32 $0x800, v0;
	_ =	sdelay $0x3  }
0x1d7: {  	[tilespmem:s26+$0x3560] =	vst v1  }
0x1d8: {  	v1 =	vld.idx.msk [tilespmem:v17+s1+$0x0], $0xffff  }
0x1d9: {  	v18 =	vadd.s32 $0xC00, v0;
	_ =	sdelay $0x3  }
0x1da: {  	[tilespmem:s26+$0x37A0] =	vst v1  }
0x1db: {  	v1 =	vld.idx.msk [tilespmem:v18+s1+$0x0], $0xffff  }
0x1dc: {  	v19 =	vadd.s32 $0x1000, v0;
	_ =	sdelay $0x3  }
0x1dd: {  	[tilespmem:s26+$0x39E0] =	vst v1  }
0x1de: {  	v1 =	vld.idx.msk [tilespmem:v19+s1+$0x0], $0xffff  }
0x1df: {  	v20 =	vadd.s32 $0x1400, v0;
	_ =	sdelay $0x3  }
0x1e0: {  	[tilespmem:s26+$0x3C20] =	vst v1  }
0x1e1: {  	v1 =	vld.idx.msk [tilespmem:v20+s1+$0x0], $0xffff  }
0x1e2: {  	v21 =	vadd.s32 $0x1800, v0;
	_ =	sdelay $0x3  }
0x1e3: {  	[tilespmem:s26+$0x3E60] =	vst v1  }
0x1e4: {  	v1 =	vld.idx.msk [tilespmem:v21+s1+$0x0], $0xffff  }
0x1e5: {  	v0 =	vadd.s32 $0x1C00, v0;
	_ =	sdelay $0x3  }
0x1e6: {  	[tilespmem:s26+$0x40A0] =	vst v1  }
0x1e7: {  	v0 =	vld.idx.msk [tilespmem:v0+s1+$0x0], $0xffff;
	_ =	sdelay $0x4  }
0x1e8: {  	[tilespmem:s26+$0x42E0] =	vst v0  }
0x1e9: {  	v0 =	vld [tilespmem:s28+$0x2130];
	_ =	sdelay $0x7  }
0x1ea: {  	v1 =	vld.idx.msk [tilespmem:v0+s1+$0x0], $0xffff  }
0x1eb: {  	v22 =	vadd.s32 $0x400, v0;
	_ =	sdelay $0x3  }
0x1ec: {  	[tilespmem:s26+$0x3330] =	vst v1  }
0x1ed: {  	v1 =	vld.idx.msk [tilespmem:v22+s1+$0x0], $0xffff  }
0x1ee: {  	v23 =	vadd.s32 $0x800, v0;
	_ =	sdelay $0x3  }
0x1ef: {  	[tilespmem:s26+$0x3570] =	vst v1  }
0x1f0: {  	v1 =	vld.idx.msk [tilespmem:v23+s1+$0x0], $0xffff  }
0x1f1: {  	v24 =	vadd.s32 $0xC00, v0;
	_ =	sdelay $0x3  }
0x1f2: {  	[tilespmem:s26+$0x37B0] =	vst v1  }
0x1f3: {  	v1 =	vld.idx.msk [tilespmem:v24+s1+$0x0], $0xffff  }
0x1f4: {  	v25 =	vadd.s32 $0x1000, v0;
	_ =	sdelay $0x3  }
0x1f5: {  	[tilespmem:s26+$0x39F0] =	vst v1  }
0x1f6: {  	v1 =	vld.idx.msk [tilespmem:v25+s1+$0x0], $0xffff  }
0x1f7: {  	v26 =	vadd.s32 $0x1400, v0;
	_ =	sdelay $0x3  }
0x1f8: {  	[tilespmem:s26+$0x3C30] =	vst v1  }
0x1f9: {  	v1 =	vld.idx.msk [tilespmem:v26+s1+$0x0], $0xffff  }
0x1fa: {  	v27 =	vadd.s32 $0x1800, v0;
	_ =	sdelay $0x3  }
0x1fb: {  	[tilespmem:s26+$0x3E70] =	vst v1  }
0x1fc: {  	v1 =	vld.idx.msk [tilespmem:v27+s1+$0x0], $0xffff  }
0x1fd: {  	v0 =	vadd.s32 $0x1C00, v0;
	_ =	sdelay $0x3  }
0x1fe: {  	[tilespmem:s26+$0x40B0] =	vst v1  }
0x1ff: {  	v0 =	vld.idx.msk [tilespmem:v0+s1+$0x0], $0xffff;
	_ =	sdelay $0x4  }
0x200: {  	[tilespmem:s26+$0x42F0] =	vst v0  }
0x201: {  	v0 =	vld [tilespmem:s28+$0x2140];
	_ =	sdelay $0x7  }
0x202: {  	v1 =	vld.idx.msk [tilespmem:v0+s1+$0x0], $0xffff  }
0x203: {  	v28 =	vadd.s32 $0x400, v0;
	_ =	sdelay $0x3  }
0x204: {  	[tilespmem:s26+$0x3340] =	vst v1  }
0x205: {  	v1 =	vld.idx.msk [tilespmem:v28+s1+$0x0], $0xffff  }
0x206: {  	v29 =	vadd.s32 $0x800, v0;
	_ =	sdelay $0x3  }
0x207: {  	[tilespmem:s26+$0x3580] =	vst v1  }
0x208: {  	v1 =	vld.idx.msk [tilespmem:v29+s1+$0x0], $0xffff  }
0x209: {  	v30 =	vadd.s32 $0xC00, v0;
	_ =	sdelay $0x3  }
0x20a: {  	[tilespmem:s26+$0x37C0] =	vst v1  }
0x20b: {  	v1 =	vld.idx.msk [tilespmem:v30+s1+$0x0], $0xffff  }
0x20c: {  	v31 =	vadd.s32 $0x1000, v0;
	_ =	sdelay $0x3  }
0x20d: {  	[tilespmem:s26+$0x3A00] =	vst v1  }
0x20e: {  	v1 =	vld.idx.msk [tilespmem:v31+s1+$0x0], $0xffff  }
0x20f: {  	v32 =	vadd.s32 $0x1400, v0;
	_ =	sdelay $0x3  }
0x210: {  	[tilespmem:s26+$0x3C40] =	vst v1  }
0x211: {  	v1 =	vld.idx.msk [tilespmem:v32+s1+$0x0], $0xffff  }
0x212: {  	v33 =	vadd.s32 $0x1800, v0;
	_ =	sdelay $0x3  }
0x213: {  	[tilespmem:s26+$0x3E80] =	vst v1  }
0x214: {  	v1 =	vld.idx.msk [tilespmem:v33+s1+$0x0], $0xffff  }
0x215: {  	v0 =	vadd.s32 $0x1C00, v0;
	_ =	sdelay $0x3  }
0x216: {  	[tilespmem:s26+$0x40C0] =	vst v1  }
0x217: {  	v0 =	vld.idx.msk [tilespmem:v0+s1+$0x0], $0xffff;
	_ =	sdelay $0x4  }
0x218: {  	[tilespmem:s26+$0x4300] =	vst v0  }
0x219: {  	v0 =	vld [tilespmem:s28+$0x2150];
	_ =	sdelay $0x7  }
0x21a: {  	v1 =	vld.idx.msk [tilespmem:v0+s1+$0x0], $0xffff  }
0x21b: {  	v34 =	vadd.s32 $0x400, v0;
	_ =	sdelay $0x3  }
0x21c: {  	[tilespmem:s26+$0x3350] =	vst v1  }
0x21d: {  	v1 =	vld.idx.msk [tilespmem:v34+s1+$0x0], $0xffff  }
0x21e: {  	v35 =	vadd.s32 $0x800, v0;
	_ =	sdelay $0x3  }
0x21f: {  	[tilespmem:s26+$0x3590] =	vst v1  }
0x220: {  	v1 =	vld.idx.msk [tilespmem:v35+s1+$0x0], $0xffff  }
0x221: {  	v36 =	vadd.s32 $0xC00, v0;
	_ =	sdelay $0x3  }
0x222: {  	[tilespmem:s26+$0x37D0] =	vst v1  }
0x223: {  	v1 =	vld.idx.msk [tilespmem:v36+s1+$0x0], $0xffff  }
0x224: {  	v37 =	vadd.s32 $0x1000, v0;
	_ =	sdelay $0x3  }
0x225: {  	[tilespmem:s26+$0x3A10] =	vst v1  }
0x226: {  	v1 =	vld.idx.msk [tilespmem:v37+s1+$0x0], $0xffff  }
0x227: {  	v38 =	vadd.s32 $0x1400, v0;
	_ =	sdelay $0x3  }
0x228: {  	[tilespmem:s26+$0x3C50] =	vst v1  }
0x229: {  	v1 =	vld.idx.msk [tilespmem:v38+s1+$0x0], $0xffff  }
0x22a: {  	v39 =	vadd.s32 $0x1800, v0;
	_ =	sdelay $0x3  }
0x22b: {  	[tilespmem:s26+$0x3E90] =	vst v1  }
0x22c: {  	v1 =	vld.idx.msk [tilespmem:v39+s1+$0x0], $0xffff  }
0x22d: {  	v0 =	vadd.s32 $0x1C00, v0;
	_ =	sdelay $0x3  }
0x22e: {  	[tilespmem:s26+$0x40D0] =	vst v1  }
0x22f: {  	v0 =	vld.idx.msk [tilespmem:v0+s1+$0x0], $0xffff;
	_ =	sdelay $0x4  }
0x230: {  	[tilespmem:s26+$0x4310] =	vst v0  }
0x231: {  	v0 =	vld [tilespmem:s28+$0x2160];
	_ =	sdelay $0x7  }
0x232: {  	v1 =	vld.idx.msk [tilespmem:v0+s1+$0x0], $0xffff  }
0x233: {  	v40 =	vadd.s32 $0x400, v0;
	_ =	sdelay $0x3  }
0x234: {  	[tilespmem:s26+$0x3360] =	vst v1  }
0x235: {  	v1 =	vld.idx.msk [tilespmem:v40+s1+$0x0], $0xffff  }
0x236: {  	v41 =	vadd.s32 $0x800, v0;
	_ =	sdelay $0x3  }
0x237: {  	[tilespmem:s26+$0x35A0] =	vst v1  }
0x238: {  	v1 =	vld.idx.msk [tilespmem:v41+s1+$0x0], $0xffff  }
0x239: {  	v42 =	vadd.s32 $0xC00, v0;
	_ =	sdelay $0x3  }
0x23a: {  	[tilespmem:s26+$0x37E0] =	vst v1  }
0x23b: {  	v1 =	vld.idx.msk [tilespmem:v42+s1+$0x0], $0xffff  }
0x23c: {  	v43 =	vadd.s32 $0x1000, v0;
	_ =	sdelay $0x3  }
0x23d: {  	[tilespmem:s26+$0x3A20] =	vst v1  }
0x23e: {  	v1 =	vld.idx.msk [tilespmem:v43+s1+$0x0], $0xffff  }
0x23f: {  	v44 =	vadd.s32 $0x1400, v0;
	_ =	sdelay $0x3  }
0x240: {  	[tilespmem:s26+$0x3C60] =	vst v1  }
0x241: {  	v1 =	vld.idx.msk [tilespmem:v44+s1+$0x0], $0xffff  }
0x242: {  	v45 =	vadd.s32 $0x1800, v0;
	_ =	sdelay $0x3  }
0x243: {  	[tilespmem:s26+$0x3EA0] =	vst v1  }
0x244: {  	v1 =	vld.idx.msk [tilespmem:v45+s1+$0x0], $0xffff  }
0x245: {  	v0 =	vadd.s32 $0x1C00, v0;
	_ =	sdelay $0x3  }
0x246: {  	[tilespmem:s26+$0x40E0] =	vst v1  }
0x247: {  	v0 =	vld.idx.msk [tilespmem:v0+s1+$0x0], $0xffff;
	_ =	sdelay $0x4  }
0x248: {  	[tilespmem:s26+$0x4320] =	vst v0  }
0x249: {  	v0 =	vld [tilespmem:s28+$0x2170];
	_ =	sdelay $0x7  }
0x24a: {  	v1 =	vld.idx.msk [tilespmem:v0+s1+$0x0], $0xffff  }
0x24b: {  	v46 =	vadd.s32 $0x400, v0;
	_ =	sdelay $0x3  }
0x24c: {  	[tilespmem:s26+$0x3370] =	vst v1  }
0x24d: {  	v1 =	vld.idx.msk [tilespmem:v46+s1+$0x0], $0xffff  }
0x24e: {  	v47 =	vadd.s32 $0x800, v0;
	_ =	sdelay $0x3  }
0x24f: {  	[tilespmem:s26+$0x35B0] =	vst v1  }
0x250: {  	v1 =	vld.idx.msk [tilespmem:v47+s1+$0x0], $0xffff  }
0x251: {  	v48 =	vadd.s32 $0xC00, v0;
	_ =	sdelay $0x3  }
0x252: {  	[tilespmem:s26+$0x37F0] =	vst v1  }
0x253: {  	v1 =	vld.idx.msk [tilespmem:v48+s1+$0x0], $0xffff  }
0x254: {  	v49 =	vadd.s32 $0x1000, v0;
	_ =	sdelay $0x3  }
0x255: {  	[tilespmem:s26+$0x3A30] =	vst v1  }
0x256: {  	v1 =	vld.idx.msk [tilespmem:v49+s1+$0x0], $0xffff  }
0x257: {  	v50 =	vadd.s32 $0x1400, v0;
	_ =	sdelay $0x3  }
0x258: {  	[tilespmem:s26+$0x3C70] =	vst v1  }
0x259: {  	v1 =	vld.idx.msk [tilespmem:v50+s1+$0x0], $0xffff  }
0x25a: {  	v51 =	vadd.s32 $0x1800, v0;
	_ =	sdelay $0x3  }
0x25b: {  	[tilespmem:s26+$0x3EB0] =	vst v1  }
0x25c: {  	v1 =	vld.idx.msk [tilespmem:v51+s1+$0x0], $0xffff  }
0x25d: {  	v0 =	vadd.s32 $0x1C00, v0;
	_ =	sdelay $0x3  }
0x25e: {  	[tilespmem:s26+$0x40F0] =	vst v1  }
0x25f: {  	v0 =	vld.idx.msk [tilespmem:v0+s1+$0x0], $0xffff;
	_ =	sdelay $0x4  }
0x260: {  	[tilespmem:s26+$0x4330] =	vst v0  }
0x261: {  	v0 =	vld [tilespmem:s28+$0x2180];
	_ =	sdelay $0x7  }
0x262: {  	v1 =	vld.idx.msk [tilespmem:v0+s1+$0x0], $0xffff  }
0x263: {  	v52 =	vadd.s32 $0x400, v0;
	_ =	sdelay $0x3  }
0x264: {  	[tilespmem:s26+$0x3380] =	vst v1  }
0x265: {  	v1 =	vld.idx.msk [tilespmem:v52+s1+$0x0], $0xffff  }
0x266: {  	v53 =	vadd.s32 $0x800, v0;
	_ =	sdelay $0x3  }
0x267: {  	[tilespmem:s26+$0x35C0] =	vst v1  }
0x268: {  	v1 =	vld.idx.msk [tilespmem:v53+s1+$0x0], $0xffff  }
0x269: {  	v54 =	vadd.s32 $0xC00, v0;
	_ =	sdelay $0x3  }
0x26a: {  	[tilespmem:s26+$0x3800] =	vst v1  }
0x26b: {  	v1 =	vld.idx.msk [tilespmem:v54+s1+$0x0], $0xffff  }
0x26c: {  	v55 =	vadd.s32 $0x1000, v0;
	_ =	sdelay $0x3  }
0x26d: {  	[tilespmem:s26+$0x3A40] =	vst v1  }
0x26e: {  	v1 =	vld.idx.msk [tilespmem:v55+s1+$0x0], $0xffff  }
0x26f: {  	v56 =	vadd.s32 $0x1400, v0;
	_ =	sdelay $0x3  }
0x270: {  	[tilespmem:s26+$0x3C80] =	vst v1  }
0x271: {  	v1 =	vld.idx.msk [tilespmem:v56+s1+$0x0], $0xffff  }
0x272: {  	v57 =	vadd.s32 $0x1800, v0;
	_ =	sdelay $0x3  }
0x273: {  	[tilespmem:s26+$0x3EC0] =	vst v1  }
0x274: {  	v1 =	vld.idx.msk [tilespmem:v57+s1+$0x0], $0xffff  }
0x275: {  	v0 =	vadd.s32 $0x1C00, v0;
	_ =	sdelay $0x3  }
0x276: {  	[tilespmem:s26+$0x4100] =	vst v1  }
0x277: {  	v0 =	vld.idx.msk [tilespmem:v0+s1+$0x0], $0xffff;
	_ =	sdelay $0x4  }
0x278: {  	[tilespmem:s26+$0x4340] =	vst v0  }
0x279: {  	v0 =	vld [tilespmem:s28+$0x2190];
	_ =	sdelay $0x7  }
0x27a: {  	v1 =	vld.idx.msk [tilespmem:v0+s1+$0x0], $0xffff  }
0x27b: {  	v58 =	vadd.s32 $0x400, v0;
	_ =	sdelay $0x3  }
0x27c: {  	[tilespmem:s26+$0x3390] =	vst v1  }
0x27d: {  	v1 =	vld.idx.msk [tilespmem:v58+s1+$0x0], $0xffff  }
0x27e: {  	v59 =	vadd.s32 $0x800, v0;
	_ =	sdelay $0x3  }
0x27f: {  	[tilespmem:s26+$0x35D0] =	vst v1  }
0x280: {  	v1 =	vld.idx.msk [tilespmem:v59+s1+$0x0], $0xffff  }
0x281: {  	v60 =	vadd.s32 $0xC00, v0;
	_ =	sdelay $0x3  }
0x282: {  	[tilespmem:s26+$0x3810] =	vst v1  }
0x283: {  	v1 =	vld.idx.msk [tilespmem:v60+s1+$0x0], $0xffff  }
0x284: {  	v61 =	vadd.s32 $0x1000, v0;
	_ =	sdelay $0x3  }
0x285: {  	[tilespmem:s26+$0x3A50] =	vst v1  }
0x286: {  	v1 =	vld.idx.msk [tilespmem:v61+s1+$0x0], $0xffff  }
0x287: {  	v62 =	vadd.s32 $0x1400, v0;
	_ =	sdelay $0x3  }
0x288: {  	[tilespmem:s26+$0x3C90] =	vst v1  }
0x289: {  	v1 =	vld.idx.msk [tilespmem:v62+s1+$0x0], $0xffff  }
0x28a: {  	v63 =	vadd.s32 $0x1800, v0;
	_ =	sdelay $0x3  }
0x28b: {  	[tilespmem:s26+$0x3ED0] =	vst v1  }
0x28c: {  	v1 =	vld.idx.msk [tilespmem:v63+s1+$0x0], $0xffff  }
0x28d: {  	v0 =	vadd.s32 $0x1C00, v0;
	_ =	sdelay $0x3  }
0x28e: {  	[tilespmem:s26+$0x4110] =	vst v1  }
0x28f: {  	v0 =	vld.idx.msk [tilespmem:v0+s1+$0x0], $0xffff;
	_ =	sdelay $0x4  }
0x290: {  	[tilespmem:s26+$0x4350] =	vst v0  }
0x291: {  	v0 =	vld [tilespmem:s28+$0x21A0];
	_ =	sdelay $0x7  }
0x292: {  	v1 =	vld.idx.msk [tilespmem:v0+s1+$0x0], $0xffff  }
0x293: {  	v4 =	vadd.s32 $0x400, v0;
	_ =	sdelay $0x3  }
0x294: {  	[tilespmem:s26+$0x33A0] =	vst v1  }
0x295: {  	v1 =	vld.idx.msk [tilespmem:v4+s1+$0x0], $0xffff  }
0x296: {  	v5 =	vadd.s32 $0x800, v0;
	_ =	sdelay $0x3  }
0x297: {  	[tilespmem:s26+$0x35E0] =	vst v1  }
0x298: {  	v1 =	vld.idx.msk [tilespmem:v5+s1+$0x0], $0xffff  }
0x299: {  	v6 =	vadd.s32 $0xC00, v0;
	_ =	sdelay $0x3  }
0x29a: {  	[tilespmem:s26+$0x3820] =	vst v1  }
0x29b: {  	v1 =	vld.idx.msk [tilespmem:v6+s1+$0x0], $0xffff  }
0x29c: {  	v7 =	vadd.s32 $0x1000, v0;
	_ =	sdelay $0x3  }
0x29d: {  	[tilespmem:s26+$0x3A60] =	vst v1  }
0x29e: {  	v1 =	vld.idx.msk [tilespmem:v7+s1+$0x0], $0xffff  }
0x29f: {  	v8 =	vadd.s32 $0x1400, v0;
	_ =	sdelay $0x3  }
0x2a0: {  	[tilespmem:s26+$0x3CA0] =	vst v1  }
0x2a1: {  	v1 =	vld.idx.msk [tilespmem:v8+s1+$0x0], $0xffff  }
0x2a2: {  	v9 =	vadd.s32 $0x1800, v0;
	_ =	sdelay $0x3  }
0x2a3: {  	[tilespmem:s26+$0x3EE0] =	vst v1  }
0x2a4: {  	v1 =	vld.idx.msk [tilespmem:v9+s1+$0x0], $0xffff  }
0x2a5: {  	v0 =	vadd.s32 $0x1C00, v0;
	_ =	sdelay $0x3  }
0x2a6: {  	[tilespmem:s26+$0x4120] =	vst v1  }
0x2a7: {  	v0 =	vld.idx.msk [tilespmem:v0+s1+$0x0], $0xffff;
	_ =	sdelay $0x4  }
0x2a8: {  	[tilespmem:s26+$0x4360] =	vst v0  }
0x2a9: {  	v0 =	vld [tilespmem:s28+$0x21B0];
	_ =	sdelay $0x7  }
0x2aa: {  	v1 =	vld.idx.msk [tilespmem:v0+s1+$0x0], $0xffff  }
0x2ab: {  	v10 =	vadd.s32 $0x400, v0;
	_ =	sdelay $0x3  }
0x2ac: {  	[tilespmem:s26+$0x33B0] =	vst v1  }
0x2ad: {  	v1 =	vld.idx.msk [tilespmem:v10+s1+$0x0], $0xffff  }
0x2ae: {  	v11 =	vadd.s32 $0x800, v0;
	_ =	sdelay $0x3  }
0x2af: {  	[tilespmem:s26+$0x35F0] =	vst v1  }
0x2b0: {  	v1 =	vld.idx.msk [tilespmem:v11+s1+$0x0], $0xffff  }
0x2b1: {  	v12 =	vadd.s32 $0xC00, v0;
	_ =	sdelay $0x3  }
0x2b2: {  	[tilespmem:s26+$0x3830] =	vst v1  }
0x2b3: {  	v1 =	vld.idx.msk [tilespmem:v12+s1+$0x0], $0xffff  }
0x2b4: {  	v13 =	vadd.s32 $0x1000, v0;
	_ =	sdelay $0x3  }
0x2b5: {  	[tilespmem:s26+$0x3A70] =	vst v1  }
0x2b6: {  	v1 =	vld.idx.msk [tilespmem:v13+s1+$0x0], $0xffff  }
0x2b7: {  	v14 =	vadd.s32 $0x1400, v0;
	_ =	sdelay $0x3  }
0x2b8: {  	[tilespmem:s26+$0x3CB0] =	vst v1  }
0x2b9: {  	v1 =	vld.idx.msk [tilespmem:v14+s1+$0x0], $0xffff  }
0x2ba: {  	v15 =	vadd.s32 $0x1800, v0;
	_ =	sdelay $0x3  }
0x2bb: {  	[tilespmem:s26+$0x3EF0] =	vst v1  }
0x2bc: {  	v1 =	vld.idx.msk [tilespmem:v15+s1+$0x0], $0xffff  }
0x2bd: {  	v0 =	vadd.s32 $0x1C00, v0;
	_ =	sdelay $0x3  }
0x2be: {  	[tilespmem:s26+$0x4130] =	vst v1  }
0x2bf: {  	v0 =	vld.idx.msk [tilespmem:v0+s1+$0x0], $0xffff;
	_ =	sdelay $0x4  }
0x2c0: {  	[tilespmem:s26+$0x4370] =	vst v0  }
0x2c1: {  	v0 =	vld [tilespmem:s28+$0x21C0];
	_ =	sdelay $0x7  }
0x2c2: {  	v1 =	vld.idx.msk [tilespmem:v0+s1+$0x0], $0xffff  }
0x2c3: {  	v16 =	vadd.s32 $0x400, v0;
	_ =	sdelay $0x3  }
0x2c4: {  	[tilespmem:s26+$0x33C0] =	vst v1  }
0x2c5: {  	v1 =	vld.idx.msk [tilespmem:v16+s1+$0x0], $0xffff  }
0x2c6: {  	v17 =	vadd.s32 $0x800, v0;
	_ =	sdelay $0x3  }
0x2c7: {  	[tilespmem:s26+$0x3600] =	vst v1  }
0x2c8: {  	v1 =	vld.idx.msk [tilespmem:v17+s1+$0x0], $0xffff  }
0x2c9: {  	v18 =	vadd.s32 $0xC00, v0;
	_ =	sdelay $0x3  }
0x2ca: {  	[tilespmem:s26+$0x3840] =	vst v1  }
0x2cb: {  	v1 =	vld.idx.msk [tilespmem:v18+s1+$0x0], $0xffff  }
0x2cc: {  	v19 =	vadd.s32 $0x1000, v0;
	_ =	sdelay $0x3  }
0x2cd: {  	[tilespmem:s26+$0x3A80] =	vst v1  }
0x2ce: {  	v1 =	vld.idx.msk [tilespmem:v19+s1+$0x0], $0xffff  }
0x2cf: {  	v20 =	vadd.s32 $0x1400, v0;
	_ =	sdelay $0x3  }
0x2d0: {  	[tilespmem:s26+$0x3CC0] =	vst v1  }
0x2d1: {  	v1 =	vld.idx.msk [tilespmem:v20+s1+$0x0], $0xffff  }
0x2d2: {  	v21 =	vadd.s32 $0x1800, v0;
	_ =	sdelay $0x3  }
0x2d3: {  	[tilespmem:s26+$0x3F00] =	vst v1  }
0x2d4: {  	v1 =	vld.idx.msk [tilespmem:v21+s1+$0x0], $0xffff  }
0x2d5: {  	v0 =	vadd.s32 $0x1C00, v0;
	_ =	sdelay $0x3  }
0x2d6: {  	[tilespmem:s26+$0x4140] =	vst v1  }
0x2d7: {  	v0 =	vld.idx.msk [tilespmem:v0+s1+$0x0], $0xffff;
	_ =	sdelay $0x4  }
0x2d8: {  	[tilespmem:s26+$0x4380] =	vst v0  }
0x2d9: {  	v0 =	vld [tilespmem:s28+$0x21D0];
	_ =	sdelay $0x7  }
0x2da: {  	v1 =	vld.idx.msk [tilespmem:v0+s1+$0x0], $0xffff  }
0x2db: {  	v22 =	vadd.s32 $0x400, v0;
	_ =	sdelay $0x3  }
0x2dc: {  	[tilespmem:s26+$0x33D0] =	vst v1  }
0x2dd: {  	v1 =	vld.idx.msk [tilespmem:v22+s1+$0x0], $0xffff  }
0x2de: {  	v23 =	vadd.s32 $0x800, v0;
	_ =	sdelay $0x3  }
0x2df: {  	[tilespmem:s26+$0x3610] =	vst v1  }
0x2e0: {  	v1 =	vld.idx.msk [tilespmem:v23+s1+$0x0], $0xffff  }
0x2e1: {  	v24 =	vadd.s32 $0xC00, v0;
	_ =	sdelay $0x3  }
0x2e2: {  	[tilespmem:s26+$0x3850] =	vst v1  }
0x2e3: {  	v1 =	vld.idx.msk [tilespmem:v24+s1+$0x0], $0xffff  }
0x2e4: {  	v25 =	vadd.s32 $0x1000, v0;
	_ =	sdelay $0x3  }
0x2e5: {  	[tilespmem:s26+$0x3A90] =	vst v1  }
0x2e6: {  	v1 =	vld.idx.msk [tilespmem:v25+s1+$0x0], $0xffff  }
0x2e7: {  	v26 =	vadd.s32 $0x1400, v0;
	_ =	sdelay $0x3  }
0x2e8: {  	[tilespmem:s26+$0x3CD0] =	vst v1  }
0x2e9: {  	v1 =	vld.idx.msk [tilespmem:v26+s1+$0x0], $0xffff  }
0x2ea: {  	v27 =	vadd.s32 $0x1800, v0;
	_ =	sdelay $0x3  }
0x2eb: {  	[tilespmem:s26+$0x3F10] =	vst v1  }
0x2ec: {  	v1 =	vld.idx.msk [tilespmem:v27+s1+$0x0], $0xffff  }
0x2ed: {  	v0 =	vadd.s32 $0x1C00, v0;
	_ =	sdelay $0x3  }
0x2ee: {  	[tilespmem:s26+$0x4150] =	vst v1  }
0x2ef: {  	v0 =	vld.idx.msk [tilespmem:v0+s1+$0x0], $0xffff;
	_ =	sdelay $0x4  }
0x2f0: {  	[tilespmem:s26+$0x4390] =	vst v0  }
0x2f1: {  	v0 =	vld [tilespmem:s28+$0x21E0];
	_ =	sdelay $0x7  }
0x2f2: {  	v1 =	vld.idx.msk [tilespmem:v0+s1+$0x0], $0xffff  }
0x2f3: {  	v28 =	vadd.s32 $0x400, v0;
	_ =	sdelay $0x3  }
0x2f4: {  	[tilespmem:s26+$0x33E0] =	vst v1  }
0x2f5: {  	v1 =	vld.idx.msk [tilespmem:v28+s1+$0x0], $0xffff  }
0x2f6: {  	v29 =	vadd.s32 $0x800, v0;
	_ =	sdelay $0x3  }
0x2f7: {  	[tilespmem:s26+$0x3620] =	vst v1  }
0x2f8: {  	v1 =	vld.idx.msk [tilespmem:v29+s1+$0x0], $0xffff  }
0x2f9: {  	v30 =	vadd.s32 $0xC00, v0;
	_ =	sdelay $0x3  }
0x2fa: {  	[tilespmem:s26+$0x3860] =	vst v1  }
0x2fb: {  	v1 =	vld.idx.msk [tilespmem:v30+s1+$0x0], $0xffff  }
0x2fc: {  	v31 =	vadd.s32 $0x1000, v0;
	_ =	sdelay $0x3  }
0x2fd: {  	[tilespmem:s26+$0x3AA0] =	vst v1  }
0x2fe: {  	v1 =	vld.idx.msk [tilespmem:v31+s1+$0x0], $0xffff  }
0x2ff: {  	v32 =	vadd.s32 $0x1400, v0;
	_ =	sdelay $0x3  }
0x300: {  	[tilespmem:s26+$0x3CE0] =	vst v1  }
0x301: {  	v1 =	vld.idx.msk [tilespmem:v32+s1+$0x0], $0xffff  }
0x302: {  	v33 =	vadd.s32 $0x1800, v0;
	_ =	sdelay $0x3  }
0x303: {  	[tilespmem:s26+$0x3F20] =	vst v1  }
0x304: {  	v1 =	vld.idx.msk [tilespmem:v33+s1+$0x0], $0xffff  }
0x305: {  	v0 =	vadd.s32 $0x1C00, v0;
	_ =	sdelay $0x3  }
0x306: {  	[tilespmem:s26+$0x4160] =	vst v1  }
0x307: {  	v0 =	vld.idx.msk [tilespmem:v0+s1+$0x0], $0xffff;
	_ =	sdelay $0x4  }
0x308: {  	[tilespmem:s26+$0x43A0] =	vst v0  }
0x309: {  	v0 =	vld [tilespmem:s28+$0x21F0];
	_ =	sdelay $0x7  }
0x30a: {  	v1 =	vld.idx.msk [tilespmem:v0+s1+$0x0], $0xffff  }
0x30b: {  	v34 =	vadd.s32 $0x400, v0;
	_ =	sdelay $0x3  }
0x30c: {  	[tilespmem:s26+$0x33F0] =	vst v1  }
0x30d: {  	v1 =	vld.idx.msk [tilespmem:v34+s1+$0x0], $0xffff  }
0x30e: {  	v35 =	vadd.s32 $0x800, v0;
	_ =	sdelay $0x3  }
0x30f: {  	[tilespmem:s26+$0x3630] =	vst v1  }
0x310: {  	v1 =	vld.idx.msk [tilespmem:v35+s1+$0x0], $0xffff  }
0x311: {  	v36 =	vadd.s32 $0xC00, v0;
	_ =	sdelay $0x3  }
0x312: {  	[tilespmem:s26+$0x3870] =	vst v1  }
0x313: {  	v1 =	vld.idx.msk [tilespmem:v36+s1+$0x0], $0xffff  }
0x314: {  	v37 =	vadd.s32 $0x1000, v0;
	_ =	sdelay $0x3  }
0x315: {  	[tilespmem:s26+$0x3AB0] =	vst v1  }
0x316: {  	v1 =	vld.idx.msk [tilespmem:v37+s1+$0x0], $0xffff  }
0x317: {  	v38 =	vadd.s32 $0x1400, v0;
	_ =	sdelay $0x3  }
0x318: {  	[tilespmem:s26+$0x3CF0] =	vst v1  }
0x319: {  	v1 =	vld.idx.msk [tilespmem:v38+s1+$0x0], $0xffff  }
0x31a: {  	v39 =	vadd.s32 $0x1800, v0;
	_ =	sdelay $0x3  }
0x31b: {  	[tilespmem:s26+$0x3F30] =	vst v1  }
0x31c: {  	v1 =	vld.idx.msk [tilespmem:v39+s1+$0x0], $0xffff  }
0x31d: {  	v0 =	vadd.s32 $0x1C00, v0;
	_ =	sdelay $0x3  }
0x31e: {  	[tilespmem:s26+$0x4170] =	vst v1  }
0x31f: {  	v0 =	vld.idx.msk [tilespmem:v0+s1+$0x0], $0xffff;
	_ =	sdelay $0x4  }
0x320: {  	[tilespmem:s26+$0x43B0] =	vst v0  }
0x321: {  	v0 =	vld [tilespmem:s28+$0x2200];
	_ =	sdelay $0x7  }
0x322: {  	v1 =	vld.idx.msk [tilespmem:v0+s1+$0x0], $0xffff  }
0x323: {  	v40 =	vadd.s32 $0x400, v0;
	_ =	sdelay $0x3  }
0x324: {  	[tilespmem:s26+$0x3400] =	vst v1  }
0x325: {  	v1 =	vld.idx.msk [tilespmem:v40+s1+$0x0], $0xffff  }
0x326: {  	v41 =	vadd.s32 $0x800, v0;
	_ =	sdelay $0x3  }
0x327: {  	[tilespmem:s26+$0x3640] =	vst v1  }
0x328: {  	v1 =	vld.idx.msk [tilespmem:v41+s1+$0x0], $0xffff  }
0x329: {  	v42 =	vadd.s32 $0xC00, v0;
	_ =	sdelay $0x3  }
0x32a: {  	[tilespmem:s26+$0x3880] =	vst v1  }
0x32b: {  	v1 =	vld.idx.msk [tilespmem:v42+s1+$0x0], $0xffff  }
0x32c: {  	v43 =	vadd.s32 $0x1000, v0;
	_ =	sdelay $0x3  }
0x32d: {  	[tilespmem:s26+$0x3AC0] =	vst v1  }
0x32e: {  	v1 =	vld.idx.msk [tilespmem:v43+s1+$0x0], $0xffff  }
0x32f: {  	v44 =	vadd.s32 $0x1400, v0;
	_ =	sdelay $0x3  }
0x330: {  	[tilespmem:s26+$0x3D00] =	vst v1  }
0x331: {  	v1 =	vld.idx.msk [tilespmem:v44+s1+$0x0], $0xffff  }
0x332: {  	v45 =	vadd.s32 $0x1800, v0;
	_ =	sdelay $0x3  }
0x333: {  	[tilespmem:s26+$0x3F40] =	vst v1  }
0x334: {  	v1 =	vld.idx.msk [tilespmem:v45+s1+$0x0], $0xffff  }
0x335: {  	v0 =	vadd.s32 $0x1C00, v0;
	_ =	sdelay $0x3  }
0x336: {  	[tilespmem:s26+$0x4180] =	vst v1  }
0x337: {  	v0 =	vld.idx.msk [tilespmem:v0+s1+$0x0], $0xffff;
	_ =	sdelay $0x4  }
0x338: {  	[tilespmem:s26+$0x43C0] =	vst v0  }
0x339: {  	v0 =	vld [tilespmem:s28+$0x2210];
	_ =	sdelay $0x7  }
0x33a: {  	v1 =	vld.idx.msk [tilespmem:v0+s1+$0x0], $0xffff  }
0x33b: {  	v46 =	vadd.s32 $0x400, v0;
	_ =	sdelay $0x3  }
0x33c: {  	[tilespmem:s26+$0x3410] =	vst v1  }
0x33d: {  	v1 =	vld.idx.msk [tilespmem:v46+s1+$0x0], $0xffff  }
0x33e: {  	v47 =	vadd.s32 $0x800, v0;
	_ =	sdelay $0x3  }
0x33f: {  	[tilespmem:s26+$0x3650] =	vst v1  }
0x340: {  	v1 =	vld.idx.msk [tilespmem:v47+s1+$0x0], $0xffff  }
0x341: {  	v48 =	vadd.s32 $0xC00, v0;
	_ =	sdelay $0x3  }
0x342: {  	[tilespmem:s26+$0x3890] =	vst v1  }
0x343: {  	v1 =	vld.idx.msk [tilespmem:v48+s1+$0x0], $0xffff  }
0x344: {  	v49 =	vadd.s32 $0x1000, v0;
	_ =	sdelay $0x3  }
0x345: {  	[tilespmem:s26+$0x3AD0] =	vst v1  }
0x346: {  	v1 =	vld.idx.msk [tilespmem:v49+s1+$0x0], $0xffff  }
0x347: {  	v50 =	vadd.s32 $0x1400, v0;
	_ =	sdelay $0x3  }
0x348: {  	[tilespmem:s26+$0x3D10] =	vst v1  }
0x349: {  	v1 =	vld.idx.msk [tilespmem:v50+s1+$0x0], $0xffff  }
0x34a: {  	v51 =	vadd.s32 $0x1800, v0;
	_ =	sdelay $0x3  }
0x34b: {  	[tilespmem:s26+$0x3F50] =	vst v1  }
0x34c: {  	v1 =	vld.idx.msk [tilespmem:v51+s1+$0x0], $0xffff  }
0x34d: {  	v0 =	vadd.s32 $0x1C00, v0;
	_ =	sdelay $0x3  }
0x34e: {  	[tilespmem:s26+$0x4190] =	vst v1  }
0x34f: {  	v0 =	vld.idx.msk [tilespmem:v0+s1+$0x0], $0xffff;
	_ =	sdelay $0x4  }
0x350: {  	[tilespmem:s26+$0x43D0] =	vst v0  }
0x351: {  	v0 =	vld [tilespmem:s28+$0x2220];
	_ =	sdelay $0x7  }
0x352: {  	v1 =	vld.idx.msk [tilespmem:v0+s1+$0x0], $0xffff  }
0x353: {  	v52 =	vadd.s32 $0x400, v0;
	_ =	sdelay $0x3  }
0x354: {  	[tilespmem:s26+$0x3420] =	vst v1  }
0x355: {  	v1 =	vld.idx.msk [tilespmem:v52+s1+$0x0], $0xffff  }
0x356: {  	v53 =	vadd.s32 $0x800, v0;
	_ =	sdelay $0x3  }
0x357: {  	[tilespmem:s26+$0x3660] =	vst v1  }
0x358: {  	v1 =	vld.idx.msk [tilespmem:v53+s1+$0x0], $0xffff  }
0x359: {  	v54 =	vadd.s32 $0xC00, v0;
	_ =	sdelay $0x3  }
0x35a: {  	[tilespmem:s26+$0x38A0] =	vst v1  }
0x35b: {  	v1 =	vld.idx.msk [tilespmem:v54+s1+$0x0], $0xffff  }
0x35c: {  	v55 =	vadd.s32 $0x1000, v0;
	_ =	sdelay $0x3  }
0x35d: {  	[tilespmem:s26+$0x3AE0] =	vst v1  }
0x35e: {  	v1 =	vld.idx.msk [tilespmem:v55+s1+$0x0], $0xffff  }
0x35f: {  	v56 =	vadd.s32 $0x1400, v0;
	_ =	sdelay $0x3  }
0x360: {  	[tilespmem:s26+$0x3D20] =	vst v1  }
0x361: {  	v1 =	vld.idx.msk [tilespmem:v56+s1+$0x0], $0xffff  }
0x362: {  	v57 =	vadd.s32 $0x1800, v0;
	_ =	sdelay $0x3  }
0x363: {  	[tilespmem:s26+$0x3F60] =	vst v1  }
0x364: {  	v1 =	vld.idx.msk [tilespmem:v57+s1+$0x0], $0xffff  }
0x365: {  	v0 =	vadd.s32 $0x1C00, v0;
	_ =	sdelay $0x3  }
0x366: {  	[tilespmem:s26+$0x41A0] =	vst v1  }
0x367: {  	v0 =	vld.idx.msk [tilespmem:v0+s1+$0x0], $0xffff;
	_ =	sdelay $0x4  }
0x368: {  	[tilespmem:s26+$0x43E0] =	vst v0  }
0x369: {  	v0 =	vld [tilespmem:s28+$0x2230];
	_ =	sdelay $0x7  }
0x36a: {  	v1 =	vld.idx.msk [tilespmem:v0+s1+$0x0], $0xffff  }
0x36b: {  	v58 =	vadd.s32 $0x400, v0;
	_ =	sdelay $0x3  }
0x36c: {  	[tilespmem:s26+$0x3430] =	vst v1  }
0x36d: {  	v1 =	vld.idx.msk [tilespmem:v58+s1+$0x0], $0xffff  }
0x36e: {  	v59 =	vadd.s32 $0x800, v0;
	_ =	sdelay $0x3  }
0x36f: {  	[tilespmem:s26+$0x3670] =	vst v1  }
0x370: {  	v1 =	vld.idx.msk [tilespmem:v59+s1+$0x0], $0xffff  }
0x371: {  	v60 =	vadd.s32 $0xC00, v0;
	_ =	sdelay $0x3  }
0x372: {  	[tilespmem:s26+$0x38B0] =	vst v1  }
0x373: {  	v1 =	vld.idx.msk [tilespmem:v60+s1+$0x0], $0xffff  }
0x374: {  	v61 =	vadd.s32 $0x1000, v0;
	_ =	sdelay $0x3  }
0x375: {  	[tilespmem:s26+$0x3AF0] =	vst v1  }
0x376: {  	v1 =	vld.idx.msk [tilespmem:v61+s1+$0x0], $0xffff  }
0x377: {  	v62 =	vadd.s32 $0x1400, v0;
	_ =	sdelay $0x3  }
0x378: {  	[tilespmem:s26+$0x3D30] =	vst v1  }
0x379: {  	v1 =	vld.idx.msk [tilespmem:v62+s1+$0x0], $0xffff  }
0x37a: {  	v63 =	vadd.s32 $0x1800, v0;
	_ =	sdelay $0x3  }
0x37b: {  	[tilespmem:s26+$0x3F70] =	vst v1  }
0x37c: {  	v1 =	vld.idx.msk [tilespmem:v63+s1+$0x0], $0xffff  }
0x37d: {  	v0 =	vadd.s32 $0x1C00, v0;
	_ =	sdelay $0x3  }
0x37e: {  	[tilespmem:s26+$0x41B0] =	vst v1  }
0x37f: {  	p0 =	sne.s32 s25, $0x7;
	v0 =	vld.idx.msk [tilespmem:v0+s1+$0x0], $0xffff  }
.Ltmp0:
0x380: {  	_ = 	snop;
	(pc) =	sbr.rel @p0 .LBB2_2-.Ltmp0, $2  }
0x381: {  	_ =	sdelay $0x2  }
0x382: {  	s25 =	sadd.s32 $0x1, s25;
	[tilespmem:s26+$0x43F0] =	vst v0  }
0x383: {  	[hbm4b:s8+s1] =	stream.linear.scatter [tilespmem:s9], [sflag:$0x1], $0x1200, $0x38;
	[tilespmem:$0xC200] =	vst v63  }
0x384: {  	_ =	swait.ge [sflag:s6], $0x1200  }
0x385: {  	[sflag:s6] =	ssyncset.done $0x0  }
0x386: {  	[sflag:s6] =	ssyncadd.s32 $0xFFFFEE00  }
0x387: {  	[hbm4b:s10+s1] =	stream.linear.scatter [tilespmem:s11], [sflag:$0x1], $0x1200, $0x38;
	[tilespmem:$0xC200] =	vst v63  }
0x388: {  	_ =	swait.ge [sflag:s6], $0x1200  }
0x389: {  	[sflag:s6] =	ssyncset.done $0x0  }
0x38a: {  	[sflag:s6] =	ssyncadd.s32 $0xFFFFEE00  }
0x38b: {  	[hbm4b:s12+s1] =	stream.linear.scatter [tilespmem:s13], [sflag:$0x1], $0x1200, $0x38;
	[tilespmem:$0xC200] =	vst v63  }
0x38c: {  	_ =	swait.ge [sflag:s6], $0x1200  }
0x38d: {  	[sflag:s6] =	ssyncset.done $0x0  }
0x38e: {  	[sflag:s6] =	ssyncadd.s32 $0xFFFFEE00  }
0x38f: {  	[hbm4b:s14+s1] =	stream.linear.scatter [tilespmem:s15], [sflag:$0x1], $0x1200, $0x38;
	[tilespmem:$0xC200] =	vst v63  }
0x390: {  	_ =	swait.ge [sflag:s6], $0x1200  }
0x391: {  	[sflag:s6] =	ssyncset.done $0x0  }
0x392: {  	[sflag:s6] =	ssyncadd.s32 $0xFFFFEE00  }
0x393: {  	[hbm4b:s16+s1] =	stream.linear.scatter [tilespmem:s17], [sflag:$0x1], $0x1200, $0x38;
	[tilespmem:$0xC200] =	vst v63  }
0x394: {  	_ =	swait.ge [sflag:s6], $0x1200  }
0x395: {  	[sflag:s6] =	ssyncset.done $0x0  }
0x396: {  	[sflag:s6] =	ssyncadd.s32 $0xFFFFEE00  }
0x397: {  	[hbm4b:s18+s1] =	stream.linear.scatter [tilespmem:s19], [sflag:$0x1], $0x1200, $0x38;
	[tilespmem:$0xC200] =	vst v63  }
0x398: {  	_ =	swait.ge [sflag:s6], $0x1200  }
0x399: {  	[sflag:s6] =	ssyncset.done $0x0  }
0x39a: {  	[sflag:s6] =	ssyncadd.s32 $0xFFFFEE00  }
0x39b: {  	[hbm4b:s20+s1] =	stream.linear.scatter [tilespmem:s21], [sflag:$0x1], $0x1200, $0x38;
	[tilespmem:$0xC200] =	vst v63  }
0x39c: {  	s24 =	sadd.s32 $0x1, s24;
	_ =	swait.ge [sflag:s6], $0x1200  }
0x39d: {  	p0 =	sne.s32 s24, s5;
	[sflag:s6] =	ssyncset.done $0x0  }
.Ltmp1:
0x39e: {  	[sflag:s6] =	ssyncadd.s32 $0xFFFFEE00;
	(pc) =	sbr.rel @p0 .LBB2_1-.Ltmp1, $4  }
0x39f: {  	[hbm4b:s22+s1] =	stream.linear.scatter [tilespmem:s23], [sflag:$0x1], $0x1200, $0x38;
	[tilespmem:$0xC200] =	vst v63  }
0x3a0: {  	_ =	swait.ge [sflag:s6], $0x1200  }
0x3a1: {  	[sflag:s6] =	ssyncset.done $0x0  }
0x3a2: {  	[sflag:s6] =	ssyncadd.s32 $0xFFFFEE00  }
0x3a3: {  	_ =	sfence.sel $0x180000  }
0x3a4: {  	[bflag:$0x0] =	sbarrier.arrive $0xFFFF  }
0x3a5: {  	p0 =	sne.s32 s2, $0x0;
	_ =	strace $0x90000047  }
0x3a6: {  	s0 =	sadd.s32 @!p0 $0x100000, s0;
	[bflag:$0x2] =	sbarrier.arrive $0xFFFF  }
0x3a7: {  	[sflag:s0] =	ssyncadd.tile.s32 @!p0 $0x1;
	_ =	shalt  }
.Lfunc_end2:
_tile_overlayer_lowered:
.L_overlay_start_2:
0x3a8: {  	(tag) =	ssettag $0x2  }
0x3a9: {  	s0 =	rddreg [dreg:$0x0];
	s2 =	stileid.u32  }
0x3aa: {  	s1 =	rddreg [dreg:$0x1];
	p0 =	sne.s32 s2, $0x0  }
0x3ab: {  	s3 =	rddreg [dreg:$0x2];
	[bflag:$0x3] =	sbarrier.arrive $0xFFFF;
	s2 =	simm.s32 @!p0 $0x1C01  }
0x3ac: {  	[timem:s3], [sflag:s2] =	dma.local @!p0 [hbm:s0], s1  }
0x3ad: {  	s0 =	simm.s32 @!p0 $0x1  }
0x3ae: {  	_ =	swait.ge @!p0 [sflag:s0], s1  }
0x3af: {  	s1 =	ssub.s32 @!p0 $0x0, s1;
	[sflag:s0] =	ssyncset.done @!p0 $0x0  }
0x3b0: {  	[sflag:s0] =	ssyncadd.s32 @!p0 s1  }
0x3b1: {  	[bflag:$0x3] =	sbarrier.arrive $0xFFFF  }
0x3b2: {  	_ =	shalt  }

</sc_bundles>
